<compile_context>
chip_gen: v7x
topology: tpu7x:2x2x1
jax: 0.10.2.dev20260603
libtpu: 0.0.44.dev20260713+nightly
codegen_flags: <defaults>
</compile_context>

<pallas_src>
import functools

import jax
import jax.numpy as jnp
from jax import lax
from jax.experimental import pallas as pl
from jax.experimental.pallas import tpu as pltpu
from jax.experimental.pallas import tpu_sc as plsc

PAD = 0
NTOKEN = 10000
NINP = 128
POS_DIM = 8
TSTEPS = 8
NHEADS = 8
BATCH = 8
SEQ = 201
NEDGES = 320000

NTP = 10240
WA = 128
WB = 16
NC, NS, NW = 2, 16, 32
EPT = NEDGES // NW
CH = 64
L = SEQ - 1
D = NINP + POS_DIM
HD = D // NHEADS
NQ = BATCH * L
QPT = NQ * TSTEPS // NW
RPT = NTP // NS

_mesh = functools.partial(plsc.VectorSubcoreMesh,
                          core_axis_name="c", subcore_axis_name="s")


def _deg_body(dst_hbm, out_hbm, dstr, hist):
    cid = lax.axis_index("c")
    sid = lax.axis_index("s")
    wid = cid * NS + sid
    zv = jnp.zeros((16,), jnp.float32)
    ones = jnp.ones((16,), jnp.float32)

    def zero_step(i, _):
        hist[i, :] = zv
        return 0
    lax.fori_loop(0, TSTEPS * NTP // 16, zero_step, 0)

    def t_step(t, _):
        pltpu.sync_copy(dst_hbm.at[pl.ds(t * NEDGES + wid * EPT, EPT)], dstr)

        def e_step(i, _):
            idx = dstr[pl.ds(i * 16, 16)] + t * NTP
            plsc.addupdate_scatter(hist, [idx >> 4, idx & 15], ones)
            return 0
        lax.fori_loop(0, EPT // 16, e_step, 0)
        return 0
    lax.fori_loop(0, TSTEPS, t_step, 0)
    pltpu.sync_copy(hist, out_hbm.at[wid])


def _sc_degree(dst_flat):
    k = pl.kernel(
        _deg_body,
        out_type=jax.ShapeDtypeStruct((NW, TSTEPS * NTP // 16, 16), jnp.float32),
        mesh=_mesh(),
        scratch_types=[
            pltpu.VMEM((EPT,), jnp.int32),
            pltpu.VMEM((TSTEPS * NTP // 16, 16), jnp.float32),
        ],
        compiler_params=pltpu.CompilerParams(needs_layout_passes=False, use_tc_tiling_on_sc=False),
    )
    return k(dst_flat).reshape(NW, TSTEPS * NTP)


HB = EPT // 2


def _hop_body(has_aux, filt, chv, *args):
    CH = chv
    NCH2 = (HB + CH - 1) // CH
    qflag_hbm = qflag_v = None
    rowsb0 = rowsb1 = semb0 = semb1 = None
    if has_aux and filt:
        (x_hbm, xb_hbm, src_hbm, dst_hbm, qflag_hbm, out_hbm, outb_hbm,
         srcr, dstr, dsts, rows0, rows1, rowsb0, rowsb1, qflag_v,
         acc, accb, sem0, sem1, semb0, semb1) = args
    elif has_aux:
        (x_hbm, xb_hbm, src_hbm, dst_hbm, out_hbm, outb_hbm, srcr, dstr, dsts,
         rows0, rows1, rowsb0, rowsb1, acc, accb, sem0, sem1, semb0, semb1) = args
    elif filt:
        (x_hbm, src_hbm, dst_hbm, qflag_hbm, out_hbm, srcr, dstr, dsts,
         rows0, rows1, qflag_v, acc, sem0, sem1) = args
    else:
        (x_hbm, src_hbm, dst_hbm, out_hbm, srcr, dstr, dsts,
         rows0, rows1, acc, sem0, sem1) = args
    cid = lax.axis_index("c")
    sid = lax.axis_index("s")
    wid = cid * NS + sid
    zv = jnp.zeros((16,), jnp.float32)
    iota = jnp.arange(16, dtype=jnp.int32)
    if filt:
        pltpu.sync_copy(qflag_hbm, qflag_v)

    def start_gather(j, rows, sem, rowsb, semb):
        pltpu.async_copy(x_hbm.at[srcr.at[pl.ds(j * CH, CH)]], rows, sem)
        if has_aux:
            pltpu.async_copy(xb_hbm.at[srcr.at[pl.ds(j * CH, CH)]], rowsb, semb)

    def t_step(t, _):
        def z_step(i, _):
            j = i // (WA // 16)
            k = i % (WA // 16)
            rows0[j, pl.ds(k * 16, 16)] = zv
            return 0
        lax.fori_loop(0, CH * (WA // 16), z_step, 0)

        def clr(m, _):
            pltpu.sync_copy(rows0, acc.at[pl.ds(sid * RPT + m * CH, CH)])
            return 0
        lax.fori_loop(0, RPT // CH, clr, 0)
        if has_aux:
            def zb_step(i, _):
                rowsb0[i, :] = zv
                return 0
            lax.fori_loop(0, CH, zb_step, 0)

            def clrb(m, _):
                pltpu.sync_copy(rowsb0, accb.at[pl.ds(sid * RPT + m * CH, CH)])
                return 0
            lax.fori_loop(0, RPT // CH, clrb, 0)

        gpad = t * NTP + NTOKEN + sid * 8
        spad = NTOKEN + sid * 8 + cid

        def batch(b2, _):
            ebase = t * NEDGES + wid * EPT + b2 * HB
            pltpu.sync_copy(src_hbm.at[pl.ds(ebase, HB)],
                            srcr.at[pl.ds(0, HB)])
            pltpu.sync_copy(dst_hbm.at[pl.ds(ebase, HB)],
                            dstr.at[pl.ds(0, HB)])

            if filt:
                def cstage(i, cur):
                    pos = i * 16
                    valid = (pos + iota) < HB
                    sv = srcr[pl.ds(pos, 16)]
                    dv = dstr[pl.ds(pos, 16)]
                    dv0 = jnp.where(valid, dv, 0)
                    w = plsc.load_gather(qflag_v, [dv0 >> 5])
                    keep = valid & (((w >> (dv0 & 31)) & 1) > 0)
                    plsc.store_compressed(srcr.at[pl.ds(cur, 16)],
                                          sv + t * NTP, mask=keep)
                    plsc.store_compressed(dstr.at[pl.ds(cur, 16)],
                                          dv0, mask=keep)
                    return cur + plsc.all_reduce_population_count(keep)[0]
                count = lax.fori_loop(0, (HB + 15) // 16, cstage, 0)
                nch = (count + CH - 1) // CH

                def pfill(i, _):
                    g = jnp.minimum((count // 16 + i) * 16, NCH2 * CH - 16)
                    m = (g + iota) >= count
                    sv = srcr[pl.ds(g, 16)]
                    dv = dstr[pl.ds(g, 16)]
                    srcr[pl.ds(g, 16)] = jnp.where(m, gpad, sv)
                    dstr[pl.ds(g, 16)] = jnp.where(m, spad, dv)
                    return 0
                lax.fori_loop(0, (CH // 16) + 1, pfill, 0)

                def move(i, _):
                    j = i // (CH // 16)
                    k = i % (CH // 16)
                    dsts[j, pl.ds(k * 16, 16)] = dstr[pl.ds(i * 16, 16)]
                    return 0
                lax.fori_loop(0, nch * (CH // 16), move, 0)
            else:
                nch = NCH2

                def stage(i, _):
                    j = i // (CH // 16)
                    k = i % (CH // 16)
                    pos = i * 16
                    valid = (pos + iota) < HB
                    sv = srcr[pl.ds(pos, 16)]
                    dv = dstr[pl.ds(pos, 16)]
                    srcr[pl.ds(pos, 16)] = jnp.where(valid, sv + t * NTP, gpad)
                    dsts[j, pl.ds(k * 16, 16)] = jnp.where(valid, dv, spad)
                    return 0
                lax.fori_loop(0, NCH2 * (CH // 16), stage, 0)

            lax.cond(nch > 0,
                     lambda: start_gather(0, rows0, sem0, rowsb0, semb0),
                     lambda: None)

            def chunk(j, _):
                def phase(rows, sem, rowsb, semb, orows, osem, orowsb, osemb):
                    pltpu.make_async_copy(
                        x_hbm.at[srcr.at[pl.ds(j * CH, CH)]], rows, sem).wait()
                    if has_aux:
                        pltpu.make_async_copy(
                            xb_hbm.at[srcr.at[pl.ds(j * CH, CH)]],
                            rowsb, semb).wait()
                    lax.cond(j + 1 < nch,
                             lambda: start_gather(
                                 jnp.minimum(j + 1, NCH2 - 1),
                                 orows, osem, orowsb, osemb),
                             lambda: None)
                    pltpu.sync_copy(rows, acc.at[dsts.at[j]], add=True)
                    if has_aux:
                        pltpu.sync_copy(rowsb, accb.at[dsts.at[j]], add=True)
                lax.cond(j % 2 == 0,
                         lambda: phase(rows0, sem0, rowsb0, semb0,
                                       rows1, sem1, rowsb1, semb1),
                         lambda: phase(rows1, sem1, rowsb1, semb1,
                                       rows0, sem0, rowsb0, semb0))
                return 0
            lax.fori_loop(0, nch, chunk, 0)
            return 0
        lax.fori_loop(0, 2, batch, 0)

        plsc.subcore_barrier()

        def wout(m, _):
            r0 = sid * RPT + m * CH
            pltpu.sync_copy(acc.at[pl.ds(r0, CH)],
                            out_hbm.at[cid, t, pl.ds(r0, CH), :])
            return 0
        lax.fori_loop(0, RPT // CH, wout, 0)
        if has_aux:
            def woutb(m, _):
                r0 = sid * RPT + m * CH
                pltpu.sync_copy(accb.at[pl.ds(r0, CH)],
                                outb_hbm.at[cid, t, pl.ds(r0, CH), :])
                return 0
            lax.fori_loop(0, RPT // CH, woutb, 0)

        plsc.subcore_barrier()
        return 0
    lax.fori_loop(0, TSTEPS, t_step, 0)


def _sc_hop(x_tables, src_flat, dst_flat, xb_tables=None, qflag=None, chv=64):
    has_aux = xb_tables is not None
    filt = qflag is not None
    nch2 = (HB + chv - 1) // chv
    spad = nch2 * chv
    out_type = [jax.ShapeDtypeStruct((NC, TSTEPS, NTP, WA), jnp.float32)]
    scratch = [
        pltpu.VMEM((spad,), jnp.int32),
        pltpu.VMEM((spad,), jnp.int32),
        pltpu.VMEM((nch2, chv), jnp.int32),
        pltpu.VMEM((chv, WA), jnp.float32),
        pltpu.VMEM((chv, WA), jnp.float32),
    ]
    if has_aux:
        out_type.append(jax.ShapeDtypeStruct((NC, TSTEPS, NTP, WB), jnp.float32))
        scratch.append(pltpu.VMEM((chv, WB), jnp.float32))
        scratch.append(pltpu.VMEM((chv, WB), jnp.float32))
    if filt:
        scratch.append(pltpu.VMEM((NTP // 32,), jnp.int32))
    scratch.append(pltpu.VMEM_SHARED((NTP, WA), jnp.float32))
    if has_aux:
        scratch.append(pltpu.VMEM_SHARED((NTP, WB), jnp.float32))
    nsem = 4 if has_aux else 2
    for _ in range(nsem):
        scratch.append(pltpu.SemaphoreType.DMA)
    k = pl.kernel(
        functools.partial(_hop_body, has_aux, filt, chv),
        out_type=out_type if has_aux else out_type[0],
        name=f"sc_hop_aux{int(has_aux)}_f{int(filt)}_c{chv}",
        mesh=_mesh(),
        scratch_types=scratch,
        compiler_params=pltpu.CompilerParams(needs_layout_passes=False,
                                             use_tc_tiling_on_sc=False),
    )
    args = [x_tables]
    if has_aux:
        args.append(xb_tables)
    args += [src_flat, dst_flat]
    if filt:
        args.append(qflag)
    if has_aux:
        s, sb = k(*args)
        return (s.reshape(NC, TSTEPS * NTP, WA),
                sb.reshape(NC, TSTEPS * NTP, WB))
    s = k(*args)
    return s.reshape(NC, TSTEPS * NTP, WA)


def _qgather_body(g_hbm, gb_hbm, qidx_hbm, out_hbm, outb_hbm,
                  qv, rows, rowsb, sem):
    cid = lax.axis_index("c")
    sid = lax.axis_index("s")
    wid = cid * NS + sid
    base = wid * QPT
    pltpu.sync_copy(qidx_hbm.at[pl.ds(base, QPT)], qv)

    def chunk(j, _):
        pltpu.async_copy(g_hbm.at[qv.at[pl.ds(j * 80, 80)]], rows, sem).wait()
        pltpu.sync_copy(rows, out_hbm.at[pl.ds(base + j * 80, 80), :])
        pltpu.async_copy(gb_hbm.at[qv.at[pl.ds(j * 80, 80)]], rowsb, sem).wait()
        pltpu.sync_copy(rowsb, outb_hbm.at[pl.ds(base + j * 80, 80), :])
        return 0
    lax.fori_loop(0, QPT // 80, chunk, 0)


def _sc_qgather(g_tables, gb_tables, qidx):
    k = pl.kernel(
        _qgather_body,
        out_type=[jax.ShapeDtypeStruct((TSTEPS * NQ, WA), jnp.float32),
                  jax.ShapeDtypeStruct((TSTEPS * NQ, WB), jnp.float32)],
        mesh=_mesh(),
        scratch_types=[
            pltpu.VMEM((QPT,), jnp.int32),
            pltpu.VMEM((80, WA), jnp.float32),
            pltpu.VMEM((80, WB), jnp.float32),
            pltpu.SemaphoreType.DMA,
        ],
        compiler_params=pltpu.CompilerParams(needs_layout_passes=False, use_tc_tiling_on_sc=False),
    )
    return k(g_tables, gb_tables, qidx)


_BLK = 640
_NROW = TSTEPS * NTP
_NBLK = _NROW // _BLK


def _tca_body(degp, emb, dinv, x1, x1b):
    deg = jnp.sum(degp[...], axis=0) + 1.0
    dv = lax.rsqrt(deg)[:, None]
    dinv[...] = dv
    x1[...] = dv * emb[...]
    x1b[...] = jnp.concatenate(
        [dv, jnp.zeros((_BLK, WB - 1), jnp.float32)], axis=-1)


def _tc_prep1(deg_partials, embp8):
    return pl.pallas_call(
        _tca_body,
        grid=(_NBLK,),
        in_specs=[
            pl.BlockSpec((NW, _BLK), lambda j: (0, j)),
            pl.BlockSpec((_BLK, NINP), lambda j: (j % (NTP // _BLK), 0)),
        ],
        out_specs=[
            pl.BlockSpec((_BLK, 1), lambda j: (j, 0)),
            pl.BlockSpec((_BLK, WA), lambda j: (j, 0)),
            pl.BlockSpec((_BLK, WB), lambda j: (j, 0)),
        ],
        out_shape=[
            jax.ShapeDtypeStruct((_NROW, 1), jnp.float32),
            jax.ShapeDtypeStruct((_NROW, WA), jnp.float32),
            jax.ShapeDtypeStruct((_NROW, WB), jnp.float32),
        ],
    )(deg_partials, embp8)


def _tcb_body(s1p, x1, dinv, x2):
    s = s1p[0] + s1p[1] + x1[...]
    x2[...] = dinv[...] * dinv[...] * s


def _tc_prep2(s1_partials, x1, dinv):
    return pl.pallas_call(
        _tcb_body,
        grid=(_NBLK,),
        in_specs=[
            pl.BlockSpec((NC, _BLK, WA), lambda j: (0, j, 0)),
            pl.BlockSpec((_BLK, WA), lambda j: (j, 0)),
            pl.BlockSpec((_BLK, 1), lambda j: (j, 0)),
        ],
        out_specs=pl.BlockSpec((_BLK, WA), lambda j: (j, 0)),
        out_shape=jax.ShapeDtypeStruct((_NROW, WA), jnp.float32),
    )(s1_partials, x1, dinv)


def _tcc_body(s2p, s2pb, x2, x1b, dinv, g, gb):
    s = s2p[0] + s2p[1] + x2[...]
    g[...] = dinv[...] * s
    sb = s2pb[0] + s2pb[1] + x1b[...]
    rs = dinv[...] * sb[:, 0:1]
    gb[...] = jnp.concatenate(
        [rs, jnp.zeros((_BLK, WB - 1), jnp.float32)], axis=-1)


def _tc_prep3(s2_partials, s2b_partials, x2, x1b, dinv):
    return pl.pallas_call(
        _tcc_body,
        grid=(_NBLK,),
        in_specs=[
            pl.BlockSpec((NC, _BLK, WA), lambda j: (0, j, 0)),
            pl.BlockSpec((NC, _BLK, WB), lambda j: (0, j, 0)),
            pl.BlockSpec((_BLK, WA), lambda j: (j, 0)),
            pl.BlockSpec((_BLK, WB), lambda j: (j, 0)),
            pl.BlockSpec((_BLK, 1), lambda j: (j, 0)),
        ],
        out_specs=[
            pl.BlockSpec((_BLK, WA), lambda j: (j, 0)),
            pl.BlockSpec((_BLK, WB), lambda j: (j, 0)),
        ],
        out_shape=[
            jax.ShapeDtypeStruct((_NROW, WA), jnp.float32),
            jax.ShapeDtypeStruct((_NROW, WB), jnp.float32),
        ],
    )(s2_partials, s2b_partials, x2, x1b, dinv)


def _tcw_body(wg1, wg2, bg1, w12, rvec):
    w12[...] = jnp.dot(wg1[...], wg2[...],
                       preferred_element_type=jnp.float32)
    rvec[...] = jnp.dot(bg1[...], wg2[...],
                        preferred_element_type=jnp.float32)


def _tc_w(Wg1, Wg2, bg1):
    return pl.pallas_call(
        _tcw_body,
        out_shape=[
            jax.ShapeDtypeStruct((NINP, NINP), jnp.float32),
            jax.ShapeDtypeStruct((1, NINP), jnp.float32),
        ],
    )(Wg1, Wg2, bg1.reshape(1, 2 * NINP))


def _layer_norm(x, g, b):
    m = jnp.mean(x, axis=-1, keepdims=True)
    v = jnp.mean((x - m) ** 2, axis=-1, keepdims=True)
    return (x - m) * lax.rsqrt(v + 1e-5) * g + b


def _tcd_body(raw_ref, rawb_ref, ts_ref, seq_ref, tem_ref, pos_ref, w12_ref, rvec_ref,
              bg2_ref, wq_ref, bq_ref, wk_ref, bk_ref, wv_ref, bv_ref,
              wo_ref, bo_ref, l1g_ref, l1b_ref, l2g_ref, l2b_ref,
              wf1_ref, bf1_ref, wf2_ref, bf2_ref, out_ref):
    raw = raw_ref[...][:, 0]
    rawb = rawb_ref[...][:, 0]
    w12 = w12_ref[...]
    dyu = (jnp.dot(raw.reshape(TSTEPS * L, NINP), w12,
                   preferred_element_type=jnp.float32).reshape(TSTEPS, L, NINP)
           + rawb[..., 0][:, :, None] * rvec_ref[...][None]
           + bg2_ref[...][None])
    ts = ts_ref[0, 0]
    onehot = (ts[:, None] == lax.broadcasted_iota(jnp.int32, (L, TSTEPS), 1))
    tem = jnp.dot(onehot.astype(jnp.float32), tem_ref[...],
                  preferred_element_type=jnp.float32)
    temperature = 128 ** 0.5 + 1e-06
    affine = jnp.sum(tem[None] * dyu, axis=-1) / temperature
    affine = affine - jnp.max(affine, axis=1, keepdims=True)
    ea = jnp.exp(affine)
    alpha = ea / jnp.sum(ea, axis=1, keepdims=True)
    dyemb = jnp.sum(alpha[:, :, None] * dyu, axis=0)
    x = jnp.concatenate([dyemb, pos_ref[...]], axis=-1)

    q = jnp.dot(x, wq_ref[...], preferred_element_type=jnp.float32) + bq_ref[...]
    k = jnp.dot(x, wk_ref[...], preferred_element_type=jnp.float32) + bk_ref[...]
    v = jnp.dot(x, wv_ref[...], preferred_element_type=jnp.float32) + bv_ref[...]
    kmask = (seq_ref[0, 0] == PAD)[None, :]
    heads = []
    scale = 1.0 / (float(HD) ** 0.5)
    for h in range(NHEADS):
        sl = slice(h * HD, (h + 1) * HD)
        qh, kh, vh = q[:, sl], k[:, sl], v[:, sl]
        sc = lax.dot_general(qh, kh, (((1,), (1,)), ((), ())),
                             preferred_element_type=jnp.float32) * scale
        sc = jnp.where(kmask, -1e9, sc)
        sc = sc - jnp.max(sc, axis=-1, keepdims=True)
        es = jnp.exp(sc)
        attn = es / jnp.sum(es, axis=-1, keepdims=True)
        heads.append(jnp.dot(attn, vh, preferred_element_type=jnp.float32))
    o = jnp.concatenate(heads, axis=-1)
    hh = _layer_norm(x + jnp.dot(o, wo_ref[...],
                                 preferred_element_type=jnp.float32)
                     + bo_ref[...], l1g_ref[...], l1b_ref[...])
    ff = jnp.dot(jnp.maximum(jnp.dot(hh, wf1_ref[...],
                                     preferred_element_type=jnp.float32)
                             + bf1_ref[...], 0.0), wf2_ref[...],
                 preferred_element_type=jnp.float32) + bf2_ref[...]
    out_ref[...] = _layer_norm(hh + ff, l2g_ref[...], l2b_ref[...])[None]


def _tc_head(dyu_raw, dyu_rawb, dyemb_ts, seq, time_emb, pos200, w12, rvec,
             bg2, Wq, bq, Wk, bk, Wv, bv, Wo, bo, ln1g, ln1b, ln2g, ln2b,
             Wf1, bf1, Wf2, bf2):
    row = lambda a: a.reshape(1, -1)

    def full(a):
        nd = a.ndim
        return pl.BlockSpec(a.shape, lambda b, _nd=nd: (0,) * _nd)
    ins = [dyu_raw.reshape(TSTEPS, BATCH, L, WA),
           dyu_rawb.reshape(TSTEPS, BATCH, L, WB)]
    specs = [pl.BlockSpec((TSTEPS, 1, L, WA), lambda b: (0, b, 0, 0)),
             pl.BlockSpec((TSTEPS, 1, L, WB), lambda b: (0, b, 0, 0))]
    for a in (dyemb_ts, seq):
        ins.append(a.reshape(BATCH, 1, L))
        specs.append(pl.BlockSpec((1, 1, L), lambda b: (b, 0, 0)))
    for a in (time_emb, pos200, w12, rvec, row(bg2), Wq, row(bq), Wk, row(bk),
              Wv, row(bv), Wo, row(bo), row(ln1g), row(ln1b), row(ln2g),
              row(ln2b), Wf1, row(bf1), Wf2, row(bf2)):
        ins.append(a)
        specs.append(full(a))
    return pl.pallas_call(
        _tcd_body,
        grid=(BATCH,),
        in_specs=specs,
        out_specs=pl.BlockSpec((1, L, D), lambda b: (b, 0, 0)),
        out_shape=jax.ShapeDtypeStruct((BATCH, L, D), jnp.float32),
    )(*ins)


def _tce_body(att_ref, wout_ref, bout_ref, seq_ref, out_ref):
    mm = (jnp.dot(att_ref[0], wout_ref[...],
                  preferred_element_type=jnp.float32) + bout_ref[...])
    viota = lax.broadcasted_iota(jnp.int32, (L, NTOKEN), 1)
    hit = (seq_ref[0, 0][:, None] == viota).astype(jnp.int32)
    sh = 1
    while sh < L:
        z = jnp.zeros((sh, NTOKEN), jnp.int32)
        hit = hit | jnp.concatenate([z, hit[:L - sh]], axis=0)
        sh *= 2
    masked = (hit > 0) | (viota == 0)
    out_ref[...] = jnp.where(masked, -jnp.inf, mm)


def _tc_proj(att_out, Wout, bout, seq):
    return pl.pallas_call(
        _tce_body,
        grid=(BATCH,),
        in_specs=[
            pl.BlockSpec((1, L, D), lambda b: (b, 0, 0)),
            pl.BlockSpec((D, NTOKEN), lambda b: (0, 0)),
            pl.BlockSpec((1, NTOKEN), lambda b: (0, 0)),
            pl.BlockSpec((1, 1, L), lambda b: (b, 0, 0)),
        ],
        out_specs=pl.BlockSpec((L, NTOKEN), lambda b: (b, 0)),
        out_shape=jax.ShapeDtypeStruct((BATCH * L, NTOKEN), jnp.float32),
    )(att_out, Wout, bout.reshape(1, NTOKEN), seq.reshape(BATCH, 1, L))


def _dyemb_ts(input_timestamp):
    ts = input_timestamp[:, :-1]
    Bz, Ls = ts.shape
    pad = (-Ls) % 5
    padded = jnp.pad(ts, ((0, 0), (0, pad)))
    nb = (Ls + pad) // 5
    blocks = padded.reshape(Bz, nb, 5)
    la = blocks.max(axis=(0, 2))
    active = jnp.cumprod((la >= 1).astype(jnp.int32)) > 0
    res_index = jnp.minimum(la, TSTEPS - 1)
    vals = jnp.where(active, res_index, 0).astype(jnp.int32)
    dy = jnp.broadcast_to(vals[None, :, None], (Bz, nb, 5)).reshape(Bz, nb * 5)
    return dy[:, :Ls]


def kernel(input, input_timestamp, diffusion_edge_index, emb, Wg1, bg1, Wg2,
           bg2, pos_emb, time_emb, Wq, bq, Wk, bk, Wv, bv, Wo, bo, ln1g, ln1b,
           ln2g, ln2b, Wf1, bf1, Wf2, bf2, Wout, bout):
    seq = input[:, :-1]
    dyemb_ts = _dyemb_ts(input_timestamp)
    src_flat = diffusion_edge_index[:, 0, :].reshape(-1)
    dst_flat = diffusion_edge_index[:, 1, :].reshape(-1)
    embp = jnp.pad(emb, ((0, NTP - NTOKEN), (0, 0)))

    deg_partials = _sc_degree(dst_flat)
    dinv, x1, x1b = _tc_prep1(deg_partials, embp)
    s1p = _sc_hop(x1, src_flat, dst_flat, chv=128)
    x2 = _tc_prep2(s1p, x1, dinv)
    qflag1 = jnp.zeros((NTP,), jnp.int32).at[seq.reshape(-1)].set(1)
    qflag = jnp.sum(qflag1.reshape(NTP // 32, 32)
                    << jnp.arange(32, dtype=jnp.int32)[None, :], axis=1,
                    dtype=jnp.int32)
    s2p, s2pb = _sc_hop(x2, src_flat, dst_flat, xb_tables=x1b, qflag=qflag,
                        chv=64)
    g, gb = _tc_prep3(s2p, s2pb, x2, x1b, dinv)

    qidx = (jnp.arange(TSTEPS, dtype=jnp.int32)[:, None] * NTP
            + seq.reshape(-1)[None, :]).reshape(-1)
    dyu_raw, dyu_rawb = _sc_qgather(g, gb, qidx)

    w12, rvec = _tc_w(Wg1, Wg2, bg1)
    pos200 = pos_emb[:L]
    att_out = _tc_head(dyu_raw, dyu_rawb, dyemb_ts, seq, time_emb, pos200,
                       w12, rvec, bg2, Wq, bq, Wk, bk, Wv, bv, Wo, bo,
                       ln1g, ln1b, ln2g, ln2b, Wf1, bf1, Wf2, bf2)
    return _tc_proj(att_out, Wout, bout, seq)

# --- scband reference (transcript-rebuilt; emitter-appended) ---
"""Pipeline reference for scband-dy-hgcn-s-43258910605716 (READ-ONLY COPY).

The authoritative reference and input builder live on the scoring server;
editing this copy changes nothing except your own understanding.
"""

import jax, jax.numpy as jnp
import numpy as np

PAD = 0
NTOKEN = 10000
NINP = 128
POS_DIM = 8
TSTEPS = 8
NHEADS = 8
BATCH = 8
SEQ = 201
NEDGES = 320000


def _gcn_conv(x, W, b, src, dst):
    n = x.shape[0]
    h = x @ W
    loop = jnp.arange(n)
    s = jnp.concatenate([src, loop])
    d = jnp.concatenate([dst, loop])
    deg = jnp.zeros((n,), h.dtype).at[d].add(1.0)
    dinv = jnp.where(deg > 0, deg ** -0.5, 0.0)
    norm = dinv[s] * dinv[d]
    msg = h[s] * norm[:, None]
    return jnp.zeros((n, h.shape[1]), h.dtype).at[d].add(msg) + b


def _graph_nn(emb, Wg1, bg1, Wg2, bg2, ei):
    h = _gcn_conv(emb, Wg1, bg1, ei[0], ei[1])
    return _gcn_conv(h, Wg2, bg2, ei[0], ei[1])


def _layer_norm(x, g, b):
    m = x.mean(-1, keepdims=True)
    v = x.var(-1, keepdims=True)
    return (x - m) / jnp.sqrt(v + 1e-5) * g + b


def _dyemb_timestamp(input_timestamp):
    ts = input_timestamp[:, :-1]
    Bz, L = ts.shape
    pad = (-L) % 5
    padded = jnp.pad(ts, ((0, 0), (0, pad)))
    nb = (L + pad) // 5
    blocks = padded.reshape(Bz, nb, 5)
    la = blocks.max(axis=(0, 2))
    active = jnp.cumprod((la >= 1).astype(jnp.int32)) > 0
    res_index = jnp.minimum(la, TSTEPS - 1)
    vals = jnp.where(active, res_index, 0).astype(jnp.int32)
    dy = jnp.broadcast_to(vals[None, :, None], (Bz, nb, 5)).reshape(Bz, nb * 5)
    return dy[:, :L]


def _prev_user_mask(seq, user_size):
    Bz, L = seq.shape
    seqs = jnp.broadcast_to(seq[:, None, :].astype(jnp.float32), (Bz, L, L))
    tril = jnp.tril(jnp.ones((L, L), jnp.float32))
    masked = tril[None] * seqs
    masked = jnp.concatenate([masked, jnp.zeros((Bz, L, 1), jnp.float32)], axis=2).astype(jnp.int32)
    bidx = jnp.arange(Bz)[:, None, None]
    lidx = jnp.arange(L)[None, :, None]
    return jnp.zeros((Bz, L, user_size), jnp.float32).at[bidx, lidx, masked].set(-jnp.inf)


def _forward(seq, dyemb_ts, diffusion_edge_index, pmask, emb, Wg1, bg1, Wg2, bg2, pos_emb, time_emb, Wq, bq, Wk, bk, Wv, bv, Wo, bo, ln1g, ln1b, ln2g, ln2b, Wf1, bf1, Wf2, bf2, Wout, bout):
    Bz, L = seq.shape
    mask_pad = seq == PAD
    order_embed = jnp.broadcast_to(pos_emb[jnp.arange(L)][None], (Bz, L, POS_DIM))
    dyn_embs = [_graph_nn(emb, Wg1, bg1, Wg2, bg2, diffusion_edge_index[t]) for t in range(TSTEPS)]
    dyuser = jnp.stack([d[seq] for d in dyn_embs], axis=2)
    T_embed = time_emb[dyemb_ts]
    temperature = dyuser.shape[-1] ** 0.5 + 1e-06
    affine = jnp.einsum('bud,butd->but', T_embed, dyuser)
    alpha = jax.nn.softmax(affine / temperature, axis=1)[..., None]
    dyemb = (alpha * dyuser).sum(axis=2)
    x = jnp.concatenate([dyemb, order_embed], axis=-1)
    D = x.shape[-1]
    hd = D // NHEADS
    q = (x @ Wq + bq).reshape(Bz, L, NHEADS, hd).transpose(0, 2, 1, 3)
    k = (x @ Wk + bk).reshape(Bz, L, NHEADS, hd).transpose(0, 2, 1, 3)
    v = (x @ Wv + bv).reshape(Bz, L, NHEADS, hd).transpose(0, 2, 1, 3)
    scores = jnp.einsum('bhqd,bhkd->bhqk', q, k) / jnp.sqrt(float(hd))
    scores = jnp.where(mask_pad[:, None, None, :], -1000000000.0, scores)
    attn = jax.nn.softmax(scores, axis=-1)
    o = jnp.einsum('bhqk,bhkd->bhqd', attn, v).transpose(0, 2, 1, 3).reshape(Bz, L, D)
    h = _layer_norm(x + o @ Wo + bo, ln1g, ln1b)
    ff = jax.nn.relu(h @ Wf1 + bf1) @ Wf2 + bf2
    att_out = _layer_norm(h + ff, ln2g, ln2b)
    output = att_out @ Wout + bout
    output = output + pmask
    return output.reshape(-1, NTOKEN)


def setup_inputs(seed: int = 0):
    key = jax.random.key(seed)
    ks = jax.random.split(key, 40)
    D = NINP + POS_DIM

    def nrm(i, shape):
        return jax.random.normal(ks[i], shape, jnp.float32) * 0.05

    emb = nrm(3, (NTOKEN, NINP)).at[0].set(0.0)
    inp = {}
    inp['input'] = jax.random.randint(ks[0], (BATCH, SEQ), 0, NTOKEN, dtype=jnp.int32)
    inp['input_timestamp'] = jax.random.randint(ks[1], (BATCH, SEQ), 0, TSTEPS, dtype=jnp.int32)
    inp['diffusion_edge_index'] = jax.random.randint(ks[2], (TSTEPS, 2, NEDGES), 0, NTOKEN, dtype=jnp.int32)
    inp['emb'] = emb
    inp['Wg1'] = nrm(4, (NINP, NINP * 2))
    inp['bg1'] = jnp.zeros((NINP * 2,), jnp.float32)
    inp['Wg2'] = nrm(5, (NINP * 2, NINP))
    inp['bg2'] = jnp.zeros((NINP,), jnp.float32)
    inp['pos_emb'] = nrm(6, (1000, POS_DIM))
    inp['time_emb'] = nrm(7, (TSTEPS, NINP))
    inp['Wq'] = nrm(8, (D, D)); inp['bq'] = jnp.zeros((D,), jnp.float32)
    inp['Wk'] = nrm(9, (D, D)); inp['bk'] = jnp.zeros((D,), jnp.float32)
    inp['Wv'] = nrm(10, (D, D)); inp['bv'] = jnp.zeros((D,), jnp.float32)
    inp['Wo'] = nrm(11, (D, D)); inp['bo'] = jnp.zeros((D,), jnp.float32)
    inp['ln1g'] = jnp.ones((D,), jnp.float32); inp['ln1b'] = jnp.zeros((D,), jnp.float32)
    inp['ln2g'] = jnp.ones((D,), jnp.float32); inp['ln2b'] = jnp.zeros((D,), jnp.float32)
    inp['Wf1'] = nrm(12, (D, 4 * D)); inp['bf1'] = jnp.zeros((4 * D,), jnp.float32)
    inp['Wf2'] = nrm(13, (4 * D, D)); inp['bf2'] = jnp.zeros((D,), jnp.float32)
    inp['Wout'] = nrm(14, (D, NTOKEN)); inp['bout'] = jnp.zeros((NTOKEN,), jnp.float32)
    return inp


def reference(input, input_timestamp, diffusion_edge_index, emb, Wg1, bg1, Wg2, bg2, pos_emb, time_emb, Wq, bq, Wk, bk, Wv, bv, Wo, bo, ln1g, ln1b, ln2g, ln2b, Wf1, bf1, Wf2, bf2, Wout, bout):
    seq = input[:, :-1]
    dyemb_ts = _dyemb_timestamp(input_timestamp)
    pmask = _prev_user_mask(seq, NTOKEN)
    return _forward(seq, dyemb_ts, diffusion_edge_index, pmask, emb, Wg1, bg1, Wg2, bg2, pos_emb, time_emb, Wq, bq, Wk, bk, Wv, bv, Wo, bo, ln1g, ln1b, ln2g, ln2b, Wf1, bf1, Wf2, bf2, Wout, bout)

if __name__ == "__main__":
    import jax
    _d = setup_inputs()
    print(jax.jit(kernel)(*tuple(_d.values())))

</pallas_src>

<mosaic_0001>
#map = affine_map<(d0, d1) -> (0, 0)>
#map1 = affine_map<(d0, d1) -> (0)>
#map2 = affine_map<(d0, d1) -> (0, 0, 0, 0)>
module attributes {stable_mosaic.version = 14 : i64} {
  func.func @sc_hop_aux0_f0_c128(%arg0: i32, %arg1: i32, %arg2: memref<81920x128xf32, #tpu.memory_space<hbm>>, %arg3: memref<2560000xi32, #tpu.memory_space<hbm>>, %arg4: memref<2560000xi32, #tpu.memory_space<hbm>>, %arg5: memref<2x8x10240x128xf32, #tpu.memory_space<hbm>>, %arg6: memref<5120xi32, #tpu.memory_space<vmem>>, %arg7: memref<5120xi32, #tpu.memory_space<vmem>>, %arg8: memref<40x128xi32, #tpu.memory_space<vmem>>, %arg9: memref<128x128xf32, #tpu.memory_space<vmem>>, %arg10: memref<128x128xf32, #tpu.memory_space<vmem>>, %arg11: memref<10240x128xf32, #tpu.memory_space<vmem_shared>>, %arg12: memref<!tpu.dma_semaphore, #tpu.memory_space<semaphore_mem>>, %arg13: memref<!tpu.dma_semaphore, #tpu.memory_space<semaphore_mem>>) attributes {dimension_semantics = [#tpu.dimension_semantics<core_parallel>, #tpu.dimension_semantics<subcore_parallel>], iteration_bounds = array<i64: 2, 16>, scalar_prefetch = 0 : i64, scratch_operands = 8 : i64, tpu.core_type = #tpu.core_type<sc_vector_subcore>, window_params = [{transform_indices = #map}, {transform_indices = #map1}, {transform_indices = #map1}, {transform_indices = #map2}]} {
    %mul3A = arith.constant 16 : i32
    %mul3A_0 = arith.muli %arg0, %mul3A : i32
    %add3A = arith.addi %mul3A_0, %arg1 : i32
    %broadcast_in_dim3A = arith.constant 0.000000e+00 : f32
    %broadcast_in_dim3A_1 = vector.broadcast %broadcast_in_dim3A : f32 to vector<16xf32>
    %iota3A = tpu.iota {dimensions = array<i32: 0>} : vector<16xi32>
    %scan3A = arith.constant 0 : i32
    %scan3A_2 = arith.constant 0 : i32
    %scan3A_3 = arith.constant 8 : i32
    %scan3A_4 = arith.addi %scan3A_2, %scan3A_3 : i32
    %scan3A_5 = arith.constant 1 : i32
    %scan3A_6 = scf.for %scan3A_8 = %scan3A_2 to %scan3A_4 step %scan3A_5 iter_args(%scan3A_9 = %scan3A) -> (i32)  : i32 {
      %scan3A_10 = arith.constant 0 : i32
      %scan3A_11 = arith.constant 0 : i32
      %scan3A_12 = arith.constant 1024 : i32
      %scan3A_13 = arith.addi %scan3A_11, %scan3A_12 : i32
      %scan3A_14 = arith.constant 1 : i32
      %scan3A_15 = scf.for %scan3A_52 = %scan3A_11 to %scan3A_13 step %scan3A_14 iter_args(%scan3A_53 = %scan3A_10) -> (i32)  : i32 {
        %jit3A = arith.constant 8 : i32
        %div3A = arith.divsi %scan3A_52, %jit3A : i32
        %sign3A = arith.constant 0 : i32
        %sign3A_54 = arith.cmpi sgt, %scan3A_52, %sign3A : i32
        %sign3A_55 = arith.extui %sign3A_54 : i1 to i32
        %sign3A_56 = arith.constant 0 : i32
        %sign3A_57 = arith.cmpi slt, %scan3A_52, %sign3A_56 : i32
        %sign3A_58 = arith.extui %sign3A_57 : i1 to i32
        %sign3A_59 = arith.subi %sign3A_55, %sign3A_58 : i32
        %sign3A_60 = arith.constant 0 : i32
        %sign3A_61 = arith.cmpi sgt, %jit3A, %sign3A_60 : i32
        %sign3A_62 = arith.extui %sign3A_61 : i1 to i32
        %sign3A_63 = arith.constant 0 : i32
        %sign3A_64 = arith.cmpi slt, %jit3A, %sign3A_63 : i32
        %sign3A_65 = arith.extui %sign3A_64 : i1 to i32
        %sign3A_66 = arith.subi %sign3A_62, %sign3A_65 : i32
        %ne3A = arith.cmpi ne, %sign3A_59, %sign3A_66 : i32
        %rem3A = arith.remsi %scan3A_52, %jit3A : i32
        %ne3A_67 = arith.constant 0 : i32
        %ne3A_68 = arith.cmpi ne, %rem3A, %ne3A_67 : i32
        %and3A = arith.andi %ne3A, %ne3A_68 : i1
        %sub3A = arith.constant 1 : i32
        %sub3A_69 = arith.subi %div3A, %sub3A : i32
        %select_n3A = arith.select %and3A, %sub3A_69, %div3A : i32
        %jit3A_70 = arith.constant 8 : i32
        %eq3A = arith.constant 0 : i32
        %eq3A_71 = arith.cmpi eq, %jit3A_70, %eq3A : i32
        %jit3A_72 = arith.constant 1 : i32
        %select_n3A_73 = arith.select %eq3A_71, %jit3A_72, %jit3A_70 : i32
        %rem3A_74 = arith.remsi %scan3A_52, %select_n3A_73 : i32
        %ne3A_75 = arith.constant 0 : i32
        %ne3A_76 = arith.cmpi ne, %rem3A_74, %ne3A_75 : i32
        %lt3A = arith.constant 0 : i32
        %lt3A_77 = arith.cmpi slt, %rem3A_74, %lt3A : i32
        %lt3A_78 = arith.constant 0 : i32
        %lt3A_79 = arith.cmpi slt, %select_n3A_73, %lt3A_78 : i32
        %ne3A_80 = arith.xori %lt3A_77, %lt3A_79 : i1
        %and3A_81 = arith.andi %ne3A_80, %ne3A_76 : i1
        %add3A_82 = arith.addi %rem3A_74, %select_n3A_73 : i32
        %select_n3A_83 = arith.select %and3A_81, %add3A_82, %rem3A_74 : i32
        %mul3A_84 = arith.constant 16 : i32
        %mul3A_85 = arith.muli %select_n3A_83, %mul3A_84 : i32
        %swap3A = arith.index_cast %select_n3A : i32 to index
        %swap3A_86 = arith.index_cast %mul3A_85 : i32 to index
        %swap3A_87 = tpu.vector_load %arg9[%swap3A, %swap3A_86] {strides = array<i32>} : memref<128x128xf32, #tpu.memory_space<vmem>>, vector<16xf32>,
        tpu.vector_store %arg9[%swap3A, %swap3A_86], %broadcast_in_dim3A_1 {strides = array<i32>} : memref<128x128xf32, #tpu.memory_space<vmem>>, vector<16xf32>,
        %scan3A_88 = arith.constant 0 : i32
        scf.yield %scan3A_88 : i32
      }
      %scan3A_16 = arith.constant 1024 : i32
      %scan3A_17 = arith.constant 0 : i32
      %scan3A_18 = arith.constant 0 : i32
      %scan3A_19 = arith.constant 5 : i32
      %scan3A_20 = arith.addi %scan3A_18, %scan3A_19 : i32
      %scan3A_21 = arith.constant 1 : i32
      %scan3A_22 = scf.for %scan3A_52 = %scan3A_18 to %scan3A_20 step %scan3A_21 iter_args(%scan3A_53 = %scan3A_17) -> (i32)  : i32 {
        %mul3A_54 = arith.constant 640 : i32
        %mul3A_55 = arith.muli %arg1, %mul3A_54 : i32
        %mul3A_56 = arith.constant 128 : i32
        %mul3A_57 = arith.muli %scan3A_52, %mul3A_56 : i32
        %add3A_58 = arith.addi %mul3A_55, %mul3A_57 : i32
        "tpu.region"() ({
          %run_scoped3A = tpu.sem_alloc : memref<!tpu.dma_semaphore, #tpu.memory_space<semaphore_mem>>
          %dma_start3A = arith.constant 0 : i32
          %dma_start3A_60 = tpu.memref_slice %arg11[%add3A_58, %dma_start3A] : memref<10240x128xf32, #tpu.memory_space<vmem_shared>> -> memref<128x128xf32, #tpu.memory_space<vmem_shared>>
          %dma_start3A_61 = arith.constant 0 : i32
          %dma_start3A_62 = tpu.memref_slice %arg11[%add3A_58, %dma_start3A_61] : memref<10240x128xf32, #tpu.memory_space<vmem_shared>> -> memref<128x128xf32, #tpu.memory_space<vmem_shared>>
          tpu.enqueue_dma source(%arg9 : memref<128x128xf32, #tpu.memory_space<vmem>>) target(%dma_start3A_62 : memref<128x128xf32, #tpu.memory_space<vmem_shared>>) target_semaphore(%run_scoped3A : memref<!tpu.dma_semaphore, #tpu.memory_space<semaphore_mem>>)
          %dma_wait3A = arith.constant 0 : i32
          %dma_wait3A_63 = tpu.memref_slice %arg11[%add3A_58, %dma_wait3A] : memref<10240x128xf32, #tpu.memory_space<vmem_shared>> -> memref<128x128xf32, #tpu.memory_space<vmem_shared>>
          %dma_wait3A_64 = arith.constant 0 : i32
          %dma_wait3A_65 = tpu.memref_slice %arg11[%add3A_58, %dma_wait3A_64] : memref<10240x128xf32, #tpu.memory_space<vmem_shared>> -> memref<128x128xf32, #tpu.memory_space<vmem_shared>>
          tpu.wait_dma2 semaphore(%run_scoped3A : memref<!tpu.dma_semaphore, #tpu.memory_space<semaphore_mem>>) src(%arg9 : memref<128x128xf32, #tpu.memory_space<vmem>>) dst(%dma_wait3A_65 : memref<128x128xf32, #tpu.memory_space<vmem_shared>>)
          tpu.yield
        }) : () -> ()
        %scan3A_59 = arith.constant 0 : i32
        scf.yield %scan3A_59 : i32
      }
      %scan3A_23 = arith.constant 5 : i32
      %mul3A_24 = arith.constant 10240 : i32
      %mul3A_25 = arith.muli %scan3A_8, %mul3A_24 : i32
      %add3A_26 = arith.constant 10000 : i32
      %add3A_27 = arith.addi %mul3A_25, %add3A_26 : i32
      %mul3A_28 = arith.constant 8 : i32
      %mul3A_29 = arith.muli %arg1, %mul3A_28 : i32
      %add3A_30 = arith.addi %add3A_27, %mul3A_29 : i32
      %mul3A_31 = arith.constant 8 : i32
      %mul3A_32 = arith.muli %arg1, %mul3A_31 : i32
      %add3A_33 = arith.constant 10000 : i32
      %add3A_34 = arith.addi %add3A_33, %mul3A_32 : i32
      %add3A_35 = arith.addi %add3A_34, %arg0 : i32
      %scan3A_36 = arith.constant 0 : i32
      %scan3A_37 = arith.constant 0 : i32
      %scan3A_38 = arith.constant 2 : i32
      %scan3A_39 = arith.addi %scan3A_37, %scan3A_38 : i32
      %scan3A_40 = arith.constant 1 : i32
      %scan3A_41 = scf.for %scan3A_52 = %scan3A_37 to %scan3A_39 step %scan3A_40 iter_args(%scan3A_53 = %scan3A_36) -> (i32)  : i32 {
        %mul3A_54 = arith.constant 320000 : i32
        %mul3A_55 = arith.muli %scan3A_8, %mul3A_54 : i32
        %mul3A_56 = arith.constant 10000 : i32
        %mul3A_57 = arith.muli %add3A, %mul3A_56 : i32
        %add3A_58 = arith.addi %mul3A_55, %mul3A_57 : i32
        %mul3A_59 = arith.constant 5000 : i32
        %mul3A_60 = arith.muli %scan3A_52, %mul3A_59 : i32
        %add3A_61 = arith.addi %add3A_58, %mul3A_60 : i32
        "tpu.region"() ({
          %run_scoped3A = tpu.sem_alloc : memref<!tpu.dma_semaphore, #tpu.memory_space<semaphore_mem>>
          %dma_start3A_81 = arith.constant 0 : i32
          %dma_start3A_82 = tpu.memref_slice %arg6[%dma_start3A_81] : memref<5120xi32, #tpu.memory_space<vmem>> -> memref<5000xi32, #tpu.memory_space<vmem>>
          %dma_start3A_83 = tpu.memref_slice %arg3[%add3A_61] : memref<2560000xi32, #tpu.memory_space<hbm>> -> memref<5000xi32, #tpu.memory_space<hbm>>
          %dma_start3A_84 = arith.constant 0 : i32
          %dma_start3A_85 = tpu.memref_slice %arg6[%dma_start3A_84] : memref<5120xi32, #tpu.memory_space<vmem>> -> memref<5000xi32, #tpu.memory_space<vmem>>
          %dma_start3A_86 = tpu.memref_slice %arg3[%add3A_61] : memref<2560000xi32, #tpu.memory_space<hbm>> -> memref<5000xi32, #tpu.memory_space<hbm>>
          tpu.enqueue_dma source(%dma_start3A_86 : memref<5000xi32, #tpu.memory_space<hbm>>) target(%dma_start3A_85 : memref<5000xi32, #tpu.memory_space<vmem>>) target_semaphore(%run_scoped3A : memref<!tpu.dma_semaphore, #tpu.memory_space<semaphore_mem>>)
          %dma_wait3A = arith.constant 0 : i32
          %dma_wait3A_87 = tpu.memref_slice %arg6[%dma_wait3A] : memref<5120xi32, #tpu.memory_space<vmem>> -> memref<5000xi32, #tpu.memory_space<vmem>>
          %dma_wait3A_88 = tpu.memref_slice %arg3[%add3A_61] : memref<2560000xi32, #tpu.memory_space<hbm>> -> memref<5000xi32, #tpu.memory_space<hbm>>
          %dma_wait3A_89 = arith.constant 0 : i32
          %dma_wait3A_90 = tpu.memref_slice %arg6[%dma_wait3A_89] : memref<5120xi32, #tpu.memory_space<vmem>> -> memref<5000xi32, #tpu.memory_space<vmem>>
          %dma_wait3A_91 = tpu.memref_slice %arg3[%add3A_61] : memref<2560000xi32, #tpu.memory_space<hbm>> -> memref<5000xi32, #tpu.memory_space<hbm>>
          tpu.wait_dma2 semaphore(%run_scoped3A : memref<!tpu.dma_semaphore, #tpu.memory_space<semaphore_mem>>) src(%dma_wait3A_91 : memref<5000xi32, #tpu.memory_space<hbm>>) dst(%dma_wait3A_90 : memref<5000xi32, #tpu.memory_space<vmem>>)
          tpu.yield
        }) : () -> ()
        "tpu.region"() ({
          %run_scoped3A = tpu.sem_alloc : memref<!tpu.dma_semaphore, #tpu.memory_space<semaphore_mem>>
          %dma_start3A_81 = arith.constant 0 : i32
          %dma_start3A_82 = tpu.memref_slice %arg7[%dma_start3A_81] : memref<5120xi32, #tpu.memory_space<vmem>> -> memref<5000xi32, #tpu.memory_space<vmem>>
          %dma_start3A_83 = tpu.memref_slice %arg4[%add3A_61] : memref<2560000xi32, #tpu.memory_space<hbm>> -> memref<5000xi32, #tpu.memory_space<hbm>>
          %dma_start3A_84 = arith.constant 0 : i32
          %dma_start3A_85 = tpu.memref_slice %arg7[%dma_start3A_84] : memref<5120xi32, #tpu.memory_space<vmem>> -> memref<5000xi32, #tpu.memory_space<vmem>>
          %dma_start3A_86 = tpu.memref_slice %arg4[%add3A_61] : memref<2560000xi32, #tpu.memory_space<hbm>> -> memref<5000xi32, #tpu.memory_space<hbm>>
          tpu.enqueue_dma source(%dma_start3A_86 : memref<5000xi32, #tpu.memory_space<hbm>>) target(%dma_start3A_85 : memref<5000xi32, #tpu.memory_space<vmem>>) target_semaphore(%run_scoped3A : memref<!tpu.dma_semaphore, #tpu.memory_space<semaphore_mem>>)
          %dma_wait3A = arith.constant 0 : i32
          %dma_wait3A_87 = tpu.memref_slice %arg7[%dma_wait3A] : memref<5120xi32, #tpu.memory_space<vmem>> -> memref<5000xi32, #tpu.memory_space<vmem>>
          %dma_wait3A_88 = tpu.memref_slice %arg4[%add3A_61] : memref<2560000xi32, #tpu.memory_space<hbm>> -> memref<5000xi32, #tpu.memory_space<hbm>>
          %dma_wait3A_89 = arith.constant 0 : i32
          %dma_wait3A_90 = tpu.memref_slice %arg7[%dma_wait3A_89] : memref<5120xi32, #tpu.memory_space<vmem>> -> memref<5000xi32, #tpu.memory_space<vmem>>
          %dma_wait3A_91 = tpu.memref_slice %arg4[%add3A_61] : memref<2560000xi32, #tpu.memory_space<hbm>> -> memref<5000xi32, #tpu.memory_space<hbm>>
          tpu.wait_dma2 semaphore(%run_scoped3A : memref<!tpu.dma_semaphore, #tpu.memory_space<semaphore_mem>>) src(%dma_wait3A_91 : memref<5000xi32, #tpu.memory_space<hbm>>) dst(%dma_wait3A_90 : memref<5000xi32, #tpu.memory_space<vmem>>)
          tpu.yield
        }) : () -> ()
        %scan3A_62 = arith.constant 0 : i32
        %scan3A_63 = arith.constant 0 : i32
        %scan3A_64 = arith.constant 320 : i32
        %scan3A_65 = arith.addi %scan3A_63, %scan3A_64 : i32
        %scan3A_66 = arith.constant 1 : i32
        %scan3A_67 = scf.for %scan3A_81 = %scan3A_63 to %scan3A_65 step %scan3A_66 iter_args(%scan3A_82 = %scan3A_62) -> (i32)  : i32 {
          %jit3A = arith.constant 8 : i32
          %div3A = arith.divsi %scan3A_81, %jit3A : i32
          %sign3A = arith.constant 0 : i32
          %sign3A_83 = arith.cmpi sgt, %scan3A_81, %sign3A : i32
          %sign3A_84 = arith.extui %sign3A_83 : i1 to i32
          %sign3A_85 = arith.constant 0 : i32
          %sign3A_86 = arith.cmpi slt, %scan3A_81, %sign3A_85 : i32
          %sign3A_87 = arith.extui %sign3A_86 : i1 to i32
          %sign3A_88 = arith.subi %sign3A_84, %sign3A_87 : i32
          %sign3A_89 = arith.constant 0 : i32
          %sign3A_90 = arith.cmpi sgt, %jit3A, %sign3A_89 : i32
          %sign3A_91 = arith.extui %sign3A_90 : i1 to i32
          %sign3A_92 = arith.constant 0 : i32
          %sign3A_93 = arith.cmpi slt, %jit3A, %sign3A_92 : i32
          %sign3A_94 = arith.extui %sign3A_93 : i1 to i32
          %sign3A_95 = arith.subi %sign3A_91, %sign3A_94 : i32
          %ne3A = arith.cmpi ne, %sign3A_88, %sign3A_95 : i32
          %rem3A = arith.remsi %scan3A_81, %jit3A : i32
          %ne3A_96 = arith.constant 0 : i32
          %ne3A_97 = arith.cmpi ne, %rem3A, %ne3A_96 : i32
          %and3A = arith.andi %ne3A, %ne3A_97 : i1
          %sub3A = arith.constant 1 : i32
          %sub3A_98 = arith.subi %div3A, %sub3A : i32
          %select_n3A = arith.select %and3A, %sub3A_98, %div3A : i32
          %jit3A_99 = arith.constant 8 : i32
          %eq3A = arith.constant 0 : i32
          %eq3A_100 = arith.cmpi eq, %jit3A_99, %eq3A : i32
          %jit3A_101 = arith.constant 1 : i32
          %select_n3A_102 = arith.select %eq3A_100, %jit3A_101, %jit3A_99 : i32
          %rem3A_103 = arith.remsi %scan3A_81, %select_n3A_102 : i32
          %ne3A_104 = arith.constant 0 : i32
          %ne3A_105 = arith.cmpi ne, %rem3A_103, %ne3A_104 : i32
          %lt3A = arith.constant 0 : i32
          %lt3A_106 = arith.cmpi slt, %rem3A_103, %lt3A : i32
          %lt3A_107 = arith.constant 0 : i32
          %lt3A_108 = arith.cmpi slt, %select_n3A_102, %lt3A_107 : i32
          %ne3A_109 = arith.xori %lt3A_106, %lt3A_108 : i1
          %and3A_110 = arith.andi %ne3A_109, %ne3A_105 : i1
          %add3A_111 = arith.addi %rem3A_103, %select_n3A_102 : i32
          %select_n3A_112 = arith.select %and3A_110, %add3A_111, %rem3A_103 : i32
          %mul3A_113 = arith.constant 16 : i32
          %mul3A_114 = arith.muli %scan3A_81, %mul3A_113 : i32
          %add3A_115 = vector.broadcast %mul3A_114 : i32 to vector<16xi32>
          %add3A_116 = arith.addi %add3A_115, %iota3A : vector<16xi32>
          %lt3A_117 = arith.constant 5000 : i32
          %lt3A_118 = vector.broadcast %lt3A_117 : i32 to vector<16xi32>
          %lt3A_119 = arith.cmpi slt, %add3A_116, %lt3A_118 : vector<16xi32>
          %get3A = arith.index_cast %mul3A_114 : i32 to index
          %get3A_120 = tpu.vector_load %arg6[%get3A] {strides = array<i32>} : memref<5120xi32, #tpu.memory_space<vmem>>, vector<16xi32>,
          %get3A_121 = arith.index_cast %mul3A_114 : i32 to index
          %get3A_122 = tpu.vector_load %arg7[%get3A_121] {strides = array<i32>} : memref<5120xi32, #tpu.memory_space<vmem>>, vector<16xi32>,
          %mul3A_123 = arith.constant 10240 : i32
          %mul3A_124 = arith.muli %scan3A_8, %mul3A_123 : i32
          %add3A_125 = vector.broadcast %mul3A_124 : i32 to vector<16xi32>
          %add3A_126 = arith.addi %get3A_120, %add3A_125 : vector<16xi32>
          %broadcast_in_dim3A_127 = vector.broadcast %add3A_30 : i32 to vector<16xi32>
          %select_n3A_128 = arith.select %lt3A_119, %add3A_126, %broadcast_in_dim3A_127 : vector<16xi1>, vector<16xi32>
          %swap3A = arith.index_cast %mul3A_114 : i32 to index
          %swap3A_129 = tpu.vector_load %arg6[%swap3A] {strides = array<i32>} : memref<5120xi32, #tpu.memory_space<vmem>>, vector<16xi32>,
          tpu.vector_store %arg6[%swap3A], %select_n3A_128 {strides = array<i32>} : memref<5120xi32, #tpu.memory_space<vmem>>, vector<16xi32>,
          %broadcast_in_dim3A_130 = vector.broadcast %add3A_35 : i32 to vector<16xi32>
          %select_n3A_131 = arith.select %lt3A_119, %get3A_122, %broadcast_in_dim3A_130 : vector<16xi1>, vector<16xi32>
          %mul3A_132 = arith.constant 16 : i32
          %mul3A_133 = arith.muli %select_n3A_112, %mul3A_132 : i32
          %swap3A_134 = arith.index_cast %select_n3A : i32 to index
          %swap3A_135 = arith.index_cast %mul3A_133 : i32 to index
          %swap3A_136 = tpu.vector_load %arg8[%swap3A_134, %swap3A_135] {strides = array<i32>} : memref<40x128xi32, #tpu.memory_space<vmem>>, vector<16xi32>,
          tpu.vector_store %arg8[%swap3A_134, %swap3A_135], %select_n3A_131 {strides = array<i32>} : memref<40x128xi32, #tpu.memory_space<vmem>>, vector<16xi32>,
          %scan3A_137 = arith.constant 0 : i32
          scf.yield %scan3A_137 : i32
        }
        %scan3A_68 = arith.constant 320 : i32
        %cond3A = arith.constant 1 : i32
        %dma_start3A = arith.constant 0 : i32
        %dma_start3A_69 = tpu.memref_slice %arg6[%dma_start3A] : memref<5120xi32, #tpu.memory_space<vmem>> -> memref<128xi32, #tpu.memory_space<vmem>>
        %dma_start3A_70 = arith.constant 0 : i32
        %dma_start3A_71 = arith.constant 0 : i32
        %dma_start3A_72 = tpu.memref_slice %arg2[%dma_start3A_70, %dma_start3A_71] : memref<81920x128xf32, #tpu.memory_space<hbm>> -> memref<81920x128xf32, #tpu.memory_space<hbm>>
        tpu.enqueue_indirect_dma source(%dma_start3A_72 : memref<81920x128xf32, #tpu.memory_space<hbm>>) target(%arg9 : memref<128x128xf32, #tpu.memory_space<vmem>>) offsets(%dma_start3A_69 : memref<128xi32, #tpu.memory_space<vmem>>) semaphore(%arg12 : memref<!tpu.dma_semaphore, #tpu.memory_space<semaphore_mem>>)
        %scan3A_73 = arith.constant 0 : i32
        %scan3A_74 = arith.constant 0 : i32
        %scan3A_75 = arith.constant 40 : i32
        %scan3A_76 = arith.addi %scan3A_74, %scan3A_75 : i32
        %scan3A_77 = arith.constant 1 : i32
        %scan3A_78 = scf.for %scan3A_81 = %scan3A_74 to %scan3A_76 step %scan3A_77 iter_args(%scan3A_82 = %scan3A_73) -> (i32)  : i32 {
          %jit3A = arith.constant 2 : i32
          %eq3A = arith.constant 0 : i32
          %eq3A_83 = arith.cmpi eq, %jit3A, %eq3A : i32
          %jit3A_84 = arith.constant 1 : i32
          %select_n3A = arith.select %eq3A_83, %jit3A_84, %jit3A : i32
          %rem3A = arith.remsi %scan3A_81, %select_n3A : i32
          %ne3A = arith.constant 0 : i32
          %ne3A_85 = arith.cmpi ne, %rem3A, %ne3A : i32
          %lt3A = arith.constant 0 : i32
          %lt3A_86 = arith.cmpi slt, %rem3A, %lt3A : i32
          %lt3A_87 = arith.constant 0 : i32
          %lt3A_88 = arith.cmpi slt, %select_n3A, %lt3A_87 : i32
          %ne3A_89 = arith.xori %lt3A_86, %lt3A_88 : i1
          %and3A = arith.andi %ne3A_89, %ne3A_85 : i1
          %add3A_90 = arith.addi %rem3A, %select_n3A : i32
          %select_n3A_91 = arith.select %and3A, %add3A_90, %rem3A : i32
          %eq3A_92 = arith.constant 0 : i32
          %eq3A_93 = arith.cmpi eq, %select_n3A_91, %eq3A_92 : i32
          %convert_element_type3A = arith.extui %eq3A_93 : i1 to i32
          %cond3A_94 = arith.constant 0 : i32
          %cond3A_95 = arith.cmpi ne, %convert_element_type3A, %cond3A_94 : i32
          scf.if %cond3A_95 {
            %mul3A_97 = arith.constant 128 : i32
            %mul3A_98 = arith.muli %scan3A_81, %mul3A_97 : i32
            %dma_wait3A = tpu.memref_slice %arg6[%mul3A_98] : memref<5120xi32, #tpu.memory_space<vmem>> -> memref<128xi32, #tpu.memory_space<vmem>>
            %dma_wait3A_99 = arith.constant 0 : i32
            %dma_wait3A_100 = arith.constant 0 : i32
            %dma_wait3A_101 = tpu.memref_slice %arg2[%dma_wait3A_99, %dma_wait3A_100] : memref<81920x128xf32, #tpu.memory_space<hbm>> -> memref<81920x128xf32, #tpu.memory_space<hbm>>
            tpu.wait_indirect_dma semaphore(%arg12 : memref<!tpu.dma_semaphore, #tpu.memory_space<semaphore_mem>>) src(%dma_wait3A_101 : memref<81920x128xf32, #tpu.memory_space<hbm>>) dst(%arg9 : memref<128x128xf32, #tpu.memory_space<vmem>>)
            %add3A_102 = arith.constant 1 : i32
            %add3A_103 = arith.addi %scan3A_81, %add3A_102 : i32
            %lt3A_104 = arith.constant 40 : i32
            %lt3A_105 = arith.cmpi slt, %add3A_103, %lt3A_104 : i32
            %convert_element_type3A_106 = arith.extui %lt3A_105 : i1 to i32
            %cond3A_107 = arith.constant 0 : i32
            %cond3A_108 = arith.cmpi ne, %convert_element_type3A_106, %cond3A_107 : i32
            scf.if %cond3A_108 {
              %add3A_109 = arith.constant 1 : i32
              %add3A_110 = arith.addi %scan3A_81, %add3A_109 : i32
              %min3A = arith.constant 39 : i32
              %min3A_111 = arith.minsi %add3A_110, %min3A : i32
              %mul3A_112 = arith.constant 128 : i32
              %mul3A_113 = arith.muli %min3A_111, %mul3A_112 : i32
              %dma_start3A_114 = tpu.memref_slice %arg6[%mul3A_113] : memref<5120xi32, #tpu.memory_space<vmem>> -> memref<128xi32, #tpu.memory_space<vmem>>
              %dma_start3A_115 = arith.constant 0 : i32
              %dma_start3A_116 = arith.constant 0 : i32
              %dma_start3A_117 = tpu.memref_slice %arg2[%dma_start3A_115, %dma_start3A_116] : memref<81920x128xf32, #tpu.memory_space<hbm>> -> memref<81920x128xf32, #tpu.memory_space<hbm>>
              tpu.enqueue_indirect_dma source(%dma_start3A_117 : memref<81920x128xf32, #tpu.memory_space<hbm>>) target(%arg10 : memref<128x128xf32, #tpu.memory_space<vmem>>) offsets(%dma_start3A_114 : memref<128xi32, #tpu.memory_space<vmem>>) semaphore(%arg13 : memref<!tpu.dma_semaphore, #tpu.memory_space<semaphore_mem>>)
            } else {
            }
            "tpu.region"() ({
              %run_scoped3A = tpu.sem_alloc : memref<!tpu.dma_semaphore, #tpu.memory_space<semaphore_mem>>
              %dma_start3A_109 = arith.constant 0 : i32
              %dma_start3A_110 = tpu.memref_slice %arg8[%scan3A_81, %dma_start3A_109] : memref<40x128xi32, #tpu.memory_space<vmem>> -> memref<1x128xi32, #tpu.memory_space<vmem>>
              %dma_start3A_111 = tpu.memref_squeeze %dma_start3A_110 : memref<1x128xi32, #tpu.memory_space<vmem>> -> memref<128xi32, #tpu.memory_space<vmem>>
              %dma_start3A_112 = arith.constant 0 : i32
              %dma_start3A_113 = arith.constant 0 : i32
              %dma_start3A_114 = tpu.memref_slice %arg11[%dma_start3A_112, %dma_start3A_113] : memref<10240x128xf32, #tpu.memory_space<vmem_shared>> -> memref<10240x128xf32, #tpu.memory_space<vmem_shared>>
              tpu.enqueue_indirect_dma source(%arg9 : memref<128x128xf32, #tpu.memory_space<vmem>>) target(%dma_start3A_114 : memref<10240x128xf32, #tpu.memory_space<vmem_shared>>) offsets(%dma_start3A_111 : memref<128xi32, #tpu.memory_space<vmem>>) semaphore(%run_scoped3A : memref<!tpu.dma_semaphore, #tpu.memory_space<semaphore_mem>>) {add = true}
              %dma_wait3A_115 = arith.constant 0 : i32
              %dma_wait3A_116 = tpu.memref_slice %arg8[%scan3A_81, %dma_wait3A_115] : memref<40x128xi32, #tpu.memory_space<vmem>> -> memref<1x128xi32, #tpu.memory_space<vmem>>
              %dma_wait3A_117 = tpu.memref_squeeze %dma_wait3A_116 : memref<1x128xi32, #tpu.memory_space<vmem>> -> memref<128xi32, #tpu.memory_space<vmem>>
              %dma_wait3A_118 = arith.constant 0 : i32
              %dma_wait3A_119 = arith.constant 0 : i32
              %dma_wait3A_120 = tpu.memref_slice %arg11[%dma_wait3A_118, %dma_wait3A_119] : memref<10240x128xf32, #tpu.memory_space<vmem_shared>> -> memref<10240x128xf32, #tpu.memory_space<vmem_shared>>
              tpu.wait_indirect_dma semaphore(%run_scoped3A : memref<!tpu.dma_semaphore, #tpu.memory_space<semaphore_mem>>) src(%arg9 : memref<128x128xf32, #tpu.memory_space<vmem>>) dst(%dma_wait3A_120 : memref<10240x128xf32, #tpu.memory_space<vmem_shared>>)
              tpu.yield
            }) : () -> ()
          } else {
            %mul3A_97 = arith.constant 128 : i32
            %mul3A_98 = arith.muli %scan3A_81, %mul3A_97 : i32
            %dma_wait3A = tpu.memref_slice %arg6[%mul3A_98] : memref<5120xi32, #tpu.memory_space<vmem>> -> memref<128xi32, #tpu.memory_space<vmem>>
            %dma_wait3A_99 = arith.constant 0 : i32
            %dma_wait3A_100 = arith.constant 0 : i32
            %dma_wait3A_101 = tpu.memref_slice %arg2[%dma_wait3A_99, %dma_wait3A_100] : memref<81920x128xf32, #tpu.memory_space<hbm>> -> memref<81920x128xf32, #tpu.memory_space<hbm>>
            tpu.wait_indirect_dma semaphore(%arg13 : memref<!tpu.dma_semaphore, #tpu.memory_space<semaphore_mem>>) src(%dma_wait3A_101 : memref<81920x128xf32, #tpu.memory_space<hbm>>) dst(%arg10 : memref<128x128xf32, #tpu.memory_space<vmem>>)
            %add3A_102 = arith.constant 1 : i32
            %add3A_103 = arith.addi %scan3A_81, %add3A_102 : i32
            %lt3A_104 = arith.constant 40 : i32
            %lt3A_105 = arith.cmpi slt, %add3A_103, %lt3A_104 : i32
            %convert_element_type3A_106 = arith.extui %lt3A_105 : i1 to i32
            %cond3A_107 = arith.constant 0 : i32
            %cond3A_108 = arith.cmpi ne, %convert_element_type3A_106, %cond3A_107 : i32
            scf.if %cond3A_108 {
              %add3A_109 = arith.constant 1 : i32
              %add3A_110 = arith.addi %scan3A_81, %add3A_109 : i32
              %min3A = arith.constant 39 : i32
              %min3A_111 = arith.minsi %add3A_110, %min3A : i32
              %mul3A_112 = arith.constant 128 : i32
              %mul3A_113 = arith.muli %min3A_111, %mul3A_112 : i32
              %dma_start3A_114 = tpu.memref_slice %arg6[%mul3A_113] : memref<5120xi32, #tpu.memory_space<vmem>> -> memref<128xi32, #tpu.memory_space<vmem>>
              %dma_start3A_115 = arith.constant 0 : i32
              %dma_start3A_116 = arith.constant 0 : i32
              %dma_start3A_117 = tpu.memref_slice %arg2[%dma_start3A_115, %dma_start3A_116] : memref<81920x128xf32, #tpu.memory_space<hbm>> -> memref<81920x128xf32, #tpu.memory_space<hbm>>
              tpu.enqueue_indirect_dma source(%dma_start3A_117 : memref<81920x128xf32, #tpu.memory_space<hbm>>) target(%arg9 : memref<128x128xf32, #tpu.memory_space<vmem>>) offsets(%dma_start3A_114 : memref<128xi32, #tpu.memory_space<vmem>>) semaphore(%arg12 : memref<!tpu.dma_semaphore, #tpu.memory_space<semaphore_mem>>)
            } else {
            }
            "tpu.region"() ({
              %run_scoped3A = tpu.sem_alloc : memref<!tpu.dma_semaphore, #tpu.memory_space<semaphore_mem>>
              %dma_start3A_109 = arith.constant 0 : i32
              %dma_start3A_110 = tpu.memref_slice %arg8[%scan3A_81, %dma_start3A_109] : memref<40x128xi32, #tpu.memory_space<vmem>> -> memref<1x128xi32, #tpu.memory_space<vmem>>
              %dma_start3A_111 = tpu.memref_squeeze %dma_start3A_110 : memref<1x128xi32, #tpu.memory_space<vmem>> -> memref<128xi32, #tpu.memory_space<vmem>>
              %dma_start3A_112 = arith.constant 0 : i32
              %dma_start3A_113 = arith.constant 0 : i32
              %dma_start3A_114 = tpu.memref_slice %arg11[%dma_start3A_112, %dma_start3A_113] : memref<10240x128xf32, #tpu.memory_space<vmem_shared>> -> memref<10240x128xf32, #tpu.memory_space<vmem_shared>>
              tpu.enqueue_indirect_dma source(%arg10 : memref<128x128xf32, #tpu.memory_space<vmem>>) target(%dma_start3A_114 : memref<10240x128xf32, #tpu.memory_space<vmem_shared>>) offsets(%dma_start3A_111 : memref<128xi32, #tpu.memory_space<vmem>>) semaphore(%run_scoped3A : memref<!tpu.dma_semaphore, #tpu.memory_space<semaphore_mem>>) {add = true}
              %dma_wait3A_115 = arith.constant 0 : i32
              %dma_wait3A_116 = tpu.memref_slice %arg8[%scan3A_81, %dma_wait3A_115] : memref<40x128xi32, #tpu.memory_space<vmem>> -> memref<1x128xi32, #tpu.memory_space<vmem>>
              %dma_wait3A_117 = tpu.memref_squeeze %dma_wait3A_116 : memref<1x128xi32, #tpu.memory_space<vmem>> -> memref<128xi32, #tpu.memory_space<vmem>>
              %dma_wait3A_118 = arith.constant 0 : i32
              %dma_wait3A_119 = arith.constant 0 : i32
              %dma_wait3A_120 = tpu.memref_slice %arg11[%dma_wait3A_118, %dma_wait3A_119] : memref<10240x128xf32, #tpu.memory_space<vmem_shared>> -> memref<10240x128xf32, #tpu.memory_space<vmem_shared>>
              tpu.wait_indirect_dma semaphore(%run_scoped3A : memref<!tpu.dma_semaphore, #tpu.memory_space<semaphore_mem>>) src(%arg10 : memref<128x128xf32, #tpu.memory_space<vmem>>) dst(%dma_wait3A_120 : memref<10240x128xf32, #tpu.memory_space<vmem_shared>>)
              tpu.yield
            }) : () -> ()
          }
          %scan3A_96 = arith.constant 0 : i32
          scf.yield %scan3A_96 : i32
        }
        %scan3A_79 = arith.constant 40 : i32
        %scan3A_80 = arith.constant 0 : i32
        scf.yield %scan3A_80 : i32
      }
      %scan3A_42 = arith.constant 2 : i32
      %barrier3A = arith.constant 0 : index
      tpu.barrier barrier_id(%barrier3A)
      %scan3A_43 = arith.constant 0 : i32
      %scan3A_44 = arith.constant 0 : i32
      %scan3A_45 = arith.constant 5 : i32
      %scan3A_46 = arith.addi %scan3A_44, %scan3A_45 : i32
      %scan3A_47 = arith.constant 1 : i32
      %scan3A_48 = scf.for %scan3A_52 = %scan3A_44 to %scan3A_46 step %scan3A_47 iter_args(%scan3A_53 = %scan3A_43) -> (i32)  : i32 {
        %mul3A_54 = arith.constant 640 : i32
        %mul3A_55 = arith.muli %arg1, %mul3A_54 : i32
        %mul3A_56 = arith.constant 128 : i32
        %mul3A_57 = arith.muli %scan3A_52, %mul3A_56 : i32
        %add3A_58 = arith.addi %mul3A_55, %mul3A_57 : i32
        "tpu.region"() ({
          %run_scoped3A = tpu.sem_alloc : memref<!tpu.dma_semaphore, #tpu.memory_space<semaphore_mem>>
          %dma_start3A = arith.constant 0 : i32
          %dma_start3A_60 = tpu.memref_slice %arg5[%arg0, %scan3A_8, %add3A_58, %dma_start3A] : memref<2x8x10240x128xf32, #tpu.memory_space<hbm>> -> memref<1x1x128x128xf32, #tpu.memory_space<hbm>>
          %dma_start3A_61 = tpu.memref_squeeze %dma_start3A_60 : memref<1x1x128x128xf32, #tpu.memory_space<hbm>> -> memref<128x128xf32, #tpu.memory_space<hbm>>
          %dma_start3A_62 = arith.constant 0 : i32
          %dma_start3A_63 = tpu.memref_slice %arg11[%add3A_58, %dma_start3A_62] : memref<10240x128xf32, #tpu.memory_space<vmem_shared>> -> memref<128x128xf32, #tpu.memory_space<vmem_shared>>
          tpu.enqueue_dma source(%dma_start3A_63 : memref<128x128xf32, #tpu.memory_space<vmem_shared>>) target(%dma_start3A_61 : memref<128x128xf32, #tpu.memory_space<hbm>>) target_semaphore(%run_scoped3A : memref<!tpu.dma_semaphore, #tpu.memory_space<semaphore_mem>>)
          %dma_wait3A = arith.constant 0 : i32
          %dma_wait3A_64 = tpu.memref_slice %arg5[%arg0, %scan3A_8, %add3A_58, %dma_wait3A] : memref<2x8x10240x128xf32, #tpu.memory_space<hbm>> -> memref<1x1x128x128xf32, #tpu.memory_space<hbm>>
          %dma_wait3A_65 = tpu.memref_squeeze %dma_wait3A_64 : memref<1x1x128x128xf32, #tpu.memory_space<hbm>> -> memref<128x128xf32, #tpu.memory_space<hbm>>
          %dma_wait3A_66 = arith.constant 0 : i32
          %dma_wait3A_67 = tpu.memref_slice %arg11[%add3A_58, %dma_wait3A_66] : memref<10240x128xf32, #tpu.memory_space<vmem_shared>> -> memref<128x128xf32, #tpu.memory_space<vmem_shared>>
          tpu.wait_dma2 semaphore(%run_scoped3A : memref<!tpu.dma_semaphore, #tpu.memory_space<semaphore_mem>>) src(%dma_wait3A_67 : memref<128x128xf32, #tpu.memory_space<vmem_shared>>) dst(%dma_wait3A_65 : memref<128x128xf32, #tpu.memory_space<hbm>>)
          tpu.yield
        }) : () -> ()
        %scan3A_59 = arith.constant 0 : i32
        scf.yield %scan3A_59 : i32
      }
      %scan3A_49 = arith.constant 5 : i32
      %barrier3A_50 = arith.constant 0 : index
      tpu.barrier barrier_id(%barrier3A_50)
      %scan3A_51 = arith.constant 0 : i32
      scf.yield %scan3A_51 : i32
    }
    %scan3A_7 = arith.constant 8 : i32
    return
  }
}

#map = affine_map<(d0, d1) -> (0)>
#map1 = affine_map<(d0, d1) -> (0, 0, 0)>
module attributes {stable_mosaic.version = 14 : i64} {
  func.func @_deg_body(%arg0: i32, %arg1: i32, %arg2: memref<2560000xi32, #tpu.memory_space<hbm>>, %arg3: memref<32x5120x16xf32, #tpu.memory_space<hbm>>, %arg4: memref<10000xi32, #tpu.memory_space<vmem>>, %arg5: memref<5120x16xf32, #tpu.memory_space<vmem>>) attributes {dimension_semantics = [#tpu.dimension_semantics<core_parallel>, #tpu.dimension_semantics<subcore_parallel>], iteration_bounds = array<i64: 2, 16>, scalar_prefetch = 0 : i64, scratch_operands = 2 : i64, tpu.core_type = #tpu.core_type<sc_vector_subcore>, window_params = [{transform_indices = #map}, {transform_indices = #map1}]} {
    %mul3A = arith.constant 16 : i32
    %mul3A_0 = arith.muli %arg0, %mul3A : i32
    %add3A = arith.addi %mul3A_0, %arg1 : i32
    %broadcast_in_dim3A = arith.constant 0.000000e+00 : f32
    %broadcast_in_dim3A_1 = vector.broadcast %broadcast_in_dim3A : f32 to vector<16xf32>
    %broadcast_in_dim3A_2 = arith.constant 1.000000e+00 : f32
    %broadcast_in_dim3A_3 = vector.broadcast %broadcast_in_dim3A_2 : f32 to vector<16xf32>
    %scan3A = arith.constant 0 : i32
    %scan3A_4 = arith.constant 0 : i32
    %scan3A_5 = arith.constant 5120 : i32
    %scan3A_6 = arith.addi %scan3A_4, %scan3A_5 : i32
    %scan3A_7 = arith.constant 1 : i32
    %scan3A_8 = scf.for %scan3A_17 = %scan3A_4 to %scan3A_6 step %scan3A_7 iter_args(%scan3A_18 = %scan3A) -> (i32)  : i32 {
      %swap3A = arith.index_cast %scan3A_17 : i32 to index
      %swap3A_19 = arith.constant 0 : index
      %swap3A_20 = tpu.vector_load %arg5[%swap3A, %swap3A_19] {strides = array<i32>} : memref<5120x16xf32, #tpu.memory_space<vmem>>, vector<16xf32>,
      tpu.vector_store %arg5[%swap3A, %swap3A_19], %broadcast_in_dim3A_1 {strides = array<i32>} : memref<5120x16xf32, #tpu.memory_space<vmem>>, vector<16xf32>,
      %scan3A_21 = arith.constant 0 : i32
      scf.yield %scan3A_21 : i32
    }
    %scan3A_9 = arith.constant 5120 : i32
    %scan3A_10 = arith.constant 0 : i32
    %scan3A_11 = arith.constant 0 : i32
    %scan3A_12 = arith.constant 8 : i32
    %scan3A_13 = arith.addi %scan3A_11, %scan3A_12 : i32
    %scan3A_14 = arith.constant 1 : i32
    %scan3A_15 = scf.for %scan3A_17 = %scan3A_11 to %scan3A_13 step %scan3A_14 iter_args(%scan3A_18 = %scan3A_10) -> (i32)  : i32 {
      %mul3A_19 = arith.constant 320000 : i32
      %mul3A_20 = arith.muli %scan3A_17, %mul3A_19 : i32
      %mul3A_21 = arith.constant 10000 : i32
      %mul3A_22 = arith.muli %add3A, %mul3A_21 : i32
      %add3A_23 = arith.addi %mul3A_20, %mul3A_22 : i32
      "tpu.region"() ({
        %run_scoped3A = tpu.sem_alloc : memref<!tpu.dma_semaphore, #tpu.memory_space<semaphore_mem>>
        %dma_start3A = tpu.memref_slice %arg2[%add3A_23] : memref<2560000xi32, #tpu.memory_space<hbm>> -> memref<10000xi32, #tpu.memory_space<hbm>>
        %dma_start3A_32 = tpu.memref_slice %arg2[%add3A_23] : memref<2560000xi32, #tpu.memory_space<hbm>> -> memref<10000xi32, #tpu.memory_space<hbm>>
        tpu.enqueue_dma source(%dma_start3A_32 : memref<10000xi32, #tpu.memory_space<hbm>>) target(%arg4 : memref<10000xi32, #tpu.memory_space<vmem>>) target_semaphore(%run_scoped3A : memref<!tpu.dma_semaphore, #tpu.memory_space<semaphore_mem>>)
        %dma_wait3A = tpu.memref_slice %arg2[%add3A_23] : memref<2560000xi32, #tpu.memory_space<hbm>> -> memref<10000xi32, #tpu.memory_space<hbm>>
        %dma_wait3A_33 = tpu.memref_slice %arg2[%add3A_23] : memref<2560000xi32, #tpu.memory_space<hbm>> -> memref<10000xi32, #tpu.memory_space<hbm>>
        tpu.wait_dma2 semaphore(%run_scoped3A : memref<!tpu.dma_semaphore, #tpu.memory_space<semaphore_mem>>) src(%dma_wait3A_33 : memref<10000xi32, #tpu.memory_space<hbm>>) dst(%arg4 : memref<10000xi32, #tpu.memory_space<vmem>>)
        tpu.yield
      }) : () -> ()
      %scan3A_24 = arith.constant 0 : i32
      %scan3A_25 = arith.constant 0 : i32
      %scan3A_26 = arith.constant 625 : i32
      %scan3A_27 = arith.addi %scan3A_25, %scan3A_26 : i32
      %scan3A_28 = arith.constant 1 : i32
      %scan3A_29 = scf.for %scan3A_32 = %scan3A_25 to %scan3A_27 step %scan3A_28 iter_args(%scan3A_33 = %scan3A_24) -> (i32)  : i32 {
        %mul3A_34 = arith.constant 16 : i32
        %mul3A_35 = arith.muli %scan3A_32, %mul3A_34 : i32
        %get3A = arith.index_cast %mul3A_35 : i32 to index
        %get3A_36 = tpu.vector_load %arg4[%get3A] {strides = array<i32>} : memref<10000xi32, #tpu.memory_space<vmem>>, vector<16xi32>,
        %mul3A_37 = arith.constant 10240 : i32
        %mul3A_38 = arith.muli %scan3A_17, %mul3A_37 : i32
        %add3A_39 = vector.broadcast %mul3A_38 : i32 to vector<16xi32>
        %add3A_40 = arith.addi %get3A_36, %add3A_39 : vector<16xi32>
        %shift_right_arithmetic3A = arith.constant 4 : i32
        %shift_right_arithmetic3A_41 = vector.broadcast %shift_right_arithmetic3A : i32 to vector<16xi32>
        %shift_right_arithmetic3A_42 = arith.shrsi %add3A_40, %shift_right_arithmetic3A_41 : vector<16xi32>
        %and3A = arith.constant 15 : i32
        %and3A_43 = vector.broadcast %and3A : i32 to vector<16xi32>
        %and3A_44 = arith.andi %add3A_40, %and3A_43 : vector<16xi32>
        tpu.vector_store_idx %arg5[%shift_right_arithmetic3A_42, %and3A_44], %broadcast_in_dim3A_3 {add = true} : memref<5120x16xf32, #tpu.memory_space<vmem>>[vector<16xi32>, vector<16xi32>], vector<16xf32>,
        %scan3A_45 = arith.constant 0 : i32
        scf.yield %scan3A_45 : i32
      }
      %scan3A_30 = arith.constant 625 : i32
      %scan3A_31 = arith.constant 0 : i32
      scf.yield %scan3A_31 : i32
    }
    %scan3A_16 = arith.constant 8 : i32
    "tpu.region"() ({
      %run_scoped3A = tpu.sem_alloc : memref<!tpu.dma_semaphore, #tpu.memory_space<semaphore_mem>>
      %dma_start3A = arith.constant 0 : i32
      %dma_start3A_17 = arith.constant 0 : i32
      %dma_start3A_18 = tpu.memref_slice %arg3[%add3A, %dma_start3A, %dma_start3A_17] : memref<32x5120x16xf32, #tpu.memory_space<hbm>> -> memref<1x5120x16xf32, #tpu.memory_space<hbm>>
      %dma_start3A_19 = tpu.memref_squeeze %dma_start3A_18 : memref<1x5120x16xf32, #tpu.memory_space<hbm>> -> memref<5120x16xf32, #tpu.memory_space<hbm>>
      %dma_start3A_20 = arith.constant 0 : i32
      %dma_start3A_21 = arith.constant 0 : i32
      %dma_start3A_22 = tpu.memref_slice %arg3[%add3A, %dma_start3A_20, %dma_start3A_21] : memref<32x5120x16xf32, #tpu.memory_space<hbm>> -> memref<1x5120x16xf32, #tpu.memory_space<hbm>>
      %dma_start3A_23 = tpu.memref_squeeze %dma_start3A_22 : memref<1x5120x16xf32, #tpu.memory_space<hbm>> -> memref<5120x16xf32, #tpu.memory_space<hbm>>
      tpu.enqueue_dma source(%arg5 : memref<5120x16xf32, #tpu.memory_space<vmem>>) target(%dma_start3A_23 : memref<5120x16xf32, #tpu.memory_space<hbm>>) target_semaphore(%run_scoped3A : memref<!tpu.dma_semaphore, #tpu.memory_space<semaphore_mem>>)
      %dma_wait3A = arith.constant 0 : i32
      %dma_wait3A_24 = arith.constant 0 : i32
      %dma_wait3A_25 = tpu.memref_slice %arg3[%add3A, %dma_wait3A, %dma_wait3A_24] : memref<32x5120x16xf32, #tpu.memory_space<hbm>> -> memref<1x5120x16xf32, #tpu.memory_space<hbm>>
      %dma_wait3A_26 = tpu.memref_squeeze %dma_wait3A_25 : memref<1x5120x16xf32, #tpu.memory_space<hbm>> -> memref<5120x16xf32, #tpu.memory_space<hbm>>
      %dma_wait3A_27 = arith.constant 0 : i32
      %dma_wait3A_28 = arith.constant 0 : i32
      %dma_wait3A_29 = tpu.memref_slice %arg3[%add3A, %dma_wait3A_27, %dma_wait3A_28] : memref<32x5120x16xf32, #tpu.memory_space<hbm>> -> memref<1x5120x16xf32, #tpu.memory_space<hbm>>
      %dma_wait3A_30 = tpu.memref_squeeze %dma_wait3A_29 : memref<1x5120x16xf32, #tpu.memory_space<hbm>> -> memref<5120x16xf32, #tpu.memory_space<hbm>>
      tpu.wait_dma2 semaphore(%run_scoped3A : memref<!tpu.dma_semaphore, #tpu.memory_space<semaphore_mem>>) src(%arg5 : memref<5120x16xf32, #tpu.memory_space<vmem>>) dst(%dma_wait3A_30 : memref<5120x16xf32, #tpu.memory_space<hbm>>)
      tpu.yield
    }) : () -> ()
    return
  }
}

#map = affine_map<(d0, d1) -> (0, 0)>
#map1 = affine_map<(d0, d1) -> (0)>
module attributes {stable_mosaic.version = 14 : i64} {
  func.func @_qgather_body(%arg0: i32, %arg1: i32, %arg2: memref<81920x128xf32, #tpu.memory_space<hbm>>, %arg3: memref<81920x16xf32, #tpu.memory_space<hbm>>, %arg4: memref<12800xi32, #tpu.memory_space<hbm>>, %arg5: memref<12800x128xf32, #tpu.memory_space<hbm>>, %arg6: memref<12800x16xf32, #tpu.memory_space<hbm>>, %arg7: memref<400xi32, #tpu.memory_space<vmem>>, %arg8: memref<80x128xf32, #tpu.memory_space<vmem>>, %arg9: memref<80x16xf32, #tpu.memory_space<vmem>>, %arg10: memref<!tpu.dma_semaphore, #tpu.memory_space<semaphore_mem>>) attributes {dimension_semantics = [#tpu.dimension_semantics<core_parallel>, #tpu.dimension_semantics<subcore_parallel>], iteration_bounds = array<i64: 2, 16>, scalar_prefetch = 0 : i64, scratch_operands = 4 : i64, tpu.core_type = #tpu.core_type<sc_vector_subcore>, window_params = [{transform_indices = #map}, {transform_indices = #map}, {transform_indices = #map1}, {transform_indices = #map}, {transform_indices = #map}]} {
    %mul3A = arith.constant 16 : i32
    %mul3A_0 = arith.muli %arg0, %mul3A : i32
    %add3A = arith.addi %mul3A_0, %arg1 : i32
    %mul3A_1 = arith.constant 400 : i32
    %mul3A_2 = arith.muli %add3A, %mul3A_1 : i32
    "tpu.region"() ({
      %run_scoped3A = tpu.sem_alloc : memref<!tpu.dma_semaphore, #tpu.memory_space<semaphore_mem>>
      %dma_start3A = tpu.memref_slice %arg4[%mul3A_2] : memref<12800xi32, #tpu.memory_space<hbm>> -> memref<400xi32, #tpu.memory_space<hbm>>
      %dma_start3A_9 = tpu.memref_slice %arg4[%mul3A_2] : memref<12800xi32, #tpu.memory_space<hbm>> -> memref<400xi32, #tpu.memory_space<hbm>>
      tpu.enqueue_dma source(%dma_start3A_9 : memref<400xi32, #tpu.memory_space<hbm>>) target(%arg7 : memref<400xi32, #tpu.memory_space<vmem>>) target_semaphore(%run_scoped3A : memref<!tpu.dma_semaphore, #tpu.memory_space<semaphore_mem>>)
      %dma_wait3A = tpu.memref_slice %arg4[%mul3A_2] : memref<12800xi32, #tpu.memory_space<hbm>> -> memref<400xi32, #tpu.memory_space<hbm>>
      %dma_wait3A_10 = tpu.memref_slice %arg4[%mul3A_2] : memref<12800xi32, #tpu.memory_space<hbm>> -> memref<400xi32, #tpu.memory_space<hbm>>
      tpu.wait_dma2 semaphore(%run_scoped3A : memref<!tpu.dma_semaphore, #tpu.memory_space<semaphore_mem>>) src(%dma_wait3A_10 : memref<400xi32, #tpu.memory_space<hbm>>) dst(%arg7 : memref<400xi32, #tpu.memory_space<vmem>>)
      tpu.yield
    }) : () -> ()
    %scan3A = arith.constant 0 : i32
    %scan3A_3 = arith.constant 0 : i32
    %scan3A_4 = arith.constant 5 : i32
    %scan3A_5 = arith.addi %scan3A_3, %scan3A_4 : i32
    %scan3A_6 = arith.constant 1 : i32
    %scan3A_7 = scf.for %scan3A_9 = %scan3A_3 to %scan3A_5 step %scan3A_6 iter_args(%scan3A_10 = %scan3A) -> (i32)  : i32 {
      %mul3A_11 = arith.constant 80 : i32
      %mul3A_12 = arith.muli %scan3A_9, %mul3A_11 : i32
      %dma_start3A = tpu.memref_slice %arg7[%mul3A_12] : memref<400xi32, #tpu.memory_space<vmem>> -> memref<80xi32, #tpu.memory_space<vmem>>
      %dma_start3A_13 = arith.constant 0 : i32
      %dma_start3A_14 = arith.constant 0 : i32
      %dma_start3A_15 = tpu.memref_slice %arg2[%dma_start3A_13, %dma_start3A_14] : memref<81920x128xf32, #tpu.memory_space<hbm>> -> memref<81920x128xf32, #tpu.memory_space<hbm>>
      tpu.enqueue_indirect_dma source(%dma_start3A_15 : memref<81920x128xf32, #tpu.memory_space<hbm>>) target(%arg8 : memref<80x128xf32, #tpu.memory_space<vmem>>) offsets(%dma_start3A : memref<80xi32, #tpu.memory_space<vmem>>) semaphore(%arg10 : memref<!tpu.dma_semaphore, #tpu.memory_space<semaphore_mem>>)
      %dma_wait3A = tpu.memref_slice %arg7[%mul3A_12] : memref<400xi32, #tpu.memory_space<vmem>> -> memref<80xi32, #tpu.memory_space<vmem>>
      %dma_wait3A_16 = arith.constant 0 : i32
      %dma_wait3A_17 = arith.constant 0 : i32
      %dma_wait3A_18 = tpu.memref_slice %arg2[%dma_wait3A_16, %dma_wait3A_17] : memref<81920x128xf32, #tpu.memory_space<hbm>> -> memref<81920x128xf32, #tpu.memory_space<hbm>>
      tpu.wait_indirect_dma semaphore(%arg10 : memref<!tpu.dma_semaphore, #tpu.memory_space<semaphore_mem>>) src(%dma_wait3A_18 : memref<81920x128xf32, #tpu.memory_space<hbm>>) dst(%arg8 : memref<80x128xf32, #tpu.memory_space<vmem>>)
      %mul3A_19 = arith.constant 80 : i32
      %mul3A_20 = arith.muli %scan3A_9, %mul3A_19 : i32
      %add3A_21 = arith.addi %mul3A_2, %mul3A_20 : i32
      "tpu.region"() ({
        %run_scoped3A = tpu.sem_alloc : memref<!tpu.dma_semaphore, #tpu.memory_space<semaphore_mem>>
        %dma_start3A_36 = arith.constant 0 : i32
        %dma_start3A_37 = tpu.memref_slice %arg5[%add3A_21, %dma_start3A_36] : memref<12800x128xf32, #tpu.memory_space<hbm>> -> memref<80x128xf32, #tpu.memory_space<hbm>>
        %dma_start3A_38 = arith.constant 0 : i32
        %dma_start3A_39 = tpu.memref_slice %arg5[%add3A_21, %dma_start3A_38] : memref<12800x128xf32, #tpu.memory_space<hbm>> -> memref<80x128xf32, #tpu.memory_space<hbm>>
        tpu.enqueue_dma source(%arg8 : memref<80x128xf32, #tpu.memory_space<vmem>>) target(%dma_start3A_39 : memref<80x128xf32, #tpu.memory_space<hbm>>) target_semaphore(%run_scoped3A : memref<!tpu.dma_semaphore, #tpu.memory_space<semaphore_mem>>)
        %dma_wait3A_40 = arith.constant 0 : i32
        %dma_wait3A_41 = tpu.memref_slice %arg5[%add3A_21, %dma_wait3A_40] : memref<12800x128xf32, #tpu.memory_space<hbm>> -> memref<80x128xf32, #tpu.memory_space<hbm>>
        %dma_wait3A_42 = arith.constant 0 : i32
        %dma_wait3A_43 = tpu.memref_slice %arg5[%add3A_21, %dma_wait3A_42] : memref<12800x128xf32, #tpu.memory_space<hbm>> -> memref<80x128xf32, #tpu.memory_space<hbm>>
        tpu.wait_dma2 semaphore(%run_scoped3A : memref<!tpu.dma_semaphore, #tpu.memory_space<semaphore_mem>>) src(%arg8 : memref<80x128xf32, #tpu.memory_space<vmem>>) dst(%dma_wait3A_43 : memref<80x128xf32, #tpu.memory_space<hbm>>)
        tpu.yield
      }) : () -> ()
      %mul3A_22 = arith.constant 80 : i32
      %mul3A_23 = arith.muli %scan3A_9, %mul3A_22 : i32
      %dma_start3A_24 = tpu.memref_slice %arg7[%mul3A_23] : memref<400xi32, #tpu.memory_space<vmem>> -> memref<80xi32, #tpu.memory_space<vmem>>
      %dma_start3A_25 = arith.constant 0 : i32
      %dma_start3A_26 = arith.constant 0 : i32
      %dma_start3A_27 = tpu.memref_slice %arg3[%dma_start3A_25, %dma_start3A_26] : memref<81920x16xf32, #tpu.memory_space<hbm>> -> memref<81920x16xf32, #tpu.memory_space<hbm>>
      tpu.enqueue_indirect_dma source(%dma_start3A_27 : memref<81920x16xf32, #tpu.memory_space<hbm>>) target(%arg9 : memref<80x16xf32, #tpu.memory_space<vmem>>) offsets(%dma_start3A_24 : memref<80xi32, #tpu.memory_space<vmem>>) semaphore(%arg10 : memref<!tpu.dma_semaphore, #tpu.memory_space<semaphore_mem>>)
      %dma_wait3A_28 = tpu.memref_slice %arg7[%mul3A_23] : memref<400xi32, #tpu.memory_space<vmem>> -> memref<80xi32, #tpu.memory_space<vmem>>
      %dma_wait3A_29 = arith.constant 0 : i32
      %dma_wait3A_30 = arith.constant 0 : i32
      %dma_wait3A_31 = tpu.memref_slice %arg3[%dma_wait3A_29, %dma_wait3A_30] : memref<81920x16xf32, #tpu.memory_space<hbm>> -> memref<81920x16xf32, #tpu.memory_space<hbm>>
      tpu.wait_indirect_dma semaphore(%arg10 : memref<!tpu.dma_semaphore, #tpu.memory_space<semaphore_mem>>) src(%dma_wait3A_31 : memref<81920x16xf32, #tpu.memory_space<hbm>>) dst(%arg9 : memref<80x16xf32, #tpu.memory_space<vmem>>)
      %mul3A_32 = arith.constant 80 : i32
      %mul3A_33 = arith.muli %scan3A_9, %mul3A_32 : i32
      %add3A_34 = arith.addi %mul3A_2, %mul3A_33 : i32
      "tpu.region"() ({
        %run_scoped3A = tpu.sem_alloc : memref<!tpu.dma_semaphore, #tpu.memory_space<semaphore_mem>>
        %dma_start3A_36 = arith.constant 0 : i32
        %dma_start3A_37 = tpu.memref_slice %arg6[%add3A_34, %dma_start3A_36] : memref<12800x16xf32, #tpu.memory_space<hbm>> -> memref<80x16xf32, #tpu.memory_space<hbm>>
        %dma_start3A_38 = arith.constant 0 : i32
        %dma_start3A_39 = tpu.memref_slice %arg6[%add3A_34, %dma_start3A_38] : memref<12800x16xf32, #tpu.memory_space<hbm>> -> memref<80x16xf32, #tpu.memory_space<hbm>>
        tpu.enqueue_dma source(%arg9 : memref<80x16xf32, #tpu.memory_space<vmem>>) target(%dma_start3A_39 : memref<80x16xf32, #tpu.memory_space<hbm>>) target_semaphore(%run_scoped3A : memref<!tpu.dma_semaphore, #tpu.memory_space<semaphore_mem>>)
        %dma_wait3A_40 = arith.constant 0 : i32
        %dma_wait3A_41 = tpu.memref_slice %arg6[%add3A_34, %dma_wait3A_40] : memref<12800x16xf32, #tpu.memory_space<hbm>> -> memref<80x16xf32, #tpu.memory_space<hbm>>
        %dma_wait3A_42 = arith.constant 0 : i32
        %dma_wait3A_43 = tpu.memref_slice %arg6[%add3A_34, %dma_wait3A_42] : memref<12800x16xf32, #tpu.memory_space<hbm>> -> memref<80x16xf32, #tpu.memory_space<hbm>>
        tpu.wait_dma2 semaphore(%run_scoped3A : memref<!tpu.dma_semaphore, #tpu.memory_space<semaphore_mem>>) src(%arg9 : memref<80x16xf32, #tpu.memory_space<vmem>>) dst(%dma_wait3A_43 : memref<80x16xf32, #tpu.memory_space<hbm>>)
        tpu.yield
      }) : () -> ()
      %scan3A_35 = arith.constant 0 : i32
      scf.yield %scan3A_35 : i32
    }
    %scan3A_8 = arith.constant 5 : i32
    return
  }
}

#map = affine_map<(d0, d1) -> (0, 0)>
#map1 = affine_map<(d0, d1) -> (0)>
#map2 = affine_map<(d0, d1) -> (0, 0, 0, 0)>
module attributes {stable_mosaic.version = 14 : i64} {
  func.func @sc_hop_aux1_f1_c64(%arg0: i32, %arg1: i32, %arg2: memref<81920x128xf32, #tpu.memory_space<hbm>>, %arg3: memref<81920x16xf32, #tpu.memory_space<hbm>>, %arg4: memref<2560000xi32, #tpu.memory_space<hbm>>, %arg5: memref<2560000xi32, #tpu.memory_space<hbm>>, %arg6: memref<320xi32, #tpu.memory_space<hbm>>, %arg7: memref<2x8x10240x128xf32, #tpu.memory_space<hbm>>, %arg8: memref<2x8x10240x16xf32, #tpu.memory_space<hbm>>, %arg9: memref<5056xi32, #tpu.memory_space<vmem>>, %arg10: memref<5056xi32, #tpu.memory_space<vmem>>, %arg11: memref<79x64xi32, #tpu.memory_space<vmem>>, %arg12: memref<64x128xf32, #tpu.memory_space<vmem>>, %arg13: memref<64x128xf32, #tpu.memory_space<vmem>>, %arg14: memref<64x16xf32, #tpu.memory_space<vmem>>, %arg15: memref<64x16xf32, #tpu.memory_space<vmem>>, %arg16: memref<320xi32, #tpu.memory_space<vmem>>, %arg17: memref<10240x128xf32, #tpu.memory_space<vmem_shared>>, %arg18: memref<10240x16xf32, #tpu.memory_space<vmem_shared>>, %arg19: memref<!tpu.dma_semaphore, #tpu.memory_space<semaphore_mem>>, %arg20: memref<!tpu.dma_semaphore, #tpu.memory_space<semaphore_mem>>, %arg21: memref<!tpu.dma_semaphore, #tpu.memory_space<semaphore_mem>>, %arg22: memref<!tpu.dma_semaphore, #tpu.memory_space<semaphore_mem>>) attributes {dimension_semantics = [#tpu.dimension_semantics<core_parallel>, #tpu.dimension_semantics<subcore_parallel>], iteration_bounds = array<i64: 2, 16>, scalar_prefetch = 0 : i64, scratch_operands = 14 : i64, tpu.core_type = #tpu.core_type<sc_vector_subcore>, window_params = [{transform_indices = #map}, {transform_indices = #map}, {transform_indices = #map1}, {transform_indices = #map1}, {transform_indices = #map1}, {transform_indices = #map2}, {transform_indices = #map2}]} {
    %mul3A = arith.constant 16 : i32
    %mul3A_0 = arith.muli %arg0, %mul3A : i32
    %add3A = arith.addi %mul3A_0, %arg1 : i32
    %broadcast_in_dim3A = arith.constant 0.000000e+00 : f32
    %broadcast_in_dim3A_1 = vector.broadcast %broadcast_in_dim3A : f32 to vector<16xf32>
    %iota3A = tpu.iota {dimensions = array<i32: 0>} : vector<16xi32>
    "tpu.region"() ({
      %run_scoped3A = tpu.sem_alloc : memref<!tpu.dma_semaphore, #tpu.memory_space<semaphore_mem>>
      tpu.enqueue_dma source(%arg6 : memref<320xi32, #tpu.memory_space<hbm>>) target(%arg16 : memref<320xi32, #tpu.memory_space<vmem>>) target_semaphore(%run_scoped3A : memref<!tpu.dma_semaphore, #tpu.memory_space<semaphore_mem>>)
      tpu.wait_dma2 semaphore(%run_scoped3A : memref<!tpu.dma_semaphore, #tpu.memory_space<semaphore_mem>>) src(%arg6 : memref<320xi32, #tpu.memory_space<hbm>>) dst(%arg16 : memref<320xi32, #tpu.memory_space<vmem>>)
      tpu.yield
    }) : () -> ()
    %scan3A = arith.constant 0 : i32
    %scan3A_2 = arith.constant 0 : i32
    %scan3A_3 = arith.constant 8 : i32
    %scan3A_4 = arith.addi %scan3A_2, %scan3A_3 : i32
    %scan3A_5 = arith.constant 1 : i32
    %scan3A_6 = scf.for %scan3A_8 = %scan3A_2 to %scan3A_4 step %scan3A_5 iter_args(%scan3A_9 = %scan3A) -> (i32)  : i32 {
      %scan3A_10 = arith.constant 0 : i32
      %scan3A_11 = arith.constant 0 : i32
      %scan3A_12 = arith.constant 512 : i32
      %scan3A_13 = arith.addi %scan3A_11, %scan3A_12 : i32
      %scan3A_14 = arith.constant 1 : i32
      %scan3A_15 = scf.for %scan3A_73 = %scan3A_11 to %scan3A_13 step %scan3A_14 iter_args(%scan3A_74 = %scan3A_10) -> (i32)  : i32 {
        %jit3A = arith.constant 8 : i32
        %div3A = arith.divsi %scan3A_73, %jit3A : i32
        %sign3A = arith.constant 0 : i32
        %sign3A_75 = arith.cmpi sgt, %scan3A_73, %sign3A : i32
        %sign3A_76 = arith.extui %sign3A_75 : i1 to i32
        %sign3A_77 = arith.constant 0 : i32
        %sign3A_78 = arith.cmpi slt, %scan3A_73, %sign3A_77 : i32
        %sign3A_79 = arith.extui %sign3A_78 : i1 to i32
        %sign3A_80 = arith.subi %sign3A_76, %sign3A_79 : i32
        %sign3A_81 = arith.constant 0 : i32
        %sign3A_82 = arith.cmpi sgt, %jit3A, %sign3A_81 : i32
        %sign3A_83 = arith.extui %sign3A_82 : i1 to i32
        %sign3A_84 = arith.constant 0 : i32
        %sign3A_85 = arith.cmpi slt, %jit3A, %sign3A_84 : i32
        %sign3A_86 = arith.extui %sign3A_85 : i1 to i32
        %sign3A_87 = arith.subi %sign3A_83, %sign3A_86 : i32
        %ne3A = arith.cmpi ne, %sign3A_80, %sign3A_87 : i32
        %rem3A = arith.remsi %scan3A_73, %jit3A : i32
        %ne3A_88 = arith.constant 0 : i32
        %ne3A_89 = arith.cmpi ne, %rem3A, %ne3A_88 : i32
        %and3A = arith.andi %ne3A, %ne3A_89 : i1
        %sub3A = arith.constant 1 : i32
        %sub3A_90 = arith.subi %div3A, %sub3A : i32
        %select_n3A = arith.select %and3A, %sub3A_90, %div3A : i32
        %jit3A_91 = arith.constant 8 : i32
        %eq3A = arith.constant 0 : i32
        %eq3A_92 = arith.cmpi eq, %jit3A_91, %eq3A : i32
        %jit3A_93 = arith.constant 1 : i32
        %select_n3A_94 = arith.select %eq3A_92, %jit3A_93, %jit3A_91 : i32
        %rem3A_95 = arith.remsi %scan3A_73, %select_n3A_94 : i32
        %ne3A_96 = arith.constant 0 : i32
        %ne3A_97 = arith.cmpi ne, %rem3A_95, %ne3A_96 : i32
        %lt3A = arith.constant 0 : i32
        %lt3A_98 = arith.cmpi slt, %rem3A_95, %lt3A : i32
        %lt3A_99 = arith.constant 0 : i32
        %lt3A_100 = arith.cmpi slt, %select_n3A_94, %lt3A_99 : i32
        %ne3A_101 = arith.xori %lt3A_98, %lt3A_100 : i1
        %and3A_102 = arith.andi %ne3A_101, %ne3A_97 : i1
        %add3A_103 = arith.addi %rem3A_95, %select_n3A_94 : i32
        %select_n3A_104 = arith.select %and3A_102, %add3A_103, %rem3A_95 : i32
        %mul3A_105 = arith.constant 16 : i32
        %mul3A_106 = arith.muli %select_n3A_104, %mul3A_105 : i32
        %swap3A = arith.index_cast %select_n3A : i32 to index
        %swap3A_107 = arith.index_cast %mul3A_106 : i32 to index
        %swap3A_108 = tpu.vector_load %arg12[%swap3A, %swap3A_107] {strides = array<i32>} : memref<64x128xf32, #tpu.memory_space<vmem>>, vector<16xf32>,
        tpu.vector_store %arg12[%swap3A, %swap3A_107], %broadcast_in_dim3A_1 {strides = array<i32>} : memref<64x128xf32, #tpu.memory_space<vmem>>, vector<16xf32>,
        %scan3A_109 = arith.constant 0 : i32
        scf.yield %scan3A_109 : i32
      }
      %scan3A_16 = arith.constant 512 : i32
      %scan3A_17 = arith.constant 0 : i32
      %scan3A_18 = arith.constant 0 : i32
      %scan3A_19 = arith.constant 10 : i32
      %scan3A_20 = arith.addi %scan3A_18, %scan3A_19 : i32
      %scan3A_21 = arith.constant 1 : i32
      %scan3A_22 = scf.for %scan3A_73 = %scan3A_18 to %scan3A_20 step %scan3A_21 iter_args(%scan3A_74 = %scan3A_17) -> (i32)  : i32 {
        %mul3A_75 = arith.constant 640 : i32
        %mul3A_76 = arith.muli %arg1, %mul3A_75 : i32
        %mul3A_77 = arith.constant 64 : i32
        %mul3A_78 = arith.muli %scan3A_73, %mul3A_77 : i32
        %add3A_79 = arith.addi %mul3A_76, %mul3A_78 : i32
        "tpu.region"() ({
          %run_scoped3A = tpu.sem_alloc : memref<!tpu.dma_semaphore, #tpu.memory_space<semaphore_mem>>
          %dma_start3A = arith.constant 0 : i32
          %dma_start3A_81 = tpu.memref_slice %arg17[%add3A_79, %dma_start3A] : memref<10240x128xf32, #tpu.memory_space<vmem_shared>> -> memref<64x128xf32, #tpu.memory_space<vmem_shared>>
          %dma_start3A_82 = arith.constant 0 : i32
          %dma_start3A_83 = tpu.memref_slice %arg17[%add3A_79, %dma_start3A_82] : memref<10240x128xf32, #tpu.memory_space<vmem_shared>> -> memref<64x128xf32, #tpu.memory_space<vmem_shared>>
          tpu.enqueue_dma source(%arg12 : memref<64x128xf32, #tpu.memory_space<vmem>>) target(%dma_start3A_83 : memref<64x128xf32, #tpu.memory_space<vmem_shared>>) target_semaphore(%run_scoped3A : memref<!tpu.dma_semaphore, #tpu.memory_space<semaphore_mem>>)
          %dma_wait3A = arith.constant 0 : i32
          %dma_wait3A_84 = tpu.memref_slice %arg17[%add3A_79, %dma_wait3A] : memref<10240x128xf32, #tpu.memory_space<vmem_shared>> -> memref<64x128xf32, #tpu.memory_space<vmem_shared>>
          %dma_wait3A_85 = arith.constant 0 : i32
          %dma_wait3A_86 = tpu.memref_slice %arg17[%add3A_79, %dma_wait3A_85] : memref<10240x128xf32, #tpu.memory_space<vmem_shared>> -> memref<64x128xf32, #tpu.memory_space<vmem_shared>>
          tpu.wait_dma2 semaphore(%run_scoped3A : memref<!tpu.dma_semaphore, #tpu.memory_space<semaphore_mem>>) src(%arg12 : memref<64x128xf32, #tpu.memory_space<vmem>>) dst(%dma_wait3A_86 : memref<64x128xf32, #tpu.memory_space<vmem_shared>>)
          tpu.yield
        }) : () -> ()
        %scan3A_80 = arith.constant 0 : i32
        scf.yield %scan3A_80 : i32
      }
      %scan3A_23 = arith.constant 10 : i32
      %scan3A_24 = arith.constant 0 : i32
      %scan3A_25 = arith.constant 0 : i32
      %scan3A_26 = arith.constant 64 : i32
      %scan3A_27 = arith.addi %scan3A_25, %scan3A_26 : i32
      %scan3A_28 = arith.constant 1 : i32
      %scan3A_29 = scf.for %scan3A_73 = %scan3A_25 to %scan3A_27 step %scan3A_28 iter_args(%scan3A_74 = %scan3A_24) -> (i32)  : i32 {
        %swap3A = arith.index_cast %scan3A_73 : i32 to index
        %swap3A_75 = arith.constant 0 : index
        %swap3A_76 = tpu.vector_load %arg14[%swap3A, %swap3A_75] {strides = array<i32>} : memref<64x16xf32, #tpu.memory_space<vmem>>, vector<16xf32>,
        tpu.vector_store %arg14[%swap3A, %swap3A_75], %broadcast_in_dim3A_1 {strides = array<i32>} : memref<64x16xf32, #tpu.memory_space<vmem>>, vector<16xf32>,
        %scan3A_77 = arith.constant 0 : i32
        scf.yield %scan3A_77 : i32
      }
      %scan3A_30 = arith.constant 64 : i32
      %scan3A_31 = arith.constant 0 : i32
      %scan3A_32 = arith.constant 0 : i32
      %scan3A_33 = arith.constant 10 : i32
      %scan3A_34 = arith.addi %scan3A_32, %scan3A_33 : i32
      %scan3A_35 = arith.constant 1 : i32
      %scan3A_36 = scf.for %scan3A_73 = %scan3A_32 to %scan3A_34 step %scan3A_35 iter_args(%scan3A_74 = %scan3A_31) -> (i32)  : i32 {
        %mul3A_75 = arith.constant 640 : i32
        %mul3A_76 = arith.muli %arg1, %mul3A_75 : i32
        %mul3A_77 = arith.constant 64 : i32
        %mul3A_78 = arith.muli %scan3A_73, %mul3A_77 : i32
        %add3A_79 = arith.addi %mul3A_76, %mul3A_78 : i32
        "tpu.region"() ({
          %run_scoped3A = tpu.sem_alloc : memref<!tpu.dma_semaphore, #tpu.memory_space<semaphore_mem>>
          %dma_start3A = arith.constant 0 : i32
          %dma_start3A_81 = tpu.memref_slice %arg18[%add3A_79, %dma_start3A] : memref<10240x16xf32, #tpu.memory_space<vmem_shared>> -> memref<64x16xf32, #tpu.memory_space<vmem_shared>>
          %dma_start3A_82 = arith.constant 0 : i32
          %dma_start3A_83 = tpu.memref_slice %arg18[%add3A_79, %dma_start3A_82] : memref<10240x16xf32, #tpu.memory_space<vmem_shared>> -> memref<64x16xf32, #tpu.memory_space<vmem_shared>>
          tpu.enqueue_dma source(%arg14 : memref<64x16xf32, #tpu.memory_space<vmem>>) target(%dma_start3A_83 : memref<64x16xf32, #tpu.memory_space<vmem_shared>>) target_semaphore(%run_scoped3A : memref<!tpu.dma_semaphore, #tpu.memory_space<semaphore_mem>>)
          %dma_wait3A = arith.constant 0 : i32
          %dma_wait3A_84 = tpu.memref_slice %arg18[%add3A_79, %dma_wait3A] : memref<10240x16xf32, #tpu.memory_space<vmem_shared>> -> memref<64x16xf32, #tpu.memory_space<vmem_shared>>
          %dma_wait3A_85 = arith.constant 0 : i32
          %dma_wait3A_86 = tpu.memref_slice %arg18[%add3A_79, %dma_wait3A_85] : memref<10240x16xf32, #tpu.memory_space<vmem_shared>> -> memref<64x16xf32, #tpu.memory_space<vmem_shared>>
          tpu.wait_dma2 semaphore(%run_scoped3A : memref<!tpu.dma_semaphore, #tpu.memory_space<semaphore_mem>>) src(%arg14 : memref<64x16xf32, #tpu.memory_space<vmem>>) dst(%dma_wait3A_86 : memref<64x16xf32, #tpu.memory_space<vmem_shared>>)
          tpu.yield
        }) : () -> ()
        %scan3A_80 = arith.constant 0 : i32
        scf.yield %scan3A_80 : i32
      }
      %scan3A_37 = arith.constant 10 : i32
      %mul3A_38 = arith.constant 10240 : i32
      %mul3A_39 = arith.muli %scan3A_8, %mul3A_38 : i32
      %add3A_40 = arith.constant 10000 : i32
      %add3A_41 = arith.addi %mul3A_39, %add3A_40 : i32
      %mul3A_42 = arith.constant 8 : i32
      %mul3A_43 = arith.muli %arg1, %mul3A_42 : i32
      %add3A_44 = arith.addi %add3A_41, %mul3A_43 : i32
      %mul3A_45 = arith.constant 8 : i32
      %mul3A_46 = arith.muli %arg1, %mul3A_45 : i32
      %add3A_47 = arith.constant 10000 : i32
      %add3A_48 = arith.addi %add3A_47, %mul3A_46 : i32
      %add3A_49 = arith.addi %add3A_48, %arg0 : i32
      %scan3A_50 = arith.constant 0 : i32
      %scan3A_51 = arith.constant 0 : i32
      %scan3A_52 = arith.constant 2 : i32
      %scan3A_53 = arith.addi %scan3A_51, %scan3A_52 : i32
      %scan3A_54 = arith.constant 1 : i32
      %scan3A_55 = scf.for %scan3A_73 = %scan3A_51 to %scan3A_53 step %scan3A_54 iter_args(%scan3A_74 = %scan3A_50) -> (i32)  : i32 {
        %mul3A_75 = arith.constant 320000 : i32
        %mul3A_76 = arith.muli %scan3A_8, %mul3A_75 : i32
        %mul3A_77 = arith.constant 10000 : i32
        %mul3A_78 = arith.muli %add3A, %mul3A_77 : i32
        %add3A_79 = arith.addi %mul3A_76, %mul3A_78 : i32
        %mul3A_80 = arith.constant 5000 : i32
        %mul3A_81 = arith.muli %scan3A_73, %mul3A_80 : i32
        %add3A_82 = arith.addi %add3A_79, %mul3A_81 : i32
        "tpu.region"() ({
          %run_scoped3A = tpu.sem_alloc : memref<!tpu.dma_semaphore, #tpu.memory_space<semaphore_mem>>
          %dma_start3A = arith.constant 0 : i32
          %dma_start3A_145 = tpu.memref_slice %arg9[%dma_start3A] : memref<5056xi32, #tpu.memory_space<vmem>> -> memref<5000xi32, #tpu.memory_space<vmem>>
          %dma_start3A_146 = tpu.memref_slice %arg4[%add3A_82] : memref<2560000xi32, #tpu.memory_space<hbm>> -> memref<5000xi32, #tpu.memory_space<hbm>>
          %dma_start3A_147 = arith.constant 0 : i32
          %dma_start3A_148 = tpu.memref_slice %arg9[%dma_start3A_147] : memref<5056xi32, #tpu.memory_space<vmem>> -> memref<5000xi32, #tpu.memory_space<vmem>>
          %dma_start3A_149 = tpu.memref_slice %arg4[%add3A_82] : memref<2560000xi32, #tpu.memory_space<hbm>> -> memref<5000xi32, #tpu.memory_space<hbm>>
          tpu.enqueue_dma source(%dma_start3A_149 : memref<5000xi32, #tpu.memory_space<hbm>>) target(%dma_start3A_148 : memref<5000xi32, #tpu.memory_space<vmem>>) target_semaphore(%run_scoped3A : memref<!tpu.dma_semaphore, #tpu.memory_space<semaphore_mem>>)
          %dma_wait3A = arith.constant 0 : i32
          %dma_wait3A_150 = tpu.memref_slice %arg9[%dma_wait3A] : memref<5056xi32, #tpu.memory_space<vmem>> -> memref<5000xi32, #tpu.memory_space<vmem>>
          %dma_wait3A_151 = tpu.memref_slice %arg4[%add3A_82] : memref<2560000xi32, #tpu.memory_space<hbm>> -> memref<5000xi32, #tpu.memory_space<hbm>>
          %dma_wait3A_152 = arith.constant 0 : i32
          %dma_wait3A_153 = tpu.memref_slice %arg9[%dma_wait3A_152] : memref<5056xi32, #tpu.memory_space<vmem>> -> memref<5000xi32, #tpu.memory_space<vmem>>
          %dma_wait3A_154 = tpu.memref_slice %arg4[%add3A_82] : memref<2560000xi32, #tpu.memory_space<hbm>> -> memref<5000xi32, #tpu.memory_space<hbm>>
          tpu.wait_dma2 semaphore(%run_scoped3A : memref<!tpu.dma_semaphore, #tpu.memory_space<semaphore_mem>>) src(%dma_wait3A_154 : memref<5000xi32, #tpu.memory_space<hbm>>) dst(%dma_wait3A_153 : memref<5000xi32, #tpu.memory_space<vmem>>)
          tpu.yield
        }) : () -> ()
        "tpu.region"() ({
          %run_scoped3A = tpu.sem_alloc : memref<!tpu.dma_semaphore, #tpu.memory_space<semaphore_mem>>
          %dma_start3A = arith.constant 0 : i32
          %dma_start3A_145 = tpu.memref_slice %arg10[%dma_start3A] : memref<5056xi32, #tpu.memory_space<vmem>> -> memref<5000xi32, #tpu.memory_space<vmem>>
          %dma_start3A_146 = tpu.memref_slice %arg5[%add3A_82] : memref<2560000xi32, #tpu.memory_space<hbm>> -> memref<5000xi32, #tpu.memory_space<hbm>>
          %dma_start3A_147 = arith.constant 0 : i32
          %dma_start3A_148 = tpu.memref_slice %arg10[%dma_start3A_147] : memref<5056xi32, #tpu.memory_space<vmem>> -> memref<5000xi32, #tpu.memory_space<vmem>>
          %dma_start3A_149 = tpu.memref_slice %arg5[%add3A_82] : memref<2560000xi32, #tpu.memory_space<hbm>> -> memref<5000xi32, #tpu.memory_space<hbm>>
          tpu.enqueue_dma source(%dma_start3A_149 : memref<5000xi32, #tpu.memory_space<hbm>>) target(%dma_start3A_148 : memref<5000xi32, #tpu.memory_space<vmem>>) target_semaphore(%run_scoped3A : memref<!tpu.dma_semaphore, #tpu.memory_space<semaphore_mem>>)
          %dma_wait3A = arith.constant 0 : i32
          %dma_wait3A_150 = tpu.memref_slice %arg10[%dma_wait3A] : memref<5056xi32, #tpu.memory_space<vmem>> -> memref<5000xi32, #tpu.memory_space<vmem>>
          %dma_wait3A_151 = tpu.memref_slice %arg5[%add3A_82] : memref<2560000xi32, #tpu.memory_space<hbm>> -> memref<5000xi32, #tpu.memory_space<hbm>>
          %dma_wait3A_152 = arith.constant 0 : i32
          %dma_wait3A_153 = tpu.memref_slice %arg10[%dma_wait3A_152] : memref<5056xi32, #tpu.memory_space<vmem>> -> memref<5000xi32, #tpu.memory_space<vmem>>
          %dma_wait3A_154 = tpu.memref_slice %arg5[%add3A_82] : memref<2560000xi32, #tpu.memory_space<hbm>> -> memref<5000xi32, #tpu.memory_space<hbm>>
          tpu.wait_dma2 semaphore(%run_scoped3A : memref<!tpu.dma_semaphore, #tpu.memory_space<semaphore_mem>>) src(%dma_wait3A_154 : memref<5000xi32, #tpu.memory_space<hbm>>) dst(%dma_wait3A_153 : memref<5000xi32, #tpu.memory_space<vmem>>)
          tpu.yield
        }) : () -> ()
        %scan3A_83 = arith.constant 0 : i32
        %scan3A_84 = arith.constant 0 : i32
        %scan3A_85 = arith.constant 313 : i32
        %scan3A_86 = arith.addi %scan3A_84, %scan3A_85 : i32
        %scan3A_87 = arith.constant 1 : i32
        %scan3A_88 = scf.for %scan3A_145 = %scan3A_84 to %scan3A_86 step %scan3A_87 iter_args(%scan3A_146 = %scan3A_83) -> (i32)  : i32 {
          %mul3A_147 = arith.constant 16 : i32
          %mul3A_148 = arith.muli %scan3A_145, %mul3A_147 : i32
          %add3A_149 = vector.broadcast %mul3A_148 : i32 to vector<16xi32>
          %add3A_150 = arith.addi %add3A_149, %iota3A : vector<16xi32>
          %lt3A = arith.constant 5000 : i32
          %lt3A_151 = vector.broadcast %lt3A : i32 to vector<16xi32>
          %lt3A_152 = arith.cmpi slt, %add3A_150, %lt3A_151 : vector<16xi32>
          %get3A = arith.index_cast %mul3A_148 : i32 to index
          %get3A_153 = tpu.vector_load %arg9[%get3A] {strides = array<i32>} : memref<5056xi32, #tpu.memory_space<vmem>>, vector<16xi32>,
          %get3A_154 = arith.index_cast %mul3A_148 : i32 to index
          %get3A_155 = tpu.vector_load %arg10[%get3A_154] {strides = array<i32>} : memref<5056xi32, #tpu.memory_space<vmem>>, vector<16xi32>,
          %jit3A_156 = arith.constant 0 : i32
          %broadcast_in_dim3A_157 = vector.broadcast %jit3A_156 : i32 to vector<16xi32>
          %select_n3A_158 = arith.select %lt3A_152, %get3A_155, %broadcast_in_dim3A_157 : vector<16xi1>, vector<16xi32>
          %shift_right_arithmetic3A = arith.constant 5 : i32
          %shift_right_arithmetic3A_159 = vector.broadcast %shift_right_arithmetic3A : i32 to vector<16xi32>
          %shift_right_arithmetic3A_160 = arith.shrsi %select_n3A_158, %shift_right_arithmetic3A_159 : vector<16xi32>
          %gather3A = tpu.vector_load_idx %arg16[%shift_right_arithmetic3A_160] : memref<320xi32, #tpu.memory_space<vmem>>[vector<16xi32>], vector<16xi32>,
          %and3A_161 = arith.constant 31 : i32
          %and3A_162 = vector.broadcast %and3A_161 : i32 to vector<16xi32>
          %and3A_163 = arith.andi %select_n3A_158, %and3A_162 : vector<16xi32>
          %shift_right_arithmetic3A_164 = arith.shrsi %gather3A, %and3A_163 : vector<16xi32>
          %and3A_165 = arith.constant 1 : i32
          %and3A_166 = vector.broadcast %and3A_165 : i32 to vector<16xi32>
          %and3A_167 = arith.andi %shift_right_arithmetic3A_164, %and3A_166 : vector<16xi32>
          %gt3A_168 = arith.constant 0 : i32
          %gt3A_169 = vector.broadcast %gt3A_168 : i32 to vector<16xi32>
          %gt3A_170 = arith.cmpi sgt, %and3A_167, %gt3A_169 : vector<16xi32>
          %and3A_171 = arith.andi %lt3A_152, %gt3A_170 : vector<16xi1>
          %mul3A_172 = arith.constant 10240 : i32
          %mul3A_173 = arith.muli %scan3A_8, %mul3A_172 : i32
          %add3A_174 = vector.broadcast %mul3A_173 : i32 to vector<16xi32>
          %add3A_175 = arith.addi %get3A_153, %add3A_174 : vector<16xi32>
          %swap3A = arith.index_cast %scan3A_146 : i32 to index
          %swap3A_176 = tpu.vector_load %arg9[%swap3A] masked %and3A_171 {strides = array<i32>} : memref<5056xi32, #tpu.memory_space<vmem>>, vector<16xi32>, vector<16xi1>
          tpu.vector_store %arg9[%swap3A], %add3A_175 masked %and3A_171 {strides = array<i32>} : memref<5056xi32, #tpu.memory_space<vmem>>, vector<16xi32>, vector<16xi1>
          %swap3A_177 = arith.index_cast %scan3A_146 : i32 to index
          %swap3A_178 = tpu.vector_load %arg10[%swap3A_177] masked %and3A_171 {strides = array<i32>} : memref<5056xi32, #tpu.memory_space<vmem>>, vector<16xi32>, vector<16xi1>
          tpu.vector_store %arg10[%swap3A_177], %select_n3A_158 masked %and3A_171 {strides = array<i32>} : memref<5056xi32, #tpu.memory_space<vmem>>, vector<16xi32>, vector<16xi1>
          %all_reduce_population_count3A = tpu.all_reduce %and3A_171 {dim = 0 : i64, kind = #tpu.reduction_kind<sum>} : vector<16xi1> -> vector<16xi32>
          %slice3A = vector.extract_strided_slice %all_reduce_population_count3A {offsets = [0], sizes = [1], strides = [1]} : vector<16xi32> to vector<1xi32>
          %squeeze3A = vector.extract %slice3A[0] : i32 from vector<1xi32>
          %add3A_179 = arith.addi %scan3A_146, %squeeze3A : i32
          scf.yield %add3A_179 : i32
        }
        %scan3A_89 = arith.constant 313 : i32
        %add3A_90 = arith.constant 64 : i32
        %add3A_91 = arith.addi %scan3A_88, %add3A_90 : i32
        %sub3A = arith.constant 1 : i32
        %sub3A_92 = arith.subi %add3A_91, %sub3A : i32
        %jit3A = arith.constant 64 : i32
        %div3A = arith.divsi %sub3A_92, %jit3A : i32
        %sign3A = arith.constant 0 : i32
        %sign3A_93 = arith.cmpi sgt, %sub3A_92, %sign3A : i32
        %sign3A_94 = arith.extui %sign3A_93 : i1 to i32
        %sign3A_95 = arith.constant 0 : i32
        %sign3A_96 = arith.cmpi slt, %sub3A_92, %sign3A_95 : i32
        %sign3A_97 = arith.extui %sign3A_96 : i1 to i32
        %sign3A_98 = arith.subi %sign3A_94, %sign3A_97 : i32
        %sign3A_99 = arith.constant 0 : i32
        %sign3A_100 = arith.cmpi sgt, %jit3A, %sign3A_99 : i32
        %sign3A_101 = arith.extui %sign3A_100 : i1 to i32
        %sign3A_102 = arith.constant 0 : i32
        %sign3A_103 = arith.cmpi slt, %jit3A, %sign3A_102 : i32
        %sign3A_104 = arith.extui %sign3A_103 : i1 to i32
        %sign3A_105 = arith.subi %sign3A_101, %sign3A_104 : i32
        %ne3A = arith.cmpi ne, %sign3A_98, %sign3A_105 : i32
        %rem3A = arith.remsi %sub3A_92, %jit3A : i32
        %ne3A_106 = arith.constant 0 : i32
        %ne3A_107 = arith.cmpi ne, %rem3A, %ne3A_106 : i32
        %and3A = arith.andi %ne3A, %ne3A_107 : i1
        %sub3A_108 = arith.constant 1 : i32
        %sub3A_109 = arith.subi %div3A, %sub3A_108 : i32
        %select_n3A = arith.select %and3A, %sub3A_109, %div3A : i32
        %scan3A_110 = arith.constant 0 : i32
        %scan3A_111 = arith.constant 0 : i32
        %scan3A_112 = arith.constant 5 : i32
        %scan3A_113 = arith.addi %scan3A_111, %scan3A_112 : i32
        %scan3A_114 = arith.constant 1 : i32
        %scan3A_115 = scf.for %scan3A_145 = %scan3A_111 to %scan3A_113 step %scan3A_114 iter_args(%scan3A_146 = %scan3A_110) -> (i32)  : i32 {
          %jit3A_147 = arith.constant 16 : i32
          %div3A_148 = arith.divsi %scan3A_88, %jit3A_147 : i32
          %sign3A_149 = arith.constant 0 : i32
          %sign3A_150 = arith.cmpi sgt, %scan3A_88, %sign3A_149 : i32
          %sign3A_151 = arith.extui %sign3A_150 : i1 to i32
          %sign3A_152 = arith.constant 0 : i32
          %sign3A_153 = arith.cmpi slt, %scan3A_88, %sign3A_152 : i32
          %sign3A_154 = arith.extui %sign3A_153 : i1 to i32
          %sign3A_155 = arith.subi %sign3A_151, %sign3A_154 : i32
          %sign3A_156 = arith.constant 0 : i32
          %sign3A_157 = arith.cmpi sgt, %jit3A_147, %sign3A_156 : i32
          %sign3A_158 = arith.extui %sign3A_157 : i1 to i32
          %sign3A_159 = arith.constant 0 : i32
          %sign3A_160 = arith.cmpi slt, %jit3A_147, %sign3A_159 : i32
          %sign3A_161 = arith.extui %sign3A_160 : i1 to i32
          %sign3A_162 = arith.subi %sign3A_158, %sign3A_161 : i32
          %ne3A_163 = arith.cmpi ne, %sign3A_155, %sign3A_162 : i32
          %rem3A_164 = arith.remsi %scan3A_88, %jit3A_147 : i32
          %ne3A_165 = arith.constant 0 : i32
          %ne3A_166 = arith.cmpi ne, %rem3A_164, %ne3A_165 : i32
          %and3A_167 = arith.andi %ne3A_163, %ne3A_166 : i1
          %sub3A_168 = arith.constant 1 : i32
          %sub3A_169 = arith.subi %div3A_148, %sub3A_168 : i32
          %select_n3A_170 = arith.select %and3A_167, %sub3A_169, %div3A_148 : i32
          %add3A_171 = arith.addi %select_n3A_170, %scan3A_145 : i32
          %mul3A_172 = arith.constant 16 : i32
          %mul3A_173 = arith.muli %add3A_171, %mul3A_172 : i32
          %min3A = arith.constant 5040 : i32
          %min3A_174 = arith.minsi %mul3A_173, %min3A : i32
          %add3A_175 = vector.broadcast %min3A_174 : i32 to vector<16xi32>
          %add3A_176 = arith.addi %add3A_175, %iota3A : vector<16xi32>
          %ge3A = vector.broadcast %scan3A_88 : i32 to vector<16xi32>
          %ge3A_177 = arith.cmpi sge, %add3A_176, %ge3A : vector<16xi32>
          %get3A = arith.index_cast %min3A_174 : i32 to index
          %get3A_178 = tpu.vector_load %arg9[%get3A] {strides = array<i32>} : memref<5056xi32, #tpu.memory_space<vmem>>, vector<16xi32>,
          %get3A_179 = arith.index_cast %min3A_174 : i32 to index
          %get3A_180 = tpu.vector_load %arg10[%get3A_179] {strides = array<i32>} : memref<5056xi32, #tpu.memory_space<vmem>>, vector<16xi32>,
          %broadcast_in_dim3A_181 = vector.broadcast %add3A_44 : i32 to vector<16xi32>
          %select_n3A_182 = arith.select %ge3A_177, %broadcast_in_dim3A_181, %get3A_178 : vector<16xi1>, vector<16xi32>
          %swap3A = arith.index_cast %min3A_174 : i32 to index
          %swap3A_183 = tpu.vector_load %arg9[%swap3A] {strides = array<i32>} : memref<5056xi32, #tpu.memory_space<vmem>>, vector<16xi32>,
          tpu.vector_store %arg9[%swap3A], %select_n3A_182 {strides = array<i32>} : memref<5056xi32, #tpu.memory_space<vmem>>, vector<16xi32>,
          %broadcast_in_dim3A_184 = vector.broadcast %add3A_49 : i32 to vector<16xi32>
          %select_n3A_185 = arith.select %ge3A_177, %broadcast_in_dim3A_184, %get3A_180 : vector<16xi1>, vector<16xi32>
          %swap3A_186 = arith.index_cast %min3A_174 : i32 to index
          %swap3A_187 = tpu.vector_load %arg10[%swap3A_186] {strides = array<i32>} : memref<5056xi32, #tpu.memory_space<vmem>>, vector<16xi32>,
          tpu.vector_store %arg10[%swap3A_186], %select_n3A_185 {strides = array<i32>} : memref<5056xi32, #tpu.memory_space<vmem>>, vector<16xi32>,
          %scan3A_188 = arith.constant 0 : i32
          scf.yield %scan3A_188 : i32
        }
        %scan3A_116 = arith.constant 5 : i32
        %mul3A_117 = arith.constant 4 : i32
        %mul3A_118 = arith.muli %select_n3A, %mul3A_117 : i32
        %while3A = arith.constant 0 : i32
        %while3A_119 = arith.constant 0 : i32
        %while3A_120 = arith.subi %mul3A_118, %while3A : i32
        %while3A_121 = arith.addi %while3A, %while3A_120 : i32
        %while3A_122 = arith.constant 1 : i32
        %while3A_123 = arith.divsi %while3A_120, %while3A_122 : i32
        %while3A_124 = arith.muli %while3A_123, %while3A_122 : i32
        %while3A_125 = arith.addi %while3A, %while3A_124 : i32
        %while3A_126 = arith.constant 1 : i32
        %while3A_127 = scf.for %while3A_145 = %while3A to %while3A_125 step %while3A_126 iter_args(%while3A_146 = %while3A_119) -> (i32)  : i32 {
          %jit3A_147 = arith.constant 4 : i32
          %div3A_148 = arith.divsi %while3A_145, %jit3A_147 : i32
          %sign3A_149 = arith.constant 0 : i32
          %sign3A_150 = arith.cmpi sgt, %while3A_145, %sign3A_149 : i32
          %sign3A_151 = arith.extui %sign3A_150 : i1 to i32
          %sign3A_152 = arith.constant 0 : i32
          %sign3A_153 = arith.cmpi slt, %while3A_145, %sign3A_152 : i32
          %sign3A_154 = arith.extui %sign3A_153 : i1 to i32
          %sign3A_155 = arith.subi %sign3A_151, %sign3A_154 : i32
          %sign3A_156 = arith.constant 0 : i32
          %sign3A_157 = arith.cmpi sgt, %jit3A_147, %sign3A_156 : i32
          %sign3A_158 = arith.extui %sign3A_157 : i1 to i32
          %sign3A_159 = arith.constant 0 : i32
          %sign3A_160 = arith.cmpi slt, %jit3A_147, %sign3A_159 : i32
          %sign3A_161 = arith.extui %sign3A_160 : i1 to i32
          %sign3A_162 = arith.subi %sign3A_158, %sign3A_161 : i32
          %ne3A_163 = arith.cmpi ne, %sign3A_155, %sign3A_162 : i32
          %rem3A_164 = arith.remsi %while3A_145, %jit3A_147 : i32
          %ne3A_165 = arith.constant 0 : i32
          %ne3A_166 = arith.cmpi ne, %rem3A_164, %ne3A_165 : i32
          %and3A_167 = arith.andi %ne3A_163, %ne3A_166 : i1
          %sub3A_168 = arith.constant 1 : i32
          %sub3A_169 = arith.subi %div3A_148, %sub3A_168 : i32
          %select_n3A_170 = arith.select %and3A_167, %sub3A_169, %div3A_148 : i32
          %jit3A_171 = arith.constant 4 : i32
          %eq3A = arith.constant 0 : i32
          %eq3A_172 = arith.cmpi eq, %jit3A_171, %eq3A : i32
          %jit3A_173 = arith.constant 1 : i32
          %select_n3A_174 = arith.select %eq3A_172, %jit3A_173, %jit3A_171 : i32
          %rem3A_175 = arith.remsi %while3A_145, %select_n3A_174 : i32
          %ne3A_176 = arith.constant 0 : i32
          %ne3A_177 = arith.cmpi ne, %rem3A_175, %ne3A_176 : i32
          %lt3A = arith.constant 0 : i32
          %lt3A_178 = arith.cmpi slt, %rem3A_175, %lt3A : i32
          %lt3A_179 = arith.constant 0 : i32
          %lt3A_180 = arith.cmpi slt, %select_n3A_174, %lt3A_179 : i32
          %ne3A_181 = arith.xori %lt3A_178, %lt3A_180 : i1
          %and3A_182 = arith.andi %ne3A_181, %ne3A_177 : i1
          %add3A_183 = arith.addi %rem3A_175, %select_n3A_174 : i32
          %select_n3A_184 = arith.select %and3A_182, %add3A_183, %rem3A_175 : i32
          %mul3A_185 = arith.constant 16 : i32
          %mul3A_186 = arith.muli %while3A_145, %mul3A_185 : i32
          %get3A = arith.index_cast %mul3A_186 : i32 to index
          %get3A_187 = tpu.vector_load %arg10[%get3A] {strides = array<i32>} : memref<5056xi32, #tpu.memory_space<vmem>>, vector<16xi32>,
          %mul3A_188 = arith.constant 16 : i32
          %mul3A_189 = arith.muli %select_n3A_184, %mul3A_188 : i32
          %swap3A = arith.index_cast %select_n3A_170 : i32 to index
          %swap3A_190 = arith.index_cast %mul3A_189 : i32 to index
          %swap3A_191 = tpu.vector_load %arg11[%swap3A, %swap3A_190] {strides = array<i32>} : memref<79x64xi32, #tpu.memory_space<vmem>>, vector<16xi32>,
          tpu.vector_store %arg11[%swap3A, %swap3A_190], %get3A_187 {strides = array<i32>} : memref<79x64xi32, #tpu.memory_space<vmem>>, vector<16xi32>,
          %while3A_192 = arith.constant 0 : i32
          scf.yield %while3A_192 : i32
        }
        %while3A_128 = arith.constant 1 : i32
        %while3A_129 = scf.for %while3A_145 = %while3A_125 to %while3A_121 step %while3A_128 iter_args(%while3A_146 = %while3A_127) -> (i32)  : i32 {
          %jit3A_147 = arith.constant 4 : i32
          %div3A_148 = arith.divsi %while3A_145, %jit3A_147 : i32
          %sign3A_149 = arith.constant 0 : i32
          %sign3A_150 = arith.cmpi sgt, %while3A_145, %sign3A_149 : i32
          %sign3A_151 = arith.extui %sign3A_150 : i1 to i32
          %sign3A_152 = arith.constant 0 : i32
          %sign3A_153 = arith.cmpi slt, %while3A_145, %sign3A_152 : i32
          %sign3A_154 = arith.extui %sign3A_153 : i1 to i32
          %sign3A_155 = arith.subi %sign3A_151, %sign3A_154 : i32
          %sign3A_156 = arith.constant 0 : i32
          %sign3A_157 = arith.cmpi sgt, %jit3A_147, %sign3A_156 : i32
          %sign3A_158 = arith.extui %sign3A_157 : i1 to i32
          %sign3A_159 = arith.constant 0 : i32
          %sign3A_160 = arith.cmpi slt, %jit3A_147, %sign3A_159 : i32
          %sign3A_161 = arith.extui %sign3A_160 : i1 to i32
          %sign3A_162 = arith.subi %sign3A_158, %sign3A_161 : i32
          %ne3A_163 = arith.cmpi ne, %sign3A_155, %sign3A_162 : i32
          %rem3A_164 = arith.remsi %while3A_145, %jit3A_147 : i32
          %ne3A_165 = arith.constant 0 : i32
          %ne3A_166 = arith.cmpi ne, %rem3A_164, %ne3A_165 : i32
          %and3A_167 = arith.andi %ne3A_163, %ne3A_166 : i1
          %sub3A_168 = arith.constant 1 : i32
          %sub3A_169 = arith.subi %div3A_148, %sub3A_168 : i32
          %select_n3A_170 = arith.select %and3A_167, %sub3A_169, %div3A_148 : i32
          %jit3A_171 = arith.constant 4 : i32
          %eq3A = arith.constant 0 : i32
          %eq3A_172 = arith.cmpi eq, %jit3A_171, %eq3A : i32
          %jit3A_173 = arith.constant 1 : i32
          %select_n3A_174 = arith.select %eq3A_172, %jit3A_173, %jit3A_171 : i32
          %rem3A_175 = arith.remsi %while3A_145, %select_n3A_174 : i32
          %ne3A_176 = arith.constant 0 : i32
          %ne3A_177 = arith.cmpi ne, %rem3A_175, %ne3A_176 : i32
          %lt3A = arith.constant 0 : i32
          %lt3A_178 = arith.cmpi slt, %rem3A_175, %lt3A : i32
          %lt3A_179 = arith.constant 0 : i32
          %lt3A_180 = arith.cmpi slt, %select_n3A_174, %lt3A_179 : i32
          %ne3A_181 = arith.xori %lt3A_178, %lt3A_180 : i1
          %and3A_182 = arith.andi %ne3A_181, %ne3A_177 : i1
          %add3A_183 = arith.addi %rem3A_175, %select_n3A_174 : i32
          %select_n3A_184 = arith.select %and3A_182, %add3A_183, %rem3A_175 : i32
          %mul3A_185 = arith.constant 16 : i32
          %mul3A_186 = arith.muli %while3A_145, %mul3A_185 : i32
          %get3A = arith.index_cast %mul3A_186 : i32 to index
          %get3A_187 = tpu.vector_load %arg10[%get3A] {strides = array<i32>} : memref<5056xi32, #tpu.memory_space<vmem>>, vector<16xi32>,
          %mul3A_188 = arith.constant 16 : i32
          %mul3A_189 = arith.muli %select_n3A_184, %mul3A_188 : i32
          %swap3A = arith.index_cast %select_n3A_170 : i32 to index
          %swap3A_190 = arith.index_cast %mul3A_189 : i32 to index
          %swap3A_191 = tpu.vector_load %arg11[%swap3A, %swap3A_190] {strides = array<i32>} : memref<79x64xi32, #tpu.memory_space<vmem>>, vector<16xi32>,
          tpu.vector_store %arg11[%swap3A, %swap3A_190], %get3A_187 {strides = array<i32>} : memref<79x64xi32, #tpu.memory_space<vmem>>, vector<16xi32>,
          %while3A_192 = arith.constant 0 : i32
          scf.yield %while3A_192 : i32
        }
        %gt3A = arith.constant 0 : i32
        %gt3A_130 = arith.cmpi sgt, %select_n3A, %gt3A : i32
        %convert_element_type3A = arith.extui %gt3A_130 : i1 to i32
        %cond3A = arith.constant 0 : i32
        %cond3A_131 = arith.cmpi ne, %convert_element_type3A, %cond3A : i32
        scf.if %cond3A_131 {
          %dma_start3A = arith.constant 0 : i32
          %dma_start3A_145 = tpu.memref_slice %arg9[%dma_start3A] : memref<5056xi32, #tpu.memory_space<vmem>> -> memref<64xi32, #tpu.memory_space<vmem>>
          %dma_start3A_146 = arith.constant 0 : i32
          %dma_start3A_147 = arith.constant 0 : i32
          %dma_start3A_148 = tpu.memref_slice %arg2[%dma_start3A_146, %dma_start3A_147] : memref<81920x128xf32, #tpu.memory_space<hbm>> -> memref<81920x128xf32, #tpu.memory_space<hbm>>
          tpu.enqueue_indirect_dma source(%dma_start3A_148 : memref<81920x128xf32, #tpu.memory_space<hbm>>) target(%arg12 : memref<64x128xf32, #tpu.memory_space<vmem>>) offsets(%dma_start3A_145 : memref<64xi32, #tpu.memory_space<vmem>>) semaphore(%arg19 : memref<!tpu.dma_semaphore, #tpu.memory_space<semaphore_mem>>)
          %dma_start3A_149 = arith.constant 0 : i32
          %dma_start3A_150 = tpu.memref_slice %arg9[%dma_start3A_149] : memref<5056xi32, #tpu.memory_space<vmem>> -> memref<64xi32, #tpu.memory_space<vmem>>
          %dma_start3A_151 = arith.constant 0 : i32
          %dma_start3A_152 = arith.constant 0 : i32
          %dma_start3A_153 = tpu.memref_slice %arg3[%dma_start3A_151, %dma_start3A_152] : memref<81920x16xf32, #tpu.memory_space<hbm>> -> memref<81920x16xf32, #tpu.memory_space<hbm>>
          tpu.enqueue_indirect_dma source(%dma_start3A_153 : memref<81920x16xf32, #tpu.memory_space<hbm>>) target(%arg14 : memref<64x16xf32, #tpu.memory_space<vmem>>) offsets(%dma_start3A_150 : memref<64xi32, #tpu.memory_space<vmem>>) semaphore(%arg21 : memref<!tpu.dma_semaphore, #tpu.memory_space<semaphore_mem>>)
        } else {
        }
        %while3A_132 = arith.constant 0 : i32
        %while3A_133 = arith.constant 0 : i32
        %while3A_134 = arith.subi %select_n3A, %while3A_132 : i32
        %while3A_135 = arith.addi %while3A_132, %while3A_134 : i32
        %while3A_136 = arith.constant 1 : i32
        %while3A_137 = arith.divsi %while3A_134, %while3A_136 : i32
        %while3A_138 = arith.muli %while3A_137, %while3A_136 : i32
        %while3A_139 = arith.addi %while3A_132, %while3A_138 : i32
        %while3A_140 = arith.constant 1 : i32
        %while3A_141 = scf.for %while3A_145 = %while3A_132 to %while3A_139 step %while3A_140 iter_args(%while3A_146 = %while3A_133) -> (i32)  : i32 {
          %jit3A_147 = arith.constant 2 : i32
          %eq3A = arith.constant 0 : i32
          %eq3A_148 = arith.cmpi eq, %jit3A_147, %eq3A : i32
          %jit3A_149 = arith.constant 1 : i32
          %select_n3A_150 = arith.select %eq3A_148, %jit3A_149, %jit3A_147 : i32
          %rem3A_151 = arith.remsi %while3A_145, %select_n3A_150 : i32
          %ne3A_152 = arith.constant 0 : i32
          %ne3A_153 = arith.cmpi ne, %rem3A_151, %ne3A_152 : i32
          %lt3A = arith.constant 0 : i32
          %lt3A_154 = arith.cmpi slt, %rem3A_151, %lt3A : i32
          %lt3A_155 = arith.constant 0 : i32
          %lt3A_156 = arith.cmpi slt, %select_n3A_150, %lt3A_155 : i32
          %ne3A_157 = arith.xori %lt3A_154, %lt3A_156 : i1
          %and3A_158 = arith.andi %ne3A_157, %ne3A_153 : i1
          %add3A_159 = arith.addi %rem3A_151, %select_n3A_150 : i32
          %select_n3A_160 = arith.select %and3A_158, %add3A_159, %rem3A_151 : i32
          %eq3A_161 = arith.constant 0 : i32
          %eq3A_162 = arith.cmpi eq, %select_n3A_160, %eq3A_161 : i32
          %convert_element_type3A_163 = arith.extui %eq3A_162 : i1 to i32
          %cond3A_164 = arith.constant 0 : i32
          %cond3A_165 = arith.cmpi ne, %convert_element_type3A_163, %cond3A_164 : i32
          scf.if %cond3A_165 {
            %mul3A_167 = arith.constant 64 : i32
            %mul3A_168 = arith.muli %while3A_145, %mul3A_167 : i32
            %dma_wait3A = tpu.memref_slice %arg9[%mul3A_168] : memref<5056xi32, #tpu.memory_space<vmem>> -> memref<64xi32, #tpu.memory_space<vmem>>
            %dma_wait3A_169 = arith.constant 0 : i32
            %dma_wait3A_170 = arith.constant 0 : i32
            %dma_wait3A_171 = tpu.memref_slice %arg2[%dma_wait3A_169, %dma_wait3A_170] : memref<81920x128xf32, #tpu.memory_space<hbm>> -> memref<81920x128xf32, #tpu.memory_space<hbm>>
            tpu.wait_indirect_dma semaphore(%arg19 : memref<!tpu.dma_semaphore, #tpu.memory_space<semaphore_mem>>) src(%dma_wait3A_171 : memref<81920x128xf32, #tpu.memory_space<hbm>>) dst(%arg12 : memref<64x128xf32, #tpu.memory_space<vmem>>)
            %mul3A_172 = arith.constant 64 : i32
            %mul3A_173 = arith.muli %while3A_145, %mul3A_172 : i32
            %dma_wait3A_174 = tpu.memref_slice %arg9[%mul3A_173] : memref<5056xi32, #tpu.memory_space<vmem>> -> memref<64xi32, #tpu.memory_space<vmem>>
            %dma_wait3A_175 = arith.constant 0 : i32
            %dma_wait3A_176 = arith.constant 0 : i32
            %dma_wait3A_177 = tpu.memref_slice %arg3[%dma_wait3A_175, %dma_wait3A_176] : memref<81920x16xf32, #tpu.memory_space<hbm>> -> memref<81920x16xf32, #tpu.memory_space<hbm>>
            tpu.wait_indirect_dma semaphore(%arg21 : memref<!tpu.dma_semaphore, #tpu.memory_space<semaphore_mem>>) src(%dma_wait3A_177 : memref<81920x16xf32, #tpu.memory_space<hbm>>) dst(%arg14 : memref<64x16xf32, #tpu.memory_space<vmem>>)
            %add3A_178 = arith.constant 1 : i32
            %add3A_179 = arith.addi %while3A_145, %add3A_178 : i32
            %lt3A_180 = arith.cmpi slt, %add3A_179, %select_n3A : i32
            %convert_element_type3A_181 = arith.extui %lt3A_180 : i1 to i32
            %cond3A_182 = arith.constant 0 : i32
            %cond3A_183 = arith.cmpi ne, %convert_element_type3A_181, %cond3A_182 : i32
            scf.if %cond3A_183 {
              %add3A_184 = arith.constant 1 : i32
              %add3A_185 = arith.addi %while3A_145, %add3A_184 : i32
              %min3A = arith.constant 78 : i32
              %min3A_186 = arith.minsi %add3A_185, %min3A : i32
              %mul3A_187 = arith.constant 64 : i32
              %mul3A_188 = arith.muli %min3A_186, %mul3A_187 : i32
              %dma_start3A = tpu.memref_slice %arg9[%mul3A_188] : memref<5056xi32, #tpu.memory_space<vmem>> -> memref<64xi32, #tpu.memory_space<vmem>>
              %dma_start3A_189 = arith.constant 0 : i32
              %dma_start3A_190 = arith.constant 0 : i32
              %dma_start3A_191 = tpu.memref_slice %arg2[%dma_start3A_189, %dma_start3A_190] : memref<81920x128xf32, #tpu.memory_space<hbm>> -> memref<81920x128xf32, #tpu.memory_space<hbm>>
              tpu.enqueue_indirect_dma source(%dma_start3A_191 : memref<81920x128xf32, #tpu.memory_space<hbm>>) target(%arg13 : memref<64x128xf32, #tpu.memory_space<vmem>>) offsets(%dma_start3A : memref<64xi32, #tpu.memory_space<vmem>>) semaphore(%arg20 : memref<!tpu.dma_semaphore, #tpu.memory_space<semaphore_mem>>)
              %mul3A_192 = arith.constant 64 : i32
              %mul3A_193 = arith.muli %min3A_186, %mul3A_192 : i32
              %dma_start3A_194 = tpu.memref_slice %arg9[%mul3A_193] : memref<5056xi32, #tpu.memory_space<vmem>> -> memref<64xi32, #tpu.memory_space<vmem>>
              %dma_start3A_195 = arith.constant 0 : i32
              %dma_start3A_196 = arith.constant 0 : i32
              %dma_start3A_197 = tpu.memref_slice %arg3[%dma_start3A_195, %dma_start3A_196] : memref<81920x16xf32, #tpu.memory_space<hbm>> -> memref<81920x16xf32, #tpu.memory_space<hbm>>
              tpu.enqueue_indirect_dma source(%dma_start3A_197 : memref<81920x16xf32, #tpu.memory_space<hbm>>) target(%arg15 : memref<64x16xf32, #tpu.memory_space<vmem>>) offsets(%dma_start3A_194 : memref<64xi32, #tpu.memory_space<vmem>>) semaphore(%arg22 : memref<!tpu.dma_semaphore, #tpu.memory_space<semaphore_mem>>)
            } else {
            }
            "tpu.region"() ({
              %run_scoped3A = tpu.sem_alloc : memref<!tpu.dma_semaphore, #tpu.memory_space<semaphore_mem>>
              %dma_start3A = arith.constant 0 : i32
              %dma_start3A_184 = tpu.memref_slice %arg11[%while3A_145, %dma_start3A] : memref<79x64xi32, #tpu.memory_space<vmem>> -> memref<1x64xi32, #tpu.memory_space<vmem>>
              %dma_start3A_185 = tpu.memref_squeeze %dma_start3A_184 : memref<1x64xi32, #tpu.memory_space<vmem>> -> memref<64xi32, #tpu.memory_space<vmem>>
              %dma_start3A_186 = arith.constant 0 : i32
              %dma_start3A_187 = arith.constant 0 : i32
              %dma_start3A_188 = tpu.memref_slice %arg17[%dma_start3A_186, %dma_start3A_187] : memref<10240x128xf32, #tpu.memory_space<vmem_shared>> -> memref<10240x128xf32, #tpu.memory_space<vmem_shared>>
              tpu.enqueue_indirect_dma source(%arg12 : memref<64x128xf32, #tpu.memory_space<vmem>>) target(%dma_start3A_188 : memref<10240x128xf32, #tpu.memory_space<vmem_shared>>) offsets(%dma_start3A_185 : memref<64xi32, #tpu.memory_space<vmem>>) semaphore(%run_scoped3A : memref<!tpu.dma_semaphore, #tpu.memory_space<semaphore_mem>>) {add = true}
              %dma_wait3A_189 = arith.constant 0 : i32
              %dma_wait3A_190 = tpu.memref_slice %arg11[%while3A_145, %dma_wait3A_189] : memref<79x64xi32, #tpu.memory_space<vmem>> -> memref<1x64xi32, #tpu.memory_space<vmem>>
              %dma_wait3A_191 = tpu.memref_squeeze %dma_wait3A_190 : memref<1x64xi32, #tpu.memory_space<vmem>> -> memref<64xi32, #tpu.memory_space<vmem>>
              %dma_wait3A_192 = arith.constant 0 : i32
              %dma_wait3A_193 = arith.constant 0 : i32
              %dma_wait3A_194 = tpu.memref_slice %arg17[%dma_wait3A_192, %dma_wait3A_193] : memref<10240x128xf32, #tpu.memory_space<vmem_shared>> -> memref<10240x128xf32, #tpu.memory_space<vmem_shared>>
              tpu.wait_indirect_dma semaphore(%run_scoped3A : memref<!tpu.dma_semaphore, #tpu.memory_space<semaphore_mem>>) src(%arg12 : memref<64x128xf32, #tpu.memory_space<vmem>>) dst(%dma_wait3A_194 : memref<10240x128xf32, #tpu.memory_space<vmem_shared>>)
              tpu.yield
            }) : () -> ()
            "tpu.region"() ({
              %run_scoped3A = tpu.sem_alloc : memref<!tpu.dma_semaphore, #tpu.memory_space<semaphore_mem>>
              %dma_start3A = arith.constant 0 : i32
              %dma_start3A_184 = tpu.memref_slice %arg11[%while3A_145, %dma_start3A] : memref<79x64xi32, #tpu.memory_space<vmem>> -> memref<1x64xi32, #tpu.memory_space<vmem>>
              %dma_start3A_185 = tpu.memref_squeeze %dma_start3A_184 : memref<1x64xi32, #tpu.memory_space<vmem>> -> memref<64xi32, #tpu.memory_space<vmem>>
              %dma_start3A_186 = arith.constant 0 : i32
              %dma_start3A_187 = arith.constant 0 : i32
              %dma_start3A_188 = tpu.memref_slice %arg18[%dma_start3A_186, %dma_start3A_187] : memref<10240x16xf32, #tpu.memory_space<vmem_shared>> -> memref<10240x16xf32, #tpu.memory_space<vmem_shared>>
              tpu.enqueue_indirect_dma source(%arg14 : memref<64x16xf32, #tpu.memory_space<vmem>>) target(%dma_start3A_188 : memref<10240x16xf32, #tpu.memory_space<vmem_shared>>) offsets(%dma_start3A_185 : memref<64xi32, #tpu.memory_space<vmem>>) semaphore(%run_scoped3A : memref<!tpu.dma_semaphore, #tpu.memory_space<semaphore_mem>>) {add = true}
              %dma_wait3A_189 = arith.constant 0 : i32
              %dma_wait3A_190 = tpu.memref_slice %arg11[%while3A_145, %dma_wait3A_189] : memref<79x64xi32, #tpu.memory_space<vmem>> -> memref<1x64xi32, #tpu.memory_space<vmem>>
              %dma_wait3A_191 = tpu.memref_squeeze %dma_wait3A_190 : memref<1x64xi32, #tpu.memory_space<vmem>> -> memref<64xi32, #tpu.memory_space<vmem>>
              %dma_wait3A_192 = arith.constant 0 : i32
              %dma_wait3A_193 = arith.constant 0 : i32
              %dma_wait3A_194 = tpu.memref_slice %arg18[%dma_wait3A_192, %dma_wait3A_193] : memref<10240x16xf32, #tpu.memory_space<vmem_shared>> -> memref<10240x16xf32, #tpu.memory_space<vmem_shared>>
              tpu.wait_indirect_dma semaphore(%run_scoped3A : memref<!tpu.dma_semaphore, #tpu.memory_space<semaphore_mem>>) src(%arg14 : memref<64x16xf32, #tpu.memory_space<vmem>>) dst(%dma_wait3A_194 : memref<10240x16xf32, #tpu.memory_space<vmem_shared>>)
              tpu.yield
            }) : () -> ()
          } else {
            %mul3A_167 = arith.constant 64 : i32
            %mul3A_168 = arith.muli %while3A_145, %mul3A_167 : i32
            %dma_wait3A = tpu.memref_slice %arg9[%mul3A_168] : memref<5056xi32, #tpu.memory_space<vmem>> -> memref<64xi32, #tpu.memory_space<vmem>>
            %dma_wait3A_169 = arith.constant 0 : i32
            %dma_wait3A_170 = arith.constant 0 : i32
            %dma_wait3A_171 = tpu.memref_slice %arg2[%dma_wait3A_169, %dma_wait3A_170] : memref<81920x128xf32, #tpu.memory_space<hbm>> -> memref<81920x128xf32, #tpu.memory_space<hbm>>
            tpu.wait_indirect_dma semaphore(%arg20 : memref<!tpu.dma_semaphore, #tpu.memory_space<semaphore_mem>>) src(%dma_wait3A_171 : memref<81920x128xf32, #tpu.memory_space<hbm>>) dst(%arg13 : memref<64x128xf32, #tpu.memory_space<vmem>>)
            %mul3A_172 = arith.constant 64 : i32
            %mul3A_173 = arith.muli %while3A_145, %mul3A_172 : i32
            %dma_wait3A_174 = tpu.memref_slice %arg9[%mul3A_173] : memref<5056xi32, #tpu.memory_space<vmem>> -> memref<64xi32, #tpu.memory_space<vmem>>
            %dma_wait3A_175 = arith.constant 0 : i32
            %dma_wait3A_176 = arith.constant 0 : i32
            %dma_wait3A_177 = tpu.memref_slice %arg3[%dma_wait3A_175, %dma_wait3A_176] : memref<81920x16xf32, #tpu.memory_space<hbm>> -> memref<81920x16xf32, #tpu.memory_space<hbm>>
            tpu.wait_indirect_dma semaphore(%arg22 : memref<!tpu.dma_semaphore, #tpu.memory_space<semaphore_mem>>) src(%dma_wait3A_177 : memref<81920x16xf32, #tpu.memory_space<hbm>>) dst(%arg15 : memref<64x16xf32, #tpu.memory_space<vmem>>)
            %add3A_178 = arith.constant 1 : i32
            %add3A_179 = arith.addi %while3A_145, %add3A_178 : i32
            %lt3A_180 = arith.cmpi slt, %add3A_179, %select_n3A : i32
            %convert_element_type3A_181 = arith.extui %lt3A_180 : i1 to i32
            %cond3A_182 = arith.constant 0 : i32
            %cond3A_183 = arith.cmpi ne, %convert_element_type3A_181, %cond3A_182 : i32
            scf.if %cond3A_183 {
              %add3A_184 = arith.constant 1 : i32
              %add3A_185 = arith.addi %while3A_145, %add3A_184 : i32
              %min3A = arith.constant 78 : i32
              %min3A_186 = arith.minsi %add3A_185, %min3A : i32
              %mul3A_187 = arith.constant 64 : i32
              %mul3A_188 = arith.muli %min3A_186, %mul3A_187 : i32
              %dma_start3A = tpu.memref_slice %arg9[%mul3A_188] : memref<5056xi32, #tpu.memory_space<vmem>> -> memref<64xi32, #tpu.memory_space<vmem>>
              %dma_start3A_189 = arith.constant 0 : i32
              %dma_start3A_190 = arith.constant 0 : i32
              %dma_start3A_191 = tpu.memref_slice %arg2[%dma_start3A_189, %dma_start3A_190] : memref<81920x128xf32, #tpu.memory_space<hbm>> -> memref<81920x128xf32, #tpu.memory_space<hbm>>
              tpu.enqueue_indirect_dma source(%dma_start3A_191 : memref<81920x128xf32, #tpu.memory_space<hbm>>) target(%arg12 : memref<64x128xf32, #tpu.memory_space<vmem>>) offsets(%dma_start3A : memref<64xi32, #tpu.memory_space<vmem>>) semaphore(%arg19 : memref<!tpu.dma_semaphore, #tpu.memory_space<semaphore_mem>>)
              %mul3A_192 = arith.constant 64 : i32
              %mul3A_193 = arith.muli %min3A_186, %mul3A_192 : i32
              %dma_start3A_194 = tpu.memref_slice %arg9[%mul3A_193] : memref<5056xi32, #tpu.memory_space<vmem>> -> memref<64xi32, #tpu.memory_space<vmem>>
              %dma_start3A_195 = arith.constant 0 : i32
              %dma_start3A_196 = arith.constant 0 : i32
              %dma_start3A_197 = tpu.memref_slice %arg3[%dma_start3A_195, %dma_start3A_196] : memref<81920x16xf32, #tpu.memory_space<hbm>> -> memref<81920x16xf32, #tpu.memory_space<hbm>>
              tpu.enqueue_indirect_dma source(%dma_start3A_197 : memref<81920x16xf32, #tpu.memory_space<hbm>>) target(%arg14 : memref<64x16xf32, #tpu.memory_space<vmem>>) offsets(%dma_start3A_194 : memref<64xi32, #tpu.memory_space<vmem>>) semaphore(%arg21 : memref<!tpu.dma_semaphore, #tpu.memory_space<semaphore_mem>>)
            } else {
            }
            "tpu.region"() ({
              %run_scoped3A = tpu.sem_alloc : memref<!tpu.dma_semaphore, #tpu.memory_space<semaphore_mem>>
              %dma_start3A = arith.constant 0 : i32
              %dma_start3A_184 = tpu.memref_slice %arg11[%while3A_145, %dma_start3A] : memref<79x64xi32, #tpu.memory_space<vmem>> -> memref<1x64xi32, #tpu.memory_space<vmem>>
              %dma_start3A_185 = tpu.memref_squeeze %dma_start3A_184 : memref<1x64xi32, #tpu.memory_space<vmem>> -> memref<64xi32, #tpu.memory_space<vmem>>
              %dma_start3A_186 = arith.constant 0 : i32
              %dma_start3A_187 = arith.constant 0 : i32
              %dma_start3A_188 = tpu.memref_slice %arg17[%dma_start3A_186, %dma_start3A_187] : memref<10240x128xf32, #tpu.memory_space<vmem_shared>> -> memref<10240x128xf32, #tpu.memory_space<vmem_shared>>
              tpu.enqueue_indirect_dma source(%arg13 : memref<64x128xf32, #tpu.memory_space<vmem>>) target(%dma_start3A_188 : memref<10240x128xf32, #tpu.memory_space<vmem_shared>>) offsets(%dma_start3A_185 : memref<64xi32, #tpu.memory_space<vmem>>) semaphore(%run_scoped3A : memref<!tpu.dma_semaphore, #tpu.memory_space<semaphore_mem>>) {add = true}
              %dma_wait3A_189 = arith.constant 0 : i32
              %dma_wait3A_190 = tpu.memref_slice %arg11[%while3A_145, %dma_wait3A_189] : memref<79x64xi32, #tpu.memory_space<vmem>> -> memref<1x64xi32, #tpu.memory_space<vmem>>
              %dma_wait3A_191 = tpu.memref_squeeze %dma_wait3A_190 : memref<1x64xi32, #tpu.memory_space<vmem>> -> memref<64xi32, #tpu.memory_space<vmem>>
              %dma_wait3A_192 = arith.constant 0 : i32
              %dma_wait3A_193 = arith.constant 0 : i32
              %dma_wait3A_194 = tpu.memref_slice %arg17[%dma_wait3A_192, %dma_wait3A_193] : memref<10240x128xf32, #tpu.memory_space<vmem_shared>> -> memref<10240x128xf32, #tpu.memory_space<vmem_shared>>
              tpu.wait_indirect_dma semaphore(%run_scoped3A : memref<!tpu.dma_semaphore, #tpu.memory_space<semaphore_mem>>) src(%arg13 : memref<64x128xf32, #tpu.memory_space<vmem>>) dst(%dma_wait3A_194 : memref<10240x128xf32, #tpu.memory_space<vmem_shared>>)
              tpu.yield
            }) : () -> ()
            "tpu.region"() ({
              %run_scoped3A = tpu.sem_alloc : memref<!tpu.dma_semaphore, #tpu.memory_space<semaphore_mem>>
              %dma_start3A = arith.constant 0 : i32
              %dma_start3A_184 = tpu.memref_slice %arg11[%while3A_145, %dma_start3A] : memref<79x64xi32, #tpu.memory_space<vmem>> -> memref<1x64xi32, #tpu.memory_space<vmem>>
              %dma_start3A_185 = tpu.memref_squeeze %dma_start3A_184 : memref<1x64xi32, #tpu.memory_space<vmem>> -> memref<64xi32, #tpu.memory_space<vmem>>
              %dma_start3A_186 = arith.constant 0 : i32
              %dma_start3A_187 = arith.constant 0 : i32
              %dma_start3A_188 = tpu.memref_slice %arg18[%dma_start3A_186, %dma_start3A_187] : memref<10240x16xf32, #tpu.memory_space<vmem_shared>> -> memref<10240x16xf32, #tpu.memory_space<vmem_shared>>
              tpu.enqueue_indirect_dma source(%arg15 : memref<64x16xf32, #tpu.memory_space<vmem>>) target(%dma_start3A_188 : memref<10240x16xf32, #tpu.memory_space<vmem_shared>>) offsets(%dma_start3A_185 : memref<64xi32, #tpu.memory_space<vmem>>) semaphore(%run_scoped3A : memref<!tpu.dma_semaphore, #tpu.memory_space<semaphore_mem>>) {add = true}
              %dma_wait3A_189 = arith.constant 0 : i32
              %dma_wait3A_190 = tpu.memref_slice %arg11[%while3A_145, %dma_wait3A_189] : memref<79x64xi32, #tpu.memory_space<vmem>> -> memref<1x64xi32, #tpu.memory_space<vmem>>
              %dma_wait3A_191 = tpu.memref_squeeze %dma_wait3A_190 : memref<1x64xi32, #tpu.memory_space<vmem>> -> memref<64xi32, #tpu.memory_space<vmem>>
              %dma_wait3A_192 = arith.constant 0 : i32
              %dma_wait3A_193 = arith.constant 0 : i32
              %dma_wait3A_194 = tpu.memref_slice %arg18[%dma_wait3A_192, %dma_wait3A_193] : memref<10240x16xf32, #tpu.memory_space<vmem_shared>> -> memref<10240x16xf32, #tpu.memory_space<vmem_shared>>
              tpu.wait_indirect_dma semaphore(%run_scoped3A : memref<!tpu.dma_semaphore, #tpu.memory_space<semaphore_mem>>) src(%arg15 : memref<64x16xf32, #tpu.memory_space<vmem>>) dst(%dma_wait3A_194 : memref<10240x16xf32, #tpu.memory_space<vmem_shared>>)
              tpu.yield
            }) : () -> ()
          }
          %while3A_166 = arith.constant 0 : i32
          scf.yield %while3A_166 : i32
        }
        %while3A_142 = arith.constant 1 : i32
        %while3A_143 = scf.for %while3A_145 = %while3A_139 to %while3A_135 step %while3A_142 iter_args(%while3A_146 = %while3A_141) -> (i32)  : i32 {
          %jit3A_147 = arith.constant 2 : i32
          %eq3A = arith.constant 0 : i32
          %eq3A_148 = arith.cmpi eq, %jit3A_147, %eq3A : i32
          %jit3A_149 = arith.constant 1 : i32
          %select_n3A_150 = arith.select %eq3A_148, %jit3A_149, %jit3A_147 : i32
          %rem3A_151 = arith.remsi %while3A_145, %select_n3A_150 : i32
          %ne3A_152 = arith.constant 0 : i32
          %ne3A_153 = arith.cmpi ne, %rem3A_151, %ne3A_152 : i32
          %lt3A = arith.constant 0 : i32
          %lt3A_154 = arith.cmpi slt, %rem3A_151, %lt3A : i32
          %lt3A_155 = arith.constant 0 : i32
          %lt3A_156 = arith.cmpi slt, %select_n3A_150, %lt3A_155 : i32
          %ne3A_157 = arith.xori %lt3A_154, %lt3A_156 : i1
          %and3A_158 = arith.andi %ne3A_157, %ne3A_153 : i1
          %add3A_159 = arith.addi %rem3A_151, %select_n3A_150 : i32
          %select_n3A_160 = arith.select %and3A_158, %add3A_159, %rem3A_151 : i32
          %eq3A_161 = arith.constant 0 : i32
          %eq3A_162 = arith.cmpi eq, %select_n3A_160, %eq3A_161 : i32
          %convert_element_type3A_163 = arith.extui %eq3A_162 : i1 to i32
          %cond3A_164 = arith.constant 0 : i32
          %cond3A_165 = arith.cmpi ne, %convert_element_type3A_163, %cond3A_164 : i32
          scf.if %cond3A_165 {
            %mul3A_167 = arith.constant 64 : i32
            %mul3A_168 = arith.muli %while3A_145, %mul3A_167 : i32
            %dma_wait3A = tpu.memref_slice %arg9[%mul3A_168] : memref<5056xi32, #tpu.memory_space<vmem>> -> memref<64xi32, #tpu.memory_space<vmem>>
            %dma_wait3A_169 = arith.constant 0 : i32
            %dma_wait3A_170 = arith.constant 0 : i32
            %dma_wait3A_171 = tpu.memref_slice %arg2[%dma_wait3A_169, %dma_wait3A_170] : memref<81920x128xf32, #tpu.memory_space<hbm>> -> memref<81920x128xf32, #tpu.memory_space<hbm>>
            tpu.wait_indirect_dma semaphore(%arg19 : memref<!tpu.dma_semaphore, #tpu.memory_space<semaphore_mem>>) src(%dma_wait3A_171 : memref<81920x128xf32, #tpu.memory_space<hbm>>) dst(%arg12 : memref<64x128xf32, #tpu.memory_space<vmem>>)
            %mul3A_172 = arith.constant 64 : i32
            %mul3A_173 = arith.muli %while3A_145, %mul3A_172 : i32
            %dma_wait3A_174 = tpu.memref_slice %arg9[%mul3A_173] : memref<5056xi32, #tpu.memory_space<vmem>> -> memref<64xi32, #tpu.memory_space<vmem>>
            %dma_wait3A_175 = arith.constant 0 : i32
            %dma_wait3A_176 = arith.constant 0 : i32
            %dma_wait3A_177 = tpu.memref_slice %arg3[%dma_wait3A_175, %dma_wait3A_176] : memref<81920x16xf32, #tpu.memory_space<hbm>> -> memref<81920x16xf32, #tpu.memory_space<hbm>>
            tpu.wait_indirect_dma semaphore(%arg21 : memref<!tpu.dma_semaphore, #tpu.memory_space<semaphore_mem>>) src(%dma_wait3A_177 : memref<81920x16xf32, #tpu.memory_space<hbm>>) dst(%arg14 : memref<64x16xf32, #tpu.memory_space<vmem>>)
            %add3A_178 = arith.constant 1 : i32
            %add3A_179 = arith.addi %while3A_145, %add3A_178 : i32
            %lt3A_180 = arith.cmpi slt, %add3A_179, %select_n3A : i32
            %convert_element_type3A_181 = arith.extui %lt3A_180 : i1 to i32
            %cond3A_182 = arith.constant 0 : i32
            %cond3A_183 = arith.cmpi ne, %convert_element_type3A_181, %cond3A_182 : i32
            scf.if %cond3A_183 {
              %add3A_184 = arith.constant 1 : i32
              %add3A_185 = arith.addi %while3A_145, %add3A_184 : i32
              %min3A = arith.constant 78 : i32
              %min3A_186 = arith.minsi %add3A_185, %min3A : i32
              %mul3A_187 = arith.constant 64 : i32
              %mul3A_188 = arith.muli %min3A_186, %mul3A_187 : i32
              %dma_start3A = tpu.memref_slice %arg9[%mul3A_188] : memref<5056xi32, #tpu.memory_space<vmem>> -> memref<64xi32, #tpu.memory_space<vmem>>
              %dma_start3A_189 = arith.constant 0 : i32
              %dma_start3A_190 = arith.constant 0 : i32
              %dma_start3A_191 = tpu.memref_slice %arg2[%dma_start3A_189, %dma_start3A_190] : memref<81920x128xf32, #tpu.memory_space<hbm>> -> memref<81920x128xf32, #tpu.memory_space<hbm>>
              tpu.enqueue_indirect_dma source(%dma_start3A_191 : memref<81920x128xf32, #tpu.memory_space<hbm>>) target(%arg13 : memref<64x128xf32, #tpu.memory_space<vmem>>) offsets(%dma_start3A : memref<64xi32, #tpu.memory_space<vmem>>) semaphore(%arg20 : memref<!tpu.dma_semaphore, #tpu.memory_space<semaphore_mem>>)
              %mul3A_192 = arith.constant 64 : i32
              %mul3A_193 = arith.muli %min3A_186, %mul3A_192 : i32
              %dma_start3A_194 = tpu.memref_slice %arg9[%mul3A_193] : memref<5056xi32, #tpu.memory_space<vmem>> -> memref<64xi32, #tpu.memory_space<vmem>>
              %dma_start3A_195 = arith.constant 0 : i32
              %dma_start3A_196 = arith.constant 0 : i32
              %dma_start3A_197 = tpu.memref_slice %arg3[%dma_start3A_195, %dma_start3A_196] : memref<81920x16xf32, #tpu.memory_space<hbm>> -> memref<81920x16xf32, #tpu.memory_space<hbm>>
              tpu.enqueue_indirect_dma source(%dma_start3A_197 : memref<81920x16xf32, #tpu.memory_space<hbm>>) target(%arg15 : memref<64x16xf32, #tpu.memory_space<vmem>>) offsets(%dma_start3A_194 : memref<64xi32, #tpu.memory_space<vmem>>) semaphore(%arg22 : memref<!tpu.dma_semaphore, #tpu.memory_space<semaphore_mem>>)
            } else {
            }
            "tpu.region"() ({
              %run_scoped3A = tpu.sem_alloc : memref<!tpu.dma_semaphore, #tpu.memory_space<semaphore_mem>>
              %dma_start3A = arith.constant 0 : i32
              %dma_start3A_184 = tpu.memref_slice %arg11[%while3A_145, %dma_start3A] : memref<79x64xi32, #tpu.memory_space<vmem>> -> memref<1x64xi32, #tpu.memory_space<vmem>>
              %dma_start3A_185 = tpu.memref_squeeze %dma_start3A_184 : memref<1x64xi32, #tpu.memory_space<vmem>> -> memref<64xi32, #tpu.memory_space<vmem>>
              %dma_start3A_186 = arith.constant 0 : i32
              %dma_start3A_187 = arith.constant 0 : i32
              %dma_start3A_188 = tpu.memref_slice %arg17[%dma_start3A_186, %dma_start3A_187] : memref<10240x128xf32, #tpu.memory_space<vmem_shared>> -> memref<10240x128xf32, #tpu.memory_space<vmem_shared>>
              tpu.enqueue_indirect_dma source(%arg12 : memref<64x128xf32, #tpu.memory_space<vmem>>) target(%dma_start3A_188 : memref<10240x128xf32, #tpu.memory_space<vmem_shared>>) offsets(%dma_start3A_185 : memref<64xi32, #tpu.memory_space<vmem>>) semaphore(%run_scoped3A : memref<!tpu.dma_semaphore, #tpu.memory_space<semaphore_mem>>) {add = true}
              %dma_wait3A_189 = arith.constant 0 : i32
              %dma_wait3A_190 = tpu.memref_slice %arg11[%while3A_145, %dma_wait3A_189] : memref<79x64xi32, #tpu.memory_space<vmem>> -> memref<1x64xi32, #tpu.memory_space<vmem>>
              %dma_wait3A_191 = tpu.memref_squeeze %dma_wait3A_190 : memref<1x64xi32, #tpu.memory_space<vmem>> -> memref<64xi32, #tpu.memory_space<vmem>>
              %dma_wait3A_192 = arith.constant 0 : i32
              %dma_wait3A_193 = arith.constant 0 : i32
              %dma_wait3A_194 = tpu.memref_slice %arg17[%dma_wait3A_192, %dma_wait3A_193] : memref<10240x128xf32, #tpu.memory_space<vmem_shared>> -> memref<10240x128xf32, #tpu.memory_space<vmem_shared>>
              tpu.wait_indirect_dma semaphore(%run_scoped3A : memref<!tpu.dma_semaphore, #tpu.memory_space<semaphore_mem>>) src(%arg12 : memref<64x128xf32, #tpu.memory_space<vmem>>) dst(%dma_wait3A_194 : memref<10240x128xf32, #tpu.memory_space<vmem_shared>>)
              tpu.yield
            }) : () -> ()
            "tpu.region"() ({
              %run_scoped3A = tpu.sem_alloc : memref<!tpu.dma_semaphore, #tpu.memory_space<semaphore_mem>>
              %dma_start3A = arith.constant 0 : i32
              %dma_start3A_184 = tpu.memref_slice %arg11[%while3A_145, %dma_start3A] : memref<79x64xi32, #tpu.memory_space<vmem>> -> memref<1x64xi32, #tpu.memory_space<vmem>>
              %dma_start3A_185 = tpu.memref_squeeze %dma_start3A_184 : memref<1x64xi32, #tpu.memory_space<vmem>> -> memref<64xi32, #tpu.memory_space<vmem>>
              %dma_start3A_186 = arith.constant 0 : i32
              %dma_start3A_187 = arith.constant 0 : i32
              %dma_start3A_188 = tpu.memref_slice %arg18[%dma_start3A_186, %dma_start3A_187] : memref<10240x16xf32, #tpu.memory_space<vmem_shared>> -> memref<10240x16xf32, #tpu.memory_space<vmem_shared>>
              tpu.enqueue_indirect_dma source(%arg14 : memref<64x16xf32, #tpu.memory_space<vmem>>) target(%dma_start3A_188 : memref<10240x16xf32, #tpu.memory_space<vmem_shared>>) offsets(%dma_start3A_185 : memref<64xi32, #tpu.memory_space<vmem>>) semaphore(%run_scoped3A : memref<!tpu.dma_semaphore, #tpu.memory_space<semaphore_mem>>) {add = true}
              %dma_wait3A_189 = arith.constant 0 : i32
              %dma_wait3A_190 = tpu.memref_slice %arg11[%while3A_145, %dma_wait3A_189] : memref<79x64xi32, #tpu.memory_space<vmem>> -> memref<1x64xi32, #tpu.memory_space<vmem>>
              %dma_wait3A_191 = tpu.memref_squeeze %dma_wait3A_190 : memref<1x64xi32, #tpu.memory_space<vmem>> -> memref<64xi32, #tpu.memory_space<vmem>>
              %dma_wait3A_192 = arith.constant 0 : i32
              %dma_wait3A_193 = arith.constant 0 : i32
              %dma_wait3A_194 = tpu.memref_slice %arg18[%dma_wait3A_192, %dma_wait3A_193] : memref<10240x16xf32, #tpu.memory_space<vmem_shared>> -> memref<10240x16xf32, #tpu.memory_space<vmem_shared>>
              tpu.wait_indirect_dma semaphore(%run_scoped3A : memref<!tpu.dma_semaphore, #tpu.memory_space<semaphore_mem>>) src(%arg14 : memref<64x16xf32, #tpu.memory_space<vmem>>) dst(%dma_wait3A_194 : memref<10240x16xf32, #tpu.memory_space<vmem_shared>>)
              tpu.yield
            }) : () -> ()
          } else {
            %mul3A_167 = arith.constant 64 : i32
            %mul3A_168 = arith.muli %while3A_145, %mul3A_167 : i32
            %dma_wait3A = tpu.memref_slice %arg9[%mul3A_168] : memref<5056xi32, #tpu.memory_space<vmem>> -> memref<64xi32, #tpu.memory_space<vmem>>
            %dma_wait3A_169 = arith.constant 0 : i32
            %dma_wait3A_170 = arith.constant 0 : i32
            %dma_wait3A_171 = tpu.memref_slice %arg2[%dma_wait3A_169, %dma_wait3A_170] : memref<81920x128xf32, #tpu.memory_space<hbm>> -> memref<81920x128xf32, #tpu.memory_space<hbm>>
            tpu.wait_indirect_dma semaphore(%arg20 : memref<!tpu.dma_semaphore, #tpu.memory_space<semaphore_mem>>) src(%dma_wait3A_171 : memref<81920x128xf32, #tpu.memory_space<hbm>>) dst(%arg13 : memref<64x128xf32, #tpu.memory_space<vmem>>)
            %mul3A_172 = arith.constant 64 : i32
            %mul3A_173 = arith.muli %while3A_145, %mul3A_172 : i32
            %dma_wait3A_174 = tpu.memref_slice %arg9[%mul3A_173] : memref<5056xi32, #tpu.memory_space<vmem>> -> memref<64xi32, #tpu.memory_space<vmem>>
            %dma_wait3A_175 = arith.constant 0 : i32
            %dma_wait3A_176 = arith.constant 0 : i32
            %dma_wait3A_177 = tpu.memref_slice %arg3[%dma_wait3A_175, %dma_wait3A_176] : memref<81920x16xf32, #tpu.memory_space<hbm>> -> memref<81920x16xf32, #tpu.memory_space<hbm>>
            tpu.wait_indirect_dma semaphore(%arg22 : memref<!tpu.dma_semaphore, #tpu.memory_space<semaphore_mem>>) src(%dma_wait3A_177 : memref<81920x16xf32, #tpu.memory_space<hbm>>) dst(%arg15 : memref<64x16xf32, #tpu.memory_space<vmem>>)
            %add3A_178 = arith.constant 1 : i32
            %add3A_179 = arith.addi %while3A_145, %add3A_178 : i32
            %lt3A_180 = arith.cmpi slt, %add3A_179, %select_n3A : i32
            %convert_element_type3A_181 = arith.extui %lt3A_180 : i1 to i32
            %cond3A_182 = arith.constant 0 : i32
            %cond3A_183 = arith.cmpi ne, %convert_element_type3A_181, %cond3A_182 : i32
            scf.if %cond3A_183 {
              %add3A_184 = arith.constant 1 : i32
              %add3A_185 = arith.addi %while3A_145, %add3A_184 : i32
              %min3A = arith.constant 78 : i32
              %min3A_186 = arith.minsi %add3A_185, %min3A : i32
              %mul3A_187 = arith.constant 64 : i32
              %mul3A_188 = arith.muli %min3A_186, %mul3A_187 : i32
              %dma_start3A = tpu.memref_slice %arg9[%mul3A_188] : memref<5056xi32, #tpu.memory_space<vmem>> -> memref<64xi32, #tpu.memory_space<vmem>>
              %dma_start3A_189 = arith.constant 0 : i32
              %dma_start3A_190 = arith.constant 0 : i32
              %dma_start3A_191 = tpu.memref_slice %arg2[%dma_start3A_189, %dma_start3A_190] : memref<81920x128xf32, #tpu.memory_space<hbm>> -> memref<81920x128xf32, #tpu.memory_space<hbm>>
              tpu.enqueue_indirect_dma source(%dma_start3A_191 : memref<81920x128xf32, #tpu.memory_space<hbm>>) target(%arg12 : memref<64x128xf32, #tpu.memory_space<vmem>>) offsets(%dma_start3A : memref<64xi32, #tpu.memory_space<vmem>>) semaphore(%arg19 : memref<!tpu.dma_semaphore, #tpu.memory_space<semaphore_mem>>)
              %mul3A_192 = arith.constant 64 : i32
              %mul3A_193 = arith.muli %min3A_186, %mul3A_192 : i32
              %dma_start3A_194 = tpu.memref_slice %arg9[%mul3A_193] : memref<5056xi32, #tpu.memory_space<vmem>> -> memref<64xi32, #tpu.memory_space<vmem>>
              %dma_start3A_195 = arith.constant 0 : i32
              %dma_start3A_196 = arith.constant 0 : i32
              %dma_start3A_197 = tpu.memref_slice %arg3[%dma_start3A_195, %dma_start3A_196] : memref<81920x16xf32, #tpu.memory_space<hbm>> -> memref<81920x16xf32, #tpu.memory_space<hbm>>
              tpu.enqueue_indirect_dma source(%dma_start3A_197 : memref<81920x16xf32, #tpu.memory_space<hbm>>) target(%arg14 : memref<64x16xf32, #tpu.memory_space<vmem>>) offsets(%dma_start3A_194 : memref<64xi32, #tpu.memory_space<vmem>>) semaphore(%arg21 : memref<!tpu.dma_semaphore, #tpu.memory_space<semaphore_mem>>)
            } else {
            }
            "tpu.region"() ({
              %run_scoped3A = tpu.sem_alloc : memref<!tpu.dma_semaphore, #tpu.memory_space<semaphore_mem>>
              %dma_start3A = arith.constant 0 : i32
              %dma_start3A_184 = tpu.memref_slice %arg11[%while3A_145, %dma_start3A] : memref<79x64xi32, #tpu.memory_space<vmem>> -> memref<1x64xi32, #tpu.memory_space<vmem>>
              %dma_start3A_185 = tpu.memref_squeeze %dma_start3A_184 : memref<1x64xi32, #tpu.memory_space<vmem>> -> memref<64xi32, #tpu.memory_space<vmem>>
              %dma_start3A_186 = arith.constant 0 : i32
              %dma_start3A_187 = arith.constant 0 : i32
              %dma_start3A_188 = tpu.memref_slice %arg17[%dma_start3A_186, %dma_start3A_187] : memref<10240x128xf32, #tpu.memory_space<vmem_shared>> -> memref<10240x128xf32, #tpu.memory_space<vmem_shared>>
              tpu.enqueue_indirect_dma source(%arg13 : memref<64x128xf32, #tpu.memory_space<vmem>>) target(%dma_start3A_188 : memref<10240x128xf32, #tpu.memory_space<vmem_shared>>) offsets(%dma_start3A_185 : memref<64xi32, #tpu.memory_space<vmem>>) semaphore(%run_scoped3A : memref<!tpu.dma_semaphore, #tpu.memory_space<semaphore_mem>>) {add = true}
              %dma_wait3A_189 = arith.constant 0 : i32
              %dma_wait3A_190 = tpu.memref_slice %arg11[%while3A_145, %dma_wait3A_189] : memref<79x64xi32, #tpu.memory_space<vmem>> -> memref<1x64xi32, #tpu.memory_space<vmem>>
              %dma_wait3A_191 = tpu.memref_squeeze %dma_wait3A_190 : memref<1x64xi32, #tpu.memory_space<vmem>> -> memref<64xi32, #tpu.memory_space<vmem>>
              %dma_wait3A_192 = arith.constant 0 : i32
              %dma_wait3A_193 = arith.constant 0 : i32
              %dma_wait3A_194 = tpu.memref_slice %arg17[%dma_wait3A_192, %dma_wait3A_193] : memref<10240x128xf32, #tpu.memory_space<vmem_shared>> -> memref<10240x128xf32, #tpu.memory_space<vmem_shared>>
              tpu.wait_indirect_dma semaphore(%run_scoped3A : memref<!tpu.dma_semaphore, #tpu.memory_space<semaphore_mem>>) src(%arg13 : memref<64x128xf32, #tpu.memory_space<vmem>>) dst(%dma_wait3A_194 : memref<10240x128xf32, #tpu.memory_space<vmem_shared>>)
              tpu.yield
            }) : () -> ()
            "tpu.region"() ({
              %run_scoped3A = tpu.sem_alloc : memref<!tpu.dma_semaphore, #tpu.memory_space<semaphore_mem>>
              %dma_start3A = arith.constant 0 : i32
              %dma_start3A_184 = tpu.memref_slice %arg11[%while3A_145, %dma_start3A] : memref<79x64xi32, #tpu.memory_space<vmem>> -> memref<1x64xi32, #tpu.memory_space<vmem>>
              %dma_start3A_185 = tpu.memref_squeeze %dma_start3A_184 : memref<1x64xi32, #tpu.memory_space<vmem>> -> memref<64xi32, #tpu.memory_space<vmem>>
              %dma_start3A_186 = arith.constant 0 : i32
              %dma_start3A_187 = arith.constant 0 : i32
              %dma_start3A_188 = tpu.memref_slice %arg18[%dma_start3A_186, %dma_start3A_187] : memref<10240x16xf32, #tpu.memory_space<vmem_shared>> -> memref<10240x16xf32, #tpu.memory_space<vmem_shared>>
              tpu.enqueue_indirect_dma source(%arg15 : memref<64x16xf32, #tpu.memory_space<vmem>>) target(%dma_start3A_188 : memref<10240x16xf32, #tpu.memory_space<vmem_shared>>) offsets(%dma_start3A_185 : memref<64xi32, #tpu.memory_space<vmem>>) semaphore(%run_scoped3A : memref<!tpu.dma_semaphore, #tpu.memory_space<semaphore_mem>>) {add = true}
              %dma_wait3A_189 = arith.constant 0 : i32
              %dma_wait3A_190 = tpu.memref_slice %arg11[%while3A_145, %dma_wait3A_189] : memref<79x64xi32, #tpu.memory_space<vmem>> -> memref<1x64xi32, #tpu.memory_space<vmem>>
              %dma_wait3A_191 = tpu.memref_squeeze %dma_wait3A_190 : memref<1x64xi32, #tpu.memory_space<vmem>> -> memref<64xi32, #tpu.memory_space<vmem>>
              %dma_wait3A_192 = arith.constant 0 : i32
              %dma_wait3A_193 = arith.constant 0 : i32
              %dma_wait3A_194 = tpu.memref_slice %arg18[%dma_wait3A_192, %dma_wait3A_193] : memref<10240x16xf32, #tpu.memory_space<vmem_shared>> -> memref<10240x16xf32, #tpu.memory_space<vmem_shared>>
              tpu.wait_indirect_dma semaphore(%run_scoped3A : memref<!tpu.dma_semaphore, #tpu.memory_space<semaphore_mem>>) src(%arg15 : memref<64x16xf32, #tpu.memory_space<vmem>>) dst(%dma_wait3A_194 : memref<10240x16xf32, #tpu.memory_space<vmem_shared>>)
              tpu.yield
            }) : () -> ()
          }
          %while3A_166 = arith.constant 0 : i32
          scf.yield %while3A_166 : i32
        }
        %scan3A_144 = arith.constant 0 : i32
        scf.yield %scan3A_144 : i32
      }
      %scan3A_56 = arith.constant 2 : i32
      %barrier3A = arith.constant 0 : index
      tpu.barrier barrier_id(%barrier3A)
      %scan3A_57 = arith.constant 0 : i32
      %scan3A_58 = arith.constant 0 : i32
      %scan3A_59 = arith.constant 10 : i32
      %scan3A_60 = arith.addi %scan3A_58, %scan3A_59 : i32
      %scan3A_61 = arith.constant 1 : i32
      %scan3A_62 = scf.for %scan3A_73 = %scan3A_58 to %scan3A_60 step %scan3A_61 iter_args(%scan3A_74 = %scan3A_57) -> (i32)  : i32 {
        %mul3A_75 = arith.constant 640 : i32
        %mul3A_76 = arith.muli %arg1, %mul3A_75 : i32
        %mul3A_77 = arith.constant 64 : i32
        %mul3A_78 = arith.muli %scan3A_73, %mul3A_77 : i32
        %add3A_79 = arith.addi %mul3A_76, %mul3A_78 : i32
        "tpu.region"() ({
          %run_scoped3A = tpu.sem_alloc : memref<!tpu.dma_semaphore, #tpu.memory_space<semaphore_mem>>
          %dma_start3A = arith.constant 0 : i32
          %dma_start3A_81 = tpu.memref_slice %arg7[%arg0, %scan3A_8, %add3A_79, %dma_start3A] : memref<2x8x10240x128xf32, #tpu.memory_space<hbm>> -> memref<1x1x64x128xf32, #tpu.memory_space<hbm>>
          %dma_start3A_82 = tpu.memref_squeeze %dma_start3A_81 : memref<1x1x64x128xf32, #tpu.memory_space<hbm>> -> memref<64x128xf32, #tpu.memory_space<hbm>>
          %dma_start3A_83 = arith.constant 0 : i32
          %dma_start3A_84 = tpu.memref_slice %arg17[%add3A_79, %dma_start3A_83] : memref<10240x128xf32, #tpu.memory_space<vmem_shared>> -> memref<64x128xf32, #tpu.memory_space<vmem_shared>>
          tpu.enqueue_dma source(%dma_start3A_84 : memref<64x128xf32, #tpu.memory_space<vmem_shared>>) target(%dma_start3A_82 : memref<64x128xf32, #tpu.memory_space<hbm>>) target_semaphore(%run_scoped3A : memref<!tpu.dma_semaphore, #tpu.memory_space<semaphore_mem>>)
          %dma_wait3A = arith.constant 0 : i32
          %dma_wait3A_85 = tpu.memref_slice %arg7[%arg0, %scan3A_8, %add3A_79, %dma_wait3A] : memref<2x8x10240x128xf32, #tpu.memory_space<hbm>> -> memref<1x1x64x128xf32, #tpu.memory_space<hbm>>
          %dma_wait3A_86 = tpu.memref_squeeze %dma_wait3A_85 : memref<1x1x64x128xf32, #tpu.memory_space<hbm>> -> memref<64x128xf32, #tpu.memory_space<hbm>>
          %dma_wait3A_87 = arith.constant 0 : i32
          %dma_wait3A_88 = tpu.memref_slice %arg17[%add3A_79, %dma_wait3A_87] : memref<10240x128xf32, #tpu.memory_space<vmem_shared>> -> memref<64x128xf32, #tpu.memory_space<vmem_shared>>
          tpu.wait_dma2 semaphore(%run_scoped3A : memref<!tpu.dma_semaphore, #tpu.memory_space<semaphore_mem>>) src(%dma_wait3A_88 : memref<64x128xf32, #tpu.memory_space<vmem_shared>>) dst(%dma_wait3A_86 : memref<64x128xf32, #tpu.memory_space<hbm>>)
          tpu.yield
        }) : () -> ()
        %scan3A_80 = arith.constant 0 : i32
        scf.yield %scan3A_80 : i32
      }
      %scan3A_63 = arith.constant 10 : i32
      %scan3A_64 = arith.constant 0 : i32
      %scan3A_65 = arith.constant 0 : i32
      %scan3A_66 = arith.constant 10 : i32
      %scan3A_67 = arith.addi %scan3A_65, %scan3A_66 : i32
      %scan3A_68 = arith.constant 1 : i32
      %scan3A_69 = scf.for %scan3A_73 = %scan3A_65 to %scan3A_67 step %scan3A_68 iter_args(%scan3A_74 = %scan3A_64) -> (i32)  : i32 {
        %mul3A_75 = arith.constant 640 : i32
        %mul3A_76 = arith.muli %arg1, %mul3A_75 : i32
        %mul3A_77 = arith.constant 64 : i32
        %mul3A_78 = arith.muli %scan3A_73, %mul3A_77 : i32
        %add3A_79 = arith.addi %mul3A_76, %mul3A_78 : i32
        "tpu.region"() ({
          %run_scoped3A = tpu.sem_alloc : memref<!tpu.dma_semaphore, #tpu.memory_space<semaphore_mem>>
          %dma_start3A = arith.constant 0 : i32
          %dma_start3A_81 = tpu.memref_slice %arg8[%arg0, %scan3A_8, %add3A_79, %dma_start3A] : memref<2x8x10240x16xf32, #tpu.memory_space<hbm>> -> memref<1x1x64x16xf32, #tpu.memory_space<hbm>>
          %dma_start3A_82 = tpu.memref_squeeze %dma_start3A_81 : memref<1x1x64x16xf32, #tpu.memory_space<hbm>> -> memref<64x16xf32, #tpu.memory_space<hbm>>
          %dma_start3A_83 = arith.constant 0 : i32
          %dma_start3A_84 = tpu.memref_slice %arg18[%add3A_79, %dma_start3A_83] : memref<10240x16xf32, #tpu.memory_space<vmem_shared>> -> memref<64x16xf32, #tpu.memory_space<vmem_shared>>
          tpu.enqueue_dma source(%dma_start3A_84 : memref<64x16xf32, #tpu.memory_space<vmem_shared>>) target(%dma_start3A_82 : memref<64x16xf32, #tpu.memory_space<hbm>>) target_semaphore(%run_scoped3A : memref<!tpu.dma_semaphore, #tpu.memory_space<semaphore_mem>>)
          %dma_wait3A = arith.constant 0 : i32
          %dma_wait3A_85 = tpu.memref_slice %arg8[%arg0, %scan3A_8, %add3A_79, %dma_wait3A] : memref<2x8x10240x16xf32, #tpu.memory_space<hbm>> -> memref<1x1x64x16xf32, #tpu.memory_space<hbm>>
          %dma_wait3A_86 = tpu.memref_squeeze %dma_wait3A_85 : memref<1x1x64x16xf32, #tpu.memory_space<hbm>> -> memref<64x16xf32, #tpu.memory_space<hbm>>
          %dma_wait3A_87 = arith.constant 0 : i32
          %dma_wait3A_88 = tpu.memref_slice %arg18[%add3A_79, %dma_wait3A_87] : memref<10240x16xf32, #tpu.memory_space<vmem_shared>> -> memref<64x16xf32, #tpu.memory_space<vmem_shared>>
          tpu.wait_dma2 semaphore(%run_scoped3A : memref<!tpu.dma_semaphore, #tpu.memory_space<semaphore_mem>>) src(%dma_wait3A_88 : memref<64x16xf32, #tpu.memory_space<vmem_shared>>) dst(%dma_wait3A_86 : memref<64x16xf32, #tpu.memory_space<hbm>>)
          tpu.yield
        }) : () -> ()
        %scan3A_80 = arith.constant 0 : i32
        scf.yield %scan3A_80 : i32
      }
      %scan3A_70 = arith.constant 10 : i32
      %barrier3A_71 = arith.constant 0 : index
      tpu.barrier barrier_id(%barrier3A_71)
      %scan3A_72 = arith.constant 0 : i32
      scf.yield %scan3A_72 : i32
    }
    %scan3A_7 = arith.constant 8 : i32
    return
  }
}

module attributes {stable_mosaic.version = 14 : i64} {
  func.func @_tca_body(%arg0: i32, %arg1: memref<32x640xf32, #tpu.memory_space<vmem>>, %arg2: memref<640x128xf32, #tpu.memory_space<vmem>>, %arg3: memref<640x1xf32, #tpu.memory_space<vmem>>, %arg4: memref<640x128xf32, #tpu.memory_space<vmem>>, %arg5: memref<640x16xf32, #tpu.memory_space<vmem>>) attributes {dimension_semantics = [#tpu.dimension_semantics<arbitrary>], iteration_bounds = array<i64: 128>, scalar_prefetch = 0 : i64, scratch_operands = 0 : i64, tpu.core_type = #tpu.core_type<tc>, window_params = [{transform_indices = @transform_0, window_bounds = array<i64: 32, 640>}, {transform_indices = @transform_1, window_bounds = array<i64: 640, 128>}, {transform_indices = @transform_2, window_bounds = array<i64: 640, 1>}, {transform_indices = @transform_3, window_bounds = array<i64: 640, 128>}, {transform_indices = @transform_4, window_bounds = array<i64: 640, 16>}]} {
    %get3A = arith.constant 0 : index
    %get3A_0 = arith.constant 0 : index
    %get3A_1 = vector.load %arg1[%get3A, %get3A_0] : memref<32x640xf32, #tpu.memory_space<vmem>>, vector<32x640xf32>
    %reduce_sum3A = arith.constant dense<0.000000e+00> : vector<640xf32>
    %reduce_sum3A_2 = vector.multi_reduction <add>, %get3A_1, %reduce_sum3A [0] : vector<32x640xf32> to vector<640xf32>
    %add3A = arith.constant 1.000000e+00 : f32
    %add3A_3 = vector.broadcast %add3A : f32 to vector<640xf32>
    %add3A_4 = arith.addf %reduce_sum3A_2, %add3A_3 : vector<640xf32>
    %rsqrt3A = math.rsqrt %add3A_4 : vector<640xf32>
    %broadcast_in_dim3A = vector.shape_cast %rsqrt3A : vector<640xf32> to vector<640x1xf32>
    %swap3A = arith.constant 0 : index
    %swap3A_5 = arith.constant 0 : index
    %swap3A_6 = vector.load %arg3[%swap3A, %swap3A_5] : memref<640x1xf32, #tpu.memory_space<vmem>>, vector<640x1xf32>
    tpu.vector_store %arg3[%swap3A, %swap3A_5], %broadcast_in_dim3A {strides = array<i32>} : memref<640x1xf32, #tpu.memory_space<vmem>>, vector<640x1xf32>,
    %get3A_7 = arith.constant 0 : index
    %get3A_8 = arith.constant 0 : index
    %get3A_9 = vector.load %arg2[%get3A_7, %get3A_8] : memref<640x128xf32, #tpu.memory_space<vmem>>, vector<640x128xf32>
    %mul3A = vector.broadcast %broadcast_in_dim3A : vector<640x1xf32> to vector<640x128xf32>
    %mul3A_10 = arith.mulf %mul3A, %get3A_9 : vector<640x128xf32>
    %swap3A_11 = arith.constant 0 : index
    %swap3A_12 = arith.constant 0 : index
    %swap3A_13 = vector.load %arg4[%swap3A_11, %swap3A_12] : memref<640x128xf32, #tpu.memory_space<vmem>>, vector<640x128xf32>
    tpu.vector_store %arg4[%swap3A_11, %swap3A_12], %mul3A_10 {strides = array<i32>} : memref<640x128xf32, #tpu.memory_space<vmem>>, vector<640x128xf32>,
    %broadcast_in_dim3A_14 = arith.constant 0.000000e+00 : f32
    %broadcast_in_dim3A_15 = vector.broadcast %broadcast_in_dim3A_14 : f32 to vector<640x15xf32>
    %concatenate3A = tpu.concatenate %broadcast_in_dim3A, %broadcast_in_dim3A_15 in 1 : vector<640x1xf32>, vector<640x15xf32> -> vector<640x16xf32>
    %swap3A_16 = arith.constant 0 : index
    %swap3A_17 = arith.constant 0 : index
    %swap3A_18 = vector.load %arg5[%swap3A_16, %swap3A_17] : memref<640x16xf32, #tpu.memory_space<vmem>>, vector<640x16xf32>
    tpu.vector_store %arg5[%swap3A_16, %swap3A_17], %concatenate3A {strides = array<i32>} : memref<640x16xf32, #tpu.memory_space<vmem>>, vector<640x16xf32>,
    return
  }
  func.func @transform_0(%arg0: i32) -> (i32, i32) {
    %c0_i32 = arith.constant 0 : i32
    %c0_i32_0 = arith.constant 0 : i32
    return %c0_i32, %arg0 : i32, i32
  }
  func.func @transform_1(%arg0: i32) -> (i32, i32) {
    %jit3A = arith.constant 16 : i32
    %eq3A = arith.constant 0 : i32
    %eq3A_0 = arith.cmpi eq, %jit3A, %eq3A : i32
    %jit3A_1 = arith.constant 1 : i32
    %select_n3A = arith.select %eq3A_0, %jit3A_1, %jit3A : i32
    %rem3A = arith.remsi %arg0, %select_n3A : i32
    %ne3A = arith.constant 0 : i32
    %ne3A_2 = arith.cmpi ne, %rem3A, %ne3A : i32
    %lt3A = arith.constant 0 : i32
    %lt3A_3 = arith.cmpi slt, %rem3A, %lt3A : i32
    %lt3A_4 = arith.constant 0 : i32
    %lt3A_5 = arith.cmpi slt, %select_n3A, %lt3A_4 : i32
    %ne3A_6 = arith.xori %lt3A_3, %lt3A_5 : i1
    %and3A = arith.andi %ne3A_6, %ne3A_2 : i1
    %add3A = arith.addi %rem3A, %select_n3A : i32
    %select_n3A_7 = arith.select %and3A, %add3A, %rem3A : i32
    %c0_i32 = arith.constant 0 : i32
    %c0_i32_8 = arith.constant 0 : i32
    return %select_n3A_7, %c0_i32 : i32, i32
  }
  func.func @transform_2(%arg0: i32) -> (i32, i32) {
    %c0_i32 = arith.constant 0 : i32
    %c0_i32_0 = arith.constant 0 : i32
    return %arg0, %c0_i32 : i32, i32
  }
  func.func @transform_3(%arg0: i32) -> (i32, i32) {
    %c0_i32 = arith.constant 0 : i32
    %c0_i32_0 = arith.constant 0 : i32
    return %arg0, %c0_i32 : i32, i32
  }
  func.func @transform_4(%arg0: i32) -> (i32, i32) {
    %c0_i32 = arith.constant 0 : i32
    %c0_i32_0 = arith.constant 0 : i32
    return %arg0, %c0_i32 : i32, i32
  }
}

module attributes {stable_mosaic.version = 14 : i64} {
  func.func @_tcb_body(%arg0: i32, %arg1: memref<2x640x128xf32, #tpu.memory_space<vmem>>, %arg2: memref<640x128xf32, #tpu.memory_space<vmem>>, %arg3: memref<640x1xf32, #tpu.memory_space<vmem>>, %arg4: memref<640x128xf32, #tpu.memory_space<vmem>>) attributes {dimension_semantics = [#tpu.dimension_semantics<arbitrary>], iteration_bounds = array<i64: 128>, scalar_prefetch = 0 : i64, scratch_operands = 0 : i64, tpu.core_type = #tpu.core_type<tc>, window_params = [{transform_indices = @transform_0, window_bounds = array<i64: 2, 640, 128>}, {transform_indices = @transform_1, window_bounds = array<i64: 640, 128>}, {transform_indices = @transform_2, window_bounds = array<i64: 640, 1>}, {transform_indices = @transform_3, window_bounds = array<i64: 640, 128>}]} {
    %get3A = arith.constant 0 : index
    %get3A_0 = arith.constant 0 : index
    %get3A_1 = arith.constant 0 : index
    %get3A_2 = vector.load %arg1[%get3A, %get3A_0, %get3A_1] : memref<2x640x128xf32, #tpu.memory_space<vmem>>, vector<1x640x128xf32>
    %get3A_3 = vector.shape_cast %get3A_2 : vector<1x640x128xf32> to vector<640x128xf32>
    %get3A_4 = arith.constant 1 : index
    %get3A_5 = arith.constant 0 : index
    %get3A_6 = arith.constant 0 : index
    %get3A_7 = vector.load %arg1[%get3A_4, %get3A_5, %get3A_6] : memref<2x640x128xf32, #tpu.memory_space<vmem>>, vector<1x640x128xf32>
    %get3A_8 = vector.shape_cast %get3A_7 : vector<1x640x128xf32> to vector<640x128xf32>
    %add3A = arith.addf %get3A_3, %get3A_8 : vector<640x128xf32>
    %get3A_9 = arith.constant 0 : index
    %get3A_10 = arith.constant 0 : index
    %get3A_11 = vector.load %arg2[%get3A_9, %get3A_10] : memref<640x128xf32, #tpu.memory_space<vmem>>, vector<640x128xf32>
    %add3A_12 = arith.addf %add3A, %get3A_11 : vector<640x128xf32>
    %get3A_13 = arith.constant 0 : index
    %get3A_14 = arith.constant 0 : index
    %get3A_15 = vector.load %arg3[%get3A_13, %get3A_14] : memref<640x1xf32, #tpu.memory_space<vmem>>, vector<640x1xf32>
    %get3A_16 = arith.constant 0 : index
    %get3A_17 = arith.constant 0 : index
    %get3A_18 = vector.load %arg3[%get3A_16, %get3A_17] : memref<640x1xf32, #tpu.memory_space<vmem>>, vector<640x1xf32>
    %mul3A = arith.mulf %get3A_15, %get3A_18 : vector<640x1xf32>
    %mul3A_19 = vector.broadcast %mul3A : vector<640x1xf32> to vector<640x128xf32>
    %mul3A_20 = arith.mulf %mul3A_19, %add3A_12 : vector<640x128xf32>
    %swap3A = arith.constant 0 : index
    %swap3A_21 = arith.constant 0 : index
    %swap3A_22 = vector.load %arg4[%swap3A, %swap3A_21] : memref<640x128xf32, #tpu.memory_space<vmem>>, vector<640x128xf32>
    tpu.vector_store %arg4[%swap3A, %swap3A_21], %mul3A_20 {strides = array<i32>} : memref<640x128xf32, #tpu.memory_space<vmem>>, vector<640x128xf32>,
    return
  }
  func.func @transform_0(%arg0: i32) -> (i32, i32, i32) {
    %c0_i32 = arith.constant 0 : i32
    %c0_i32_0 = arith.constant 0 : i32
    %c0_i32_1 = arith.constant 0 : i32
    return %c0_i32, %arg0, %c0_i32_0 : i32, i32, i32
  }
  func.func @transform_1(%arg0: i32) -> (i32, i32) {
    %c0_i32 = arith.constant 0 : i32
    %c0_i32_0 = arith.constant 0 : i32
    return %arg0, %c0_i32 : i32, i32
  }
  func.func @transform_2(%arg0: i32) -> (i32, i32) {
    %c0_i32 = arith.constant 0 : i32
    %c0_i32_0 = arith.constant 0 : i32
    return %arg0, %c0_i32 : i32, i32
  }
  func.func @transform_3(%arg0: i32) -> (i32, i32) {
    %c0_i32 = arith.constant 0 : i32
    %c0_i32_0 = arith.constant 0 : i32
    return %arg0, %c0_i32 : i32, i32
  }
}

module attributes {stable_mosaic.version = 14 : i64} {
  func.func @_tcc_body(%arg0: i32, %arg1: memref<2x640x128xf32, #tpu.memory_space<vmem>>, %arg2: memref<2x640x16xf32, #tpu.memory_space<vmem>>, %arg3: memref<640x128xf32, #tpu.memory_space<vmem>>, %arg4: memref<640x16xf32, #tpu.memory_space<vmem>>, %arg5: memref<640x1xf32, #tpu.memory_space<vmem>>, %arg6: memref<640x128xf32, #tpu.memory_space<vmem>>, %arg7: memref<640x16xf32, #tpu.memory_space<vmem>>) attributes {dimension_semantics = [#tpu.dimension_semantics<arbitrary>], iteration_bounds = array<i64: 128>, scalar_prefetch = 0 : i64, scratch_operands = 0 : i64, tpu.core_type = #tpu.core_type<tc>, window_params = [{transform_indices = @transform_0, window_bounds = array<i64: 2, 640, 128>}, {transform_indices = @transform_1, window_bounds = array<i64: 2, 640, 16>}, {transform_indices = @transform_2, window_bounds = array<i64: 640, 128>}, {transform_indices = @transform_3, window_bounds = array<i64: 640, 16>}, {transform_indices = @transform_4, window_bounds = array<i64: 640, 1>}, {transform_indices = @transform_5, window_bounds = array<i64: 640, 128>}, {transform_indices = @transform_6, window_bounds = array<i64: 640, 16>}]} {
    %get3A = arith.constant 0 : index
    %get3A_0 = arith.constant 0 : index
    %get3A_1 = arith.constant 0 : index
    %get3A_2 = vector.load %arg1[%get3A, %get3A_0, %get3A_1] : memref<2x640x128xf32, #tpu.memory_space<vmem>>, vector<1x640x128xf32>
    %get3A_3 = vector.shape_cast %get3A_2 : vector<1x640x128xf32> to vector<640x128xf32>
    %get3A_4 = arith.constant 1 : index
    %get3A_5 = arith.constant 0 : index
    %get3A_6 = arith.constant 0 : index
    %get3A_7 = vector.load %arg1[%get3A_4, %get3A_5, %get3A_6] : memref<2x640x128xf32, #tpu.memory_space<vmem>>, vector<1x640x128xf32>
    %get3A_8 = vector.shape_cast %get3A_7 : vector<1x640x128xf32> to vector<640x128xf32>
    %add3A = arith.addf %get3A_3, %get3A_8 : vector<640x128xf32>
    %get3A_9 = arith.constant 0 : index
    %get3A_10 = arith.constant 0 : index
    %get3A_11 = vector.load %arg3[%get3A_9, %get3A_10] : memref<640x128xf32, #tpu.memory_space<vmem>>, vector<640x128xf32>
    %add3A_12 = arith.addf %add3A, %get3A_11 : vector<640x128xf32>
    %get3A_13 = arith.constant 0 : index
    %get3A_14 = arith.constant 0 : index
    %get3A_15 = vector.load %arg5[%get3A_13, %get3A_14] : memref<640x1xf32, #tpu.memory_space<vmem>>, vector<640x1xf32>
    %mul3A = vector.broadcast %get3A_15 : vector<640x1xf32> to vector<640x128xf32>
    %mul3A_16 = arith.mulf %mul3A, %add3A_12 : vector<640x128xf32>
    %swap3A = arith.constant 0 : index
    %swap3A_17 = arith.constant 0 : index
    %swap3A_18 = vector.load %arg6[%swap3A, %swap3A_17] : memref<640x128xf32, #tpu.memory_space<vmem>>, vector<640x128xf32>
    tpu.vector_store %arg6[%swap3A, %swap3A_17], %mul3A_16 {strides = array<i32>} : memref<640x128xf32, #tpu.memory_space<vmem>>, vector<640x128xf32>,
    %get3A_19 = arith.constant 0 : index
    %get3A_20 = arith.constant 0 : index
    %get3A_21 = arith.constant 0 : index
    %get3A_22 = vector.load %arg2[%get3A_19, %get3A_20, %get3A_21] : memref<2x640x16xf32, #tpu.memory_space<vmem>>, vector<1x640x16xf32>
    %get3A_23 = vector.shape_cast %get3A_22 : vector<1x640x16xf32> to vector<640x16xf32>
    %get3A_24 = arith.constant 1 : index
    %get3A_25 = arith.constant 0 : index
    %get3A_26 = arith.constant 0 : index
    %get3A_27 = vector.load %arg2[%get3A_24, %get3A_25, %get3A_26] : memref<2x640x16xf32, #tpu.memory_space<vmem>>, vector<1x640x16xf32>
    %get3A_28 = vector.shape_cast %get3A_27 : vector<1x640x16xf32> to vector<640x16xf32>
    %add3A_29 = arith.addf %get3A_23, %get3A_28 : vector<640x16xf32>
    %get3A_30 = arith.constant 0 : index
    %get3A_31 = arith.constant 0 : index
    %get3A_32 = vector.load %arg4[%get3A_30, %get3A_31] : memref<640x16xf32, #tpu.memory_space<vmem>>, vector<640x16xf32>
    %add3A_33 = arith.addf %add3A_29, %get3A_32 : vector<640x16xf32>
    %get3A_34 = arith.constant 0 : index
    %get3A_35 = arith.constant 0 : index
    %get3A_36 = vector.load %arg5[%get3A_34, %get3A_35] : memref<640x1xf32, #tpu.memory_space<vmem>>, vector<640x1xf32>
    %slice3A = vector.extract_strided_slice %add3A_33 {offsets = [0, 0], sizes = [640, 1], strides = [1, 1]} : vector<640x16xf32> to vector<640x1xf32>
    %mul3A_37 = arith.mulf %get3A_36, %slice3A : vector<640x1xf32>
    %broadcast_in_dim3A = arith.constant 0.000000e+00 : f32
    %broadcast_in_dim3A_38 = vector.broadcast %broadcast_in_dim3A : f32 to vector<640x15xf32>
    %concatenate3A = tpu.concatenate %mul3A_37, %broadcast_in_dim3A_38 in 1 : vector<640x1xf32>, vector<640x15xf32> -> vector<640x16xf32>
    %swap3A_39 = arith.constant 0 : index
    %swap3A_40 = arith.constant 0 : index
    %swap3A_41 = vector.load %arg7[%swap3A_39, %swap3A_40] : memref<640x16xf32, #tpu.memory_space<vmem>>, vector<640x16xf32>
    tpu.vector_store %arg7[%swap3A_39, %swap3A_40], %concatenate3A {strides = array<i32>} : memref<640x16xf32, #tpu.memory_space<vmem>>, vector<640x16xf32>,
    return
  }
  func.func @transform_0(%arg0: i32) -> (i32, i32, i32) {
    %c0_i32 = arith.constant 0 : i32
    %c0_i32_0 = arith.constant 0 : i32
    %c0_i32_1 = arith.constant 0 : i32
    return %c0_i32, %arg0, %c0_i32_0 : i32, i32, i32
  }
  func.func @transform_1(%arg0: i32) -> (i32, i32, i32) {
    %c0_i32 = arith.constant 0 : i32
    %c0_i32_0 = arith.constant 0 : i32
    %c0_i32_1 = arith.constant 0 : i32
    return %c0_i32, %arg0, %c0_i32_0 : i32, i32, i32
  }
  func.func @transform_2(%arg0: i32) -> (i32, i32) {
    %c0_i32 = arith.constant 0 : i32
    %c0_i32_0 = arith.constant 0 : i32
    return %arg0, %c0_i32 : i32, i32
  }
  func.func @transform_3(%arg0: i32) -> (i32, i32) {
    %c0_i32 = arith.constant 0 : i32
    %c0_i32_0 = arith.constant 0 : i32
    return %arg0, %c0_i32 : i32, i32
  }
  func.func @transform_4(%arg0: i32) -> (i32, i32) {
    %c0_i32 = arith.constant 0 : i32
    %c0_i32_0 = arith.constant 0 : i32
    return %arg0, %c0_i32 : i32, i32
  }
  func.func @transform_5(%arg0: i32) -> (i32, i32) {
    %c0_i32 = arith.constant 0 : i32
    %c0_i32_0 = arith.constant 0 : i32
    return %arg0, %c0_i32 : i32, i32
  }
  func.func @transform_6(%arg0: i32) -> (i32, i32) {
    %c0_i32 = arith.constant 0 : i32
    %c0_i32_0 = arith.constant 0 : i32
    return %arg0, %c0_i32 : i32, i32
  }
}

module attributes {stable_mosaic.version = 14 : i64} {
  func.func @_tcw_body(%arg0: memref<128x256xf32, #tpu.memory_space<vmem>>, %arg1: memref<256x128xf32, #tpu.memory_space<vmem>>, %arg2: memref<1x256xf32, #tpu.memory_space<vmem>>, %arg3: memref<128x128xf32, #tpu.memory_space<vmem>>, %arg4: memref<1x128xf32, #tpu.memory_space<vmem>>) attributes {dimension_semantics = [], scalar_prefetch = 0 : i64, scratch_operands = 0 : i64, tpu.core_type = #tpu.core_type<tc>} {
    %get3A = arith.constant 0 : index
    %get3A_0 = arith.constant 0 : index
    %get3A_1 = vector.load %arg0[%get3A, %get3A_0] : memref<128x256xf32, #tpu.memory_space<vmem>>, vector<128x256xf32>
    %get3A_2 = arith.constant 0 : index
    %get3A_3 = arith.constant 0 : index
    %get3A_4 = vector.load %arg1[%get3A_2, %get3A_3] : memref<256x128xf32, #tpu.memory_space<vmem>>, vector<256x128xf32>
    %dot_general3A = arith.constant dense<0.000000e+00> : vector<128x128xf32>
    %dot_general3A_5 = tpu.matmul %get3A_1, %get3A_4, %dot_general3A {dimension_numbers = #tpu.dot_dimension_numbers<[1], [0], [0], [1], [0, 0, 1, 1], [], []>, transpose_lhs_hint = false} : vector<128x256xf32>, vector<256x128xf32>, vector<128x128xf32> -> vector<128x128xf32>
    %swap3A = arith.constant 0 : index
    %swap3A_6 = arith.constant 0 : index
    %swap3A_7 = vector.load %arg3[%swap3A, %swap3A_6] : memref<128x128xf32, #tpu.memory_space<vmem>>, vector<128x128xf32>
    tpu.vector_store %arg3[%swap3A, %swap3A_6], %dot_general3A_5 {strides = array<i32>} : memref<128x128xf32, #tpu.memory_space<vmem>>, vector<128x128xf32>,
    %get3A_8 = arith.constant 0 : index
    %get3A_9 = arith.constant 0 : index
    %get3A_10 = vector.load %arg2[%get3A_8, %get3A_9] : memref<1x256xf32, #tpu.memory_space<vmem>>, vector<1x256xf32>
    %get3A_11 = arith.constant 0 : index
    %get3A_12 = arith.constant 0 : index
    %get3A_13 = vector.load %arg1[%get3A_11, %get3A_12] : memref<256x128xf32, #tpu.memory_space<vmem>>, vector<256x128xf32>
    %dot_general3A_14 = arith.constant dense<0.000000e+00> : vector<1x128xf32>
    %dot_general3A_15 = tpu.matmul %get3A_10, %get3A_13, %dot_general3A_14 {dimension_numbers = #tpu.dot_dimension_numbers<[1], [0], [0], [1], [0, 0, 1, 1], [], []>, transpose_lhs_hint = false} : vector<1x256xf32>, vector<256x128xf32>, vector<1x128xf32> -> vector<1x128xf32>
    %swap3A_16 = arith.constant 0 : index
    %swap3A_17 = arith.constant 0 : index
    %swap3A_18 = vector.load %arg4[%swap3A_16, %swap3A_17] : memref<1x128xf32, #tpu.memory_space<vmem>>, vector<1x128xf32>
    tpu.vector_store %arg4[%swap3A_16, %swap3A_17], %dot_general3A_15 {strides = array<i32>} : memref<1x128xf32, #tpu.memory_space<vmem>>, vector<1x128xf32>,
    return
  }
}

module attributes {stable_mosaic.version = 14 : i64} {
  func.func @_tcd_body(%arg0: i32, %arg1: memref<8x1x200x128xf32, #tpu.memory_space<vmem>>, %arg2: memref<8x1x200x16xf32, #tpu.memory_space<vmem>>, %arg3: memref<1x1x200xi32, #tpu.memory_space<vmem>>, %arg4: memref<1x1x200xi32, #tpu.memory_space<vmem>>, %arg5: memref<8x128xf32, #tpu.memory_space<vmem>>, %arg6: memref<200x8xf32, #tpu.memory_space<vmem>>, %arg7: memref<128x128xf32, #tpu.memory_space<vmem>>, %arg8: memref<1x128xf32, #tpu.memory_space<vmem>>, %arg9: memref<1x128xf32, #tpu.memory_space<vmem>>, %arg10: memref<136x136xf32, #tpu.memory_space<vmem>>, %arg11: memref<1x136xf32, #tpu.memory_space<vmem>>, %arg12: memref<136x136xf32, #tpu.memory_space<vmem>>, %arg13: memref<1x136xf32, #tpu.memory_space<vmem>>, %arg14: memref<136x136xf32, #tpu.memory_space<vmem>>, %arg15: memref<1x136xf32, #tpu.memory_space<vmem>>, %arg16: memref<136x136xf32, #tpu.memory_space<vmem>>, %arg17: memref<1x136xf32, #tpu.memory_space<vmem>>, %arg18: memref<1x136xf32, #tpu.memory_space<vmem>>, %arg19: memref<1x136xf32, #tpu.memory_space<vmem>>, %arg20: memref<1x136xf32, #tpu.memory_space<vmem>>, %arg21: memref<1x136xf32, #tpu.memory_space<vmem>>, %arg22: memref<136x544xf32, #tpu.memory_space<vmem>>, %arg23: memref<1x544xf32, #tpu.memory_space<vmem>>, %arg24: memref<544x136xf32, #tpu.memory_space<vmem>>, %arg25: memref<1x136xf32, #tpu.memory_space<vmem>>, %arg26: memref<1x200x136xf32, #tpu.memory_space<vmem>>) attributes {dimension_semantics = [#tpu.dimension_semantics<arbitrary>], iteration_bounds = array<i64: 8>, scalar_prefetch = 0 : i64, scratch_operands = 0 : i64, tpu.core_type = #tpu.core_type<tc>, window_params = [{transform_indices = @transform_0, window_bounds = array<i64: 8, 1, 200, 128>}, {transform_indices = @transform_1, window_bounds = array<i64: 8, 1, 200, 16>}, {transform_indices = @transform_2, window_bounds = array<i64: 1, 1, 200>}, {transform_indices = @transform_3, window_bounds = array<i64: 1, 1, 200>}, {pipeline_mode = #tpu.pipeline_mode<synchronous>, transform_indices = @transform_4, window_bounds = array<i64: 8, 128>}, {pipeline_mode = #tpu.pipeline_mode<synchronous>, transform_indices = @transform_5, window_bounds = array<i64: 200, 8>}, {pipeline_mode = #tpu.pipeline_mode<synchronous>, transform_indices = @transform_6, window_bounds = array<i64: 128, 128>}, {pipeline_mode = #tpu.pipeline_mode<synchronous>, transform_indices = @transform_7, window_bounds = array<i64: 1, 128>}, {pipeline_mode = #tpu.pipeline_mode<synchronous>, transform_indices = @transform_8, window_bounds = array<i64: 1, 128>}, {pipeline_mode = #tpu.pipeline_mode<synchronous>, transform_indices = @transform_9, window_bounds = array<i64: 136, 136>}, {pipeline_mode = #tpu.pipeline_mode<synchronous>, transform_indices = @transform_10, window_bounds = array<i64: 1, 136>}, {pipeline_mode = #tpu.pipeline_mode<synchronous>, transform_indices = @transform_11, window_bounds = array<i64: 136, 136>}, {pipeline_mode = #tpu.pipeline_mode<synchronous>, transform_indices = @transform_12, window_bounds = array<i64: 1, 136>}, {pipeline_mode = #tpu.pipeline_mode<synchronous>, transform_indices = @transform_13, window_bounds = array<i64: 136, 136>}, {pipeline_mode = #tpu.pipeline_mode<synchronous>, transform_indices = @transform_14, window_bounds = array<i64: 1, 136>}, {pipeline_mode = #tpu.pipeline_mode<synchronous>, transform_indices = @transform_15, window_bounds = array<i64: 136, 136>}, {pipeline_mode = #tpu.pipeline_mode<synchronous>, transform_indices = @transform_16, window_bounds = array<i64: 1, 136>}, {pipeline_mode = #tpu.pipeline_mode<synchronous>, transform_indices = @transform_17, window_bounds = array<i64: 1, 136>}, {pipeline_mode = #tpu.pipeline_mode<synchronous>, transform_indices = @transform_18, window_bounds = array<i64: 1, 136>}, {pipeline_mode = #tpu.pipeline_mode<synchronous>, transform_indices = @transform_19, window_bounds = array<i64: 1, 136>}, {pipeline_mode = #tpu.pipeline_mode<synchronous>, transform_indices = @transform_20, window_bounds = array<i64: 1, 136>}, {pipeline_mode = #tpu.pipeline_mode<synchronous>, transform_indices = @transform_21, window_bounds = array<i64: 136, 544>}, {pipeline_mode = #tpu.pipeline_mode<synchronous>, transform_indices = @transform_22, window_bounds = array<i64: 1, 544>}, {pipeline_mode = #tpu.pipeline_mode<synchronous>, transform_indices = @transform_23, window_bounds = array<i64: 544, 136>}, {pipeline_mode = #tpu.pipeline_mode<synchronous>, transform_indices = @transform_24, window_bounds = array<i64: 1, 136>}, {transform_indices = @transform_25, window_bounds = array<i64: 1, 200, 136>}]} {
    %get3A = arith.constant 0 : index
    %get3A_0 = arith.constant 0 : index
    %get3A_1 = arith.constant 0 : index
    %get3A_2 = arith.constant 0 : index
    %get3A_3 = vector.load %arg1[%get3A, %get3A_0, %get3A_1, %get3A_2] : memref<8x1x200x128xf32, #tpu.memory_space<vmem>>, vector<8x1x200x128xf32>
    %squeeze3A = vector.shape_cast %get3A_3 : vector<8x1x200x128xf32> to vector<8x200x128xf32>
    %get3A_4 = arith.constant 0 : index
    %get3A_5 = arith.constant 0 : index
    %get3A_6 = arith.constant 0 : index
    %get3A_7 = arith.constant 0 : index
    %get3A_8 = vector.load %arg2[%get3A_4, %get3A_5, %get3A_6, %get3A_7] : memref<8x1x200x16xf32, #tpu.memory_space<vmem>>, vector<8x1x200x16xf32>
    %squeeze3A_9 = vector.shape_cast %get3A_8 : vector<8x1x200x16xf32> to vector<8x200x16xf32>
    %get3A_10 = arith.constant 0 : index
    %get3A_11 = arith.constant 0 : index
    %get3A_12 = vector.load %arg7[%get3A_10, %get3A_11] : memref<128x128xf32, #tpu.memory_space<vmem>>, vector<128x128xf32>
    %reshape3A = vector.shape_cast %squeeze3A : vector<8x200x128xf32> to vector<1600x128xf32>
    %dot_general3A = arith.constant dense<0.000000e+00> : vector<1600x128xf32>
    %dot_general3A_13 = tpu.matmul %reshape3A, %get3A_12, %dot_general3A {dimension_numbers = #tpu.dot_dimension_numbers<[1], [0], [0], [1], [0, 0, 1, 1], [], []>, transpose_lhs_hint = false} : vector<1600x128xf32>, vector<128x128xf32>, vector<1600x128xf32> -> vector<1600x128xf32>
    %reshape3A_14 = vector.shape_cast %dot_general3A_13 : vector<1600x128xf32> to vector<8x200x128xf32>
    %slice3A = vector.extract_strided_slice %squeeze3A_9 {offsets = [0, 0, 0], sizes = [8, 200, 1], strides = [1, 1, 1]} : vector<8x200x16xf32> to vector<8x200x1xf32>
    %squeeze3A_15 = vector.shape_cast %slice3A : vector<8x200x1xf32> to vector<8x200xf32>
    %broadcast_in_dim3A = vector.shape_cast %squeeze3A_15 : vector<8x200xf32> to vector<8x200x1xf32>
    %get3A_16 = arith.constant 0 : index
    %get3A_17 = arith.constant 0 : index
    %get3A_18 = vector.load %arg8[%get3A_16, %get3A_17] : memref<1x128xf32, #tpu.memory_space<vmem>>, vector<1x128xf32>
    %broadcast_in_dim3A_19 = vector.shape_cast %get3A_18 : vector<1x128xf32> to vector<1x1x128xf32>
    %mul3A = vector.broadcast %broadcast_in_dim3A : vector<8x200x1xf32> to vector<8x200x128xf32>
    %mul3A_20 = vector.broadcast %broadcast_in_dim3A_19 : vector<1x1x128xf32> to vector<8x200x128xf32>
    %mul3A_21 = arith.mulf %mul3A, %mul3A_20 : vector<8x200x128xf32>
    %add3A = arith.addf %reshape3A_14, %mul3A_21 : vector<8x200x128xf32>
    %get3A_22 = arith.constant 0 : index
    %get3A_23 = arith.constant 0 : index
    %get3A_24 = vector.load %arg9[%get3A_22, %get3A_23] : memref<1x128xf32, #tpu.memory_space<vmem>>, vector<1x128xf32>
    %broadcast_in_dim3A_25 = vector.shape_cast %get3A_24 : vector<1x128xf32> to vector<1x1x128xf32>
    %add3A_26 = vector.broadcast %broadcast_in_dim3A_25 : vector<1x1x128xf32> to vector<8x200x128xf32>
    %add3A_27 = arith.addf %add3A, %add3A_26 : vector<8x200x128xf32>
    %get3A_28 = arith.constant 0 : index
    %get3A_29 = arith.constant 0 : index
    %get3A_30 = arith.constant 0 : index
    %get3A_31 = vector.load %arg3[%get3A_28, %get3A_29, %get3A_30] : memref<1x1x200xi32, #tpu.memory_space<vmem>>, vector<1x1x200xi32>
    %get3A_32 = vector.shape_cast %get3A_31 : vector<1x1x200xi32> to vector<200xi32>
    %broadcast_in_dim3A_33 = vector.shape_cast %get3A_32 : vector<200xi32> to vector<200x1xi32>
    %iota3A = tpu.iota {dimensions = array<i32: 1>} : vector<200x8xi32>
    %eq3A = vector.broadcast %broadcast_in_dim3A_33 : vector<200x1xi32> to vector<200x8xi32>
    %eq3A_34 = arith.cmpi eq, %eq3A, %iota3A : vector<200x8xi32>
    %convert_element_type3A = arith.extui %eq3A_34 : vector<200x8xi1> to vector<200x8xi32>
    %convert_element_type3A_35 = arith.sitofp %convert_element_type3A : vector<200x8xi32> to vector<200x8xf32>
    %get3A_36 = arith.constant 0 : index
    %get3A_37 = arith.constant 0 : index
    %get3A_38 = vector.load %arg5[%get3A_36, %get3A_37] : memref<8x128xf32, #tpu.memory_space<vmem>>, vector<8x128xf32>
    %dot_general3A_39 = arith.constant dense<0.000000e+00> : vector<200x128xf32>
    %dot_general3A_40 = tpu.matmul %convert_element_type3A_35, %get3A_38, %dot_general3A_39 {dimension_numbers = #tpu.dot_dimension_numbers<[1], [0], [0], [1], [0, 0, 1, 1], [], []>, transpose_lhs_hint = false} : vector<200x8xf32>, vector<8x128xf32>, vector<200x128xf32> -> vector<200x128xf32>
    %broadcast_in_dim3A_41 = vector.shape_cast %dot_general3A_40 : vector<200x128xf32> to vector<1x200x128xf32>
    %mul3A_42 = vector.broadcast %broadcast_in_dim3A_41 : vector<1x200x128xf32> to vector<8x200x128xf32>
    %mul3A_43 = arith.mulf %mul3A_42, %add3A_27 : vector<8x200x128xf32>
    %reduce_sum3A = arith.constant dense<0.000000e+00> : vector<8x200xf32>
    %reduce_sum3A_44 = vector.multi_reduction <add>, %mul3A_43, %reduce_sum3A [2] : vector<8x200x128xf32> to vector<8x200xf32>
    %div3A = arith.constant 11.3137093 : f32
    %div3A_45 = vector.broadcast %div3A : f32 to vector<8x200xf32>
    %div3A_46 = arith.divf %reduce_sum3A_44, %div3A_45 : vector<8x200xf32>
    %reduce_max3A = arith.constant dense<0xFF800000> : vector<8xf32>
    %reduce_max3A_47 = vector.multi_reduction <maximumf>, %div3A_46, %reduce_max3A [1] : vector<8x200xf32> to vector<8xf32>
    %broadcast_in_dim3A_48 = vector.shape_cast %reduce_max3A_47 : vector<8xf32> to vector<8x1xf32>
    %sub3A = vector.broadcast %broadcast_in_dim3A_48 : vector<8x1xf32> to vector<8x200xf32>
    %sub3A_49 = arith.subf %div3A_46, %sub3A : vector<8x200xf32>
    %exp3A = math.exp %sub3A_49 : vector<8x200xf32>
    %reduce_sum3A_50 = arith.constant dense<0.000000e+00> : vector<8xf32>
    %reduce_sum3A_51 = vector.multi_reduction <add>, %exp3A, %reduce_sum3A_50 [1] : vector<8x200xf32> to vector<8xf32>
    %broadcast_in_dim3A_52 = vector.shape_cast %reduce_sum3A_51 : vector<8xf32> to vector<8x1xf32>
    %div3A_53 = vector.broadcast %broadcast_in_dim3A_52 : vector<8x1xf32> to vector<8x200xf32>
    %div3A_54 = arith.divf %exp3A, %div3A_53 : vector<8x200xf32>
    %broadcast_in_dim3A_55 = vector.shape_cast %div3A_54 : vector<8x200xf32> to vector<8x200x1xf32>
    %mul3A_56 = vector.broadcast %broadcast_in_dim3A_55 : vector<8x200x1xf32> to vector<8x200x128xf32>
    %mul3A_57 = arith.mulf %mul3A_56, %add3A_27 : vector<8x200x128xf32>
    %reduce_sum3A_58 = arith.constant dense<0.000000e+00> : vector<200x128xf32>
    %reduce_sum3A_59 = vector.multi_reduction <add>, %mul3A_57, %reduce_sum3A_58 [0] : vector<8x200x128xf32> to vector<200x128xf32>
    %get3A_60 = arith.constant 0 : index
    %get3A_61 = arith.constant 0 : index
    %get3A_62 = vector.load %arg6[%get3A_60, %get3A_61] : memref<200x8xf32, #tpu.memory_space<vmem>>, vector<200x8xf32>
    %concatenate3A = tpu.concatenate %reduce_sum3A_59, %get3A_62 in 1 : vector<200x128xf32>, vector<200x8xf32> -> vector<200x136xf32>
    %get3A_63 = arith.constant 0 : index
    %get3A_64 = arith.constant 0 : index
    %get3A_65 = vector.load %arg10[%get3A_63, %get3A_64] : memref<136x136xf32, #tpu.memory_space<vmem>>, vector<136x136xf32>
    %dot_general3A_66 = arith.constant dense<0.000000e+00> : vector<200x136xf32>
    %dot_general3A_67 = tpu.matmul %concatenate3A, %get3A_65, %dot_general3A_66 {dimension_numbers = #tpu.dot_dimension_numbers<[1], [0], [0], [1], [0, 0, 1, 1], [], []>, transpose_lhs_hint = false} : vector<200x136xf32>, vector<136x136xf32>, vector<200x136xf32> -> vector<200x136xf32>
    %get3A_68 = arith.constant 0 : index
    %get3A_69 = arith.constant 0 : index
    %get3A_70 = vector.load %arg11[%get3A_68, %get3A_69] : memref<1x136xf32, #tpu.memory_space<vmem>>, vector<1x136xf32>
    %add3A_71 = vector.broadcast %get3A_70 : vector<1x136xf32> to vector<200x136xf32>
    %add3A_72 = arith.addf %dot_general3A_67, %add3A_71 : vector<200x136xf32>
    %get3A_73 = arith.constant 0 : index
    %get3A_74 = arith.constant 0 : index
    %get3A_75 = vector.load %arg12[%get3A_73, %get3A_74] : memref<136x136xf32, #tpu.memory_space<vmem>>, vector<136x136xf32>
    %dot_general3A_76 = arith.constant dense<0.000000e+00> : vector<200x136xf32>
    %dot_general3A_77 = tpu.matmul %concatenate3A, %get3A_75, %dot_general3A_76 {dimension_numbers = #tpu.dot_dimension_numbers<[1], [0], [0], [1], [0, 0, 1, 1], [], []>, transpose_lhs_hint = false} : vector<200x136xf32>, vector<136x136xf32>, vector<200x136xf32> -> vector<200x136xf32>
    %get3A_78 = arith.constant 0 : index
    %get3A_79 = arith.constant 0 : index
    %get3A_80 = vector.load %arg13[%get3A_78, %get3A_79] : memref<1x136xf32, #tpu.memory_space<vmem>>, vector<1x136xf32>
    %add3A_81 = vector.broadcast %get3A_80 : vector<1x136xf32> to vector<200x136xf32>
    %add3A_82 = arith.addf %dot_general3A_77, %add3A_81 : vector<200x136xf32>
    %get3A_83 = arith.constant 0 : index
    %get3A_84 = arith.constant 0 : index
    %get3A_85 = vector.load %arg14[%get3A_83, %get3A_84] : memref<136x136xf32, #tpu.memory_space<vmem>>, vector<136x136xf32>
    %dot_general3A_86 = arith.constant dense<0.000000e+00> : vector<200x136xf32>
    %dot_general3A_87 = tpu.matmul %concatenate3A, %get3A_85, %dot_general3A_86 {dimension_numbers = #tpu.dot_dimension_numbers<[1], [0], [0], [1], [0, 0, 1, 1], [], []>, transpose_lhs_hint = false} : vector<200x136xf32>, vector<136x136xf32>, vector<200x136xf32> -> vector<200x136xf32>
    %get3A_88 = arith.constant 0 : index
    %get3A_89 = arith.constant 0 : index
    %get3A_90 = vector.load %arg15[%get3A_88, %get3A_89] : memref<1x136xf32, #tpu.memory_space<vmem>>, vector<1x136xf32>
    %add3A_91 = vector.broadcast %get3A_90 : vector<1x136xf32> to vector<200x136xf32>
    %add3A_92 = arith.addf %dot_general3A_87, %add3A_91 : vector<200x136xf32>
    %get3A_93 = arith.constant 0 : index
    %get3A_94 = arith.constant 0 : index
    %get3A_95 = arith.constant 0 : index
    %get3A_96 = vector.load %arg4[%get3A_93, %get3A_94, %get3A_95] : memref<1x1x200xi32, #tpu.memory_space<vmem>>, vector<1x1x200xi32>
    %get3A_97 = vector.shape_cast %get3A_96 : vector<1x1x200xi32> to vector<200xi32>
    %eq3A_98 = arith.constant 0 : i32
    %eq3A_99 = vector.broadcast %eq3A_98 : i32 to vector<200xi32>
    %eq3A_100 = arith.cmpi eq, %get3A_97, %eq3A_99 : vector<200xi32>
    %broadcast_in_dim3A_101 = vector.shape_cast %eq3A_100 : vector<200xi1> to vector<1x200xi1>
    %slice3A_102 = vector.extract_strided_slice %add3A_72 {offsets = [0, 0], sizes = [200, 17], strides = [1, 1]} : vector<200x136xf32> to vector<200x17xf32>
    %slice3A_103 = vector.extract_strided_slice %add3A_82 {offsets = [0, 0], sizes = [200, 17], strides = [1, 1]} : vector<200x136xf32> to vector<200x17xf32>
    %slice3A_104 = vector.extract_strided_slice %add3A_92 {offsets = [0, 0], sizes = [200, 17], strides = [1, 1]} : vector<200x136xf32> to vector<200x17xf32>
    %dot_general3A_105 = arith.constant dense<0.000000e+00> : vector<200x200xf32>
    %dot_general3A_106 = tpu.matmul %slice3A_102, %slice3A_103, %dot_general3A_105 {dimension_numbers = #tpu.dot_dimension_numbers<[1], [1], [0], [0], [0, 0, 1, 0], [], []>, transpose_lhs_hint = false} : vector<200x17xf32>, vector<200x17xf32>, vector<200x200xf32> -> vector<200x200xf32>
    %mul3A_107 = arith.constant 0.242535621 : f32
    %mul3A_108 = vector.broadcast %mul3A_107 : f32 to vector<200x200xf32>
    %mul3A_109 = arith.mulf %dot_general3A_106, %mul3A_108 : vector<200x200xf32>
    %jit3A = arith.constant -1.000000e+09 : f32
    %broadcast_in_dim3A_110 = vector.shape_cast %broadcast_in_dim3A_101 : vector<1x200xi1> to vector<1x200xi1>
    %broadcast_in_dim3A_111 = vector.broadcast %broadcast_in_dim3A_110 : vector<1x200xi1> to vector<200x200xi1>
    %broadcast_in_dim3A_112 = vector.broadcast %jit3A : f32 to vector<200x200xf32>
    %select_n3A = arith.select %broadcast_in_dim3A_111, %broadcast_in_dim3A_112, %mul3A_109 : vector<200x200xi1>, vector<200x200xf32>
    %reduce_max3A_113 = arith.constant dense<0xFF800000> : vector<200xf32>
    %reduce_max3A_114 = vector.multi_reduction <maximumf>, %select_n3A, %reduce_max3A_113 [1] : vector<200x200xf32> to vector<200xf32>
    %broadcast_in_dim3A_115 = vector.shape_cast %reduce_max3A_114 : vector<200xf32> to vector<200x1xf32>
    %sub3A_116 = vector.broadcast %broadcast_in_dim3A_115 : vector<200x1xf32> to vector<200x200xf32>
    %sub3A_117 = arith.subf %select_n3A, %sub3A_116 : vector<200x200xf32>
    %exp3A_118 = math.exp %sub3A_117 : vector<200x200xf32>
    %reduce_sum3A_119 = arith.constant dense<0.000000e+00> : vector<200xf32>
    %reduce_sum3A_120 = vector.multi_reduction <add>, %exp3A_118, %reduce_sum3A_119 [1] : vector<200x200xf32> to vector<200xf32>
    %broadcast_in_dim3A_121 = vector.shape_cast %reduce_sum3A_120 : vector<200xf32> to vector<200x1xf32>
    %div3A_122 = vector.broadcast %broadcast_in_dim3A_121 : vector<200x1xf32> to vector<200x200xf32>
    %div3A_123 = arith.divf %exp3A_118, %div3A_122 : vector<200x200xf32>
    %dot_general3A_124 = arith.constant dense<0.000000e+00> : vector<200x17xf32>
    %dot_general3A_125 = tpu.matmul %div3A_123, %slice3A_104, %dot_general3A_124 {dimension_numbers = #tpu.dot_dimension_numbers<[1], [0], [0], [1], [0, 0, 1, 1], [], []>, transpose_lhs_hint = false} : vector<200x200xf32>, vector<200x17xf32>, vector<200x17xf32> -> vector<200x17xf32>
    %slice3A_126 = vector.extract_strided_slice %add3A_72 {offsets = [0, 17], sizes = [200, 17], strides = [1, 1]} : vector<200x136xf32> to vector<200x17xf32>
    %slice3A_127 = vector.extract_strided_slice %add3A_82 {offsets = [0, 17], sizes = [200, 17], strides = [1, 1]} : vector<200x136xf32> to vector<200x17xf32>
    %slice3A_128 = vector.extract_strided_slice %add3A_92 {offsets = [0, 17], sizes = [200, 17], strides = [1, 1]} : vector<200x136xf32> to vector<200x17xf32>
    %dot_general3A_129 = arith.constant dense<0.000000e+00> : vector<200x200xf32>
    %dot_general3A_130 = tpu.matmul %slice3A_126, %slice3A_127, %dot_general3A_129 {dimension_numbers = #tpu.dot_dimension_numbers<[1], [1], [0], [0], [0, 0, 1, 0], [], []>, transpose_lhs_hint = false} : vector<200x17xf32>, vector<200x17xf32>, vector<200x200xf32> -> vector<200x200xf32>
    %mul3A_131 = arith.constant 0.242535621 : f32
    %mul3A_132 = vector.broadcast %mul3A_131 : f32 to vector<200x200xf32>
    %mul3A_133 = arith.mulf %dot_general3A_130, %mul3A_132 : vector<200x200xf32>
    %jit3A_134 = arith.constant -1.000000e+09 : f32
    %broadcast_in_dim3A_135 = vector.shape_cast %broadcast_in_dim3A_101 : vector<1x200xi1> to vector<1x200xi1>
    %broadcast_in_dim3A_136 = vector.broadcast %broadcast_in_dim3A_135 : vector<1x200xi1> to vector<200x200xi1>
    %broadcast_in_dim3A_137 = vector.broadcast %jit3A_134 : f32 to vector<200x200xf32>
    %select_n3A_138 = arith.select %broadcast_in_dim3A_136, %broadcast_in_dim3A_137, %mul3A_133 : vector<200x200xi1>, vector<200x200xf32>
    %reduce_max3A_139 = arith.constant dense<0xFF800000> : vector<200xf32>
    %reduce_max3A_140 = vector.multi_reduction <maximumf>, %select_n3A_138, %reduce_max3A_139 [1] : vector<200x200xf32> to vector<200xf32>
    %broadcast_in_dim3A_141 = vector.shape_cast %reduce_max3A_140 : vector<200xf32> to vector<200x1xf32>
    %sub3A_142 = vector.broadcast %broadcast_in_dim3A_141 : vector<200x1xf32> to vector<200x200xf32>
    %sub3A_143 = arith.subf %select_n3A_138, %sub3A_142 : vector<200x200xf32>
    %exp3A_144 = math.exp %sub3A_143 : vector<200x200xf32>
    %reduce_sum3A_145 = arith.constant dense<0.000000e+00> : vector<200xf32>
    %reduce_sum3A_146 = vector.multi_reduction <add>, %exp3A_144, %reduce_sum3A_145 [1] : vector<200x200xf32> to vector<200xf32>
    %broadcast_in_dim3A_147 = vector.shape_cast %reduce_sum3A_146 : vector<200xf32> to vector<200x1xf32>
    %div3A_148 = vector.broadcast %broadcast_in_dim3A_147 : vector<200x1xf32> to vector<200x200xf32>
    %div3A_149 = arith.divf %exp3A_144, %div3A_148 : vector<200x200xf32>
    %dot_general3A_150 = arith.constant dense<0.000000e+00> : vector<200x17xf32>
    %dot_general3A_151 = tpu.matmul %div3A_149, %slice3A_128, %dot_general3A_150 {dimension_numbers = #tpu.dot_dimension_numbers<[1], [0], [0], [1], [0, 0, 1, 1], [], []>, transpose_lhs_hint = false} : vector<200x200xf32>, vector<200x17xf32>, vector<200x17xf32> -> vector<200x17xf32>
    %slice3A_152 = vector.extract_strided_slice %add3A_72 {offsets = [0, 34], sizes = [200, 17], strides = [1, 1]} : vector<200x136xf32> to vector<200x17xf32>
    %slice3A_153 = vector.extract_strided_slice %add3A_82 {offsets = [0, 34], sizes = [200, 17], strides = [1, 1]} : vector<200x136xf32> to vector<200x17xf32>
    %slice3A_154 = vector.extract_strided_slice %add3A_92 {offsets = [0, 34], sizes = [200, 17], strides = [1, 1]} : vector<200x136xf32> to vector<200x17xf32>
    %dot_general3A_155 = arith.constant dense<0.000000e+00> : vector<200x200xf32>
    %dot_general3A_156 = tpu.matmul %slice3A_152, %slice3A_153, %dot_general3A_155 {dimension_numbers = #tpu.dot_dimension_numbers<[1], [1], [0], [0], [0, 0, 1, 0], [], []>, transpose_lhs_hint = false} : vector<200x17xf32>, vector<200x17xf32>, vector<200x200xf32> -> vector<200x200xf32>
    %mul3A_157 = arith.constant 0.242535621 : f32
    %mul3A_158 = vector.broadcast %mul3A_157 : f32 to vector<200x200xf32>
    %mul3A_159 = arith.mulf %dot_general3A_156, %mul3A_158 : vector<200x200xf32>
    %jit3A_160 = arith.constant -1.000000e+09 : f32
    %broadcast_in_dim3A_161 = vector.shape_cast %broadcast_in_dim3A_101 : vector<1x200xi1> to vector<1x200xi1>
    %broadcast_in_dim3A_162 = vector.broadcast %broadcast_in_dim3A_161 : vector<1x200xi1> to vector<200x200xi1>
    %broadcast_in_dim3A_163 = vector.broadcast %jit3A_160 : f32 to vector<200x200xf32>
    %select_n3A_164 = arith.select %broadcast_in_dim3A_162, %broadcast_in_dim3A_163, %mul3A_159 : vector<200x200xi1>, vector<200x200xf32>
    %reduce_max3A_165 = arith.constant dense<0xFF800000> : vector<200xf32>
    %reduce_max3A_166 = vector.multi_reduction <maximumf>, %select_n3A_164, %reduce_max3A_165 [1] : vector<200x200xf32> to vector<200xf32>
    %broadcast_in_dim3A_167 = vector.shape_cast %reduce_max3A_166 : vector<200xf32> to vector<200x1xf32>
    %sub3A_168 = vector.broadcast %broadcast_in_dim3A_167 : vector<200x1xf32> to vector<200x200xf32>
    %sub3A_169 = arith.subf %select_n3A_164, %sub3A_168 : vector<200x200xf32>
    %exp3A_170 = math.exp %sub3A_169 : vector<200x200xf32>
    %reduce_sum3A_171 = arith.constant dense<0.000000e+00> : vector<200xf32>
    %reduce_sum3A_172 = vector.multi_reduction <add>, %exp3A_170, %reduce_sum3A_171 [1] : vector<200x200xf32> to vector<200xf32>
    %broadcast_in_dim3A_173 = vector.shape_cast %reduce_sum3A_172 : vector<200xf32> to vector<200x1xf32>
    %div3A_174 = vector.broadcast %broadcast_in_dim3A_173 : vector<200x1xf32> to vector<200x200xf32>
    %div3A_175 = arith.divf %exp3A_170, %div3A_174 : vector<200x200xf32>
    %dot_general3A_176 = arith.constant dense<0.000000e+00> : vector<200x17xf32>
    %dot_general3A_177 = tpu.matmul %div3A_175, %slice3A_154, %dot_general3A_176 {dimension_numbers = #tpu.dot_dimension_numbers<[1], [0], [0], [1], [0, 0, 1, 1], [], []>, transpose_lhs_hint = false} : vector<200x200xf32>, vector<200x17xf32>, vector<200x17xf32> -> vector<200x17xf32>
    %slice3A_178 = vector.extract_strided_slice %add3A_72 {offsets = [0, 51], sizes = [200, 17], strides = [1, 1]} : vector<200x136xf32> to vector<200x17xf32>
    %slice3A_179 = vector.extract_strided_slice %add3A_82 {offsets = [0, 51], sizes = [200, 17], strides = [1, 1]} : vector<200x136xf32> to vector<200x17xf32>
    %slice3A_180 = vector.extract_strided_slice %add3A_92 {offsets = [0, 51], sizes = [200, 17], strides = [1, 1]} : vector<200x136xf32> to vector<200x17xf32>
    %dot_general3A_181 = arith.constant dense<0.000000e+00> : vector<200x200xf32>
    %dot_general3A_182 = tpu.matmul %slice3A_178, %slice3A_179, %dot_general3A_181 {dimension_numbers = #tpu.dot_dimension_numbers<[1], [1], [0], [0], [0, 0, 1, 0], [], []>, transpose_lhs_hint = false} : vector<200x17xf32>, vector<200x17xf32>, vector<200x200xf32> -> vector<200x200xf32>
    %mul3A_183 = arith.constant 0.242535621 : f32
    %mul3A_184 = vector.broadcast %mul3A_183 : f32 to vector<200x200xf32>
    %mul3A_185 = arith.mulf %dot_general3A_182, %mul3A_184 : vector<200x200xf32>
    %jit3A_186 = arith.constant -1.000000e+09 : f32
    %broadcast_in_dim3A_187 = vector.shape_cast %broadcast_in_dim3A_101 : vector<1x200xi1> to vector<1x200xi1>
    %broadcast_in_dim3A_188 = vector.broadcast %broadcast_in_dim3A_187 : vector<1x200xi1> to vector<200x200xi1>
    %broadcast_in_dim3A_189 = vector.broadcast %jit3A_186 : f32 to vector<200x200xf32>
    %select_n3A_190 = arith.select %broadcast_in_dim3A_188, %broadcast_in_dim3A_189, %mul3A_185 : vector<200x200xi1>, vector<200x200xf32>
    %reduce_max3A_191 = arith.constant dense<0xFF800000> : vector<200xf32>
    %reduce_max3A_192 = vector.multi_reduction <maximumf>, %select_n3A_190, %reduce_max3A_191 [1] : vector<200x200xf32> to vector<200xf32>
    %broadcast_in_dim3A_193 = vector.shape_cast %reduce_max3A_192 : vector<200xf32> to vector<200x1xf32>
    %sub3A_194 = vector.broadcast %broadcast_in_dim3A_193 : vector<200x1xf32> to vector<200x200xf32>
    %sub3A_195 = arith.subf %select_n3A_190, %sub3A_194 : vector<200x200xf32>
    %exp3A_196 = math.exp %sub3A_195 : vector<200x200xf32>
    %reduce_sum3A_197 = arith.constant dense<0.000000e+00> : vector<200xf32>
    %reduce_sum3A_198 = vector.multi_reduction <add>, %exp3A_196, %reduce_sum3A_197 [1] : vector<200x200xf32> to vector<200xf32>
    %broadcast_in_dim3A_199 = vector.shape_cast %reduce_sum3A_198 : vector<200xf32> to vector<200x1xf32>
    %div3A_200 = vector.broadcast %broadcast_in_dim3A_199 : vector<200x1xf32> to vector<200x200xf32>
    %div3A_201 = arith.divf %exp3A_196, %div3A_200 : vector<200x200xf32>
    %dot_general3A_202 = arith.constant dense<0.000000e+00> : vector<200x17xf32>
    %dot_general3A_203 = tpu.matmul %div3A_201, %slice3A_180, %dot_general3A_202 {dimension_numbers = #tpu.dot_dimension_numbers<[1], [0], [0], [1], [0, 0, 1, 1], [], []>, transpose_lhs_hint = false} : vector<200x200xf32>, vector<200x17xf32>, vector<200x17xf32> -> vector<200x17xf32>
    %slice3A_204 = vector.extract_strided_slice %add3A_72 {offsets = [0, 68], sizes = [200, 17], strides = [1, 1]} : vector<200x136xf32> to vector<200x17xf32>
    %slice3A_205 = vector.extract_strided_slice %add3A_82 {offsets = [0, 68], sizes = [200, 17], strides = [1, 1]} : vector<200x136xf32> to vector<200x17xf32>
    %slice3A_206 = vector.extract_strided_slice %add3A_92 {offsets = [0, 68], sizes = [200, 17], strides = [1, 1]} : vector<200x136xf32> to vector<200x17xf32>
    %dot_general3A_207 = arith.constant dense<0.000000e+00> : vector<200x200xf32>
    %dot_general3A_208 = tpu.matmul %slice3A_204, %slice3A_205, %dot_general3A_207 {dimension_numbers = #tpu.dot_dimension_numbers<[1], [1], [0], [0], [0, 0, 1, 0], [], []>, transpose_lhs_hint = false} : vector<200x17xf32>, vector<200x17xf32>, vector<200x200xf32> -> vector<200x200xf32>
    %mul3A_209 = arith.constant 0.242535621 : f32
    %mul3A_210 = vector.broadcast %mul3A_209 : f32 to vector<200x200xf32>
    %mul3A_211 = arith.mulf %dot_general3A_208, %mul3A_210 : vector<200x200xf32>
    %jit3A_212 = arith.constant -1.000000e+09 : f32
    %broadcast_in_dim3A_213 = vector.shape_cast %broadcast_in_dim3A_101 : vector<1x200xi1> to vector<1x200xi1>
    %broadcast_in_dim3A_214 = vector.broadcast %broadcast_in_dim3A_213 : vector<1x200xi1> to vector<200x200xi1>
    %broadcast_in_dim3A_215 = vector.broadcast %jit3A_212 : f32 to vector<200x200xf32>
    %select_n3A_216 = arith.select %broadcast_in_dim3A_214, %broadcast_in_dim3A_215, %mul3A_211 : vector<200x200xi1>, vector<200x200xf32>
    %reduce_max3A_217 = arith.constant dense<0xFF800000> : vector<200xf32>
    %reduce_max3A_218 = vector.multi_reduction <maximumf>, %select_n3A_216, %reduce_max3A_217 [1] : vector<200x200xf32> to vector<200xf32>
    %broadcast_in_dim3A_219 = vector.shape_cast %reduce_max3A_218 : vector<200xf32> to vector<200x1xf32>
    %sub3A_220 = vector.broadcast %broadcast_in_dim3A_219 : vector<200x1xf32> to vector<200x200xf32>
    %sub3A_221 = arith.subf %select_n3A_216, %sub3A_220 : vector<200x200xf32>
    %exp3A_222 = math.exp %sub3A_221 : vector<200x200xf32>
    %reduce_sum3A_223 = arith.constant dense<0.000000e+00> : vector<200xf32>
    %reduce_sum3A_224 = vector.multi_reduction <add>, %exp3A_222, %reduce_sum3A_223 [1] : vector<200x200xf32> to vector<200xf32>
    %broadcast_in_dim3A_225 = vector.shape_cast %reduce_sum3A_224 : vector<200xf32> to vector<200x1xf32>
    %div3A_226 = vector.broadcast %broadcast_in_dim3A_225 : vector<200x1xf32> to vector<200x200xf32>
    %div3A_227 = arith.divf %exp3A_222, %div3A_226 : vector<200x200xf32>
    %dot_general3A_228 = arith.constant dense<0.000000e+00> : vector<200x17xf32>
    %dot_general3A_229 = tpu.matmul %div3A_227, %slice3A_206, %dot_general3A_228 {dimension_numbers = #tpu.dot_dimension_numbers<[1], [0], [0], [1], [0, 0, 1, 1], [], []>, transpose_lhs_hint = false} : vector<200x200xf32>, vector<200x17xf32>, vector<200x17xf32> -> vector<200x17xf32>
    %slice3A_230 = vector.extract_strided_slice %add3A_72 {offsets = [0, 85], sizes = [200, 17], strides = [1, 1]} : vector<200x136xf32> to vector<200x17xf32>
    %slice3A_231 = vector.extract_strided_slice %add3A_82 {offsets = [0, 85], sizes = [200, 17], strides = [1, 1]} : vector<200x136xf32> to vector<200x17xf32>
    %slice3A_232 = vector.extract_strided_slice %add3A_92 {offsets = [0, 85], sizes = [200, 17], strides = [1, 1]} : vector<200x136xf32> to vector<200x17xf32>
    %dot_general3A_233 = arith.constant dense<0.000000e+00> : vector<200x200xf32>
    %dot_general3A_234 = tpu.matmul %slice3A_230, %slice3A_231, %dot_general3A_233 {dimension_numbers = #tpu.dot_dimension_numbers<[1], [1], [0], [0], [0, 0, 1, 0], [], []>, transpose_lhs_hint = false} : vector<200x17xf32>, vector<200x17xf32>, vector<200x200xf32> -> vector<200x200xf32>
    %mul3A_235 = arith.constant 0.242535621 : f32
    %mul3A_236 = vector.broadcast %mul3A_235 : f32 to vector<200x200xf32>
    %mul3A_237 = arith.mulf %dot_general3A_234, %mul3A_236 : vector<200x200xf32>
    %jit3A_238 = arith.constant -1.000000e+09 : f32
    %broadcast_in_dim3A_239 = vector.shape_cast %broadcast_in_dim3A_101 : vector<1x200xi1> to vector<1x200xi1>
    %broadcast_in_dim3A_240 = vector.broadcast %broadcast_in_dim3A_239 : vector<1x200xi1> to vector<200x200xi1>
    %broadcast_in_dim3A_241 = vector.broadcast %jit3A_238 : f32 to vector<200x200xf32>
    %select_n3A_242 = arith.select %broadcast_in_dim3A_240, %broadcast_in_dim3A_241, %mul3A_237 : vector<200x200xi1>, vector<200x200xf32>
    %reduce_max3A_243 = arith.constant dense<0xFF800000> : vector<200xf32>
    %reduce_max3A_244 = vector.multi_reduction <maximumf>, %select_n3A_242, %reduce_max3A_243 [1] : vector<200x200xf32> to vector<200xf32>
    %broadcast_in_dim3A_245 = vector.shape_cast %reduce_max3A_244 : vector<200xf32> to vector<200x1xf32>
    %sub3A_246 = vector.broadcast %broadcast_in_dim3A_245 : vector<200x1xf32> to vector<200x200xf32>
    %sub3A_247 = arith.subf %select_n3A_242, %sub3A_246 : vector<200x200xf32>
    %exp3A_248 = math.exp %sub3A_247 : vector<200x200xf32>
    %reduce_sum3A_249 = arith.constant dense<0.000000e+00> : vector<200xf32>
    %reduce_sum3A_250 = vector.multi_reduction <add>, %exp3A_248, %reduce_sum3A_249 [1] : vector<200x200xf32> to vector<200xf32>
    %broadcast_in_dim3A_251 = vector.shape_cast %reduce_sum3A_250 : vector<200xf32> to vector<200x1xf32>
    %div3A_252 = vector.broadcast %broadcast_in_dim3A_251 : vector<200x1xf32> to vector<200x200xf32>
    %div3A_253 = arith.divf %exp3A_248, %div3A_252 : vector<200x200xf32>
    %dot_general3A_254 = arith.constant dense<0.000000e+00> : vector<200x17xf32>
    %dot_general3A_255 = tpu.matmul %div3A_253, %slice3A_232, %dot_general3A_254 {dimension_numbers = #tpu.dot_dimension_numbers<[1], [0], [0], [1], [0, 0, 1, 1], [], []>, transpose_lhs_hint = false} : vector<200x200xf32>, vector<200x17xf32>, vector<200x17xf32> -> vector<200x17xf32>
    %slice3A_256 = vector.extract_strided_slice %add3A_72 {offsets = [0, 102], sizes = [200, 17], strides = [1, 1]} : vector<200x136xf32> to vector<200x17xf32>
    %slice3A_257 = vector.extract_strided_slice %add3A_82 {offsets = [0, 102], sizes = [200, 17], strides = [1, 1]} : vector<200x136xf32> to vector<200x17xf32>
    %slice3A_258 = vector.extract_strided_slice %add3A_92 {offsets = [0, 102], sizes = [200, 17], strides = [1, 1]} : vector<200x136xf32> to vector<200x17xf32>
    %dot_general3A_259 = arith.constant dense<0.000000e+00> : vector<200x200xf32>
    %dot_general3A_260 = tpu.matmul %slice3A_256, %slice3A_257, %dot_general3A_259 {dimension_numbers = #tpu.dot_dimension_numbers<[1], [1], [0], [0], [0, 0, 1, 0], [], []>, transpose_lhs_hint = false} : vector<200x17xf32>, vector<200x17xf32>, vector<200x200xf32> -> vector<200x200xf32>
    %mul3A_261 = arith.constant 0.242535621 : f32
    %mul3A_262 = vector.broadcast %mul3A_261 : f32 to vector<200x200xf32>
    %mul3A_263 = arith.mulf %dot_general3A_260, %mul3A_262 : vector<200x200xf32>
    %jit3A_264 = arith.constant -1.000000e+09 : f32
    %broadcast_in_dim3A_265 = vector.shape_cast %broadcast_in_dim3A_101 : vector<1x200xi1> to vector<1x200xi1>
    %broadcast_in_dim3A_266 = vector.broadcast %broadcast_in_dim3A_265 : vector<1x200xi1> to vector<200x200xi1>
    %broadcast_in_dim3A_267 = vector.broadcast %jit3A_264 : f32 to vector<200x200xf32>
    %select_n3A_268 = arith.select %broadcast_in_dim3A_266, %broadcast_in_dim3A_267, %mul3A_263 : vector<200x200xi1>, vector<200x200xf32>
    %reduce_max3A_269 = arith.constant dense<0xFF800000> : vector<200xf32>
    %reduce_max3A_270 = vector.multi_reduction <maximumf>, %select_n3A_268, %reduce_max3A_269 [1] : vector<200x200xf32> to vector<200xf32>
    %broadcast_in_dim3A_271 = vector.shape_cast %reduce_max3A_270 : vector<200xf32> to vector<200x1xf32>
    %sub3A_272 = vector.broadcast %broadcast_in_dim3A_271 : vector<200x1xf32> to vector<200x200xf32>
    %sub3A_273 = arith.subf %select_n3A_268, %sub3A_272 : vector<200x200xf32>
    %exp3A_274 = math.exp %sub3A_273 : vector<200x200xf32>
    %reduce_sum3A_275 = arith.constant dense<0.000000e+00> : vector<200xf32>
    %reduce_sum3A_276 = vector.multi_reduction <add>, %exp3A_274, %reduce_sum3A_275 [1] : vector<200x200xf32> to vector<200xf32>
    %broadcast_in_dim3A_277 = vector.shape_cast %reduce_sum3A_276 : vector<200xf32> to vector<200x1xf32>
    %div3A_278 = vector.broadcast %broadcast_in_dim3A_277 : vector<200x1xf32> to vector<200x200xf32>
    %div3A_279 = arith.divf %exp3A_274, %div3A_278 : vector<200x200xf32>
    %dot_general3A_280 = arith.constant dense<0.000000e+00> : vector<200x17xf32>
    %dot_general3A_281 = tpu.matmul %div3A_279, %slice3A_258, %dot_general3A_280 {dimension_numbers = #tpu.dot_dimension_numbers<[1], [0], [0], [1], [0, 0, 1, 1], [], []>, transpose_lhs_hint = false} : vector<200x200xf32>, vector<200x17xf32>, vector<200x17xf32> -> vector<200x17xf32>
    %slice3A_282 = vector.extract_strided_slice %add3A_72 {offsets = [0, 119], sizes = [200, 17], strides = [1, 1]} : vector<200x136xf32> to vector<200x17xf32>
    %slice3A_283 = vector.extract_strided_slice %add3A_82 {offsets = [0, 119], sizes = [200, 17], strides = [1, 1]} : vector<200x136xf32> to vector<200x17xf32>
    %slice3A_284 = vector.extract_strided_slice %add3A_92 {offsets = [0, 119], sizes = [200, 17], strides = [1, 1]} : vector<200x136xf32> to vector<200x17xf32>
    %dot_general3A_285 = arith.constant dense<0.000000e+00> : vector<200x200xf32>
    %dot_general3A_286 = tpu.matmul %slice3A_282, %slice3A_283, %dot_general3A_285 {dimension_numbers = #tpu.dot_dimension_numbers<[1], [1], [0], [0], [0, 0, 1, 0], [], []>, transpose_lhs_hint = false} : vector<200x17xf32>, vector<200x17xf32>, vector<200x200xf32> -> vector<200x200xf32>
    %mul3A_287 = arith.constant 0.242535621 : f32
    %mul3A_288 = vector.broadcast %mul3A_287 : f32 to vector<200x200xf32>
    %mul3A_289 = arith.mulf %dot_general3A_286, %mul3A_288 : vector<200x200xf32>
    %jit3A_290 = arith.constant -1.000000e+09 : f32
    %broadcast_in_dim3A_291 = vector.shape_cast %broadcast_in_dim3A_101 : vector<1x200xi1> to vector<1x200xi1>
    %broadcast_in_dim3A_292 = vector.broadcast %broadcast_in_dim3A_291 : vector<1x200xi1> to vector<200x200xi1>
    %broadcast_in_dim3A_293 = vector.broadcast %jit3A_290 : f32 to vector<200x200xf32>
    %select_n3A_294 = arith.select %broadcast_in_dim3A_292, %broadcast_in_dim3A_293, %mul3A_289 : vector<200x200xi1>, vector<200x200xf32>
    %reduce_max3A_295 = arith.constant dense<0xFF800000> : vector<200xf32>
    %reduce_max3A_296 = vector.multi_reduction <maximumf>, %select_n3A_294, %reduce_max3A_295 [1] : vector<200x200xf32> to vector<200xf32>
    %broadcast_in_dim3A_297 = vector.shape_cast %reduce_max3A_296 : vector<200xf32> to vector<200x1xf32>
    %sub3A_298 = vector.broadcast %broadcast_in_dim3A_297 : vector<200x1xf32> to vector<200x200xf32>
    %sub3A_299 = arith.subf %select_n3A_294, %sub3A_298 : vector<200x200xf32>
    %exp3A_300 = math.exp %sub3A_299 : vector<200x200xf32>
    %reduce_sum3A_301 = arith.constant dense<0.000000e+00> : vector<200xf32>
    %reduce_sum3A_302 = vector.multi_reduction <add>, %exp3A_300, %reduce_sum3A_301 [1] : vector<200x200xf32> to vector<200xf32>
    %broadcast_in_dim3A_303 = vector.shape_cast %reduce_sum3A_302 : vector<200xf32> to vector<200x1xf32>
    %div3A_304 = vector.broadcast %broadcast_in_dim3A_303 : vector<200x1xf32> to vector<200x200xf32>
    %div3A_305 = arith.divf %exp3A_300, %div3A_304 : vector<200x200xf32>
    %dot_general3A_306 = arith.constant dense<0.000000e+00> : vector<200x17xf32>
    %dot_general3A_307 = tpu.matmul %div3A_305, %slice3A_284, %dot_general3A_306 {dimension_numbers = #tpu.dot_dimension_numbers<[1], [0], [0], [1], [0, 0, 1, 1], [], []>, transpose_lhs_hint = false} : vector<200x200xf32>, vector<200x17xf32>, vector<200x17xf32> -> vector<200x17xf32>
    %concatenate3A_308 = tpu.concatenate %dot_general3A_125, %dot_general3A_151, %dot_general3A_177, %dot_general3A_203, %dot_general3A_229, %dot_general3A_255, %dot_general3A_281, %dot_general3A_307 in 1 : vector<200x17xf32>, vector<200x17xf32>, vector<200x17xf32>, vector<200x17xf32>, vector<200x17xf32>, vector<200x17xf32>, vector<200x17xf32>, vector<200x17xf32> -> vector<200x136xf32>
    %get3A_309 = arith.constant 0 : index
    %get3A_310 = arith.constant 0 : index
    %get3A_311 = vector.load %arg16[%get3A_309, %get3A_310] : memref<136x136xf32, #tpu.memory_space<vmem>>, vector<136x136xf32>
    %dot_general3A_312 = arith.constant dense<0.000000e+00> : vector<200x136xf32>
    %dot_general3A_313 = tpu.matmul %concatenate3A_308, %get3A_311, %dot_general3A_312 {dimension_numbers = #tpu.dot_dimension_numbers<[1], [0], [0], [1], [0, 0, 1, 1], [], []>, transpose_lhs_hint = false} : vector<200x136xf32>, vector<136x136xf32>, vector<200x136xf32> -> vector<200x136xf32>
    %add3A_314 = arith.addf %concatenate3A, %dot_general3A_313 : vector<200x136xf32>
    %get3A_315 = arith.constant 0 : index
    %get3A_316 = arith.constant 0 : index
    %get3A_317 = vector.load %arg17[%get3A_315, %get3A_316] : memref<1x136xf32, #tpu.memory_space<vmem>>, vector<1x136xf32>
    %add3A_318 = vector.broadcast %get3A_317 : vector<1x136xf32> to vector<200x136xf32>
    %add3A_319 = arith.addf %add3A_314, %add3A_318 : vector<200x136xf32>
    %get3A_320 = arith.constant 0 : index
    %get3A_321 = arith.constant 0 : index
    %get3A_322 = vector.load %arg18[%get3A_320, %get3A_321] : memref<1x136xf32, #tpu.memory_space<vmem>>, vector<1x136xf32>
    %get3A_323 = arith.constant 0 : index
    %get3A_324 = arith.constant 0 : index
    %get3A_325 = vector.load %arg19[%get3A_323, %get3A_324] : memref<1x136xf32, #tpu.memory_space<vmem>>, vector<1x136xf32>
    %reduce_sum3A_326 = arith.constant dense<0.000000e+00> : vector<200xf32>
    %reduce_sum3A_327 = vector.multi_reduction <add>, %add3A_319, %reduce_sum3A_326 [1] : vector<200x136xf32> to vector<200xf32>
    %broadcast_in_dim3A_328 = vector.shape_cast %reduce_sum3A_327 : vector<200xf32> to vector<200x1xf32>
    %div3A_329 = arith.constant 1.360000e+02 : f32
    %div3A_330 = vector.broadcast %div3A_329 : f32 to vector<200x1xf32>
    %div3A_331 = arith.divf %broadcast_in_dim3A_328, %div3A_330 : vector<200x1xf32>
    %jit3A_332 = arith.constant 0 : i32
    %reduce_sum3A_333 = arith.constant dense<0.000000e+00> : vector<200xf32>
    %reduce_sum3A_334 = vector.multi_reduction <add>, %add3A_319, %reduce_sum3A_333 [1] : vector<200x136xf32> to vector<200xf32>
    %broadcast_in_dim3A_335 = vector.shape_cast %reduce_sum3A_334 : vector<200xf32> to vector<200x1xf32>
    %div3A_336 = arith.constant 1.360000e+02 : f32
    %div3A_337 = vector.broadcast %div3A_336 : f32 to vector<200x1xf32>
    %div3A_338 = arith.divf %broadcast_in_dim3A_335, %div3A_337 : vector<200x1xf32>
    %sub3A_339 = vector.broadcast %div3A_338 : vector<200x1xf32> to vector<200x136xf32>
    %sub3A_340 = arith.subf %add3A_319, %sub3A_339 : vector<200x136xf32>
    %square3A = arith.mulf %sub3A_340, %sub3A_340 : vector<200x136xf32>
    %convert_element_type3A_341 = arith.sitofp %jit3A_332 : i32 to f32
    %sub3A_342 = arith.constant 1.360000e+02 : f32
    %sub3A_343 = arith.subf %sub3A_342, %convert_element_type3A_341 : f32
    %reduce_sum3A_344 = arith.constant dense<0.000000e+00> : vector<200xf32>
    %reduce_sum3A_345 = vector.multi_reduction <add>, %square3A, %reduce_sum3A_344 [1] : vector<200x136xf32> to vector<200xf32>
    %broadcast_in_dim3A_346 = vector.shape_cast %reduce_sum3A_345 : vector<200xf32> to vector<200x1xf32>
    %div3A_347 = vector.broadcast %sub3A_343 : f32 to vector<200x1xf32>
    %div3A_348 = arith.divf %broadcast_in_dim3A_346, %div3A_347 : vector<200x1xf32>
    %gt3A = arith.constant 0.000000e+00 : f32
    %gt3A_349 = arith.cmpf ogt, %sub3A_343, %gt3A : f32
    %jit3A_350 = arith.constant 0x7FC00000 : f32
    %broadcast_in_dim3A_351 = vector.broadcast %jit3A_350 : f32 to vector<200x1xf32>
    %select_n3A_352 = arith.select %gt3A_349, %div3A_348, %broadcast_in_dim3A_351 : vector<200x1xf32>
    %sub3A_353 = vector.broadcast %div3A_331 : vector<200x1xf32> to vector<200x136xf32>
    %sub3A_354 = arith.subf %add3A_319, %sub3A_353 : vector<200x136xf32>
    %add3A_355 = arith.constant 9.99999974E-6 : f32
    %add3A_356 = vector.broadcast %add3A_355 : f32 to vector<200x1xf32>
    %add3A_357 = arith.addf %select_n3A_352, %add3A_356 : vector<200x1xf32>
    %sqrt3A = math.sqrt %add3A_357 : vector<200x1xf32>
    %div3A_358 = vector.broadcast %sqrt3A : vector<200x1xf32> to vector<200x136xf32>
    %div3A_359 = arith.divf %sub3A_354, %div3A_358 : vector<200x136xf32>
    %mul3A_360 = vector.broadcast %get3A_322 : vector<1x136xf32> to vector<200x136xf32>
    %mul3A_361 = arith.mulf %div3A_359, %mul3A_360 : vector<200x136xf32>
    %add3A_362 = vector.broadcast %get3A_325 : vector<1x136xf32> to vector<200x136xf32>
    %add3A_363 = arith.addf %mul3A_361, %add3A_362 : vector<200x136xf32>
    %get3A_364 = arith.constant 0 : index
    %get3A_365 = arith.constant 0 : index
    %get3A_366 = vector.load %arg22[%get3A_364, %get3A_365] : memref<136x544xf32, #tpu.memory_space<vmem>>, vector<136x544xf32>
    %dot_general3A_367 = arith.constant dense<0.000000e+00> : vector<200x544xf32>
    %dot_general3A_368 = tpu.matmul %add3A_363, %get3A_366, %dot_general3A_367 {dimension_numbers = #tpu.dot_dimension_numbers<[1], [0], [0], [1], [0, 0, 1, 1], [], []>, transpose_lhs_hint = false} : vector<200x136xf32>, vector<136x544xf32>, vector<200x544xf32> -> vector<200x544xf32>
    %get3A_369 = arith.constant 0 : index
    %get3A_370 = arith.constant 0 : index
    %get3A_371 = vector.load %arg23[%get3A_369, %get3A_370] : memref<1x544xf32, #tpu.memory_space<vmem>>, vector<1x544xf32>
    %add3A_372 = vector.broadcast %get3A_371 : vector<1x544xf32> to vector<200x544xf32>
    %add3A_373 = arith.addf %dot_general3A_368, %add3A_372 : vector<200x544xf32>
    %max3A = arith.constant 0.000000e+00 : f32
    %max3A_374 = vector.broadcast %max3A : f32 to vector<200x544xf32>
    %max3A_375 = arith.maximumf %add3A_373, %max3A_374 : vector<200x544xf32>
    %get3A_376 = arith.constant 0 : index
    %get3A_377 = arith.constant 0 : index
    %get3A_378 = vector.load %arg24[%get3A_376, %get3A_377] : memref<544x136xf32, #tpu.memory_space<vmem>>, vector<544x136xf32>
    %dot_general3A_379 = arith.constant dense<0.000000e+00> : vector<200x136xf32>
    %dot_general3A_380 = tpu.matmul %max3A_375, %get3A_378, %dot_general3A_379 {dimension_numbers = #tpu.dot_dimension_numbers<[1], [0], [0], [1], [0, 0, 1, 1], [], []>, transpose_lhs_hint = false} : vector<200x544xf32>, vector<544x136xf32>, vector<200x136xf32> -> vector<200x136xf32>
    %get3A_381 = arith.constant 0 : index
    %get3A_382 = arith.constant 0 : index
    %get3A_383 = vector.load %arg25[%get3A_381, %get3A_382] : memref<1x136xf32, #tpu.memory_space<vmem>>, vector<1x136xf32>
    %add3A_384 = vector.broadcast %get3A_383 : vector<1x136xf32> to vector<200x136xf32>
    %add3A_385 = arith.addf %dot_general3A_380, %add3A_384 : vector<200x136xf32>
    %add3A_386 = arith.addf %add3A_363, %add3A_385 : vector<200x136xf32>
    %get3A_387 = arith.constant 0 : index
    %get3A_388 = arith.constant 0 : index
    %get3A_389 = vector.load %arg20[%get3A_387, %get3A_388] : memref<1x136xf32, #tpu.memory_space<vmem>>, vector<1x136xf32>
    %get3A_390 = arith.constant 0 : index
    %get3A_391 = arith.constant 0 : index
    %get3A_392 = vector.load %arg21[%get3A_390, %get3A_391] : memref<1x136xf32, #tpu.memory_space<vmem>>, vector<1x136xf32>
    %reduce_sum3A_393 = arith.constant dense<0.000000e+00> : vector<200xf32>
    %reduce_sum3A_394 = vector.multi_reduction <add>, %add3A_386, %reduce_sum3A_393 [1] : vector<200x136xf32> to vector<200xf32>
    %broadcast_in_dim3A_395 = vector.shape_cast %reduce_sum3A_394 : vector<200xf32> to vector<200x1xf32>
    %div3A_396 = arith.constant 1.360000e+02 : f32
    %div3A_397 = vector.broadcast %div3A_396 : f32 to vector<200x1xf32>
    %div3A_398 = arith.divf %broadcast_in_dim3A_395, %div3A_397 : vector<200x1xf32>
    %jit3A_399 = arith.constant 0 : i32
    %reduce_sum3A_400 = arith.constant dense<0.000000e+00> : vector<200xf32>
    %reduce_sum3A_401 = vector.multi_reduction <add>, %add3A_386, %reduce_sum3A_400 [1] : vector<200x136xf32> to vector<200xf32>
    %broadcast_in_dim3A_402 = vector.shape_cast %reduce_sum3A_401 : vector<200xf32> to vector<200x1xf32>
    %div3A_403 = arith.constant 1.360000e+02 : f32
    %div3A_404 = vector.broadcast %div3A_403 : f32 to vector<200x1xf32>
    %div3A_405 = arith.divf %broadcast_in_dim3A_402, %div3A_404 : vector<200x1xf32>
    %sub3A_406 = vector.broadcast %div3A_405 : vector<200x1xf32> to vector<200x136xf32>
    %sub3A_407 = arith.subf %add3A_386, %sub3A_406 : vector<200x136xf32>
    %square3A_408 = arith.mulf %sub3A_407, %sub3A_407 : vector<200x136xf32>
    %convert_element_type3A_409 = arith.sitofp %jit3A_399 : i32 to f32
    %sub3A_410 = arith.constant 1.360000e+02 : f32
    %sub3A_411 = arith.subf %sub3A_410, %convert_element_type3A_409 : f32
    %reduce_sum3A_412 = arith.constant dense<0.000000e+00> : vector<200xf32>
    %reduce_sum3A_413 = vector.multi_reduction <add>, %square3A_408, %reduce_sum3A_412 [1] : vector<200x136xf32> to vector<200xf32>
    %broadcast_in_dim3A_414 = vector.shape_cast %reduce_sum3A_413 : vector<200xf32> to vector<200x1xf32>
    %div3A_415 = vector.broadcast %sub3A_411 : f32 to vector<200x1xf32>
    %div3A_416 = arith.divf %broadcast_in_dim3A_414, %div3A_415 : vector<200x1xf32>
    %gt3A_417 = arith.constant 0.000000e+00 : f32
    %gt3A_418 = arith.cmpf ogt, %sub3A_411, %gt3A_417 : f32
    %jit3A_419 = arith.constant 0x7FC00000 : f32
    %broadcast_in_dim3A_420 = vector.broadcast %jit3A_419 : f32 to vector<200x1xf32>
    %select_n3A_421 = arith.select %gt3A_418, %div3A_416, %broadcast_in_dim3A_420 : vector<200x1xf32>
    %sub3A_422 = vector.broadcast %div3A_398 : vector<200x1xf32> to vector<200x136xf32>
    %sub3A_423 = arith.subf %add3A_386, %sub3A_422 : vector<200x136xf32>
    %add3A_424 = arith.constant 9.99999974E-6 : f32
    %add3A_425 = vector.broadcast %add3A_424 : f32 to vector<200x1xf32>
    %add3A_426 = arith.addf %select_n3A_421, %add3A_425 : vector<200x1xf32>
    %sqrt3A_427 = math.sqrt %add3A_426 : vector<200x1xf32>
    %div3A_428 = vector.broadcast %sqrt3A_427 : vector<200x1xf32> to vector<200x136xf32>
    %div3A_429 = arith.divf %sub3A_423, %div3A_428 : vector<200x136xf32>
    %mul3A_430 = vector.broadcast %get3A_389 : vector<1x136xf32> to vector<200x136xf32>
    %mul3A_431 = arith.mulf %div3A_429, %mul3A_430 : vector<200x136xf32>
    %add3A_432 = vector.broadcast %get3A_392 : vector<1x136xf32> to vector<200x136xf32>
    %add3A_433 = arith.addf %mul3A_431, %add3A_432 : vector<200x136xf32>
    %broadcast_in_dim3A_434 = vector.shape_cast %add3A_433 : vector<200x136xf32> to vector<1x200x136xf32>
    %swap3A = arith.constant 0 : index
    %swap3A_435 = arith.constant 0 : index
    %swap3A_436 = arith.constant 0 : index
    %swap3A_437 = vector.load %arg26[%swap3A, %swap3A_435, %swap3A_436] : memref<1x200x136xf32, #tpu.memory_space<vmem>>, vector<1x200x136xf32>
    tpu.vector_store %arg26[%swap3A, %swap3A_435, %swap3A_436], %broadcast_in_dim3A_434 {strides = array<i32>} : memref<1x200x136xf32, #tpu.memory_space<vmem>>, vector<1x200x136xf32>,
    return
  }
  func.func @transform_0(%arg0: i32) -> (i32, i32, i32, i32) {
    %c0_i32 = arith.constant 0 : i32
    %c0_i32_0 = arith.constant 0 : i32
    %c0_i32_1 = arith.constant 0 : i32
    %c0_i32_2 = arith.constant 0 : i32
    return %c0_i32, %arg0, %c0_i32_0, %c0_i32_1 : i32, i32, i32, i32
  }
  func.func @transform_1(%arg0: i32) -> (i32, i32, i32, i32) {
    %c0_i32 = arith.constant 0 : i32
    %c0_i32_0 = arith.constant 0 : i32
    %c0_i32_1 = arith.constant 0 : i32
    %c0_i32_2 = arith.constant 0 : i32
    return %c0_i32, %arg0, %c0_i32_0, %c0_i32_1 : i32, i32, i32, i32
  }
  func.func @transform_2(%arg0: i32) -> (i32, i32, i32) {
    %c0_i32 = arith.constant 0 : i32
    %c0_i32_0 = arith.constant 0 : i32
    %c0_i32_1 = arith.constant 0 : i32
    return %arg0, %c0_i32, %c0_i32_0 : i32, i32, i32
  }
  func.func @transform_3(%arg0: i32) -> (i32, i32, i32) {
    %c0_i32 = arith.constant 0 : i32
    %c0_i32_0 = arith.constant 0 : i32
    %c0_i32_1 = arith.constant 0 : i32
    return %arg0, %c0_i32, %c0_i32_0 : i32, i32, i32
  }
  func.func @transform_4(%arg0: i32) -> (i32, i32) {
    %c0_i32 = arith.constant 0 : i32
    %c0_i32_0 = arith.constant 0 : i32
    %c0_i32_1 = arith.constant 0 : i32
    return %c0_i32, %c0_i32_0 : i32, i32
  }
  func.func @transform_5(%arg0: i32) -> (i32, i32) {
    %c0_i32 = arith.constant 0 : i32
    %c0_i32_0 = arith.constant 0 : i32
    %c0_i32_1 = arith.constant 0 : i32
    return %c0_i32, %c0_i32_0 : i32, i32
  }
  func.func @transform_6(%arg0: i32) -> (i32, i32) {
    %c0_i32 = arith.constant 0 : i32
    %c0_i32_0 = arith.constant 0 : i32
    %c0_i32_1 = arith.constant 0 : i32
    return %c0_i32, %c0_i32_0 : i32, i32
  }
  func.func @transform_7(%arg0: i32) -> (i32, i32) {
    %c0_i32 = arith.constant 0 : i32
    %c0_i32_0 = arith.constant 0 : i32
    %c0_i32_1 = arith.constant 0 : i32
    return %c0_i32, %c0_i32_0 : i32, i32
  }
  func.func @transform_8(%arg0: i32) -> (i32, i32) {
    %c0_i32 = arith.constant 0 : i32
    %c0_i32_0 = arith.constant 0 : i32
    %c0_i32_1 = arith.constant 0 : i32
    return %c0_i32, %c0_i32_0 : i32, i32
  }
  func.func @transform_9(%arg0: i32) -> (i32, i32) {
    %c0_i32 = arith.constant 0 : i32
    %c0_i32_0 = arith.constant 0 : i32
    %c0_i32_1 = arith.constant 0 : i32
    return %c0_i32, %c0_i32_0 : i32, i32
  }
  func.func @transform_10(%arg0: i32) -> (i32, i32) {
    %c0_i32 = arith.constant 0 : i32
    %c0_i32_0 = arith.constant 0 : i32
    %c0_i32_1 = arith.constant 0 : i32
    return %c0_i32, %c0_i32_0 : i32, i32
  }
  func.func @transform_11(%arg0: i32) -> (i32, i32) {
    %c0_i32 = arith.constant 0 : i32
    %c0_i32_0 = arith.constant 0 : i32
    %c0_i32_1 = arith.constant 0 : i32
    return %c0_i32, %c0_i32_0 : i32, i32
  }
  func.func @transform_12(%arg0: i32) -> (i32, i32) {
    %c0_i32 = arith.constant 0 : i32
    %c0_i32_0 = arith.constant 0 : i32
    %c0_i32_1 = arith.constant 0 : i32
    return %c0_i32, %c0_i32_0 : i32, i32
  }
  func.func @transform_13(%arg0: i32) -> (i32, i32) {
    %c0_i32 = arith.constant 0 : i32
    %c0_i32_0 = arith.constant 0 : i32
    %c0_i32_1 = arith.constant 0 : i32
    return %c0_i32, %c0_i32_0 : i32, i32
  }
  func.func @transform_14(%arg0: i32) -> (i32, i32) {
    %c0_i32 = arith.constant 0 : i32
    %c0_i32_0 = arith.constant 0 : i32
    %c0_i32_1 = arith.constant 0 : i32
    return %c0_i32, %c0_i32_0 : i32, i32
  }
  func.func @transform_15(%arg0: i32) -> (i32, i32) {
    %c0_i32 = arith.constant 0 : i32
    %c0_i32_0 = arith.constant 0 : i32
    %c0_i32_1 = arith.constant 0 : i32
    return %c0_i32, %c0_i32_0 : i32, i32
  }
  func.func @transform_16(%arg0: i32) -> (i32, i32) {
    %c0_i32 = arith.constant 0 : i32
    %c0_i32_0 = arith.constant 0 : i32
    %c0_i32_1 = arith.constant 0 : i32
    return %c0_i32, %c0_i32_0 : i32, i32
  }
  func.func @transform_17(%arg0: i32) -> (i32, i32) {
    %c0_i32 = arith.constant 0 : i32
    %c0_i32_0 = arith.constant 0 : i32
    %c0_i32_1 = arith.constant 0 : i32
    return %c0_i32, %c0_i32_0 : i32, i32
  }
  func.func @transform_18(%arg0: i32) -> (i32, i32) {
    %c0_i32 = arith.constant 0 : i32
    %c0_i32_0 = arith.constant 0 : i32
    %c0_i32_1 = arith.constant 0 : i32
    return %c0_i32, %c0_i32_0 : i32, i32
  }
  func.func @transform_19(%arg0: i32) -> (i32, i32) {
    %c0_i32 = arith.constant 0 : i32
    %c0_i32_0 = arith.constant 0 : i32
    %c0_i32_1 = arith.constant 0 : i32
    return %c0_i32, %c0_i32_0 : i32, i32
  }
  func.func @transform_20(%arg0: i32) -> (i32, i32) {
    %c0_i32 = arith.constant 0 : i32
    %c0_i32_0 = arith.constant 0 : i32
    %c0_i32_1 = arith.constant 0 : i32
    return %c0_i32, %c0_i32_0 : i32, i32
  }
  func.func @transform_21(%arg0: i32) -> (i32, i32) {
    %c0_i32 = arith.constant 0 : i32
    %c0_i32_0 = arith.constant 0 : i32
    %c0_i32_1 = arith.constant 0 : i32
    return %c0_i32, %c0_i32_0 : i32, i32
  }
  func.func @transform_22(%arg0: i32) -> (i32, i32) {
    %c0_i32 = arith.constant 0 : i32
    %c0_i32_0 = arith.constant 0 : i32
    %c0_i32_1 = arith.constant 0 : i32
    return %c0_i32, %c0_i32_0 : i32, i32
  }
  func.func @transform_23(%arg0: i32) -> (i32, i32) {
    %c0_i32 = arith.constant 0 : i32
    %c0_i32_0 = arith.constant 0 : i32
    %c0_i32_1 = arith.constant 0 : i32
    return %c0_i32, %c0_i32_0 : i32, i32
  }
  func.func @transform_24(%arg0: i32) -> (i32, i32) {
    %c0_i32 = arith.constant 0 : i32
    %c0_i32_0 = arith.constant 0 : i32
    %c0_i32_1 = arith.constant 0 : i32
    return %c0_i32, %c0_i32_0 : i32, i32
  }
  func.func @transform_25(%arg0: i32) -> (i32, i32, i32) {
    %c0_i32 = arith.constant 0 : i32
    %c0_i32_0 = arith.constant 0 : i32
    %c0_i32_1 = arith.constant 0 : i32
    return %arg0, %c0_i32, %c0_i32_0 : i32, i32, i32
  }
}

module attributes {stable_mosaic.version = 14 : i64} {
  func.func @_tce_body(%arg0: i32, %arg1: memref<1x200x136xf32, #tpu.memory_space<vmem>>, %arg2: memref<136x10000xf32, #tpu.memory_space<vmem>>, %arg3: memref<1x10000xf32, #tpu.memory_space<vmem>>, %arg4: memref<1x1x200xi32, #tpu.memory_space<vmem>>, %arg5: memref<200x10000xf32, #tpu.memory_space<vmem>>) attributes {dimension_semantics = [#tpu.dimension_semantics<arbitrary>], iteration_bounds = array<i64: 8>, scalar_prefetch = 0 : i64, scratch_operands = 0 : i64, tpu.core_type = #tpu.core_type<tc>, window_params = [{transform_indices = @transform_0, window_bounds = array<i64: 1, 200, 136>}, {pipeline_mode = #tpu.pipeline_mode<synchronous>, transform_indices = @transform_1, window_bounds = array<i64: 136, 10000>}, {pipeline_mode = #tpu.pipeline_mode<synchronous>, transform_indices = @transform_2, window_bounds = array<i64: 1, 10000>}, {transform_indices = @transform_3, window_bounds = array<i64: 1, 1, 200>}, {transform_indices = @transform_4, window_bounds = array<i64: 200, 10000>}]} {
    %get3A = arith.constant 0 : index
    %get3A_0 = arith.constant 0 : index
    %get3A_1 = arith.constant 0 : index
    %get3A_2 = vector.load %arg1[%get3A, %get3A_0, %get3A_1] : memref<1x200x136xf32, #tpu.memory_space<vmem>>, vector<1x200x136xf32>
    %get3A_3 = vector.shape_cast %get3A_2 : vector<1x200x136xf32> to vector<200x136xf32>
    %get3A_4 = arith.constant 0 : index
    %get3A_5 = arith.constant 0 : index
    %get3A_6 = vector.load %arg2[%get3A_4, %get3A_5] : memref<136x10000xf32, #tpu.memory_space<vmem>>, vector<136x10000xf32>
    %dot_general3A = arith.constant dense<0.000000e+00> : vector<200x10000xf32>
    %dot_general3A_7 = tpu.matmul %get3A_3, %get3A_6, %dot_general3A {dimension_numbers = #tpu.dot_dimension_numbers<[1], [0], [0], [1], [0, 0, 1, 1], [], []>, transpose_lhs_hint = false} : vector<200x136xf32>, vector<136x10000xf32>, vector<200x10000xf32> -> vector<200x10000xf32>
    %get3A_8 = arith.constant 0 : index
    %get3A_9 = arith.constant 0 : index
    %get3A_10 = vector.load %arg3[%get3A_8, %get3A_9] : memref<1x10000xf32, #tpu.memory_space<vmem>>, vector<1x10000xf32>
    %add3A = vector.broadcast %get3A_10 : vector<1x10000xf32> to vector<200x10000xf32>
    %add3A_11 = arith.addf %dot_general3A_7, %add3A : vector<200x10000xf32>
    %iota3A = tpu.iota {dimensions = array<i32: 1>} : vector<200x10000xi32>
    %get3A_12 = arith.constant 0 : index
    %get3A_13 = arith.constant 0 : index
    %get3A_14 = arith.constant 0 : index
    %get3A_15 = vector.load %arg4[%get3A_12, %get3A_13, %get3A_14] : memref<1x1x200xi32, #tpu.memory_space<vmem>>, vector<1x1x200xi32>
    %get3A_16 = vector.shape_cast %get3A_15 : vector<1x1x200xi32> to vector<200xi32>
    %broadcast_in_dim3A = vector.shape_cast %get3A_16 : vector<200xi32> to vector<200x1xi32>
    %eq3A = vector.broadcast %broadcast_in_dim3A : vector<200x1xi32> to vector<200x10000xi32>
    %eq3A_17 = arith.cmpi eq, %eq3A, %iota3A : vector<200x10000xi32>
    %convert_element_type3A = arith.extui %eq3A_17 : vector<200x10000xi1> to vector<200x10000xi32>
    %broadcast_in_dim3A_18 = arith.constant 0 : i32
    %broadcast_in_dim3A_19 = vector.broadcast %broadcast_in_dim3A_18 : i32 to vector<1x10000xi32>
    %slice3A = vector.extract_strided_slice %convert_element_type3A {offsets = [0, 0], sizes = [199, 10000], strides = [1, 1]} : vector<200x10000xi32> to vector<199x10000xi32>
    %concatenate3A = tpu.concatenate %broadcast_in_dim3A_19, %slice3A in 0 : vector<1x10000xi32>, vector<199x10000xi32> -> vector<200x10000xi32>
    %or3A = arith.ori %convert_element_type3A, %concatenate3A : vector<200x10000xi32>
    %broadcast_in_dim3A_20 = arith.constant 0 : i32
    %broadcast_in_dim3A_21 = vector.broadcast %broadcast_in_dim3A_20 : i32 to vector<2x10000xi32>
    %slice3A_22 = vector.extract_strided_slice %or3A {offsets = [0, 0], sizes = [198, 10000], strides = [1, 1]} : vector<200x10000xi32> to vector<198x10000xi32>
    %concatenate3A_23 = tpu.concatenate %broadcast_in_dim3A_21, %slice3A_22 in 0 : vector<2x10000xi32>, vector<198x10000xi32> -> vector<200x10000xi32>
    %or3A_24 = arith.ori %or3A, %concatenate3A_23 : vector<200x10000xi32>
    %broadcast_in_dim3A_25 = arith.constant 0 : i32
    %broadcast_in_dim3A_26 = vector.broadcast %broadcast_in_dim3A_25 : i32 to vector<4x10000xi32>
    %slice3A_27 = vector.extract_strided_slice %or3A_24 {offsets = [0, 0], sizes = [196, 10000], strides = [1, 1]} : vector<200x10000xi32> to vector<196x10000xi32>
    %concatenate3A_28 = tpu.concatenate %broadcast_in_dim3A_26, %slice3A_27 in 0 : vector<4x10000xi32>, vector<196x10000xi32> -> vector<200x10000xi32>
    %or3A_29 = arith.ori %or3A_24, %concatenate3A_28 : vector<200x10000xi32>
    %broadcast_in_dim3A_30 = arith.constant 0 : i32
    %broadcast_in_dim3A_31 = vector.broadcast %broadcast_in_dim3A_30 : i32 to vector<8x10000xi32>
    %slice3A_32 = vector.extract_strided_slice %or3A_29 {offsets = [0, 0], sizes = [192, 10000], strides = [1, 1]} : vector<200x10000xi32> to vector<192x10000xi32>
    %concatenate3A_33 = tpu.concatenate %broadcast_in_dim3A_31, %slice3A_32 in 0 : vector<8x10000xi32>, vector<192x10000xi32> -> vector<200x10000xi32>
    %or3A_34 = arith.ori %or3A_29, %concatenate3A_33 : vector<200x10000xi32>
    %broadcast_in_dim3A_35 = arith.constant 0 : i32
    %broadcast_in_dim3A_36 = vector.broadcast %broadcast_in_dim3A_35 : i32 to vector<16x10000xi32>
    %slice3A_37 = vector.extract_strided_slice %or3A_34 {offsets = [0, 0], sizes = [184, 10000], strides = [1, 1]} : vector<200x10000xi32> to vector<184x10000xi32>
    %concatenate3A_38 = tpu.concatenate %broadcast_in_dim3A_36, %slice3A_37 in 0 : vector<16x10000xi32>, vector<184x10000xi32> -> vector<200x10000xi32>
    %or3A_39 = arith.ori %or3A_34, %concatenate3A_38 : vector<200x10000xi32>
    %broadcast_in_dim3A_40 = arith.constant 0 : i32
    %broadcast_in_dim3A_41 = vector.broadcast %broadcast_in_dim3A_40 : i32 to vector<32x10000xi32>
    %slice3A_42 = vector.extract_strided_slice %or3A_39 {offsets = [0, 0], sizes = [168, 10000], strides = [1, 1]} : vector<200x10000xi32> to vector<168x10000xi32>
    %concatenate3A_43 = tpu.concatenate %broadcast_in_dim3A_41, %slice3A_42 in 0 : vector<32x10000xi32>, vector<168x10000xi32> -> vector<200x10000xi32>
    %or3A_44 = arith.ori %or3A_39, %concatenate3A_43 : vector<200x10000xi32>
    %broadcast_in_dim3A_45 = arith.constant 0 : i32
    %broadcast_in_dim3A_46 = vector.broadcast %broadcast_in_dim3A_45 : i32 to vector<64x10000xi32>
    %slice3A_47 = vector.extract_strided_slice %or3A_44 {offsets = [0, 0], sizes = [136, 10000], strides = [1, 1]} : vector<200x10000xi32> to vector<136x10000xi32>
    %concatenate3A_48 = tpu.concatenate %broadcast_in_dim3A_46, %slice3A_47 in 0 : vector<64x10000xi32>, vector<136x10000xi32> -> vector<200x10000xi32>
    %or3A_49 = arith.ori %or3A_44, %concatenate3A_48 : vector<200x10000xi32>
    %broadcast_in_dim3A_50 = arith.constant 0 : i32
    %broadcast_in_dim3A_51 = vector.broadcast %broadcast_in_dim3A_50 : i32 to vector<128x10000xi32>
    %slice3A_52 = vector.extract_strided_slice %or3A_49 {offsets = [0, 0], sizes = [72, 10000], strides = [1, 1]} : vector<200x10000xi32> to vector<72x10000xi32>
    %concatenate3A_53 = tpu.concatenate %broadcast_in_dim3A_51, %slice3A_52 in 0 : vector<128x10000xi32>, vector<72x10000xi32> -> vector<200x10000xi32>
    %or3A_54 = arith.ori %or3A_49, %concatenate3A_53 : vector<200x10000xi32>
    %gt3A = arith.constant 0 : i32
    %gt3A_55 = vector.broadcast %gt3A : i32 to vector<200x10000xi32>
    %gt3A_56 = arith.cmpi sgt, %or3A_54, %gt3A_55 : vector<200x10000xi32>
    %eq3A_57 = arith.constant 0 : i32
    %eq3A_58 = vector.broadcast %eq3A_57 : i32 to vector<200x10000xi32>
    %eq3A_59 = arith.cmpi eq, %iota3A, %eq3A_58 : vector<200x10000xi32>
    %or3A_60 = arith.ori %gt3A_56, %eq3A_59 : vector<200x10000xi1>
    %jit3A = arith.constant 0xFF800000 : f32
    %broadcast_in_dim3A_61 = vector.broadcast %jit3A : f32 to vector<200x10000xf32>
    %select_n3A = arith.select %or3A_60, %broadcast_in_dim3A_61, %add3A_11 : vector<200x10000xi1>, vector<200x10000xf32>
    %swap3A = arith.constant 0 : index
    %swap3A_62 = arith.constant 0 : index
    %swap3A_63 = vector.load %arg5[%swap3A, %swap3A_62] : memref<200x10000xf32, #tpu.memory_space<vmem>>, vector<200x10000xf32>
    tpu.vector_store %arg5[%swap3A, %swap3A_62], %select_n3A {strides = array<i32>} : memref<200x10000xf32, #tpu.memory_space<vmem>>, vector<200x10000xf32>,
    return
  }
  func.func @transform_0(%arg0: i32) -> (i32, i32, i32) {
    %c0_i32 = arith.constant 0 : i32
    %c0_i32_0 = arith.constant 0 : i32
    %c0_i32_1 = arith.constant 0 : i32
    return %arg0, %c0_i32, %c0_i32_0 : i32, i32, i32
  }
  func.func @transform_1(%arg0: i32) -> (i32, i32) {
    %c0_i32 = arith.constant 0 : i32
    %c0_i32_0 = arith.constant 0 : i32
    %c0_i32_1 = arith.constant 0 : i32
    return %c0_i32, %c0_i32_0 : i32, i32
  }
  func.func @transform_2(%arg0: i32) -> (i32, i32) {
    %c0_i32 = arith.constant 0 : i32
    %c0_i32_0 = arith.constant 0 : i32
    %c0_i32_1 = arith.constant 0 : i32
    return %c0_i32, %c0_i32_0 : i32, i32
  }
  func.func @transform_3(%arg0: i32) -> (i32, i32, i32) {
    %c0_i32 = arith.constant 0 : i32
    %c0_i32_0 = arith.constant 0 : i32
    %c0_i32_1 = arith.constant 0 : i32
    return %arg0, %c0_i32, %c0_i32_0 : i32, i32, i32
  }
  func.func @transform_4(%arg0: i32) -> (i32, i32) {
    %c0_i32 = arith.constant 0 : i32
    %c0_i32_0 = arith.constant 0 : i32
    return %arg0, %c0_i32 : i32, i32
  }
}

</mosaic_0001>

<sc_bundles>
// kernel: kernel.10.cloned.1.call-start
scs
__scs_entry_jumppad:
0x0: {  	(pc) =	sbr.rel $0x88, $3  }
0x1: {  	(tag) =	ssettag $0x0;
	lr =	simm.s32 $0x1  }
0x2: {  	[smem:$0x3F85] =	sst lr;
	_ =	strace $0xD0000000  }
0x3: {  	_ = 	snop  }
0x4: {  	_ = 	snop  }
0x5: {  	_ = 	snop  }
0x6: {  	_ = 	snop  }
0x7: {  	_ = 	snop  }
__scs_overlays_trampoline_lowered:
0x8: {  	[smem:$0x3F94] =	sst s0  }
0x9: {  	[smem:$0x3F95] =	sst s1  }
0xa: {  	[smem:$0x3F96] =	sst s2  }
0xb: {  	[smem:$0x3F97] =	sst s3  }
0xc: {  	[smem:$0x3F98] =	sst s4  }
0xd: {  	[smem:$0x3F99] =	sst s5  }
0xe: {  	[smem:$0x3F9A] =	sst s6  }
0xf: {  	[smem:$0x3F9B] =	sst s7  }
0x10: {  	[smem:$0x3F9C] =	sst s8  }
0x11: {  	[smem:$0x3F9D] =	sst s9;
	s0 =	simm.s32 @!p0 $0x0  }
0x12: {  	s1 =	sld [smem:$0x3F83];
	s0 =	simm.s32 @p0 $0x1  }
0x13: {  	[smem:$0x3F9E] =	sst s0;
	s0 =	simm.s32 @!p1 $0x0  }
0x14: {  	s2 =	sld [smem:$0x3F82];
	s0 =	simm.s32 @p1 $0x1  }
0x15: {  	[smem:$0x3F9F] =	sst s0;
	s0 =	simm.s32 @!p2 $0x0  }
0x16: {  	s3 =	sld [smem:$0x3FDB];
	s0 =	simm.s32 @p2 $0x1  }
0x17: {  	s4 =	simm.s32 $0x1BF5;
	[smem:$0x3FA1] =	sst s0  }
0x18: {  	s0 =	sld [smem:$0x3F84];
	_ =	swait.ge [sflag:s4], $0x0  }
0x19: {  	s7 =	sld [smem:$0x3F85]  }
0x1a: {  	s8 =	sadd.s32 $0xFFFFE003, lr  }
0x1b: {  	s9 =	sadd.s32 $0xFFFFFEF7, lr;
	s5 =	simm.s32 $0xFFFFFFFF;
	p2 =	slt.u32 s8, $0xFFFFF086  }
0x1c: {  	p1 =	slt.u32 s9, $0xF7A;
	s5 =	simm.s32 @!p2 $0x0  }
0x1d: {  	s5 =	simm.s32 @p1 $0x1;
	p0 =	seq.s32 s7, s2  }
0x1e: {  	s7 =	smul.u32 @!p0 $0xF7A, s2;
	p2 =	seq.s32 @!p0 s5, $0x0  }
0x1f: {  	s9 =	smul.u32 $0xF7A, s1;
	s8 =	simm.s32 @!p0 $0x1BF5;
	p2 =	por !p2, p0  }
0x20: {  	[sflag:s8] =	ssyncset.s32 @!p0 $0xFFFFF086;
	s6 =	sadd.s32 @!p0 s3, s7;
	s7 =	simm.s32 @!p0 $0x108  }
0x21: {  	s3 =	sadd.s32 s3, s9;
	s6 =	sadd.s32 @!p0 $0x88, s6;
	s7 =	simm.s32 @p2 $0x1082  }
0x22: {  	[simem:s7], [sflag:s8] =	dma.local @!p0 [hbm:s6], $0xF7A  }
0x23: {  	s9 =	sor.u32 $0xD0000000, s2;
	s6 =	simm.s32 $0x108;
	_ =	swait.ge @!p0 [sflag:s8], $0x0  }
0x24: {  	s3 =	sadd.s32 $0x88, s3;
	s6 =	simm.s32 @!p1 $0x1082;
	[sflag:s4] =	ssyncset.s32 $0xFFFFF086  }
0x25: {  	[simem:s6], [sflag:s4] =	dma.local [hbm:s3], $0xF7A  }
0x26: {  	[smem:$0x3F85] =	sst s1;
	(tag) =	ssettag s2;
	_ =	strace s9  }
0x27: {  	s1 =	sld [smem:$0x3F95]  }
0x28: {  	s2 =	sld [smem:$0x3F96]  }
0x29: {  	s4 =	sld [smem:$0x3F98]  }
0x2a: {  	p0 =	seq.s32 s5, $0x0;
	s5 =	sld [smem:$0x3F99]  }
0x2b: {  	s6 =	sld [smem:$0x3F9A]  }
0x2c: {  	s7 =	sld [smem:$0x3F9B]  }
0x2d: {  	s3 =	simm.s32 $0x108;
	s8 =	sld [smem:$0x3F9C]  }
0x2e: {  	s3 =	simm.s32 @!p0 $0x1082;
	s9 =	sld [smem:$0x3F9D]  }
0x2f: {  	lr =	sadd.s32 s0, s3;
	s0 =	sld [smem:$0x3F94]  }
0x30: {  	s3 =	sld [smem:$0x3F97]  }
0x31: {  	[smem:$0x3FA0] =	sst s10  }
0x32: {  	s10 =	sld [smem:$0x3F9E];
	_ =	sdelay $0x3  }
0x33: {  	p0 =	seq.s32 s10, $0x1;
	s10 =	sld [smem:$0x3FA0];
	_ =	sdelay $0x3  }
0x34: {  	[smem:$0x3FA0] =	sst s10  }
0x35: {  	s10 =	sld [smem:$0x3F9F];
	_ =	sdelay $0x3  }
0x36: {  	p1 =	seq.s32 s10, $0x1;
	s10 =	sld [smem:$0x3FA0];
	_ =	sdelay $0x3  }
0x37: {  	[smem:$0x3FA0] =	sst s10  }
0x38: {  	s10 =	sld [smem:$0x3FA1]  }
0x39: {  	_ = 	snop;
	(pc) =	sbr.ind lr, $3  }
0x3a: {  	_ = 	snop  }
0x3b: {  	_ = 	snop  }
0x3c: {  	p2 =	seq.s32 s10, $0x1;
	s10 =	sld [smem:$0x3FA0]  }
0x3d: {  	_ =	shalt  }
0x3e: {  	_ =	shalt  }
0x3f: {  	_ =	shalt  }
0x40: {  	_ =	shalt  }
0x41: {  	_ =	shalt  }
0x42: {  	_ =	shalt  }
0x43: {  	_ =	shalt  }
0x44: {  	_ =	shalt  }
0x45: {  	_ =	shalt  }
0x46: {  	_ =	shalt  }
0x47: {  	_ =	shalt  }
0x48: {  	_ =	shalt  }
0x49: {  	_ =	shalt  }
0x4a: {  	_ =	shalt  }
0x4b: {  	_ =	shalt  }
0x4c: {  	_ =	shalt  }
0x4d: {  	_ =	shalt  }
0x4e: {  	_ =	shalt  }
0x4f: {  	_ =	shalt  }
0x50: {  	_ =	shalt  }
0x51: {  	_ =	shalt  }
0x52: {  	_ =	shalt  }
0x53: {  	_ =	shalt  }
0x54: {  	_ =	shalt  }
0x55: {  	_ =	shalt  }
0x56: {  	_ =	shalt  }
0x57: {  	_ =	shalt  }
0x58: {  	_ =	shalt  }
0x59: {  	_ =	shalt  }
0x5a: {  	_ =	shalt  }
0x5b: {  	_ =	shalt  }
0x5c: {  	_ =	shalt  }
0x5d: {  	_ =	shalt  }
0x5e: {  	_ =	shalt  }
0x5f: {  	_ =	shalt  }
0x60: {  	_ =	shalt  }
0x61: {  	_ =	shalt  }
0x62: {  	_ =	shalt  }
0x63: {  	_ =	shalt  }
0x64: {  	_ =	shalt  }
0x65: {  	_ =	shalt  }
0x66: {  	_ =	shalt  }
0x67: {  	_ =	shalt  }
0x68: {  	_ =	shalt  }
0x69: {  	_ =	shalt  }
0x6a: {  	_ =	shalt  }
0x6b: {  	_ =	shalt  }
0x6c: {  	_ =	shalt  }
0x6d: {  	_ =	shalt  }
0x6e: {  	_ =	shalt  }
0x6f: {  	_ =	shalt  }
0x70: {  	_ =	shalt  }
0x71: {  	_ =	shalt  }
0x72: {  	_ =	shalt  }
0x73: {  	_ =	shalt  }
0x74: {  	_ =	shalt  }
0x75: {  	_ =	shalt  }
0x76: {  	_ =	shalt  }
0x77: {  	_ =	shalt  }
0x78: {  	_ =	shalt  }
0x79: {  	_ =	shalt  }
0x7a: {  	_ =	shalt  }
0x7b: {  	_ =	shalt  }
0x7c: {  	_ =	shalt  }
0x7d: {  	_ =	shalt  }
0x7e: {  	_ =	shalt  }
0x7f: {  	_ =	shalt  }
0x80: {  	_ =	shalt  }
0x81: {  	_ =	shalt  }
0x82: {  	_ =	shalt  }
0x83: {  	_ =	shalt  }
0x84: {  	_ =	shalt  }
0x85: {  	_ =	shalt  }
0x86: {  	_ =	shalt  }
0x87: {  	_ =	shalt  }
.Lfunc_end0:
.L_simem_size_0:
called_computation_lowered:
.L_overlay_start_0:
0x88: {  	s2 =	sld [smem:$0x3FD9]  }
0x89: {  	s3 =	sld [smem:$0x3FFE];
	_ =	sdelay $0x1  }
0x8a: {  	s1 =	srdreg.scid  }
0x8b: {  	s0 =	sand.u32 $0x1, s1  }
0x8c: {  	s17 =	sshll.u32 s0, $0xA;
	s2 =	sadd.s32 s3, s2  }
0x8d: {  	s2 =	sadd.s32 s2, s17  }
0x8e: {  	[smem:$0x3FAC] =	sst s2  }
0x8f: {  	_ = 	snop  }
0x90: {  	s2 =	sld [smem:$0x3FD0];
	(tm) =	ssettm $0x1  }
0x91: {  	s18 =	sld [smem:$0x3FFB];
	_ =	sdelay $0x3  }
0x92: {  	_ =	strace s18  }
0x93: {  	s3 =	sld [smem:$0x3FFC];
	_ =	sdelay $0x3  }
0x94: {  	_ =	strace s3  }
0x95: {  	s3 =	sld [smem:$0x3FFD];
	_ =	sdelay $0x3  }
0x96: {  	_ =	strace s3  }
0x97: {  	_ =	strace $0x8FFFFFFF  }
0x98: {  	s19 =	sld [smem:$0x3FDB];
	_ =	sdelay $0x1  }
0x99: {  	s4 =	simm.s32 $_scs_section_size  }
0x9a: {  	s5 =	simm.s32 $_size__tile_overlayer_lowered;
	s6 =	simm.s32 $_tile_overlayer_lowered  }
0x9b: {  	s22 =	simm.s32 $0x1BFF;
	s21 =	sshll.u32 s6, $0x1;
	s3 =	sadd.s32 s4, s19  }
0x9c: {  	s7 =	simm.s32 $0x0;
	s20 =	sshll.u32 s5, $0x1;
	s5 =	sadd.s32 s21, s3  }
0x9d: {  	[timem:s7], [sflag:s22] =	dma.local [hbm:s5], s20  }
0x9e: {  	_ =	swait.ge [sflag:s22], s20  }
0x9f: {  	s4 =	ssub.s32 $0x0, s20;
	[sflag:s22] =	ssyncset.done $0x0  }
0xa0: {  	[sflag:s22] =	ssyncadd.s32 s4;
	_ =	sdelay $0x1  }
0xa1: {  	s23 =	simm.s32 $0x1B8B  }
0xa2: {  	_ =	swait.ge [sflag:s23], $0x1  }
0xa3: {  	[sflag:s23] =	ssyncset.done $0x0  }
0xa4: {  	s25 =	simm.s32 $0x1B8E;
	s24 =	sld [smem:$0x3FFE];
	[sflag:s23] =	ssyncadd.s32 $0xFFFFFFFF  }
0xa5: {  	s26 =	simm.s32 $execute0_lowered;
	[smem:$0x3FD2] =	sst s25  }
0xa6: {  	s5 =	sshll.u32 s26, $0x1;
	_ =	strace $0x80000046;
	[dreg:$0x1] =	wrdreg $0xFFFFFFFF  }
0xa7: {  	s28 =	simm.s32 $_size_execute0_lowered;
	s3 =	sadd.s32 s3, s5;
	[dreg:$0x0] =	wrdreg $0x0  }
0xa8: {  	s5 =	sshll.u32 s28, $0x1;
	[dreg:$0x2] =	wrdreg s3  }
0xa9: {  	[dreg:$0x3] =	wrdreg s5  }
0xaa: {  	[dreg:$0x4] =	wrdreg $0xC0  }
0xab: {  	_ =	task [dreg:s7], $0x5FFFF  }
0xac: {  	[dreg:$0x1] =	wrdreg $0xFFFFFFFF  }
0xad: {  	[dreg:$0x0] =	wrdreg $0x60  }
0xae: {  	[dreg:$0x2] =	wrdreg s24  }
0xaf: {  	[dreg:$0x3] =	wrdreg s2  }
0xb0: {  	[dreg:$0x4] =	wrdreg $0x9  }
0xb1: {  	_ =	task.clear_ibuf [dreg:s7], $0x5FFFF;
	_ =	strace $0x90000046  }
0xb2: {  	s29 =	simm.s32 $0x9;
	_ =	strace $0x80000048  }
0xb3: {  	_ =	swait.ge [sflag:s29], $0x1  }
0xb4: {  	[sflag:s29] =	ssyncadd.s32 $0xFFFFFFFF  }
0xb5: {  	_ =	strace $0x90000048  }
0xb6: {  	_ =	sfence  }
0xb7: {  	s30 =	sld [smem:$0x0];
	_ =	sdelay $0x2  }
0xb8: {  	s31 =	sshll.u32 s1, $0xD;
	s1 =	sshrl.u32 s1, $0x2  }
0xb9: {  	s3 =	sand.u32 $0x4000, s31;
	s1 =	sadd.s32 s1, s30  }
0xba: {  	s0 =	sor.u32 s3, s0;
	s1 =	sshll.u32 s1, $0x11  }
0xbb: {  	s0 =	sor.u32 s1, s0  }
0xbc: {  	s0 =	sadd.s32 $0x8F2B, s0  }
0xbd: {  	[sflag:s0] =	ssyncadd.remote.s32 $0x1  }
0xbe: {  	_ =	sfence.sel $0xFFFF  }
0xbf: {  	[dreg:$0x0] =	wrdreg $0xFFFFFFFF;
	(pc) =	sbr.abs _section_cstart, $3  }
0xc0: {  	[dreg:$0x1] =	wrdreg $0xFFFFFFFF  }
0xc1: {  	_ =	task.clear_ibuf [dreg:s7], $0x2FFFF;
	_ =	strace $0x9FFFFFFF  }
0xc2: {  	(tm) =	ssettm $0x7FFFFFFF  }
0xc3: {  	_ =	shalt  }
tec
execute0_lowered:
.L_overlay_start_1:
0x0: {  	(tag) =	ssettag $0x1  }
0x1: {  	s3 =	rddreg [dreg:$0x0];
	s0 =	srdreg.scid  }
0x2: {  	s5 =	rddreg [dreg:$0x1];
	s1 =	stileid.u32  }
0x3: {  	s2 =	simm.s32 $0x0;
	s9 =	simm.s32 $0x0;
	s4 =	sand.u32 $0x1, s0  }
0x4: {  	s0 =	rddreg [dreg:$0x2];
	s6 =	sshll.u32 s4, $0x4;
	s4 =	ssub.s32 $0x2, s4  }
0x5: {  	[smem:$0x7FF] =	sst s2;
	s6 =	sor.u32 s1, s6;
	s7 =	sshrl.u32 s4, $0x1  }
0x6: {  	s3 =	sadd.s32 $0x52400, s3;
	s8 =	smul.u32 $0x2800, s6;
	s7 =	ssub.s32 s4, s7  }
0x7: {  	_ =	strace $0x80000047;
	s4 =	smul.u32 $0x2710, s6;
	s6 =	smax.u32 s7, $0x1  }
0x8: {  	v0 =	vimm.f32 $0.0e+00;
	v1 =	vimm.f32 $1.000000000e+00;
	s7 =	simm.s32 $0x1;
	s5 =	sadd.s32 s5, s8;
	s8 =	simm.s32 $0x2710  }
.LBB2_1:
0x9: {  	s10 =	simm.s32 $0x40;
	s11 =	simm.s32 $0x0  }
.LBB2_2:
0xa: {  	p0 =	sne.s32 s10, $0x4FFC0;
	[tilespmem:s11+$0x2710] =	vst v0;
	s11 =	smov.u32 s10;
	s10 =	sadd.s32 $0x40, s10  }
.Ltmp0:
0xb: {  	(pc) =	sbr.rel @p0 .LBB2_2-.Ltmp0, $2  }
0xc: {  	_ =	sdelay $0x2  }
0xd: {  	s11 =	sshra.s32 s11, $0x2  }
0xe: {  	[tilespmem:s11+$0x2710] =	vst v0;
	s10 =	simm.s32 $0x0;
	s11 =	simm.s32 $0x0  }
.LBB2_4:
0xf: {  	s12 =	smul.u32 $0x4E200, s11;
	_ =	sdelay $0x1  }
0x10: {  	s12 =	sadd.s32 s4, s12  }
0x11: {  	s12 =	sshrl.u32 s12, $0x3  }
0x12: {  	s12 =	sadd.s32 s3, s12  }
0x13: {  	[tilespmem:s10], [sflag:$0x1] =	stream.linear.gather [hbm4b:s12+s10], $0x2710, $0x38;
	[tilespmem:$0x16710] =	vst v63  }
0x14: {  	s31 =	smul.u32 $0x2800, s11;
	_ =	swait.ge [sflag:s7], $0x2710  }
0x15: {  	[sflag:s7] =	ssyncset.done $0x0  }
0x16: {  	s13 =	simm.s32 $0x0;
	v2 =	vmov s31;
	s12 =	simm.s32 $0x40;
	[sflag:s7] =	ssyncadd.s32 $0xFFFFD8F0  }
.LBB2_5:
0x17: {  	p0 =	sne.s32 s12, $0x9C00;
	v3 =	vld [tilespmem:s13+$0x0];
	_ =	sdelay $0x4  }
0x18: {  	v3 =	vadd.s32 v2, v3  }
.Ltmp1:
0x19: {  	(pc) =	sbr.rel @p0 .LBB2_5-.Ltmp1, $2  }
0x1a: {  	_ =	sdelay $0x2  }
0x1b: {  	s13 =	sshra.s32 s12, $0x2;
	s12 =	sadd.s32 $0x40, s12;
	[tilespmem:v3+s8+$0x0] =	vst.idx.add.f32.msk $0xffff, v1  }
0x1c: {  	v3 =	vld [tilespmem:s13+$0x0];
	_ =	sdelay $0x3  }
0x1d: {  	s11 =	sadd.s32 $0x1, s11  }
0x1e: {  	p0 =	sne.s32 s11, $0x8;
	v2 =	vadd.s32 v2, v3  }
.Ltmp2:
0x1f: {  	_ = 	snop;
	(pc) =	sbr.rel @p0 .LBB2_4-.Ltmp2, $2  }
0x20: {  	_ =	sdelay $0x2  }
0x21: {  	[tilespmem:v2+s8+$0x0] =	vst.idx.add.f32.msk $0xffff, v1  }
0x22: {  	s9 =	sadd.s32 $0x1, s9  }
0x23: {  	p0 =	sne.s32 s9, s6  }
.Ltmp3:
0x24: {  	_ = 	snop;
	(pc) =	sbr.rel @p0 .LBB2_1-.Ltmp3, $4  }
0x25: {  	[hbm4b:s5+s2] =	stream.linear.scatter [tilespmem:s8], [sflag:$0x1], $0x14000, $0x38;
	[tilespmem:$0x16710] =	vst v63  }
0x26: {  	_ =	swait.ge [sflag:s7], $0x14000  }
0x27: {  	[sflag:s7] =	ssyncset.done $0x0  }
0x28: {  	[sflag:s7] =	ssyncadd.s32 $0xFFFEC000  }
0x29: {  	_ =	sfence.sel $0x180000  }
0x2a: {  	[bflag:$0x0] =	sbarrier.arrive $0xFFFF  }
0x2b: {  	p0 =	sne.s32 s1, $0x0;
	_ =	strace $0x90000047  }
0x2c: {  	s0 =	sadd.s32 @!p0 $0x100000, s0;
	[bflag:$0x2] =	sbarrier.arrive $0xFFFF  }
0x2d: {  	[sflag:s0] =	ssyncadd.tile.s32 @!p0 $0x1;
	_ =	shalt  }
.Lfunc_end2:
_tile_overlayer_lowered:
.L_overlay_start_2:
0x2e: {  	(tag) =	ssettag $0x2  }
0x2f: {  	s0 =	rddreg [dreg:$0x0];
	s2 =	stileid.u32  }
0x30: {  	s1 =	rddreg [dreg:$0x1];
	p0 =	sne.s32 s2, $0x0  }
0x31: {  	s3 =	rddreg [dreg:$0x2];
	[bflag:$0x3] =	sbarrier.arrive $0xFFFF;
	s2 =	simm.s32 @!p0 $0x1C01  }
0x32: {  	[timem:s3], [sflag:s2] =	dma.local @!p0 [hbm:s0], s1  }
0x33: {  	s0 =	simm.s32 @!p0 $0x1  }
0x34: {  	_ =	swait.ge @!p0 [sflag:s0], s1  }
0x35: {  	s1 =	ssub.s32 @!p0 $0x0, s1;
	[sflag:s0] =	ssyncset.done @!p0 $0x0  }
0x36: {  	[sflag:s0] =	ssyncadd.s32 @!p0 s1  }
0x37: {  	[bflag:$0x3] =	sbarrier.arrive $0xFFFF  }
0x38: {  	_ =	shalt  }

// kernel: kernel.13.cloned.1.call-start
scs
__scs_entry_jumppad:
0x0: {  	(pc) =	sbr.rel $0x88, $3  }
0x1: {  	(tag) =	ssettag $0x0;
	lr =	simm.s32 $0x1  }
0x2: {  	[smem:$0x3F85] =	sst lr;
	_ =	strace $0xD0000000  }
0x3: {  	_ = 	snop  }
0x4: {  	_ = 	snop  }
0x5: {  	_ = 	snop  }
0x6: {  	_ = 	snop  }
0x7: {  	_ = 	snop  }
__scs_overlays_trampoline_lowered:
0x8: {  	[smem:$0x3F94] =	sst s0  }
0x9: {  	[smem:$0x3F95] =	sst s1  }
0xa: {  	[smem:$0x3F96] =	sst s2  }
0xb: {  	[smem:$0x3F97] =	sst s3  }
0xc: {  	[smem:$0x3F98] =	sst s4  }
0xd: {  	[smem:$0x3F99] =	sst s5  }
0xe: {  	[smem:$0x3F9A] =	sst s6  }
0xf: {  	[smem:$0x3F9B] =	sst s7  }
0x10: {  	[smem:$0x3F9C] =	sst s8  }
0x11: {  	[smem:$0x3F9D] =	sst s9;
	s0 =	simm.s32 @!p0 $0x0  }
0x12: {  	s1 =	sld [smem:$0x3F83];
	s0 =	simm.s32 @p0 $0x1  }
0x13: {  	[smem:$0x3F9E] =	sst s0;
	s0 =	simm.s32 @!p1 $0x0  }
0x14: {  	s2 =	sld [smem:$0x3F82];
	s0 =	simm.s32 @p1 $0x1  }
0x15: {  	[smem:$0x3F9F] =	sst s0;
	s0 =	simm.s32 @!p2 $0x0  }
0x16: {  	s3 =	sld [smem:$0x3FDB];
	s0 =	simm.s32 @p2 $0x1  }
0x17: {  	s4 =	simm.s32 $0x1BF5;
	[smem:$0x3FA1] =	sst s0  }
0x18: {  	s0 =	sld [smem:$0x3F84];
	_ =	swait.ge [sflag:s4], $0x0  }
0x19: {  	s7 =	sld [smem:$0x3F85]  }
0x1a: {  	s8 =	sadd.s32 $0xFFFFE003, lr  }
0x1b: {  	s9 =	sadd.s32 $0xFFFFFEF7, lr;
	s5 =	simm.s32 $0xFFFFFFFF;
	p2 =	slt.u32 s8, $0xFFFFF086  }
0x1c: {  	p1 =	slt.u32 s9, $0xF7A;
	s5 =	simm.s32 @!p2 $0x0  }
0x1d: {  	s5 =	simm.s32 @p1 $0x1;
	p0 =	seq.s32 s7, s2  }
0x1e: {  	s7 =	smul.u32 @!p0 $0xF7A, s2;
	p2 =	seq.s32 @!p0 s5, $0x0  }
0x1f: {  	s9 =	smul.u32 $0xF7A, s1;
	s8 =	simm.s32 @!p0 $0x1BF5;
	p2 =	por !p2, p0  }
0x20: {  	[sflag:s8] =	ssyncset.s32 @!p0 $0xFFFFF086;
	s6 =	sadd.s32 @!p0 s3, s7;
	s7 =	simm.s32 @!p0 $0x108  }
0x21: {  	s3 =	sadd.s32 s3, s9;
	s6 =	sadd.s32 @!p0 $0x88, s6;
	s7 =	simm.s32 @p2 $0x1082  }
0x22: {  	[simem:s7], [sflag:s8] =	dma.local @!p0 [hbm:s6], $0xF7A  }
0x23: {  	s9 =	sor.u32 $0xD0000000, s2;
	s6 =	simm.s32 $0x108;
	_ =	swait.ge @!p0 [sflag:s8], $0x0  }
0x24: {  	s3 =	sadd.s32 $0x88, s3;
	s6 =	simm.s32 @!p1 $0x1082;
	[sflag:s4] =	ssyncset.s32 $0xFFFFF086  }
0x25: {  	[simem:s6], [sflag:s4] =	dma.local [hbm:s3], $0xF7A  }
0x26: {  	[smem:$0x3F85] =	sst s1;
	(tag) =	ssettag s2;
	_ =	strace s9  }
0x27: {  	s1 =	sld [smem:$0x3F95]  }
0x28: {  	s2 =	sld [smem:$0x3F96]  }
0x29: {  	s4 =	sld [smem:$0x3F98]  }
0x2a: {  	p0 =	seq.s32 s5, $0x0;
	s5 =	sld [smem:$0x3F99]  }
0x2b: {  	s6 =	sld [smem:$0x3F9A]  }
0x2c: {  	s7 =	sld [smem:$0x3F9B]  }
0x2d: {  	s3 =	simm.s32 $0x108;
	s8 =	sld [smem:$0x3F9C]  }
0x2e: {  	s3 =	simm.s32 @!p0 $0x1082;
	s9 =	sld [smem:$0x3F9D]  }
0x2f: {  	lr =	sadd.s32 s0, s3;
	s0 =	sld [smem:$0x3F94]  }
0x30: {  	s3 =	sld [smem:$0x3F97]  }
0x31: {  	[smem:$0x3FA0] =	sst s10  }
0x32: {  	s10 =	sld [smem:$0x3F9E];
	_ =	sdelay $0x3  }
0x33: {  	p0 =	seq.s32 s10, $0x1;
	s10 =	sld [smem:$0x3FA0];
	_ =	sdelay $0x3  }
0x34: {  	[smem:$0x3FA0] =	sst s10  }
0x35: {  	s10 =	sld [smem:$0x3F9F];
	_ =	sdelay $0x3  }
0x36: {  	p1 =	seq.s32 s10, $0x1;
	s10 =	sld [smem:$0x3FA0];
	_ =	sdelay $0x3  }
0x37: {  	[smem:$0x3FA0] =	sst s10  }
0x38: {  	s10 =	sld [smem:$0x3FA1]  }
0x39: {  	_ = 	snop;
	(pc) =	sbr.ind lr, $3  }
0x3a: {  	_ = 	snop  }
0x3b: {  	_ = 	snop  }
0x3c: {  	p2 =	seq.s32 s10, $0x1;
	s10 =	sld [smem:$0x3FA0]  }
0x3d: {  	_ =	shalt  }
0x3e: {  	_ =	shalt  }
0x3f: {  	_ =	shalt  }
0x40: {  	_ =	shalt  }
0x41: {  	_ =	shalt  }
0x42: {  	_ =	shalt  }
0x43: {  	_ =	shalt  }
0x44: {  	_ =	shalt  }
0x45: {  	_ =	shalt  }
0x46: {  	_ =	shalt  }
0x47: {  	_ =	shalt  }
0x48: {  	_ =	shalt  }
0x49: {  	_ =	shalt  }
0x4a: {  	_ =	shalt  }
0x4b: {  	_ =	shalt  }
0x4c: {  	_ =	shalt  }
0x4d: {  	_ =	shalt  }
0x4e: {  	_ =	shalt  }
0x4f: {  	_ =	shalt  }
0x50: {  	_ =	shalt  }
0x51: {  	_ =	shalt  }
0x52: {  	_ =	shalt  }
0x53: {  	_ =	shalt  }
0x54: {  	_ =	shalt  }
0x55: {  	_ =	shalt  }
0x56: {  	_ =	shalt  }
0x57: {  	_ =	shalt  }
0x58: {  	_ =	shalt  }
0x59: {  	_ =	shalt  }
0x5a: {  	_ =	shalt  }
0x5b: {  	_ =	shalt  }
0x5c: {  	_ =	shalt  }
0x5d: {  	_ =	shalt  }
0x5e: {  	_ =	shalt  }
0x5f: {  	_ =	shalt  }
0x60: {  	_ =	shalt  }
0x61: {  	_ =	shalt  }
0x62: {  	_ =	shalt  }
0x63: {  	_ =	shalt  }
0x64: {  	_ =	shalt  }
0x65: {  	_ =	shalt  }
0x66: {  	_ =	shalt  }
0x67: {  	_ =	shalt  }
0x68: {  	_ =	shalt  }
0x69: {  	_ =	shalt  }
0x6a: {  	_ =	shalt  }
0x6b: {  	_ =	shalt  }
0x6c: {  	_ =	shalt  }
0x6d: {  	_ =	shalt  }
0x6e: {  	_ =	shalt  }
0x6f: {  	_ =	shalt  }
0x70: {  	_ =	shalt  }
0x71: {  	_ =	shalt  }
0x72: {  	_ =	shalt  }
0x73: {  	_ =	shalt  }
0x74: {  	_ =	shalt  }
0x75: {  	_ =	shalt  }
0x76: {  	_ =	shalt  }
0x77: {  	_ =	shalt  }
0x78: {  	_ =	shalt  }
0x79: {  	_ =	shalt  }
0x7a: {  	_ =	shalt  }
0x7b: {  	_ =	shalt  }
0x7c: {  	_ =	shalt  }
0x7d: {  	_ =	shalt  }
0x7e: {  	_ =	shalt  }
0x7f: {  	_ =	shalt  }
0x80: {  	_ =	shalt  }
0x81: {  	_ =	shalt  }
0x82: {  	_ =	shalt  }
0x83: {  	_ =	shalt  }
0x84: {  	_ =	shalt  }
0x85: {  	_ =	shalt  }
0x86: {  	_ =	shalt  }
0x87: {  	_ =	shalt  }
.Lfunc_end0:
.L_simem_size_0:
called_computation.3_lowered:
.L_overlay_start_0:
0x88: {  	s2 =	sld [smem:$0x3FD9]  }
0x89: {  	s3 =	sld [smem:$0x3FFE];
	_ =	sdelay $0x1  }
0x8a: {  	s1 =	srdreg.scid  }
0x8b: {  	s0 =	sand.u32 $0x1, s1  }
0x8c: {  	s17 =	sshll.u32 s0, $0xA;
	s2 =	sadd.s32 s3, s2  }
0x8d: {  	s2 =	sadd.s32 s2, s17  }
0x8e: {  	[smem:$0x3FAC] =	sst s2  }
0x8f: {  	_ = 	snop  }
0x90: {  	s2 =	sld [smem:$0x3FD0];
	(tm) =	ssettm $0x1  }
0x91: {  	s18 =	sld [smem:$0x3FFB];
	_ =	sdelay $0x3  }
0x92: {  	_ =	strace s18  }
0x93: {  	s3 =	sld [smem:$0x3FFC];
	_ =	sdelay $0x3  }
0x94: {  	_ =	strace s3  }
0x95: {  	s3 =	sld [smem:$0x3FFD];
	_ =	sdelay $0x3  }
0x96: {  	_ =	strace s3  }
0x97: {  	_ =	strace $0x8FFFFFFF  }
0x98: {  	s19 =	sld [smem:$0x3FDB];
	_ =	sdelay $0x1  }
0x99: {  	s4 =	simm.s32 $_scs_section_size  }
0x9a: {  	s5 =	simm.s32 $_size__tile_overlayer_lowered;
	s6 =	simm.s32 $_tile_overlayer_lowered  }
0x9b: {  	s22 =	simm.s32 $0x1BFF;
	s21 =	sshll.u32 s6, $0x1;
	s3 =	sadd.s32 s4, s19  }
0x9c: {  	s7 =	simm.s32 $0x0;
	s20 =	sshll.u32 s5, $0x1;
	s5 =	sadd.s32 s21, s3  }
0x9d: {  	[timem:s7], [sflag:s22] =	dma.local [hbm:s5], s20  }
0x9e: {  	_ =	swait.ge [sflag:s22], s20  }
0x9f: {  	s4 =	ssub.s32 $0x0, s20;
	[sflag:s22] =	ssyncset.done $0x0  }
0xa0: {  	[sflag:s22] =	ssyncadd.s32 s4;
	_ =	sdelay $0x1  }
0xa1: {  	s23 =	simm.s32 $0x1B8B  }
0xa2: {  	_ =	swait.ge [sflag:s23], $0x1  }
0xa3: {  	[sflag:s23] =	ssyncset.done $0x0  }
0xa4: {  	s25 =	simm.s32 $0x1B8E;
	s24 =	sld [smem:$0x3FFE];
	[sflag:s23] =	ssyncadd.s32 $0xFFFFFFFF  }
0xa5: {  	s26 =	simm.s32 $execute0_lowered;
	[smem:$0x3FD2] =	sst s25  }
0xa6: {  	s5 =	sshll.u32 s26, $0x1;
	_ =	strace $0x8000004F;
	[dreg:$0x1] =	wrdreg $0xFFFFFFFF  }
0xa7: {  	s28 =	simm.s32 $_size_execute0_lowered;
	s3 =	sadd.s32 s3, s5;
	[dreg:$0x0] =	wrdreg $0x0  }
0xa8: {  	s5 =	sshll.u32 s28, $0x1;
	[dreg:$0x2] =	wrdreg s3  }
0xa9: {  	[dreg:$0x3] =	wrdreg s5  }
0xaa: {  	[dreg:$0x4] =	wrdreg $0xC0  }
0xab: {  	_ =	task [dreg:s7], $0x5FFFF  }
0xac: {  	[dreg:$0x1] =	wrdreg $0xFFFFFFFF  }
0xad: {  	[dreg:$0x0] =	wrdreg $0x60  }
0xae: {  	[dreg:$0x2] =	wrdreg s24  }
0xaf: {  	[dreg:$0x3] =	wrdreg s2  }
0xb0: {  	[dreg:$0x4] =	wrdreg $0x9  }
0xb1: {  	_ =	task.clear_ibuf [dreg:s7], $0x5FFFF;
	_ =	strace $0x9000004F  }
0xb2: {  	s29 =	simm.s32 $0x9;
	_ =	strace $0x80000051  }
0xb3: {  	_ =	swait.ge [sflag:s29], $0x1  }
0xb4: {  	[sflag:s29] =	ssyncadd.s32 $0xFFFFFFFF  }
0xb5: {  	_ =	strace $0x90000051  }
0xb6: {  	_ =	sfence  }
0xb7: {  	s30 =	sld [smem:$0x0];
	_ =	sdelay $0x2  }
0xb8: {  	s31 =	sshll.u32 s1, $0xD;
	s1 =	sshrl.u32 s1, $0x2  }
0xb9: {  	s3 =	sand.u32 $0x4000, s31;
	s1 =	sadd.s32 s1, s30  }
0xba: {  	s0 =	sor.u32 s3, s0;
	s1 =	sshll.u32 s1, $0x11  }
0xbb: {  	s0 =	sor.u32 s1, s0  }
0xbc: {  	s0 =	sadd.s32 $0x8F2B, s0  }
0xbd: {  	[sflag:s0] =	ssyncadd.remote.s32 $0x1  }
0xbe: {  	_ =	sfence.sel $0xFFFF  }
0xbf: {  	[dreg:$0x0] =	wrdreg $0xFFFFFFFF;
	(pc) =	sbr.abs _section_cstart, $3  }
0xc0: {  	[dreg:$0x1] =	wrdreg $0xFFFFFFFF  }
0xc1: {  	_ =	task.clear_ibuf [dreg:s7], $0x2FFFF;
	_ =	strace $0x9FFFFFFF  }
0xc2: {  	(tm) =	ssettm $0x7FFFFFFF  }
0xc3: {  	_ =	shalt  }
tec
execute0_lowered:
.L_overlay_start_1:
0x0: {  	(tag) =	ssettag $0x1  }
0x1: {  	s0 =	srdreg.scid  }
0x2: {  	s23 =	sand.u32 $0x1, s0  }
0x3: {  	s0 =	stileid.u32;
	s1 =	sshll.u32 s23, $0x4  }
0x4: {  	s12 =	sor.u32 s0, s1  }
0x5: {  	s13 =	rddreg [dreg:$0x0];
	s24 =	smul.u32 $0x190, s12  }
0x6: {  	s22 =	rddreg [dreg:$0x1];
	s2 =	simm.s32 $0x0  }
0x7: {  	[smem:$0x7FF] =	sst s2;
	s3 =	sshrl.u32 s24, $0x3  }
0x8: {  	s1 =	rddreg [dreg:$0x2];
	s3 =	sadd.s32 s3, s13  }
0x9: {  	_ =	strace $0x80000050;
	s4 =	sadd.s32 $0xF0600, s3;
	s3 =	simm.s32 $0x2  }
0xa: {  	[tilespmem:s2], [sflag:$0x2] =	stream.linear.gather [hbm4b:s4+s2], $0x190, $0x38;
	[tilespmem:$0x2E90] =	vst v63  }
0xb: {  	_ =	swait.ge [sflag:s3], $0x190  }
0xc: {  	s6 =	simm.s32 $0x50;
	s7 =	simm.s32 $0x190;
	[sflag:s3] =	ssyncset.done $0x0  }
0xd: {  	s8 =	simm.s32 $0x1;
	s5 =	sadd.s32 $0xAC8800, s13;
	[sflag:s3] =	ssyncadd.s32 $0xFFFFFE70  }
0xe: {  	[tilespmem:s7], [sflag:$0x1] =	stream.indirect.gather [hbm4b:s5+s6], $0x80, s2, s6, $0xb8;
	[tilespmem:$0x2E90] =	vst v63  }
0xf: {  	s9 =	smul.u32 $0x1900, s12;
	_ =	swait.ge [sflag:s8], $0x2800  }
0x10: {  	[sflag:s8] =	ssyncset.done $0x0  }
0x11: {  	s9 =	sadd.s32 s22, s9;
	[sflag:s8] =	ssyncadd.s32 $0xFFFFD800  }
0x12: {  	[hbm4b:s9+s2] =	stream.linear.scatter [tilespmem:s7], [sflag:$0x2], $0x2800, $0x38;
	[tilespmem:$0x2E90] =	vst v63  }
0x13: {  	_ =	swait.ge [sflag:s3], $0x2800  }
0x14: {  	[sflag:s3] =	ssyncset.done $0x0  }
0x15: {  	s11 =	simm.s32 $0x2990;
	s10 =	sadd.s32 $0x4200, s13;
	[sflag:s3] =	ssyncadd.s32 $0xFFFFD800  }
0x16: {  	[tilespmem:s11], [sflag:$0x1] =	stream.indirect.gather [hbm4b:s10+s6], $0x10, s2, s6, $0xb8;
	[tilespmem:$0x2E90] =	vst v63  }
0x17: {  	s12 =	smul.u32 $0x320, s12;
	_ =	swait.ge [sflag:s8], $0x500  }
0x18: {  	s25 =	sadd.s32 $0x2C200, s13;
	[sflag:s8] =	ssyncset.done $0x0  }
0x19: {  	s12 =	sadd.s32 s25, s12;
	[sflag:s8] =	ssyncadd.s32 $0xFFFFFB00  }
0x1a: {  	[hbm4b:s12+s2] =	stream.linear.scatter [tilespmem:s11], [sflag:$0x2], $0x500, $0x38;
	[tilespmem:$0x2E90] =	vst v63  }
0x1b: {  	_ =	swait.ge [sflag:s3], $0x500  }
0x1c: {  	[sflag:s3] =	ssyncset.done $0x0  }
0x1d: {  	[sflag:s3] =	ssyncadd.s32 $0xFFFFFB00  }
0x1e: {  	[tilespmem:s7], [sflag:$0x1] =	stream.indirect.gather [hbm4b:s5+s6], $0x80, s6, s6, $0xb8;
	[tilespmem:$0x2E90] =	vst v63  }
0x1f: {  	s14 =	sadd.s32 $0x50, s24;
	_ =	swait.ge [sflag:s8], $0x2800  }
0x20: {  	s28 =	sshll.u32 s14, $0x4;
	[sflag:s8] =	ssyncset.done $0x0  }
0x21: {  	s13 =	sadd.s32 s22, s28;
	[sflag:s8] =	ssyncadd.s32 $0xFFFFD800  }
0x22: {  	[hbm4b:s13+s2] =	stream.linear.scatter [tilespmem:s7], [sflag:$0x2], $0x2800, $0x38;
	[tilespmem:$0x2E90] =	vst v63  }
0x23: {  	_ =	swait.ge [sflag:s3], $0x2800  }
0x24: {  	[sflag:s3] =	ssyncset.done $0x0  }
0x25: {  	[sflag:s3] =	ssyncadd.s32 $0xFFFFD800  }
0x26: {  	[tilespmem:s11], [sflag:$0x1] =	stream.indirect.gather [hbm4b:s10+s6], $0x10, s6, s6, $0xb8;
	[tilespmem:$0x2E90] =	vst v63  }
0x27: {  	_ =	swait.ge [sflag:s8], $0x500  }
0x28: {  	s14 =	sshll.u32 s14, $0x1;
	[sflag:s8] =	ssyncset.done $0x0  }
0x29: {  	s14 =	sadd.s32 s25, s14;
	[sflag:s8] =	ssyncadd.s32 $0xFFFFFB00  }
0x2a: {  	[hbm4b:s14+s2] =	stream.linear.scatter [tilespmem:s11], [sflag:$0x2], $0x500, $0x38;
	[tilespmem:$0x2E90] =	vst v63  }
0x2b: {  	_ =	swait.ge [sflag:s3], $0x500  }
0x2c: {  	[sflag:s3] =	ssyncset.done $0x0  }
0x2d: {  	s15 =	simm.s32 $0xA0;
	[sflag:s3] =	ssyncadd.s32 $0xFFFFFB00  }
0x2e: {  	[tilespmem:s7], [sflag:$0x1] =	stream.indirect.gather [hbm4b:s5+s6], $0x80, s15, s6, $0xb8;
	[tilespmem:$0x2E90] =	vst v63  }
0x2f: {  	s17 =	sadd.s32 $0xA0, s24;
	_ =	swait.ge [sflag:s8], $0x2800  }
0x30: {  	s16 =	sshll.u32 s17, $0x4;
	[sflag:s8] =	ssyncset.done $0x0  }
0x31: {  	s16 =	sadd.s32 s22, s16;
	[sflag:s8] =	ssyncadd.s32 $0xFFFFD800  }
0x32: {  	[hbm4b:s16+s2] =	stream.linear.scatter [tilespmem:s7], [sflag:$0x2], $0x2800, $0x38;
	[tilespmem:$0x2E90] =	vst v63  }
0x33: {  	_ =	swait.ge [sflag:s3], $0x2800  }
0x34: {  	[sflag:s3] =	ssyncset.done $0x0  }
0x35: {  	[sflag:s3] =	ssyncadd.s32 $0xFFFFD800  }
0x36: {  	[tilespmem:s11], [sflag:$0x1] =	stream.indirect.gather [hbm4b:s10+s6], $0x10, s15, s6, $0xb8;
	[tilespmem:$0x2E90] =	vst v63  }
0x37: {  	_ =	swait.ge [sflag:s8], $0x500  }
0x38: {  	s17 =	sshll.u32 s17, $0x1;
	[sflag:s8] =	ssyncset.done $0x0  }
0x39: {  	s17 =	sadd.s32 s25, s17;
	[sflag:s8] =	ssyncadd.s32 $0xFFFFFB00  }
0x3a: {  	[hbm4b:s17+s2] =	stream.linear.scatter [tilespmem:s11], [sflag:$0x2], $0x500, $0x38;
	[tilespmem:$0x2E90] =	vst v63  }
0x3b: {  	_ =	swait.ge [sflag:s3], $0x500  }
0x3c: {  	[sflag:s3] =	ssyncset.done $0x0  }
0x3d: {  	s18 =	simm.s32 $0xF0;
	[sflag:s3] =	ssyncadd.s32 $0xFFFFFB00  }
0x3e: {  	[tilespmem:s7], [sflag:$0x1] =	stream.indirect.gather [hbm4b:s5+s6], $0x80, s18, s6, $0xb8;
	[tilespmem:$0x2E90] =	vst v63  }
0x3f: {  	s20 =	sadd.s32 $0xF0, s24;
	_ =	swait.ge [sflag:s8], $0x2800  }
0x40: {  	s19 =	sshll.u32 s20, $0x4;
	[sflag:s8] =	ssyncset.done $0x0  }
0x41: {  	s19 =	sadd.s32 s22, s19;
	[sflag:s8] =	ssyncadd.s32 $0xFFFFD800  }
0x42: {  	[hbm4b:s19+s2] =	stream.linear.scatter [tilespmem:s7], [sflag:$0x2], $0x2800, $0x38;
	[tilespmem:$0x2E90] =	vst v63  }
0x43: {  	_ =	swait.ge [sflag:s3], $0x2800  }
0x44: {  	[sflag:s3] =	ssyncset.done $0x0  }
0x45: {  	[sflag:s3] =	ssyncadd.s32 $0xFFFFD800  }
0x46: {  	[tilespmem:s11], [sflag:$0x1] =	stream.indirect.gather [hbm4b:s10+s6], $0x10, s18, s6, $0xb8;
	[tilespmem:$0x2E90] =	vst v63  }
0x47: {  	_ =	swait.ge [sflag:s8], $0x500  }
0x48: {  	s20 =	sshll.u32 s20, $0x1;
	[sflag:s8] =	ssyncset.done $0x0  }
0x49: {  	s20 =	sadd.s32 s25, s20;
	[sflag:s8] =	ssyncadd.s32 $0xFFFFFB00  }
0x4a: {  	[hbm4b:s20+s2] =	stream.linear.scatter [tilespmem:s11], [sflag:$0x2], $0x500, $0x38;
	[tilespmem:$0x2E90] =	vst v63  }
0x4b: {  	_ =	swait.ge [sflag:s3], $0x500  }
0x4c: {  	[sflag:s3] =	ssyncset.done $0x0  }
0x4d: {  	s21 =	simm.s32 $0x140;
	[sflag:s3] =	ssyncadd.s32 $0xFFFFFB00  }
0x4e: {  	[tilespmem:s7], [sflag:$0x1] =	stream.indirect.gather [hbm4b:s5+s6], $0x80, s21, s6, $0xb8;
	[tilespmem:$0x2E90] =	vst v63  }
0x4f: {  	s24 =	sadd.s32 $0x140, s24;
	_ =	swait.ge [sflag:s8], $0x2800  }
0x50: {  	s26 =	sshll.u32 s24, $0x4;
	[sflag:s8] =	ssyncset.done $0x0  }
0x51: {  	s23 =	ssub.s32 $0x2, s23;
	s22 =	sadd.s32 s22, s26;
	[sflag:s8] =	ssyncadd.s32 $0xFFFFD800  }
0x52: {  	[hbm4b:s22+s2] =	stream.linear.scatter [tilespmem:s7], [sflag:$0x2], $0x2800, $0x38;
	[tilespmem:$0x2E90] =	vst v63  }
0x53: {  	s29 =	sshrl.u32 s23, $0x1;
	_ =	swait.ge [sflag:s3], $0x2800  }
0x54: {  	s26 =	ssub.s32 s23, s29;
	[sflag:s3] =	ssyncset.done $0x0  }
0x55: {  	s31 =	smax.u32 s26, $0x1;
	[sflag:s3] =	ssyncadd.s32 $0xFFFFD800  }
0x56: {  	[tilespmem:s11], [sflag:$0x1] =	stream.indirect.gather [hbm4b:s10+s6], $0x10, s21, s6, $0xb8;
	[tilespmem:$0x2E90] =	vst v63  }
0x57: {  	p0 =	sne.s32 s31, $0x1;
	_ =	swait.ge [sflag:s8], $0x500  }
.Ltmp0:
0x58: {  	s30 =	sshll.u32 s24, $0x1;
	[sflag:s8] =	ssyncset.done $0x0;
	(pc) =	sbr.rel @!p0 .LBB2_2-.Ltmp0, $4  }
0x59: {  	s23 =	sadd.s32 s25, s30;
	[sflag:s8] =	ssyncadd.s32 $0xFFFFFB00  }
0x5a: {  	[hbm4b:s23+s2] =	stream.linear.scatter [tilespmem:s11], [sflag:$0x2], $0x500, $0x38;
	[tilespmem:$0x2E90] =	vst v63  }
0x5b: {  	_ =	swait.ge [sflag:s3], $0x500  }
0x5c: {  	s24 =	sadd.s32 $0xFFFFFFFF, s31;
	[sflag:s3] =	ssyncset.done $0x0  }
.LBB2_1:
0x5d: {  	p0 =	sne.s32 s24, $0x1;
	s24 =	sadd.s32 $0xFFFFFFFF, s24;
	[sflag:s3] =	ssyncadd.s32 $0xFFFFFB00  }
0x5e: {  	[tilespmem:s2], [sflag:$0x2] =	stream.linear.gather [hbm4b:s4+s2], $0x190, $0x38;
	[tilespmem:$0x2E90] =	vst v63  }
0x5f: {  	_ =	swait.ge [sflag:s3], $0x190  }
0x60: {  	[sflag:s3] =	ssyncset.done $0x0  }
0x61: {  	[sflag:s3] =	ssyncadd.s32 $0xFFFFFE70  }
0x62: {  	[tilespmem:s7], [sflag:$0x1] =	stream.indirect.gather [hbm4b:s5+s6], $0x80, s2, s6, $0xb8;
	[tilespmem:$0x2E90] =	vst v63  }
0x63: {  	_ =	swait.ge [sflag:s8], $0x2800  }
0x64: {  	[sflag:s8] =	ssyncset.done $0x0  }
0x65: {  	[sflag:s8] =	ssyncadd.s32 $0xFFFFD800  }
0x66: {  	[hbm4b:s9+s2] =	stream.linear.scatter [tilespmem:s7], [sflag:$0x2], $0x2800, $0x38;
	[tilespmem:$0x2E90] =	vst v63  }
0x67: {  	_ =	swait.ge [sflag:s3], $0x2800  }
0x68: {  	[sflag:s3] =	ssyncset.done $0x0  }
0x69: {  	[sflag:s3] =	ssyncadd.s32 $0xFFFFD800  }
0x6a: {  	[tilespmem:s11], [sflag:$0x1] =	stream.indirect.gather [hbm4b:s10+s6], $0x10, s2, s6, $0xb8;
	[tilespmem:$0x2E90] =	vst v63  }
0x6b: {  	_ =	swait.ge [sflag:s8], $0x500  }
0x6c: {  	[sflag:s8] =	ssyncset.done $0x0  }
0x6d: {  	[sflag:s8] =	ssyncadd.s32 $0xFFFFFB00  }
0x6e: {  	[hbm4b:s12+s2] =	stream.linear.scatter [tilespmem:s11], [sflag:$0x2], $0x500, $0x38;
	[tilespmem:$0x2E90] =	vst v63  }
0x6f: {  	_ =	swait.ge [sflag:s3], $0x500  }
0x70: {  	[sflag:s3] =	ssyncset.done $0x0  }
0x71: {  	[sflag:s3] =	ssyncadd.s32 $0xFFFFFB00  }
0x72: {  	[tilespmem:s7], [sflag:$0x1] =	stream.indirect.gather [hbm4b:s5+s6], $0x80, s6, s6, $0xb8;
	[tilespmem:$0x2E90] =	vst v63  }
0x73: {  	_ =	swait.ge [sflag:s8], $0x2800  }
0x74: {  	[sflag:s8] =	ssyncset.done $0x0  }
0x75: {  	[sflag:s8] =	ssyncadd.s32 $0xFFFFD800  }
0x76: {  	[hbm4b:s13+s2] =	stream.linear.scatter [tilespmem:s7], [sflag:$0x2], $0x2800, $0x38;
	[tilespmem:$0x2E90] =	vst v63  }
0x77: {  	_ =	swait.ge [sflag:s3], $0x2800  }
0x78: {  	[sflag:s3] =	ssyncset.done $0x0  }
0x79: {  	[sflag:s3] =	ssyncadd.s32 $0xFFFFD800  }
0x7a: {  	[tilespmem:s11], [sflag:$0x1] =	stream.indirect.gather [hbm4b:s10+s6], $0x10, s6, s6, $0xb8;
	[tilespmem:$0x2E90] =	vst v63  }
0x7b: {  	_ =	swait.ge [sflag:s8], $0x500  }
0x7c: {  	[sflag:s8] =	ssyncset.done $0x0  }
0x7d: {  	[sflag:s8] =	ssyncadd.s32 $0xFFFFFB00  }
0x7e: {  	[hbm4b:s14+s2] =	stream.linear.scatter [tilespmem:s11], [sflag:$0x2], $0x500, $0x38;
	[tilespmem:$0x2E90] =	vst v63  }
0x7f: {  	_ =	swait.ge [sflag:s3], $0x500  }
0x80: {  	[sflag:s3] =	ssyncset.done $0x0  }
0x81: {  	[sflag:s3] =	ssyncadd.s32 $0xFFFFFB00  }
0x82: {  	[tilespmem:s7], [sflag:$0x1] =	stream.indirect.gather [hbm4b:s5+s6], $0x80, s15, s6, $0xb8;
	[tilespmem:$0x2E90] =	vst v63  }
0x83: {  	_ =	swait.ge [sflag:s8], $0x2800  }
0x84: {  	[sflag:s8] =	ssyncset.done $0x0  }
0x85: {  	[sflag:s8] =	ssyncadd.s32 $0xFFFFD800  }
0x86: {  	[hbm4b:s16+s2] =	stream.linear.scatter [tilespmem:s7], [sflag:$0x2], $0x2800, $0x38;
	[tilespmem:$0x2E90] =	vst v63  }
0x87: {  	_ =	swait.ge [sflag:s3], $0x2800  }
0x88: {  	[sflag:s3] =	ssyncset.done $0x0  }
0x89: {  	[sflag:s3] =	ssyncadd.s32 $0xFFFFD800  }
0x8a: {  	[tilespmem:s11], [sflag:$0x1] =	stream.indirect.gather [hbm4b:s10+s6], $0x10, s15, s6, $0xb8;
	[tilespmem:$0x2E90] =	vst v63  }
0x8b: {  	_ =	swait.ge [sflag:s8], $0x500  }
0x8c: {  	[sflag:s8] =	ssyncset.done $0x0  }
0x8d: {  	[sflag:s8] =	ssyncadd.s32 $0xFFFFFB00  }
0x8e: {  	[hbm4b:s17+s2] =	stream.linear.scatter [tilespmem:s11], [sflag:$0x2], $0x500, $0x38;
	[tilespmem:$0x2E90] =	vst v63  }
0x8f: {  	_ =	swait.ge [sflag:s3], $0x500  }
0x90: {  	[sflag:s3] =	ssyncset.done $0x0  }
0x91: {  	[sflag:s3] =	ssyncadd.s32 $0xFFFFFB00  }
0x92: {  	[tilespmem:s7], [sflag:$0x1] =	stream.indirect.gather [hbm4b:s5+s6], $0x80, s18, s6, $0xb8;
	[tilespmem:$0x2E90] =	vst v63  }
0x93: {  	_ =	swait.ge [sflag:s8], $0x2800  }
0x94: {  	[sflag:s8] =	ssyncset.done $0x0  }
0x95: {  	[sflag:s8] =	ssyncadd.s32 $0xFFFFD800  }
0x96: {  	[hbm4b:s19+s2] =	stream.linear.scatter [tilespmem:s7], [sflag:$0x2], $0x2800, $0x38;
	[tilespmem:$0x2E90] =	vst v63  }
0x97: {  	_ =	swait.ge [sflag:s3], $0x2800  }
0x98: {  	[sflag:s3] =	ssyncset.done $0x0  }
0x99: {  	[sflag:s3] =	ssyncadd.s32 $0xFFFFD800  }
0x9a: {  	[tilespmem:s11], [sflag:$0x1] =	stream.indirect.gather [hbm4b:s10+s6], $0x10, s18, s6, $0xb8;
	[tilespmem:$0x2E90] =	vst v63  }
0x9b: {  	_ =	swait.ge [sflag:s8], $0x500  }
0x9c: {  	[sflag:s8] =	ssyncset.done $0x0  }
0x9d: {  	[sflag:s8] =	ssyncadd.s32 $0xFFFFFB00  }
0x9e: {  	[hbm4b:s20+s2] =	stream.linear.scatter [tilespmem:s11], [sflag:$0x2], $0x500, $0x38;
	[tilespmem:$0x2E90] =	vst v63  }
0x9f: {  	_ =	swait.ge [sflag:s3], $0x500  }
0xa0: {  	[sflag:s3] =	ssyncset.done $0x0  }
0xa1: {  	[sflag:s3] =	ssyncadd.s32 $0xFFFFFB00  }
0xa2: {  	[tilespmem:s7], [sflag:$0x1] =	stream.indirect.gather [hbm4b:s5+s6], $0x80, s21, s6, $0xb8;
	[tilespmem:$0x2E90] =	vst v63  }
0xa3: {  	_ =	swait.ge [sflag:s8], $0x2800  }
0xa4: {  	[sflag:s8] =	ssyncset.done $0x0  }
0xa5: {  	[sflag:s8] =	ssyncadd.s32 $0xFFFFD800  }
0xa6: {  	[hbm4b:s22+s2] =	stream.linear.scatter [tilespmem:s7], [sflag:$0x2], $0x2800, $0x38;
	[tilespmem:$0x2E90] =	vst v63  }
0xa7: {  	_ =	swait.ge [sflag:s3], $0x2800  }
0xa8: {  	[sflag:s3] =	ssyncset.done $0x0  }
0xa9: {  	[sflag:s3] =	ssyncadd.s32 $0xFFFFD800  }
0xaa: {  	[tilespmem:s11], [sflag:$0x1] =	stream.indirect.gather [hbm4b:s10+s6], $0x10, s21, s6, $0xb8;
	[tilespmem:$0x2E90] =	vst v63  }
0xab: {  	_ =	swait.ge [sflag:s8], $0x500  }
.Ltmp1:
0xac: {  	[sflag:s8] =	ssyncset.done $0x0;
	(pc) =	sbr.rel @p0 .LBB2_1-.Ltmp1, $4  }
0xad: {  	[sflag:s8] =	ssyncadd.s32 $0xFFFFFB00  }
0xae: {  	[hbm4b:s23+s2] =	stream.linear.scatter [tilespmem:s11], [sflag:$0x2], $0x500, $0x38;
	[tilespmem:$0x2E90] =	vst v63  }
0xaf: {  	_ =	swait.ge [sflag:s3], $0x500  }
0xb0: {  	[sflag:s3] =	ssyncset.done $0x0  }
.LBB2_2:
0xb1: {  	[sflag:s3] =	ssyncadd.s32 $0xFFFFFB00  }
0xb2: {  	_ =	sfence.sel $0x180000  }
0xb3: {  	[bflag:$0x0] =	sbarrier.arrive $0xFFFF  }
0xb4: {  	p0 =	sne.s32 s0, $0x0;
	_ =	strace $0x90000050  }
0xb5: {  	s0 =	sadd.s32 @!p0 $0x100000, s1;
	[bflag:$0x2] =	sbarrier.arrive $0xFFFF  }
0xb6: {  	[sflag:s0] =	ssyncadd.tile.s32 @!p0 $0x1;
	_ =	shalt  }
.Lfunc_end2:
_tile_overlayer_lowered:
.L_overlay_start_2:
0xb7: {  	(tag) =	ssettag $0x2  }
0xb8: {  	s0 =	rddreg [dreg:$0x0];
	s2 =	stileid.u32  }
0xb9: {  	s1 =	rddreg [dreg:$0x1];
	p0 =	sne.s32 s2, $0x0  }
0xba: {  	s3 =	rddreg [dreg:$0x2];
	[bflag:$0x3] =	sbarrier.arrive $0xFFFF;
	s2 =	simm.s32 @!p0 $0x1C02  }
0xbb: {  	[timem:s3], [sflag:s2] =	dma.local @!p0 [hbm:s0], s1  }
0xbc: {  	s0 =	simm.s32 @!p0 $0x2  }
0xbd: {  	_ =	swait.ge @!p0 [sflag:s0], s1  }
0xbe: {  	s1 =	ssub.s32 @!p0 $0x0, s1;
	[sflag:s0] =	ssyncset.done @!p0 $0x0  }
0xbf: {  	[sflag:s0] =	ssyncadd.s32 @!p0 s1  }
0xc0: {  	[bflag:$0x3] =	sbarrier.arrive $0xFFFF  }
0xc1: {  	_ =	shalt  }

// kernel: sc_hop_aux0_f0_c128.3.cloned.1.call-start
scs
__scs_entry_jumppad:
0x0: {  	(pc) =	sbr.rel $0x88, $3  }
0x1: {  	(tag) =	ssettag $0x0;
	lr =	simm.s32 $0x1  }
0x2: {  	[smem:$0x3F85] =	sst lr;
	_ =	strace $0xD0000000  }
0x3: {  	_ = 	snop  }
0x4: {  	_ = 	snop  }
0x5: {  	_ = 	snop  }
0x6: {  	_ = 	snop  }
0x7: {  	_ = 	snop  }
__scs_overlays_trampoline_lowered:
0x8: {  	[smem:$0x3F94] =	sst s0  }
0x9: {  	[smem:$0x3F95] =	sst s1  }
0xa: {  	[smem:$0x3F96] =	sst s2  }
0xb: {  	[smem:$0x3F97] =	sst s3  }
0xc: {  	[smem:$0x3F98] =	sst s4  }
0xd: {  	[smem:$0x3F99] =	sst s5  }
0xe: {  	[smem:$0x3F9A] =	sst s6  }
0xf: {  	[smem:$0x3F9B] =	sst s7  }
0x10: {  	[smem:$0x3F9C] =	sst s8  }
0x11: {  	[smem:$0x3F9D] =	sst s9;
	s0 =	simm.s32 @!p0 $0x0  }
0x12: {  	s1 =	sld [smem:$0x3F83];
	s0 =	simm.s32 @p0 $0x1  }
0x13: {  	[smem:$0x3F9E] =	sst s0;
	s0 =	simm.s32 @!p1 $0x0  }
0x14: {  	s2 =	sld [smem:$0x3F82];
	s0 =	simm.s32 @p1 $0x1  }
0x15: {  	[smem:$0x3F9F] =	sst s0;
	s0 =	simm.s32 @!p2 $0x0  }
0x16: {  	s3 =	sld [smem:$0x3FDB];
	s0 =	simm.s32 @p2 $0x1  }
0x17: {  	s4 =	simm.s32 $0x1BF5;
	[smem:$0x3FA1] =	sst s0  }
0x18: {  	s0 =	sld [smem:$0x3F84];
	_ =	swait.ge [sflag:s4], $0x0  }
0x19: {  	s7 =	sld [smem:$0x3F85]  }
0x1a: {  	s8 =	sadd.s32 $0xFFFFE003, lr  }
0x1b: {  	s9 =	sadd.s32 $0xFFFFFEF7, lr;
	s5 =	simm.s32 $0xFFFFFFFF;
	p2 =	slt.u32 s8, $0xFFFFF086  }
0x1c: {  	p1 =	slt.u32 s9, $0xF7A;
	s5 =	simm.s32 @!p2 $0x0  }
0x1d: {  	s5 =	simm.s32 @p1 $0x1;
	p0 =	seq.s32 s7, s2  }
0x1e: {  	s7 =	smul.u32 @!p0 $0xF7A, s2;
	p2 =	seq.s32 @!p0 s5, $0x0  }
0x1f: {  	s9 =	smul.u32 $0xF7A, s1;
	s8 =	simm.s32 @!p0 $0x1BF5;
	p2 =	por !p2, p0  }
0x20: {  	[sflag:s8] =	ssyncset.s32 @!p0 $0xFFFFF086;
	s6 =	sadd.s32 @!p0 s3, s7;
	s7 =	simm.s32 @!p0 $0x108  }
0x21: {  	s3 =	sadd.s32 s3, s9;
	s6 =	sadd.s32 @!p0 $0x88, s6;
	s7 =	simm.s32 @p2 $0x1082  }
0x22: {  	[simem:s7], [sflag:s8] =	dma.local @!p0 [hbm:s6], $0xF7A  }
0x23: {  	s9 =	sor.u32 $0xD0000000, s2;
	s6 =	simm.s32 $0x108;
	_ =	swait.ge @!p0 [sflag:s8], $0x0  }
0x24: {  	s3 =	sadd.s32 $0x88, s3;
	s6 =	simm.s32 @!p1 $0x1082;
	[sflag:s4] =	ssyncset.s32 $0xFFFFF086  }
0x25: {  	[simem:s6], [sflag:s4] =	dma.local [hbm:s3], $0xF7A  }
0x26: {  	[smem:$0x3F85] =	sst s1;
	(tag) =	ssettag s2;
	_ =	strace s9  }
0x27: {  	s1 =	sld [smem:$0x3F95]  }
0x28: {  	s2 =	sld [smem:$0x3F96]  }
0x29: {  	s4 =	sld [smem:$0x3F98]  }
0x2a: {  	p0 =	seq.s32 s5, $0x0;
	s5 =	sld [smem:$0x3F99]  }
0x2b: {  	s6 =	sld [smem:$0x3F9A]  }
0x2c: {  	s7 =	sld [smem:$0x3F9B]  }
0x2d: {  	s3 =	simm.s32 $0x108;
	s8 =	sld [smem:$0x3F9C]  }
0x2e: {  	s3 =	simm.s32 @!p0 $0x1082;
	s9 =	sld [smem:$0x3F9D]  }
0x2f: {  	lr =	sadd.s32 s0, s3;
	s0 =	sld [smem:$0x3F94]  }
0x30: {  	s3 =	sld [smem:$0x3F97]  }
0x31: {  	[smem:$0x3FA0] =	sst s10  }
0x32: {  	s10 =	sld [smem:$0x3F9E];
	_ =	sdelay $0x3  }
0x33: {  	p0 =	seq.s32 s10, $0x1;
	s10 =	sld [smem:$0x3FA0];
	_ =	sdelay $0x3  }
0x34: {  	[smem:$0x3FA0] =	sst s10  }
0x35: {  	s10 =	sld [smem:$0x3F9F];
	_ =	sdelay $0x3  }
0x36: {  	p1 =	seq.s32 s10, $0x1;
	s10 =	sld [smem:$0x3FA0];
	_ =	sdelay $0x3  }
0x37: {  	[smem:$0x3FA0] =	sst s10  }
0x38: {  	s10 =	sld [smem:$0x3FA1]  }
0x39: {  	_ = 	snop;
	(pc) =	sbr.ind lr, $3  }
0x3a: {  	_ = 	snop  }
0x3b: {  	_ = 	snop  }
0x3c: {  	p2 =	seq.s32 s10, $0x1;
	s10 =	sld [smem:$0x3FA0]  }
0x3d: {  	_ =	shalt  }
0x3e: {  	_ =	shalt  }
0x3f: {  	_ =	shalt  }
0x40: {  	_ =	shalt  }
0x41: {  	_ =	shalt  }
0x42: {  	_ =	shalt  }
0x43: {  	_ =	shalt  }
0x44: {  	_ =	shalt  }
0x45: {  	_ =	shalt  }
0x46: {  	_ =	shalt  }
0x47: {  	_ =	shalt  }
0x48: {  	_ =	shalt  }
0x49: {  	_ =	shalt  }
0x4a: {  	_ =	shalt  }
0x4b: {  	_ =	shalt  }
0x4c: {  	_ =	shalt  }
0x4d: {  	_ =	shalt  }
0x4e: {  	_ =	shalt  }
0x4f: {  	_ =	shalt  }
0x50: {  	_ =	shalt  }
0x51: {  	_ =	shalt  }
0x52: {  	_ =	shalt  }
0x53: {  	_ =	shalt  }
0x54: {  	_ =	shalt  }
0x55: {  	_ =	shalt  }
0x56: {  	_ =	shalt  }
0x57: {  	_ =	shalt  }
0x58: {  	_ =	shalt  }
0x59: {  	_ =	shalt  }
0x5a: {  	_ =	shalt  }
0x5b: {  	_ =	shalt  }
0x5c: {  	_ =	shalt  }
0x5d: {  	_ =	shalt  }
0x5e: {  	_ =	shalt  }
0x5f: {  	_ =	shalt  }
0x60: {  	_ =	shalt  }
0x61: {  	_ =	shalt  }
0x62: {  	_ =	shalt  }
0x63: {  	_ =	shalt  }
0x64: {  	_ =	shalt  }
0x65: {  	_ =	shalt  }
0x66: {  	_ =	shalt  }
0x67: {  	_ =	shalt  }
0x68: {  	_ =	shalt  }
0x69: {  	_ =	shalt  }
0x6a: {  	_ =	shalt  }
0x6b: {  	_ =	shalt  }
0x6c: {  	_ =	shalt  }
0x6d: {  	_ =	shalt  }
0x6e: {  	_ =	shalt  }
0x6f: {  	_ =	shalt  }
0x70: {  	_ =	shalt  }
0x71: {  	_ =	shalt  }
0x72: {  	_ =	shalt  }
0x73: {  	_ =	shalt  }
0x74: {  	_ =	shalt  }
0x75: {  	_ =	shalt  }
0x76: {  	_ =	shalt  }
0x77: {  	_ =	shalt  }
0x78: {  	_ =	shalt  }
0x79: {  	_ =	shalt  }
0x7a: {  	_ =	shalt  }
0x7b: {  	_ =	shalt  }
0x7c: {  	_ =	shalt  }
0x7d: {  	_ =	shalt  }
0x7e: {  	_ =	shalt  }
0x7f: {  	_ =	shalt  }
0x80: {  	_ =	shalt  }
0x81: {  	_ =	shalt  }
0x82: {  	_ =	shalt  }
0x83: {  	_ =	shalt  }
0x84: {  	_ =	shalt  }
0x85: {  	_ =	shalt  }
0x86: {  	_ =	shalt  }
0x87: {  	_ =	shalt  }
.Lfunc_end0:
.L_simem_size_0:
called_computation.1_lowered:
.L_overlay_start_0:
0x88: {  	s2 =	sld [smem:$0x3FD9]  }
0x89: {  	s3 =	sld [smem:$0x3FFE];
	_ =	sdelay $0x1  }
0x8a: {  	s1 =	srdreg.scid  }
0x8b: {  	s0 =	sand.u32 $0x1, s1  }
0x8c: {  	s16 =	sshll.u32 s0, $0xA;
	s2 =	sadd.s32 s3, s2  }
0x8d: {  	s2 =	sadd.s32 s2, s16  }
0x8e: {  	[smem:$0x3FAC] =	sst s2  }
0x8f: {  	_ = 	snop  }
0x90: {  	(tm) =	ssettm $0x1  }
0x91: {  	s17 =	sld [smem:$0x3FFB];
	_ =	sdelay $0x3  }
0x92: {  	_ =	strace s17  }
0x93: {  	s2 =	sld [smem:$0x3FFC];
	_ =	sdelay $0x3  }
0x94: {  	_ =	strace s2  }
0x95: {  	s2 =	sld [smem:$0x3FFD];
	_ =	sdelay $0x3  }
0x96: {  	_ =	strace s2  }
0x97: {  	_ =	strace $0x8FFFFFFF  }
0x98: {  	s18 =	sld [smem:$0x3FDB];
	_ =	sdelay $0x1  }
0x99: {  	s19 =	simm.s32 $_scs_section_size  }
0x9a: {  	s4 =	simm.s32 $_size__tile_overlayer_lowered;
	s5 =	simm.s32 $_tile_overlayer_lowered  }
0x9b: {  	s22 =	simm.s32 $0x1BFF;
	s21 =	sshll.u32 s5, $0x1;
	s2 =	sadd.s32 s19, s18  }
0x9c: {  	s6 =	simm.s32 $0x0;
	s20 =	sshll.u32 s4, $0x1;
	s4 =	sadd.s32 s21, s2  }
0x9d: {  	[timem:s6], [sflag:s22] =	dma.local [hbm:s4], s20  }
0x9e: {  	_ =	swait.ge [sflag:s22], s20  }
0x9f: {  	s3 =	ssub.s32 $0x0, s20;
	[sflag:s22] =	ssyncset.done $0x0  }
0xa0: {  	[sflag:s22] =	ssyncadd.s32 s3;
	_ =	sdelay $0x1  }
0xa1: {  	s23 =	simm.s32 $0x1B8B  }
0xa2: {  	_ =	swait.ge [sflag:s23], $0x1  }
0xa3: {  	[sflag:s23] =	ssyncset.done $0x0  }
0xa4: {  	s25 =	simm.s32 $0x1B8E;
	s24 =	sld [smem:$0x3FFE];
	[sflag:s23] =	ssyncadd.s32 $0xFFFFFFFF  }
0xa5: {  	s26 =	simm.s32 $execute0_lowered;
	[smem:$0x3FD2] =	sst s25  }
0xa6: {  	s4 =	sshll.u32 s26, $0x1;
	_ =	strace $0x80000049;
	[dreg:$0x1] =	wrdreg $0xFFFFFFFF  }
0xa7: {  	s28 =	simm.s32 $_size_execute0_lowered;
	s2 =	sadd.s32 s2, s4;
	[dreg:$0x0] =	wrdreg $0x0  }
0xa8: {  	s4 =	sshll.u32 s28, $0x1;
	[dreg:$0x2] =	wrdreg s2  }
0xa9: {  	[dreg:$0x3] =	wrdreg s4  }
0xaa: {  	[dreg:$0x4] =	wrdreg $0xC0  }
0xab: {  	_ =	task [dreg:s6], $0x5FFFF  }
0xac: {  	[dreg:$0x1] =	wrdreg $0xFFFFFFFF  }
0xad: {  	[dreg:$0x0] =	wrdreg $0x60  }
0xae: {  	[dreg:$0x2] =	wrdreg s24  }
0xaf: {  	[dreg:$0x3] =	wrdreg $0xBC000  }
0xb0: {  	[dreg:$0x4] =	wrdreg $0x9  }
0xb1: {  	_ =	task.clear_ibuf [dreg:s6], $0x5FFFF;
	_ =	strace $0x90000049  }
0xb2: {  	s29 =	simm.s32 $0x9;
	_ =	strace $0x8000004B  }
0xb3: {  	_ =	swait.ge [sflag:s29], $0x1  }
0xb4: {  	[sflag:s29] =	ssyncadd.s32 $0xFFFFFFFF  }
0xb5: {  	_ =	strace $0x9000004B  }
0xb6: {  	_ =	sfence  }
0xb7: {  	s30 =	sld [smem:$0x0];
	_ =	sdelay $0x2  }
0xb8: {  	s31 =	sshll.u32 s1, $0xD;
	s1 =	sshrl.u32 s1, $0x2  }
0xb9: {  	s3 =	sand.u32 $0x4000, s31;
	s1 =	sadd.s32 s1, s30  }
0xba: {  	s0 =	sor.u32 s3, s0;
	s1 =	sshll.u32 s1, $0x11  }
0xbb: {  	s0 =	sor.u32 s1, s0  }
0xbc: {  	s0 =	sadd.s32 $0x8F2B, s0  }
0xbd: {  	[sflag:s0] =	ssyncadd.remote.s32 $0x1  }
0xbe: {  	_ =	sfence.sel $0xFFFF  }
0xbf: {  	[dreg:$0x0] =	wrdreg $0xFFFFFFFF;
	(pc) =	sbr.abs _section_cstart, $3  }
0xc0: {  	[dreg:$0x1] =	wrdreg $0xFFFFFFFF  }
0xc1: {  	_ =	task.clear_ibuf [dreg:s6], $0x2FFFF;
	_ =	strace $0x9FFFFFFF  }
0xc2: {  	(tm) =	ssettm $0x7FFFFFFF  }
0xc3: {  	_ =	shalt  }
tec
execute0_lowered:
.L_overlay_start_1:
0x0: {  	(tag) =	ssettag $0x1  }
0x1: {  	s0 =	rddreg [dreg:$0x0]  }
0x2: {  	s1 =	rddreg [dreg:$0x1];
	s11 =	simm.s32 $0x0;
	s2 =	srdreg.scid  }
0x3: {  	s10 =	stileid.u32;
	s28 =	simm.s32 $0x3C00;
	s29 =	simm.s32 $0x3  }
0x4: {  	s30 =	simm.s32 $0x1400;
	s31 =	simm.s32 $0x2;
	[smem:$0x7FF] =	sst s11  }
0x5: {  	s3 =	sadd.s32 $0xA0600, s0;
	s4 =	sadd.s32 $0x4200, s0;
	s6 =	sadd.s32 $0x52400, s0  }
0x6: {  	s7 =	sadd.s32 $0x320600, s0;
	s13 =	sand.u32 $0x1, s2;
	s9 =	smul.u32 $0x50000, s10  }
0x7: {  	s14 =	sshll.u32 s10, $0x3;
	s16 =	smul.u32 $0x14000, s10;
	_ =	strace $0x8000004A  }
0x8: {  	s2 =	ssub.s32 $0x2, s13;
	s5 =	sshll.u32 s13, $0x4;
	s0 =	smul.u32 $0xA00000, s13  }
0x9: {  	s8 =	sshrl.u32 s2, $0x1;
	s5 =	sor.u32 s10, s5;
	s15 =	sshrl.u32 s9, $0x2  }
0xa: {  	s20 =	sadd.s32 $0x4000, s16;
	s22 =	sadd.s32 s16, s1;
	[dreg:$0x6] =	wrdreg s16  }
0xb: {  	s23 =	sadd.s32 $0x8000, s16;
	s10 =	sadd.s32 $0xC000, s16;
	[dreg:$0x7] =	wrdreg s0  }
0xc: {  	s2 =	ssub.s32 s2, s8;
	s5 =	smul.u32 $0x2710, s5;
	[dreg:$0xa] =	wrdreg s20  }
0xd: {  	s8 =	sadd.s32 $0x2710, s14;
	s12 =	sadd.s32 s15, s1;
	[dreg:$0xc] =	wrdreg s23  }
0xe: {  	[dreg:$0xd] =	wrdreg s10;
	s24 =	sadd.s32 s10, s1;
	s0 =	sshrl.u32 s22, $0x3  }
0xf: {  	[dreg:$0x5] =	wrdreg s8;
	s17 =	sor.u32 s13, s8;
	s18 =	smax.u32 s2, $0x1  }
0x10: {  	s19 =	sadd.s32 $0x4000, s12;
	s21 =	sadd.s32 $0x8000, s12;
	[dreg:$0xe] =	wrdreg s0  }
0x11: {  	s2 =	sadd.s32 s20, s1;
	s13 =	sadd.s32 $0x10000, s16;
	[dreg:$0x4] =	wrdreg s5  }
0x12: {  	s8 =	sadd.s32 s23, s1;
	s23 =	sshrl.u32 s24, $0x3;
	[dreg:$0x8] =	wrdreg s18  }
0x13: {  	s20 =	smov.u32 s12;
	s0 =	simm.s32 $0x80;
	[dreg:$0x9] =	wrdreg s19  }
0x14: {  	v0 =	vlaneseq.u32;
	[dreg:$0xb] =	wrdreg s21;
	s21 =	smov.u32 s13;
	s25 =	sadd.s32 s13, s1  }
0x15: {  	v2 =	vmul.u32 $0xFFFFFFFF, v0;
	s26 =	sshrl.u32 s2, $0x3;
	s22 =	sshrl.u32 s8, $0x3;
	s13 =	simm.s32 $0x3B80  }
0x16: {  	s2 =	simm.s32 $0x7C00;
	s5 =	simm.s32 $0x4;
	[dreg:$0xf] =	wrdreg s26  }
0x17: {  	v1 =	vimm.f32 $0.0e+00;
	v2 =	vadd.s32 $0x1388, v2;
	v0 =	vmov s17;
	s24 =	sshrl.u32 s25, $0x3;
	s25 =	sadd.s32 $0xC000, s12;
	s26 =	sadd.s32 $0x10000, s12  }
.LBB2_1:
0x18: {  	[dreg:$0x3] =	wrdreg s11;
	s8 =	simm.s32 $0x0  }
.LBB2_2:
0x19: {  	s9 =	simm.s32 $0x0  }
0x1a: {  	s10 =	sand.u32 $0xFE00, s9  }
0x1b: {  	s11 =	sand.u32 $0x70, s9;
	s12 =	sshrl.u32 s10, $0x2  }
0x1c: {  	s10 =	simm.s32 $0x40;
	s11 =	sor.u32 s11, s12  }
.LBB2_3:
0x1d: {  	p0 =	sne.s32 s10, $0xFFC0  }
0x1e: {  	[tilespmem:s11+$0x3C00] =	vst v1;
	s9 =	sadd.s32 $0x10, s9;
	s11 =	smov.u32 s10;
	s10 =	sadd.s32 $0x40, s10  }
.Ltmp0:
0x1f: {  	(pc) =	sbr.rel @p0 .LBB2_3-.Ltmp0, $4  }
0x20: {  	_ = 	snop  }
0x21: {  	s11 =	sand.u32 $0xFE00, s11  }
0x22: {  	s12 =	sand.u32 $0x70, s9;
	s11 =	sshrl.u32 s11, $0x2  }
0x23: {  	s11 =	sor.u32 s12, s11  }
0x24: {  	[tilespmem:s11+$0x3C00] =	vst v1  }
0x25: {  	[spmem:s20] =	stream.linear.scatter [tilespmem:s28], [sflag:$0x3], $0x4000, $0x38;
	[tilespmem:$0x1FC00] =	vst v63  }
0x26: {  	_ =	swait.ge [sflag:s29], $0x4000  }
0x27: {  	[sflag:s29] =	ssyncset.done $0x0  }
0x28: {  	s9 =	rddreg [dreg:$0x9];
	[sflag:s29] =	ssyncadd.s32 $0xFFFFC000  }
0x29: {  	[spmem:s9] =	stream.linear.scatter [tilespmem:s28], [sflag:$0x3], $0x4000, $0x38;
	[tilespmem:$0x1FC00] =	vst v63  }
0x2a: {  	_ =	swait.ge [sflag:s29], $0x4000  }
0x2b: {  	[sflag:s29] =	ssyncset.done $0x0  }
0x2c: {  	s17 =	rddreg [dreg:$0xb];
	[sflag:s29] =	ssyncadd.s32 $0xFFFFC000  }
0x2d: {  	[spmem:s17] =	stream.linear.scatter [tilespmem:s28], [sflag:$0x3], $0x4000, $0x38;
	[tilespmem:$0x1FC00] =	vst v63  }
0x2e: {  	_ =	swait.ge [sflag:s29], $0x4000  }
0x2f: {  	[sflag:s29] =	ssyncset.done $0x0  }
0x30: {  	[sflag:s29] =	ssyncadd.s32 $0xFFFFC000  }
0x31: {  	[spmem:s25] =	stream.linear.scatter [tilespmem:s28], [sflag:$0x3], $0x4000, $0x38;
	[tilespmem:$0x1FC00] =	vst v63  }
0x32: {  	_ =	swait.ge [sflag:s29], $0x4000  }
0x33: {  	[sflag:s29] =	ssyncset.done $0x0  }
0x34: {  	s10 =	smul.u32 $0x2800, s8;
	[sflag:s29] =	ssyncadd.s32 $0xFFFFC000  }
0x35: {  	[spmem:s26] =	stream.linear.scatter [tilespmem:s28], [sflag:$0x3], $0x4000, $0x38;
	[tilespmem:$0x1FC00] =	vst v63  }
0x36: {  	s18 =	smul.u32 $0x4E200, s8;
	_ =	swait.ge [sflag:s29], $0x4000  }
0x37: {  	p1 =	por $0x1, $0x1;
	[sflag:s29] =	ssyncset.done $0x0;
	s19 =	rddreg [dreg:$0x5]  }
0x38: {  	s12 =	rddreg [dreg:$0x4];
	[sflag:s29] =	ssyncadd.s32 $0xFFFFC000;
	s11 =	sadd.s32 s10, s19  }
0x39: {  	v3 =	vmov s10;
	s9 =	sadd.s32 s12, s18;
	s10 =	simm.s32 $0x0;
	v4 =	vmov s11;
	s11 =	simm.s32 $0x0  }
.LBB2_5:
0x3a: {  	s11 =	sadd.s32 s11, s9  }
0x3b: {  	s11 =	sshrl.u32 s11, $0x3  }
0x3c: {  	s12 =	sadd.s32 s4, s11  }
0x3d: {  	[tilespmem:s10], [sflag:$0x3] =	stream.linear.gather [hbm4b:s12+s10], $0x1388, $0x38;
	[tilespmem:$0x1FC00] =	vst v63  }
0x3e: {  	_ =	swait.ge [sflag:s29], $0x1388  }
0x3f: {  	[sflag:s29] =	ssyncset.done $0x0  }
0x40: {  	s11 =	sadd.s32 s6, s11;
	[sflag:s29] =	ssyncadd.s32 $0xFFFFEC78  }
0x41: {  	[tilespmem:s30], [sflag:$0x3] =	stream.linear.gather [hbm4b:s11+s10], $0x1388, $0x38;
	[tilespmem:$0x1FC00] =	vst v63  }
0x42: {  	_ =	swait.ge [sflag:s29], $0x1388  }
0x43: {  	[sflag:s29] =	ssyncset.done $0x0  }
0x44: {  	s18 =	simm.s32 $0x0;
	[sflag:s29] =	ssyncadd.s32 $0xFFFFEC78  }
0x45: {  	v5 =	vld [tilespmem:s18+$0x0];
	_ =	sdelay $0x1  }
0x46: {  	v6 =	vld [tilespmem:s18+$0x1400];
	_ =	sdelay $0x1  }
0x47: {  	v7 =	vmov s10  }
0x48: {  	s19 =	sand.u32 $0x7E00, s10;
	vm0 =	vlt.u32 v7, v2;
	v5 =	vadd.s32 v3, v5  }
0x49: {  	s14 =	sand.u32 $0x70, s10;
	s12 =	sshrl.u32 s19, $0x2;
	v5 =	vsel vm0, v5, v4  }
0x4a: {  	s12 =	sor.u32 s14, s12;
	[tilespmem:s18+$0x0] =	vst v5;
	v5 =	vsel vm0, v6, v0  }
0x4b: {  	p0 =	por p1, p1;
	s11 =	simm.s32 $0x10;
	[tilespmem:s12+$0x2800] =	vst v5  }
0x4c: {  	s15 =	simm.s32 $0x80;
	s14 =	simm.s32 $0x0;
	s12 =	simm.s32 $0x40;
	v5 =	vld [tilespmem:s11+$0x0]  }
.LBB2_6:
0x4d: {  	p1 =	sne.s32 s15, $0x4FC0  }
0x4e: {  	v6 =	vld [tilespmem:s11+$0x1400]  }
0x4f: {  	s14 =	sadd.s32 $0x10, s14  }
0x50: {  	v7 =	vmov s14  }
.Ltmp1:
0x51: {  	s16 =	sand.u32 $0x7E00, s12;
	s12 =	smov.u32 s15;
	vm0 =	vlt.u32 v7, v2;
	v5 =	vadd.s32 v3, v5;
	(pc) =	sbr.rel @p1 .LBB2_6-.Ltmp1, $4  }
0x52: {  	s17 =	sand.u32 $0x70, s14;
	s16 =	sshrl.u32 s16, $0x2;
	v5 =	vsel vm0, v5, v4  }
0x53: {  	s16 =	sor.u32 s17, s16;
	[tilespmem:s11+$0x0] =	vst v5;
	v5 =	vsel vm0, v6, v0  }
0x54: {  	s11 =	sshra.s32 s15, $0x2;
	[tilespmem:s16+$0x2800] =	vst v5  }
0x55: {  	s15 =	sadd.s32 $0x40, s15;
	v5 =	vld [tilespmem:s11+$0x0]  }
0x56: {  	_ = 	snop  }
0x57: {  	v6 =	vld [tilespmem:s11+$0x1400]  }
0x58: {  	s14 =	sadd.s32 $0x10, s14  }
0x59: {  	s12 =	sand.u32 $0x7E00, s12;
	v7 =	vmov s14  }
0x5a: {  	s18 =	simm.s32 $0x0;
	s14 =	sand.u32 $0x70, s14;
	s12 =	sshrl.u32 s12, $0x2;
	vm0 =	vlt.u32 v7, v2;
	v5 =	vadd.s32 v3, v5  }
0x5b: {  	s17 =	sor.u32 s14, s12;
	s12 =	sand.u32 $0x1, s18;
	v5 =	vsel vm0, v5, v4  }
0x5c: {  	p1 =	seq.s32 s12, $0x1;
	[tilespmem:s11+$0x0] =	vst v5;
	v5 =	vsel vm0, v6, v0  }
0x5d: {  	s12 =	simm.s32 @p1 $0x2;
	s11 =	simm.s32 $0x80;
	[tilespmem:s17+$0x2800] =	vst v5  }
0x5e: {  	[tilespmem:s28], [sflag:$0x1] =	stream.indirect.gather [hbm4b:s3+s11], $0x80, s18, s11, $0xb8;
	[tilespmem:$0x1FC00] =	vst v63  }
0x5f: {  	_ =	swait.ge @p1 [sflag:s12], $0x4000  }
0x60: {  	[sflag:s12] =	ssyncset.done @p1 $0x0  }
0x61: {  	s14 =	simm.s32 @p1 $0x3C00;
	[sflag:s12] =	ssyncadd.s32 @p1 $0xFFFFC000;
	s12 =	simm.s32 @p1 $0x80  }
0x62: {  	[tilespmem:s14], [sflag:$0x1] =	stream.indirect.gather @p1 [hbm4b:s3+s12], $0x80, s11, s12, $0xb8;
	[tilespmem:$0x1FC00] =	vst v63  }
0x63: {  	s15 =	simm.s32 $0x2800;
	s16 =	simm.s32 @!p1 $0x1;
	s14 =	simm.s32 @p1 $0x7C00  }
0x64: {  	[spmem:s1] =	stream.indirect.scatter.add.f32 @p1 [tilespmem:s14], [sflag:$0x4], $0x80, s15, s12, $0xb8;
	[tilespmem:$0x1FC00] =	vst v63  }
0x65: {  	_ =	swait.ge @!p1 [sflag:s16], $0x4000  }
0x66: {  	s14 =	simm.s32 @!p1 $0x3;
	[sflag:s16] =	ssyncset.done @!p1 $0x0  }
0x67: {  	s12 =	simm.s32 @!p1 $0x80;
	[sflag:s16] =	ssyncadd.s32 @!p1 $0xFFFFC000;
	s16 =	simm.s32 @!p1 $0x7C00  }
0x68: {  	[tilespmem:s16], [sflag:$0x2] =	stream.indirect.gather @!p1 [hbm4b:s3+s12], $0x80, s11, s12, $0xb8;
	[tilespmem:$0x1FC00] =	vst v63  }
0x69: {  	s19 =	simm.s32 $0x1;
	s14 =	simm.s32 @p1 $0x4;
	s11 =	simm.s32 @!p1 $0x3C00  }
0x6a: {  	[spmem:s1] =	stream.indirect.scatter.add.f32 @!p1 [tilespmem:s11], [sflag:$0x3], $0x80, s15, s12, $0xb8;
	[tilespmem:$0x1FC00] =	vst v63  }
0x6b: {  	s16 =	sand.u32 $0x1, s19;
	s15 =	simm.s32 $0x2;
	_ =	swait.ge [sflag:s14], $0x4000  }
0x6c: {  	s11 =	simm.s32 $0x100;
	s12 =	simm.s32 $0x2880;
	[sflag:s14] =	ssyncset.done $0x0  }
.LBB2_8:
0x6d: {  	p2 =	seq.s32 s16, $0x1  }
0x6e: {  	[sflag:s14] =	ssyncadd.s32 $0xFFFFC000;
	s16 =	smov.u32 s15;
	s15 =	sadd.s32 $0x1, s15  }
0x6f: {  	p1 =	sne.s32 s15, $0x27;
	s17 =	simm.s32 @p2 $0x2;
	s14 =	simm.s32 @!p2 $0x3  }
0x70: {  	_ =	swait.ge @p2 [sflag:s17], $0x4000  }
0x71: {  	[sflag:s17] =	ssyncset.done @p2 $0x0  }
0x72: {  	s18 =	simm.s32 @p2 $0x3C00;
	[sflag:s17] =	ssyncadd.s32 @p2 $0xFFFFC000;
	s17 =	simm.s32 @p2 $0x80  }
0x73: {  	[tilespmem:s18], [sflag:$0x1] =	stream.indirect.gather @p2 [hbm4b:s3+s17], $0x80, s11, s17, $0xb8;
	[tilespmem:$0x1FC00] =	vst v63  }
0x74: {  	s19 =	simm.s32 @!p2 $0x1;
	s18 =	simm.s32 @p2 $0x7C00  }
0x75: {  	[spmem:s1] =	stream.indirect.scatter.add.f32 @p2 [tilespmem:s18], [sflag:$0x4], $0x80, s12, s17, $0xb8;
	[tilespmem:$0x1FC00] =	vst v63  }
0x76: {  	_ =	swait.ge @!p2 [sflag:s19], $0x4000  }
0x77: {  	[sflag:s19] =	ssyncset.done @!p2 $0x0  }
0x78: {  	s17 =	simm.s32 @!p2 $0x80;
	s18 =	simm.s32 @!p2 $0x7C00;
	[sflag:s19] =	ssyncadd.s32 @!p2 $0xFFFFC000  }
0x79: {  	[tilespmem:s18], [sflag:$0x2] =	stream.indirect.gather @!p2 [hbm4b:s3+s17], $0x80, s11, s17, $0xb8;
	[tilespmem:$0x1FC00] =	vst v63  }
.Ltmp2:
0x7a: {  	_ = 	snop;
	(pc) =	sbr.rel @p1 .LBB2_8-.Ltmp2, $4  }
0x7b: {  	s14 =	simm.s32 @p2 $0x4;
	s18 =	simm.s32 @!p2 $0x3C00  }
0x7c: {  	[spmem:s1] =	stream.indirect.scatter.add.f32 @!p2 [tilespmem:s18], [sflag:$0x3], $0x80, s12, s17, $0xb8;
	[tilespmem:$0x1FC00] =	vst v63  }
0x7d: {  	s11 =	sadd.s32 $0x80, s11;
	_ =	swait.ge [sflag:s14], $0x4000  }
0x7e: {  	s16 =	sand.u32 $0x1, s16;
	s12 =	sadd.s32 $0x80, s12;
	[sflag:s14] =	ssyncset.done $0x0  }
0x7f: {  	p1 =	seq.s32 s16, $0x1  }
0x80: {  	[sflag:s14] =	ssyncadd.s32 $0xFFFFC000;
	s14 =	simm.s32 @p1 $0x2  }
0x81: {  	_ =	swait.ge @p1 [sflag:s14], $0x4000  }
0x82: {  	[sflag:s14] =	ssyncset.done @p1 $0x0  }
0x83: {  	s15 =	simm.s32 @p1 $0x3C00;
	[sflag:s14] =	ssyncadd.s32 @p1 $0xFFFFC000;
	s14 =	simm.s32 @p1 $0x80  }
0x84: {  	[tilespmem:s15], [sflag:$0x1] =	stream.indirect.gather @p1 [hbm4b:s3+s14], $0x80, s11, s14, $0xb8;
	[tilespmem:$0x1FC00] =	vst v63  }
0x85: {  	s16 =	simm.s32 @!p1 $0x1;
	s15 =	simm.s32 @p1 $0x7C00  }
0x86: {  	[spmem:s1] =	stream.indirect.scatter.add.f32 @p1 [tilespmem:s15], [sflag:$0x4], $0x80, s12, s14, $0xb8;
	[tilespmem:$0x1FC00] =	vst v63  }
0x87: {  	_ =	swait.ge @!p1 [sflag:s16], $0x4000  }
0x88: {  	s14 =	simm.s32 @!p1 $0x3;
	[sflag:s16] =	ssyncset.done @!p1 $0x0  }
0x89: {  	s15 =	simm.s32 @!p1 $0x80;
	[sflag:s16] =	ssyncadd.s32 @!p1 $0xFFFFC000;
	s16 =	simm.s32 @!p1 $0x7C00  }
0x8a: {  	[tilespmem:s16], [sflag:$0x2] =	stream.indirect.gather @!p1 [hbm4b:s3+s15], $0x80, s11, s15, $0xb8;
	[tilespmem:$0x1FC00] =	vst v63  }
0x8b: {  	s14 =	simm.s32 @p1 $0x4;
	s11 =	simm.s32 @!p1 $0x3C00  }
0x8c: {  	[spmem:s1] =	stream.indirect.scatter.add.f32 @!p1 [tilespmem:s11], [sflag:$0x3], $0x80, s12, s15, $0xb8;
	[tilespmem:$0x1FC00] =	vst v63  }
0x8d: {  	_ =	swait.ge [sflag:s14], $0x4000  }
0x8e: {  	[sflag:s14] =	ssyncset.done $0x0  }
0x8f: {  	[sflag:s14] =	ssyncadd.s32 $0xFFFFC000  }
0x90: {  	_ =	swait.ge [sflag:s31], $0x4000  }
0x91: {  	[sflag:s31] =	ssyncset.done $0x0  }
.Ltmp3:
0x92: {  	[sflag:s31] =	ssyncadd.s32 $0xFFFFC000;
	(pc) =	sbr.rel @p0 .LBB2_5-.Ltmp3, $4  }
0x93: {  	[spmem:s1] =	stream.indirect.scatter.add.f32 [tilespmem:s2], [sflag:$0x4], $0x80, s13, s0, $0xb8;
	[tilespmem:$0x1FC00] =	vst v63  }
0x94: {  	_ =	swait.ge [sflag:s5], $0x4000  }
0x95: {  	[sflag:s5] =	ssyncset.done $0x0  }
0x96: {  	s11 =	simm.s32 $0x1388;
	p1 =	por $0x0, $0x0;
	[sflag:s5] =	ssyncadd.s32 $0xFFFFC000  }
0x97: {  	s9 =	smul.u32 $0x140000, s8  }
0x98: {  	s10 =	rddreg [dreg:$0x7]  }
0x99: {  	s15 =	rddreg [dreg:$0x6];
	s9 =	sadd.s32 s10, s9  }
0x9a: {  	s11 =	stileid.u32;
	s10 =	sadd.s32 s15, s9  }
0x9b: {  	[bflag:$0x0] =	sbarrier.arrive $0xFFFF;
	s11 =	sshll.u32 s11, $0x6;
	s10 =	sshrl.u32 s10, $0x3  }
0x9c: {  	s12 =	rddreg [dreg:$0xe];
	s11 =	sor.u32 $0x1C03, s11;
	s10 =	sadd.s32 s7, s10  }
0x9d: {  	[hbm:s10], [sflag:s11] =	dma.local [spmem:s12], $0x800  }
0x9e: {  	_ =	swait.ge [sflag:s29], $0x800  }
0x9f: {  	s16 =	rddreg [dreg:$0xa]  }
0xa0: {  	s10 =	sadd.s32 s16, s9  }
0xa1: {  	[sflag:s29] =	ssyncset.done $0x0;
	s10 =	sshrl.u32 s10, $0x3  }
0xa2: {  	s17 =	rddreg [dreg:$0xf];
	[sflag:s29] =	ssyncadd.s32 $0xFFFFF800;
	s10 =	sadd.s32 s7, s10  }
0xa3: {  	[hbm:s10], [sflag:s11] =	dma.local [spmem:s17], $0x800  }
0xa4: {  	_ =	swait.ge [sflag:s29], $0x800  }
0xa5: {  	s18 =	rddreg [dreg:$0xc]  }
0xa6: {  	s10 =	sadd.s32 s18, s9  }
0xa7: {  	[sflag:s29] =	ssyncset.done $0x0;
	s10 =	sshrl.u32 s10, $0x3  }
0xa8: {  	[sflag:s29] =	ssyncadd.s32 $0xFFFFF800;
	s10 =	sadd.s32 s7, s10  }
0xa9: {  	[hbm:s10], [sflag:s11] =	dma.local [spmem:s22], $0x800  }
0xaa: {  	_ =	swait.ge [sflag:s29], $0x800  }
0xab: {  	s19 =	rddreg [dreg:$0xd]  }
0xac: {  	s10 =	sadd.s32 s19, s9  }
0xad: {  	[sflag:s29] =	ssyncset.done $0x0;
	s10 =	sshrl.u32 s10, $0x3  }
0xae: {  	[sflag:s29] =	ssyncadd.s32 $0xFFFFF800;
	s10 =	sadd.s32 s7, s10  }
0xaf: {  	[hbm:s10], [sflag:s11] =	dma.local [spmem:s23], $0x800  }
0xb0: {  	s9 =	sadd.s32 s21, s9;
	_ =	swait.ge [sflag:s29], $0x800  }
0xb1: {  	s8 =	sadd.s32 $0x1, s8;
	s9 =	sshrl.u32 s9, $0x3;
	[sflag:s29] =	ssyncset.done $0x0  }
0xb2: {  	p0 =	sne.s32 s8, $0x8;
	s9 =	sadd.s32 s7, s9;
	[sflag:s29] =	ssyncadd.s32 $0xFFFFF800  }
0xb3: {  	[hbm:s9], [sflag:s11] =	dma.local [spmem:s24], $0x800  }
.Ltmp4:
0xb4: {  	_ =	swait.ge [sflag:s29], $0x800;
	(pc) =	sbr.rel @p0 .LBB2_2-.Ltmp4, $3  }
0xb5: {  	[sflag:s29] =	ssyncset.done $0x0  }
0xb6: {  	[sflag:s29] =	ssyncadd.s32 $0xFFFFF800  }
0xb7: {  	[bflag:$0x0] =	sbarrier.arrive $0xFFFF;
	_ =	sdelay $0x1  }
0xb8: {  	s11 =	rddreg [dreg:$0x3]  }
0xb9: {  	s8 =	rddreg [dreg:$0x8];
	s11 =	sadd.s32 $0x1, s11  }
0xba: {  	p0 =	sne.s32 s11, s8  }
.Ltmp5:
0xbb: {  	_ = 	snop;
	(pc) =	sbr.rel @p0 .LBB2_1-.Ltmp5, $1  }
0xbc: {  	_ =	sdelay $0x3  }
0xbd: {  	_ =	sfence.sel $0x180000  }
0xbe: {  	[bflag:$0x0] =	sbarrier.arrive $0xFFFF  }
0xbf: {  	_ =	strace $0x9000004A  }
0xc0: {  	s0 =	stileid.u32;
	[bflag:$0x2] =	sbarrier.arrive $0xFFFF  }
0xc1: {  	p0 =	sne.s32 s0, $0x0;
	s0 =	rddreg [dreg:$0x2]  }
0xc2: {  	s0 =	sadd.s32 @!p0 $0x100000, s0  }
0xc3: {  	[sflag:s0] =	ssyncadd.tile.s32 @!p0 $0x1;
	_ =	shalt  }
.Lfunc_end2:
_tile_overlayer_lowered:
.L_overlay_start_2:
0xc4: {  	(tag) =	ssettag $0x2  }
0xc5: {  	s0 =	rddreg [dreg:$0x0];
	s2 =	stileid.u32  }
0xc6: {  	s1 =	rddreg [dreg:$0x1];
	p0 =	sne.s32 s2, $0x0  }
0xc7: {  	s3 =	rddreg [dreg:$0x2];
	[bflag:$0x3] =	sbarrier.arrive $0xFFFF;
	s2 =	simm.s32 @!p0 $0x1C03  }
0xc8: {  	[timem:s3], [sflag:s2] =	dma.local @!p0 [hbm:s0], s1  }
0xc9: {  	s0 =	simm.s32 @!p0 $0x3  }
0xca: {  	_ =	swait.ge @!p0 [sflag:s0], s1  }
0xcb: {  	s1 =	ssub.s32 @!p0 $0x0, s1;
	[sflag:s0] =	ssyncset.done @!p0 $0x0  }
0xcc: {  	[sflag:s0] =	ssyncadd.s32 @!p0 s1  }
0xcd: {  	[bflag:$0x3] =	sbarrier.arrive $0xFFFF  }
0xce: {  	_ =	shalt  }

// kernel: sc_hop_aux1_f1_c64.3.cloned.1.call-start
scs
__scs_entry_jumppad:
0x0: {  	(pc) =	sbr.rel $0x88, $3  }
0x1: {  	(tag) =	ssettag $0x0;
	lr =	simm.s32 $0x1  }
0x2: {  	[smem:$0x3F85] =	sst lr;
	_ =	strace $0xD0000000  }
0x3: {  	_ = 	snop  }
0x4: {  	_ = 	snop  }
0x5: {  	_ = 	snop  }
0x6: {  	_ = 	snop  }
0x7: {  	_ = 	snop  }
__scs_overlays_trampoline_lowered:
0x8: {  	[smem:$0x3F94] =	sst s0  }
0x9: {  	[smem:$0x3F95] =	sst s1  }
0xa: {  	[smem:$0x3F96] =	sst s2  }
0xb: {  	[smem:$0x3F97] =	sst s3  }
0xc: {  	[smem:$0x3F98] =	sst s4  }
0xd: {  	[smem:$0x3F99] =	sst s5  }
0xe: {  	[smem:$0x3F9A] =	sst s6  }
0xf: {  	[smem:$0x3F9B] =	sst s7  }
0x10: {  	[smem:$0x3F9C] =	sst s8  }
0x11: {  	[smem:$0x3F9D] =	sst s9;
	s0 =	simm.s32 @!p0 $0x0  }
0x12: {  	s1 =	sld [smem:$0x3F83];
	s0 =	simm.s32 @p0 $0x1  }
0x13: {  	[smem:$0x3F9E] =	sst s0;
	s0 =	simm.s32 @!p1 $0x0  }
0x14: {  	s2 =	sld [smem:$0x3F82];
	s0 =	simm.s32 @p1 $0x1  }
0x15: {  	[smem:$0x3F9F] =	sst s0;
	s0 =	simm.s32 @!p2 $0x0  }
0x16: {  	s3 =	sld [smem:$0x3FDB];
	s0 =	simm.s32 @p2 $0x1  }
0x17: {  	s4 =	simm.s32 $0x1BF5;
	[smem:$0x3FA1] =	sst s0  }
0x18: {  	s0 =	sld [smem:$0x3F84];
	_ =	swait.ge [sflag:s4], $0x0  }
0x19: {  	s7 =	sld [smem:$0x3F85]  }
0x1a: {  	s8 =	sadd.s32 $0xFFFFE003, lr  }
0x1b: {  	s9 =	sadd.s32 $0xFFFFFEF7, lr;
	s5 =	simm.s32 $0xFFFFFFFF;
	p2 =	slt.u32 s8, $0xFFFFF086  }
0x1c: {  	p1 =	slt.u32 s9, $0xF7A;
	s5 =	simm.s32 @!p2 $0x0  }
0x1d: {  	s5 =	simm.s32 @p1 $0x1;
	p0 =	seq.s32 s7, s2  }
0x1e: {  	s7 =	smul.u32 @!p0 $0xF7A, s2;
	p2 =	seq.s32 @!p0 s5, $0x0  }
0x1f: {  	s9 =	smul.u32 $0xF7A, s1;
	s8 =	simm.s32 @!p0 $0x1BF5;
	p2 =	por !p2, p0  }
0x20: {  	[sflag:s8] =	ssyncset.s32 @!p0 $0xFFFFF086;
	s6 =	sadd.s32 @!p0 s3, s7;
	s7 =	simm.s32 @!p0 $0x108  }
0x21: {  	s3 =	sadd.s32 s3, s9;
	s6 =	sadd.s32 @!p0 $0x88, s6;
	s7 =	simm.s32 @p2 $0x1082  }
0x22: {  	[simem:s7], [sflag:s8] =	dma.local @!p0 [hbm:s6], $0xF7A  }
0x23: {  	s9 =	sor.u32 $0xD0000000, s2;
	s6 =	simm.s32 $0x108;
	_ =	swait.ge @!p0 [sflag:s8], $0x0  }
0x24: {  	s3 =	sadd.s32 $0x88, s3;
	s6 =	simm.s32 @!p1 $0x1082;
	[sflag:s4] =	ssyncset.s32 $0xFFFFF086  }
0x25: {  	[simem:s6], [sflag:s4] =	dma.local [hbm:s3], $0xF7A  }
0x26: {  	[smem:$0x3F85] =	sst s1;
	(tag) =	ssettag s2;
	_ =	strace s9  }
0x27: {  	s1 =	sld [smem:$0x3F95]  }
0x28: {  	s2 =	sld [smem:$0x3F96]  }
0x29: {  	s4 =	sld [smem:$0x3F98]  }
0x2a: {  	p0 =	seq.s32 s5, $0x0;
	s5 =	sld [smem:$0x3F99]  }
0x2b: {  	s6 =	sld [smem:$0x3F9A]  }
0x2c: {  	s7 =	sld [smem:$0x3F9B]  }
0x2d: {  	s3 =	simm.s32 $0x108;
	s8 =	sld [smem:$0x3F9C]  }
0x2e: {  	s3 =	simm.s32 @!p0 $0x1082;
	s9 =	sld [smem:$0x3F9D]  }
0x2f: {  	lr =	sadd.s32 s0, s3;
	s0 =	sld [smem:$0x3F94]  }
0x30: {  	s3 =	sld [smem:$0x3F97]  }
0x31: {  	[smem:$0x3FA0] =	sst s10  }
0x32: {  	s10 =	sld [smem:$0x3F9E];
	_ =	sdelay $0x3  }
0x33: {  	p0 =	seq.s32 s10, $0x1;
	s10 =	sld [smem:$0x3FA0];
	_ =	sdelay $0x3  }
0x34: {  	[smem:$0x3FA0] =	sst s10  }
0x35: {  	s10 =	sld [smem:$0x3F9F];
	_ =	sdelay $0x3  }
0x36: {  	p1 =	seq.s32 s10, $0x1;
	s10 =	sld [smem:$0x3FA0];
	_ =	sdelay $0x3  }
0x37: {  	[smem:$0x3FA0] =	sst s10  }
0x38: {  	s10 =	sld [smem:$0x3FA1]  }
0x39: {  	_ = 	snop;
	(pc) =	sbr.ind lr, $3  }
0x3a: {  	_ = 	snop  }
0x3b: {  	_ = 	snop  }
0x3c: {  	p2 =	seq.s32 s10, $0x1;
	s10 =	sld [smem:$0x3FA0]  }
0x3d: {  	_ =	shalt  }
0x3e: {  	_ =	shalt  }
0x3f: {  	_ =	shalt  }
0x40: {  	_ =	shalt  }
0x41: {  	_ =	shalt  }
0x42: {  	_ =	shalt  }
0x43: {  	_ =	shalt  }
0x44: {  	_ =	shalt  }
0x45: {  	_ =	shalt  }
0x46: {  	_ =	shalt  }
0x47: {  	_ =	shalt  }
0x48: {  	_ =	shalt  }
0x49: {  	_ =	shalt  }
0x4a: {  	_ =	shalt  }
0x4b: {  	_ =	shalt  }
0x4c: {  	_ =	shalt  }
0x4d: {  	_ =	shalt  }
0x4e: {  	_ =	shalt  }
0x4f: {  	_ =	shalt  }
0x50: {  	_ =	shalt  }
0x51: {  	_ =	shalt  }
0x52: {  	_ =	shalt  }
0x53: {  	_ =	shalt  }
0x54: {  	_ =	shalt  }
0x55: {  	_ =	shalt  }
0x56: {  	_ =	shalt  }
0x57: {  	_ =	shalt  }
0x58: {  	_ =	shalt  }
0x59: {  	_ =	shalt  }
0x5a: {  	_ =	shalt  }
0x5b: {  	_ =	shalt  }
0x5c: {  	_ =	shalt  }
0x5d: {  	_ =	shalt  }
0x5e: {  	_ =	shalt  }
0x5f: {  	_ =	shalt  }
0x60: {  	_ =	shalt  }
0x61: {  	_ =	shalt  }
0x62: {  	_ =	shalt  }
0x63: {  	_ =	shalt  }
0x64: {  	_ =	shalt  }
0x65: {  	_ =	shalt  }
0x66: {  	_ =	shalt  }
0x67: {  	_ =	shalt  }
0x68: {  	_ =	shalt  }
0x69: {  	_ =	shalt  }
0x6a: {  	_ =	shalt  }
0x6b: {  	_ =	shalt  }
0x6c: {  	_ =	shalt  }
0x6d: {  	_ =	shalt  }
0x6e: {  	_ =	shalt  }
0x6f: {  	_ =	shalt  }
0x70: {  	_ =	shalt  }
0x71: {  	_ =	shalt  }
0x72: {  	_ =	shalt  }
0x73: {  	_ =	shalt  }
0x74: {  	_ =	shalt  }
0x75: {  	_ =	shalt  }
0x76: {  	_ =	shalt  }
0x77: {  	_ =	shalt  }
0x78: {  	_ =	shalt  }
0x79: {  	_ =	shalt  }
0x7a: {  	_ =	shalt  }
0x7b: {  	_ =	shalt  }
0x7c: {  	_ =	shalt  }
0x7d: {  	_ =	shalt  }
0x7e: {  	_ =	shalt  }
0x7f: {  	_ =	shalt  }
0x80: {  	_ =	shalt  }
0x81: {  	_ =	shalt  }
0x82: {  	_ =	shalt  }
0x83: {  	_ =	shalt  }
0x84: {  	_ =	shalt  }
0x85: {  	_ =	shalt  }
0x86: {  	_ =	shalt  }
0x87: {  	_ =	shalt  }
.Lfunc_end0:
.L_simem_size_0:
called_computation.2_lowered:
.L_overlay_start_0:
0x88: {  	s2 =	sld [smem:$0x3FD9]  }
0x89: {  	s3 =	sld [smem:$0x3FFE];
	_ =	sdelay $0x1  }
0x8a: {  	s1 =	srdreg.scid  }
0x8b: {  	s0 =	sand.u32 $0x1, s1  }
0x8c: {  	s16 =	sshll.u32 s0, $0xA;
	s2 =	sadd.s32 s3, s2  }
0x8d: {  	s2 =	sadd.s32 s2, s16  }
0x8e: {  	[smem:$0x3FAC] =	sst s2  }
0x8f: {  	_ = 	snop  }
0x90: {  	(tm) =	ssettm $0x1  }
0x91: {  	s17 =	sld [smem:$0x3FFB];
	_ =	sdelay $0x3  }
0x92: {  	_ =	strace s17  }
0x93: {  	s2 =	sld [smem:$0x3FFC];
	_ =	sdelay $0x3  }
0x94: {  	_ =	strace s2  }
0x95: {  	s2 =	sld [smem:$0x3FFD];
	_ =	sdelay $0x3  }
0x96: {  	_ =	strace s2  }
0x97: {  	_ =	strace $0x8FFFFFFF  }
0x98: {  	s18 =	sld [smem:$0x3FDB];
	_ =	sdelay $0x1  }
0x99: {  	s19 =	simm.s32 $_scs_section_size  }
0x9a: {  	s4 =	simm.s32 $_size__tile_overlayer_lowered;
	s5 =	simm.s32 $_tile_overlayer_lowered  }
0x9b: {  	s22 =	simm.s32 $0x1BFF;
	s21 =	sshll.u32 s5, $0x1;
	s2 =	sadd.s32 s19, s18  }
0x9c: {  	s6 =	simm.s32 $0x0;
	s20 =	sshll.u32 s4, $0x1;
	s4 =	sadd.s32 s21, s2  }
0x9d: {  	[timem:s6], [sflag:s22] =	dma.local [hbm:s4], s20  }
0x9e: {  	_ =	swait.ge [sflag:s22], s20  }
0x9f: {  	s3 =	ssub.s32 $0x0, s20;
	[sflag:s22] =	ssyncset.done $0x0  }
0xa0: {  	[sflag:s22] =	ssyncadd.s32 s3;
	_ =	sdelay $0x1  }
0xa1: {  	s23 =	simm.s32 $0x1B8B  }
0xa2: {  	_ =	swait.ge [sflag:s23], $0x1  }
0xa3: {  	[sflag:s23] =	ssyncset.done $0x0  }
0xa4: {  	s25 =	simm.s32 $0x1B8E;
	s24 =	sld [smem:$0x3FFE];
	[sflag:s23] =	ssyncadd.s32 $0xFFFFFFFF  }
0xa5: {  	s26 =	simm.s32 $execute0_lowered;
	[smem:$0x3FD2] =	sst s25  }
0xa6: {  	s4 =	sshll.u32 s26, $0x1;
	_ =	strace $0x8000004C;
	[dreg:$0x1] =	wrdreg $0xFFFFFFFF  }
0xa7: {  	s28 =	simm.s32 $_size_execute0_lowered;
	s2 =	sadd.s32 s2, s4;
	[dreg:$0x0] =	wrdreg $0x0  }
0xa8: {  	s4 =	sshll.u32 s28, $0x1;
	[dreg:$0x2] =	wrdreg s2  }
0xa9: {  	[dreg:$0x3] =	wrdreg s4  }
0xaa: {  	[dreg:$0x4] =	wrdreg $0xC0  }
0xab: {  	_ =	task [dreg:s6], $0x5FFFF  }
0xac: {  	[dreg:$0x1] =	wrdreg $0xFFFFFFFF  }
0xad: {  	[dreg:$0x0] =	wrdreg $0x60  }
0xae: {  	[dreg:$0x2] =	wrdreg s24  }
0xaf: {  	[dreg:$0x3] =	wrdreg $0x84800  }
0xb0: {  	[dreg:$0x4] =	wrdreg $0x1C4800  }
0xb1: {  	[dreg:$0x5] =	wrdreg $0x9  }
0xb2: {  	_ =	task.clear_ibuf [dreg:s6], $0x6FFFF;
	_ =	strace $0x9000004C  }
0xb3: {  	s29 =	simm.s32 $0x9;
	_ =	strace $0x8000004E  }
0xb4: {  	_ =	swait.ge [sflag:s29], $0x1  }
0xb5: {  	[sflag:s29] =	ssyncadd.s32 $0xFFFFFFFF  }
0xb6: {  	_ =	strace $0x9000004E  }
0xb7: {  	_ =	sfence  }
0xb8: {  	s30 =	sld [smem:$0x0];
	_ =	sdelay $0x2  }
0xb9: {  	s31 =	sshll.u32 s1, $0xD;
	s1 =	sshrl.u32 s1, $0x2  }
0xba: {  	s3 =	sand.u32 $0x4000, s31;
	s1 =	sadd.s32 s1, s30  }
0xbb: {  	s0 =	sor.u32 s3, s0;
	s1 =	sshll.u32 s1, $0x11  }
0xbc: {  	s0 =	sor.u32 s1, s0  }
0xbd: {  	s0 =	sadd.s32 $0x8F2B, s0  }
0xbe: {  	[sflag:s0] =	ssyncadd.remote.s32 $0x1  }
0xbf: {  	_ =	sfence.sel $0xFFFF  }
0xc0: {  	[dreg:$0x0] =	wrdreg $0xFFFFFFFF;
	(pc) =	sbr.abs _section_cstart, $3  }
0xc1: {  	[dreg:$0x1] =	wrdreg $0xFFFFFFFF  }
0xc2: {  	_ =	task.clear_ibuf [dreg:s6], $0x2FFFF;
	_ =	strace $0x9FFFFFFF  }
0xc3: {  	(tm) =	ssettm $0x7FFFFFFF  }
tec
execute0_lowered:
.L_overlay_start_1:
0x0: {  	(tag) =	ssettag $0x1  }
0x1: {  	s0 =	rddreg [dreg:$0x0]  }
0x2: {  	s1 =	rddreg [dreg:$0x1]  }
0x3: {  	s2 =	rddreg [dreg:$0x2];
	s3 =	simm.s32 $0x0  }
0x4: {  	s15 =	srdreg.scid;
	[smem:$0x7FF] =	sst s3;
	s4 =	sadd.s32 $0x5C8800, s0  }
0x5: {  	s5 =	sadd.s32 $0x5A0800, s0;
	s6 =	sadd.s32 $0x4200, s0;
	s7 =	sadd.s32 $0x52400, s0  }
0x6: {  	s14 =	sadd.s32 $0x5A0600, s0;
	s10 =	sadd.s32 $0x320600, s0;
	s16 =	sand.u32 $0x1, s15  }
0x7: {  	_ =	strace $0x8000004D;
	[dreg:$0x4] =	wrdreg s14;
	s18 =	smul.u32 $0xA00000, s16  }
0x8: {  	s11 =	sadd.s32 $0xA0600, s0;
	s14 =	stileid.u32;
	s0 =	smul.u32 $0x140000, s16  }
0x9: {  	s8 =	sshll.u32 s16, $0x4;
	s9 =	smul.u32 $0x50000, s14  }
0xa: {  	s3 =	ssub.s32 $0x2, s16;
	s8 =	sor.u32 s14, s8;
	s13 =	smul.u32 $0xA000, s14  }
0xb: {  	s12 =	sshrl.u32 s3, $0x1;
	s8 =	smul.u32 $0x2710, s8;
	[dreg:$0x6] =	wrdreg s18  }
0xc: {  	s17 =	sshll.u32 s14, $0x3;
	s3 =	ssub.s32 s3, s12;
	[dreg:$0x9] =	wrdreg s0  }
0xd: {  	s19 =	sshrl.u32 s13, $0x2;
	s20 =	smax.u32 s3, $0x1;
	[dreg:$0x5] =	wrdreg s8  }
0xe: {  	s13 =	smul.u32 $0x14000, s14;
	s8 =	sadd.s32 $0x2710, s17;
	[dreg:$0xa] =	wrdreg s20  }
0xf: {  	s14 =	smul.u32 $0x2800, s14;
	[dreg:$0x7] =	wrdreg s8  }
0x10: {  	[dreg:$0x8] =	wrdreg s13  }
0x11: {  	s21 =	sor.u32 $0x2000, s13;
	[dreg:$0x19] =	wrdreg s14  }
0x12: {  	s22 =	sadd.s32 $0x4000, s13;
	[dreg:$0xb] =	wrdreg s21  }
0x13: {  	s25 =	sadd.s32 $0x6000, s13;
	[dreg:$0xc] =	wrdreg s22  }
0x14: {  	s15 =	sadd.s32 s19, s2;
	s17 =	sadd.s32 $0xA000, s13;
	[dreg:$0xf] =	wrdreg s25  }
0x15: {  	s23 =	sadd.s32 s13, s1;
	s19 =	sadd.s32 $0xC000, s13;
	[dreg:$0x13] =	wrdreg s17  }
0x16: {  	s9 =	sshrl.u32 s9, $0x2;
	s0 =	sshrl.u32 s23, $0x3;
	[dreg:$0x15] =	wrdreg s19  }
0x17: {  	s3 =	sadd.s32 s21, s1;
	s21 =	sadd.s32 $0xE000, s13;
	[dreg:$0xd] =	wrdreg s0  }
0x18: {  	s12 =	sadd.s32 s9, s1;
	s23 =	sadd.s32 $0x10000, s13;
	[dreg:$0x17] =	wrdreg s21  }
0x19: {  	s20 =	sadd.s32 s19, s1;
	s19 =	sadd.s32 $0x1000, s14;
	[dreg:$0x1b] =	wrdreg s23  }
0x1a: {  	s9 =	sadd.s32 s22, s1;
	s24 =	sshrl.u32 s3, $0x3;
	[smem:$0x7E6] =	sst s19  }
0x1b: {  	s26 =	sshrl.u32 s9, $0x3;
	[dreg:$0xe] =	wrdreg s24  }
0x1c: {  	s0 =	sadd.s32 s25, s1;
	s9 =	sadd.s32 $0x8000, s13;
	[dreg:$0x10] =	wrdreg s26  }
0x1d: {  	s22 =	sadd.s32 s21, s1;
	s21 =	sadd.s32 $0x1800, s14;
	[dreg:$0x11] =	wrdreg s9  }
0x1e: {  	s0 =	sshrl.u32 s0, $0x3;
	[smem:$0x7E8] =	sst s21  }
0x1f: {  	s8 =	sor.u32 s16, s8;
	s24 =	sadd.s32 $0x12000, s13;
	[dreg:$0x12] =	wrdreg s0  }
0x20: {  	s16 =	sadd.s32 s9, s1;
	s9 =	sor.u32 $0x400, s14;
	[dreg:$0x1c] =	wrdreg s24  }
0x21: {  	s13 =	sadd.s32 $0x800, s14;
	[smem:$0x7E0] =	sst s9  }
0x22: {  	s0 =	sshrl.u32 s16, $0x3;
	[smem:$0x7E1] =	sst s13  }
0x23: {  	s18 =	sadd.s32 s17, s1;
	s16 =	sadd.s32 $0xC00, s14;
	[dreg:$0x14] =	wrdreg s0  }
0x24: {  	s3 =	sadd.s32 s24, s1;
	s24 =	sadd.s32 $0x1C00, s14;
	[smem:$0x7E2] =	sst s16  }
0x25: {  	s0 =	sshrl.u32 s18, $0x3;
	[smem:$0x7EC] =	sst s24  }
0x26: {  	s25 =	sadd.s32 s14, s2;
	s26 =	sshrl.u32 s3, $0x3;
	[dreg:$0x16] =	wrdreg s0  }
0x27: {  	s3 =	sshrl.u32 s25, $0x3;
	[dreg:$0x1e] =	wrdreg s26  }
0x28: {  	s25 =	sadd.s32 $0x2000, s14;
	[dreg:$0x1f] =	wrdreg s3  }
0x29: {  	s0 =	sshrl.u32 s20, $0x3;
	[smem:$0x7ED] =	sst s25  }
0x2a: {  	s20 =	sadd.s32 $0x1400, s14;
	[dreg:$0x18] =	wrdreg s0  }
0x2b: {  	s26 =	sadd.s32 $0x2400, s14;
	[smem:$0x7E7] =	sst s20  }
0x2c: {  	s3 =	sadd.s32 s13, s2;
	s13 =	sadd.s32 $0x2000, s12;
	[smem:$0x7EE] =	sst s26  }
0x2d: {  	s28 =	sadd.s32 $0x1800, s15;
	s14 =	sadd.s32 $0x4000, s12;
	[smem:$0x7F2] =	sst s13  }
0x2e: {  	s29 =	sadd.s32 $0x1C00, s15;
	s0 =	sshrl.u32 s22, $0x3;
	[smem:$0x7F3] =	sst s14  }
0x2f: {  	s30 =	sadd.s32 $0x2000, s15;
	s17 =	sshrl.u32 s3, $0x3;
	[dreg:$0x1a] =	wrdreg s0  }
0x30: {  	s3 =	sadd.s32 s20, s2;
	s20 =	sadd.s32 $0xE000, s12;
	[smem:$0x7E4] =	sst s17  }
0x31: {  	s31 =	sadd.s32 $0x2400, s15;
	s22 =	sshrl.u32 s3, $0x3;
	[smem:$0x7F8] =	sst s20  }
0x32: {  	s0 =	sadd.s32 s23, s1;
	s17 =	sadd.s32 $0x8000, s12;
	[smem:$0x7EA] =	sst s22  }
0x33: {  	s3 =	sadd.s32 s25, s2;
	s25 =	sadd.s32 $0x800, s15;
	[smem:$0x7F5] =	sst s17  }
0x34: {  	v1 =	vmov s8;
	s8 =	simm.s32 $0x7B40;
	s0 =	sshrl.u32 s0, $0x3;
	[smem:$0x7FC] =	sst s25  }
0x35: {  	s14 =	simm.s32 $0x0;
	s3 =	sshrl.u32 s3, $0x3;
	[dreg:$0x1d] =	wrdreg s0  }
0x36: {  	s22 =	sadd.s32 $0x12000, s12;
	s0 =	sadd.s32 s9, s2;
	[smem:$0x7F0] =	sst s3  }
0x37: {  	s9 =	sadd.s32 s16, s2;
	s16 =	sadd.s32 $0x6000, s12;
	[smem:$0x7FA] =	sst s22  }
0x38: {  	s25 =	sadd.s32 $0x1000, s15;
	s0 =	sshrl.u32 s0, $0x3;
	[smem:$0x7F4] =	sst s16  }
0x39: {  	s3 =	simm.s32 $0x5;
	s18 =	sshrl.u32 s9, $0x3;
	[smem:$0x7E3] =	sst s0  }
0x3a: {  	s9 =	sadd.s32 s21, s2;
	s21 =	sadd.s32 $0x10000, s12;
	[smem:$0x7E5] =	sst s18  }
0x3b: {  	s0 =	sadd.s32 s19, s2;
	s23 =	sshrl.u32 s9, $0x3;
	[smem:$0x7F9] =	sst s21  }
0x3c: {  	s9 =	sadd.s32 s26, s2;
	s18 =	sadd.s32 $0xA000, s12;
	[smem:$0x7EB] =	sst s23  }
0x3d: {  	s19 =	sadd.s32 $0xC000, s12;
	s26 =	sadd.s32 $0xC00, s15;
	[smem:$0x7F6] =	sst s18  }
0x3e: {  	s0 =	sshrl.u32 s0, $0x3;
	s9 =	sshrl.u32 s9, $0x3;
	[smem:$0x7F7] =	sst s19  }
.Ltmp0:
0x3f: {  	s23 =	smov.u32 s12;
	[smem:$0x7FD] =	sst s26;
	(pc) =	sbr.rel .LBB2_1-.Ltmp0, $4  }
0x40: {  	v0 =	vlaneseq.u32;
	s26 =	sadd.s32 $0x1400, s15;
	s12 =	simm.s32 $0x40;
	[smem:$0x7E9] =	sst s0  }
0x41: {  	v3 =	vmul.u32 $0xFFFFFFFF, v0;
	s0 =	sadd.s32 s24, s2;
	[smem:$0x7F1] =	sst s9;
	s24 =	sadd.s32 $0x400, s15  }
0x42: {  	s9 =	simm.s32 $0x3B40;
	s0 =	sshrl.u32 s0, $0x3;
	[smem:$0x7FB] =	sst s24  }
0x43: {  	v2 =	vimm.f32 $0.0e+00;
	v3 =	vadd.s32 $0x1388, v3;
	s24 =	smov.u32 s15;
	[smem:$0x7EF] =	sst s0;
	s0 =	simm.s32 $0x8340  }
.LBB2_16:
0x44: {  	s14 =	sld [smem:$0x7DF];
	_ =	sdelay $0x2  }
0x45: {  	s13 =	rddreg [dreg:$0xa];
	s14 =	sadd.s32 $0x1, s14  }
0x46: {  	p0 =	sne.s32 s14, s13  }
.Ltmp1:
0x47: {  	_ = 	snop;
	(pc) =	sbr.rel @!p0 .LBB2_17-.Ltmp1, $1  }
0x48: {  	_ =	sdelay $0x3  }
.LBB2_1:
0x49: {  	[smem:$0x7DF] =	sst s14  }
.Ltmp2:
0x4a: {  	s13 =	simm.s32 $0x0;
	s22 =	rddreg [dreg:$0x4];
	(pc) =	sbr.rel .LBB2_2-.Ltmp2, $4  }
0x4b: {  	[tilespmem:s0], [sflag:$0x5] =	stream.linear.gather [hbm4b:s22+s13], $0x140, $0x38;
	[tilespmem:$0x1EC80] =	vst v63  }
0x4c: {  	_ =	swait.ge [sflag:s3], $0x140  }
0x4d: {  	[sflag:s3] =	ssyncset.done $0x0  }
0x4e: {  	s14 =	simm.s32 $0x0;
	[sflag:s3] =	ssyncadd.s32 $0xFFFFFEC0  }
.LBB2_15:
0x4f: {  	s13 =	smul.u32 $0x140000, s14  }
0x50: {  	s15 =	rddreg [dreg:$0x6]  }
0x51: {  	s17 =	rddreg [dreg:$0x8];
	s13 =	sadd.s32 s15, s13  }
0x52: {  	s16 =	stileid.u32;
	s15 =	sadd.s32 s17, s13  }
0x53: {  	[bflag:$0x0] =	sbarrier.arrive $0xFFFF;
	s16 =	sshll.u32 s16, $0x6;
	s15 =	sshrl.u32 s15, $0x3  }
0x54: {  	s18 =	rddreg [dreg:$0xd];
	s17 =	sadd.s32 s10, s15;
	s15 =	sor.u32 $0x1C05, s16  }
0x55: {  	[hbm:s17], [sflag:s15] =	dma.local [spmem:s18], $0x400  }
0x56: {  	_ =	swait.ge [sflag:s3], $0x400  }
0x57: {  	s19 =	rddreg [dreg:$0xb]  }
0x58: {  	s16 =	sadd.s32 s19, s13  }
0x59: {  	[sflag:s3] =	ssyncset.done $0x0;
	s16 =	sshrl.u32 s16, $0x3  }
0x5a: {  	s20 =	rddreg [dreg:$0xe];
	[sflag:s3] =	ssyncadd.s32 $0xFFFFFC00;
	s16 =	sadd.s32 s10, s16  }
0x5b: {  	[hbm:s16], [sflag:s15] =	dma.local [spmem:s20], $0x400  }
0x5c: {  	_ =	swait.ge [sflag:s3], $0x400  }
0x5d: {  	s21 =	rddreg [dreg:$0xc]  }
0x5e: {  	s16 =	sadd.s32 s21, s13  }
0x5f: {  	[sflag:s3] =	ssyncset.done $0x0;
	s16 =	sshrl.u32 s16, $0x3  }
0x60: {  	s22 =	rddreg [dreg:$0x10];
	[sflag:s3] =	ssyncadd.s32 $0xFFFFFC00;
	s16 =	sadd.s32 s10, s16  }
0x61: {  	[hbm:s16], [sflag:s15] =	dma.local [spmem:s22], $0x400  }
0x62: {  	_ =	swait.ge [sflag:s3], $0x400  }
0x63: {  	s17 =	rddreg [dreg:$0xf]  }
0x64: {  	s16 =	sadd.s32 s17, s13  }
0x65: {  	[sflag:s3] =	ssyncset.done $0x0;
	s16 =	sshrl.u32 s16, $0x3  }
0x66: {  	s18 =	rddreg [dreg:$0x12];
	[sflag:s3] =	ssyncadd.s32 $0xFFFFFC00;
	s16 =	sadd.s32 s10, s16  }
0x67: {  	[hbm:s16], [sflag:s15] =	dma.local [spmem:s18], $0x400  }
0x68: {  	_ =	swait.ge [sflag:s3], $0x400  }
0x69: {  	s19 =	rddreg [dreg:$0x11]  }
0x6a: {  	s16 =	sadd.s32 s19, s13  }
0x6b: {  	[sflag:s3] =	ssyncset.done $0x0;
	s16 =	sshrl.u32 s16, $0x3  }
0x6c: {  	s20 =	rddreg [dreg:$0x14];
	[sflag:s3] =	ssyncadd.s32 $0xFFFFFC00;
	s16 =	sadd.s32 s10, s16  }
0x6d: {  	[hbm:s16], [sflag:s15] =	dma.local [spmem:s20], $0x400  }
0x6e: {  	_ =	swait.ge [sflag:s3], $0x400  }
0x6f: {  	s21 =	rddreg [dreg:$0x13]  }
0x70: {  	s16 =	sadd.s32 s21, s13  }
0x71: {  	[sflag:s3] =	ssyncset.done $0x0;
	s16 =	sshrl.u32 s16, $0x3  }
0x72: {  	s22 =	rddreg [dreg:$0x16];
	[sflag:s3] =	ssyncadd.s32 $0xFFFFFC00;
	s16 =	sadd.s32 s10, s16  }
0x73: {  	[hbm:s16], [sflag:s15] =	dma.local [spmem:s22], $0x400  }
0x74: {  	_ =	swait.ge [sflag:s3], $0x400  }
0x75: {  	s17 =	rddreg [dreg:$0x15]  }
0x76: {  	s16 =	sadd.s32 s17, s13  }
0x77: {  	[sflag:s3] =	ssyncset.done $0x0;
	s16 =	sshrl.u32 s16, $0x3  }
0x78: {  	s18 =	rddreg [dreg:$0x18];
	[sflag:s3] =	ssyncadd.s32 $0xFFFFFC00;
	s16 =	sadd.s32 s10, s16  }
0x79: {  	[hbm:s16], [sflag:s15] =	dma.local [spmem:s18], $0x400  }
0x7a: {  	_ =	swait.ge [sflag:s3], $0x400  }
0x7b: {  	s19 =	rddreg [dreg:$0x17]  }
0x7c: {  	s16 =	sadd.s32 s19, s13  }
0x7d: {  	[sflag:s3] =	ssyncset.done $0x0;
	s16 =	sshrl.u32 s16, $0x3  }
0x7e: {  	s20 =	rddreg [dreg:$0x1a];
	[sflag:s3] =	ssyncadd.s32 $0xFFFFFC00;
	s16 =	sadd.s32 s10, s16  }
0x7f: {  	[hbm:s16], [sflag:s15] =	dma.local [spmem:s20], $0x400  }
0x80: {  	_ =	swait.ge [sflag:s3], $0x400  }
0x81: {  	s21 =	rddreg [dreg:$0x1b]  }
0x82: {  	s16 =	sadd.s32 s21, s13  }
0x83: {  	[sflag:s3] =	ssyncset.done $0x0;
	s16 =	sshrl.u32 s16, $0x3  }
0x84: {  	s22 =	rddreg [dreg:$0x1d];
	[sflag:s3] =	ssyncadd.s32 $0xFFFFFC00;
	s16 =	sadd.s32 s10, s16  }
0x85: {  	[hbm:s16], [sflag:s15] =	dma.local [spmem:s22], $0x400  }
0x86: {  	_ =	swait.ge [sflag:s3], $0x400  }
0x87: {  	s18 =	rddreg [dreg:$0x1c]  }
0x88: {  	s13 =	sadd.s32 s18, s13  }
0x89: {  	s19 =	smul.u32 $0x28000, s14;
	[sflag:s3] =	ssyncset.done $0x0;
	s13 =	sshrl.u32 s13, $0x3  }
0x8a: {  	s20 =	rddreg [dreg:$0x1e];
	[sflag:s3] =	ssyncadd.s32 $0xFFFFFC00;
	s13 =	sadd.s32 s10, s13  }
0x8b: {  	[hbm:s13], [sflag:s15] =	dma.local [spmem:s20], $0x400  }
0x8c: {  	s13 =	rddreg [dreg:$0x9];
	_ =	swait.ge [sflag:s3], $0x400  }
0x8d: {  	s13 =	sadd.s32 s13, s19;
	s21 =	rddreg [dreg:$0x19]  }
0x8e: {  	s16 =	sadd.s32 s21, s13  }
0x8f: {  	[sflag:s3] =	ssyncset.done $0x0;
	s16 =	sshrl.u32 s16, $0x3  }
0x90: {  	s22 =	rddreg [dreg:$0x1f];
	[sflag:s3] =	ssyncadd.s32 $0xFFFFFC00;
	s16 =	sadd.s32 s11, s16  }
0x91: {  	[hbm:s16], [sflag:s15] =	dma.local [spmem:s22], $0x80  }
0x92: {  	_ =	swait.ge [sflag:s3], $0x80  }
0x93: {  	s17 =	sld [smem:$0x7E0];
	_ =	sdelay $0x2  }
0x94: {  	s18 =	sld [smem:$0x7E3];
	s16 =	sadd.s32 s17, s13  }
0x95: {  	[sflag:s3] =	ssyncset.done $0x0;
	s16 =	sshrl.u32 s16, $0x3  }
0x96: {  	[sflag:s3] =	ssyncadd.s32 $0xFFFFFF80;
	s16 =	sadd.s32 s11, s16  }
0x97: {  	[hbm:s16], [sflag:s15] =	dma.local [spmem:s18], $0x80  }
0x98: {  	_ =	swait.ge [sflag:s3], $0x80  }
0x99: {  	s19 =	sld [smem:$0x7E1];
	_ =	sdelay $0x2  }
0x9a: {  	s20 =	sld [smem:$0x7E4];
	s16 =	sadd.s32 s19, s13  }
0x9b: {  	[sflag:s3] =	ssyncset.done $0x0;
	s16 =	sshrl.u32 s16, $0x3  }
0x9c: {  	[sflag:s3] =	ssyncadd.s32 $0xFFFFFF80;
	s16 =	sadd.s32 s11, s16  }
0x9d: {  	[hbm:s16], [sflag:s15] =	dma.local [spmem:s20], $0x80  }
0x9e: {  	_ =	swait.ge [sflag:s3], $0x80  }
0x9f: {  	s21 =	sld [smem:$0x7E2];
	_ =	sdelay $0x2  }
0xa0: {  	s22 =	sld [smem:$0x7E5];
	s16 =	sadd.s32 s21, s13  }
0xa1: {  	[sflag:s3] =	ssyncset.done $0x0;
	s16 =	sshrl.u32 s16, $0x3  }
0xa2: {  	[sflag:s3] =	ssyncadd.s32 $0xFFFFFF80;
	s16 =	sadd.s32 s11, s16  }
0xa3: {  	[hbm:s16], [sflag:s15] =	dma.local [spmem:s22], $0x80  }
0xa4: {  	_ =	swait.ge [sflag:s3], $0x80  }
0xa5: {  	s17 =	sld [smem:$0x7E6];
	_ =	sdelay $0x2  }
0xa6: {  	s18 =	sld [smem:$0x7E9];
	s16 =	sadd.s32 s17, s13  }
0xa7: {  	[sflag:s3] =	ssyncset.done $0x0;
	s16 =	sshrl.u32 s16, $0x3  }
0xa8: {  	[sflag:s3] =	ssyncadd.s32 $0xFFFFFF80;
	s16 =	sadd.s32 s11, s16  }
0xa9: {  	[hbm:s16], [sflag:s15] =	dma.local [spmem:s18], $0x80  }
0xaa: {  	_ =	swait.ge [sflag:s3], $0x80  }
0xab: {  	s19 =	sld [smem:$0x7E7];
	_ =	sdelay $0x2  }
0xac: {  	s20 =	sld [smem:$0x7EA];
	s16 =	sadd.s32 s19, s13  }
0xad: {  	[sflag:s3] =	ssyncset.done $0x0;
	s16 =	sshrl.u32 s16, $0x3  }
0xae: {  	[sflag:s3] =	ssyncadd.s32 $0xFFFFFF80;
	s16 =	sadd.s32 s11, s16  }
0xaf: {  	[hbm:s16], [sflag:s15] =	dma.local [spmem:s20], $0x80  }
0xb0: {  	_ =	swait.ge [sflag:s3], $0x80  }
0xb1: {  	s21 =	sld [smem:$0x7E8];
	_ =	sdelay $0x2  }
0xb2: {  	s22 =	sld [smem:$0x7EB];
	s16 =	sadd.s32 s21, s13  }
0xb3: {  	[sflag:s3] =	ssyncset.done $0x0;
	s16 =	sshrl.u32 s16, $0x3  }
0xb4: {  	[sflag:s3] =	ssyncadd.s32 $0xFFFFFF80;
	s16 =	sadd.s32 s11, s16  }
0xb5: {  	[hbm:s16], [sflag:s15] =	dma.local [spmem:s22], $0x80  }
0xb6: {  	_ =	swait.ge [sflag:s3], $0x80  }
0xb7: {  	s17 =	sld [smem:$0x7EC];
	_ =	sdelay $0x2  }
0xb8: {  	s18 =	sld [smem:$0x7EF];
	s16 =	sadd.s32 s17, s13  }
0xb9: {  	[sflag:s3] =	ssyncset.done $0x0;
	s16 =	sshrl.u32 s16, $0x3  }
0xba: {  	[sflag:s3] =	ssyncadd.s32 $0xFFFFFF80;
	s16 =	sadd.s32 s11, s16  }
0xbb: {  	[hbm:s16], [sflag:s15] =	dma.local [spmem:s18], $0x80  }
0xbc: {  	_ =	swait.ge [sflag:s3], $0x80  }
0xbd: {  	s19 =	sld [smem:$0x7ED];
	_ =	sdelay $0x2  }
0xbe: {  	s20 =	sld [smem:$0x7F0];
	s16 =	sadd.s32 s19, s13  }
0xbf: {  	[sflag:s3] =	ssyncset.done $0x0;
	s16 =	sshrl.u32 s16, $0x3  }
0xc0: {  	[sflag:s3] =	ssyncadd.s32 $0xFFFFFF80;
	s16 =	sadd.s32 s11, s16  }
0xc1: {  	[hbm:s16], [sflag:s15] =	dma.local [spmem:s20], $0x80  }
0xc2: {  	_ =	swait.ge [sflag:s3], $0x80  }
0xc3: {  	s21 =	sld [smem:$0x7EE];
	_ =	sdelay $0x2  }
0xc4: {  	s22 =	sld [smem:$0x7F1];
	s13 =	sadd.s32 s21, s13  }
0xc5: {  	s14 =	sadd.s32 $0x1, s14;
	[sflag:s3] =	ssyncset.done $0x0;
	s13 =	sshrl.u32 s13, $0x3  }
0xc6: {  	p0 =	sne.s32 s14, $0x8;
	[sflag:s3] =	ssyncadd.s32 $0xFFFFFF80;
	s13 =	sadd.s32 s11, s13  }
0xc7: {  	[hbm:s13], [sflag:s15] =	dma.local [spmem:s22], $0x80  }
.Ltmp3:
0xc8: {  	_ =	swait.ge [sflag:s3], $0x80;
	(pc) =	sbr.rel @!p0 .LBB2_16-.Ltmp3, $3  }
0xc9: {  	[sflag:s3] =	ssyncset.done $0x0  }
0xca: {  	[sflag:s3] =	ssyncadd.s32 $0xFFFFFF80  }
0xcb: {  	[bflag:$0x0] =	sbarrier.arrive $0xFFFF;
	_ =	sdelay $0x1  }
.LBB2_2:
0xcc: {  	s13 =	simm.s32 $0x0  }
0xcd: {  	s15 =	sand.u32 $0x7E00, s13  }
0xce: {  	s16 =	sand.u32 $0x70, s13;
	s17 =	sshrl.u32 s15, $0x2  }
0xcf: {  	s15 =	simm.s32 $0x40;
	s16 =	sor.u32 s16, s17  }
.LBB2_3:
0xd0: {  	p0 =	sne.s32 s15, $0x7FC0  }
0xd1: {  	[tilespmem:s16+$0x3B40] =	vst v2;
	s13 =	sadd.s32 $0x10, s13;
	s16 =	smov.u32 s15;
	s15 =	sadd.s32 $0x40, s15  }
.Ltmp4:
0xd2: {  	(pc) =	sbr.rel @p0 .LBB2_3-.Ltmp4, $4  }
0xd3: {  	_ = 	snop  }
0xd4: {  	s16 =	sand.u32 $0x7E00, s16  }
0xd5: {  	s17 =	sand.u32 $0x70, s13;
	s16 =	sshrl.u32 s16, $0x2  }
0xd6: {  	s16 =	sor.u32 s17, s16  }
0xd7: {  	[tilespmem:s16+$0x3B40] =	vst v2  }
0xd8: {  	[spmem:s23] =	stream.linear.scatter [tilespmem:s9], [sflag:$0x5], $0x2000, $0x38;
	[tilespmem:$0x1EC80] =	vst v63  }
0xd9: {  	_ =	swait.ge [sflag:s3], $0x2000  }
0xda: {  	s13 =	sld [smem:$0x7F2]  }
0xdb: {  	[sflag:s3] =	ssyncset.done $0x0  }
0xdc: {  	[sflag:s3] =	ssyncadd.s32 $0xFFFFE000  }
0xdd: {  	[spmem:s13] =	stream.linear.scatter [tilespmem:s9], [sflag:$0x5], $0x2000, $0x38;
	[tilespmem:$0x1EC80] =	vst v63  }
0xde: {  	_ =	swait.ge [sflag:s3], $0x2000  }
0xdf: {  	s15 =	sld [smem:$0x7F3]  }
0xe0: {  	[sflag:s3] =	ssyncset.done $0x0  }
0xe1: {  	[sflag:s3] =	ssyncadd.s32 $0xFFFFE000  }
0xe2: {  	[spmem:s15] =	stream.linear.scatter [tilespmem:s9], [sflag:$0x5], $0x2000, $0x38;
	[tilespmem:$0x1EC80] =	vst v63  }
0xe3: {  	_ =	swait.ge [sflag:s3], $0x2000  }
0xe4: {  	s16 =	sld [smem:$0x7F4]  }
0xe5: {  	[sflag:s3] =	ssyncset.done $0x0  }
0xe6: {  	[sflag:s3] =	ssyncadd.s32 $0xFFFFE000  }
0xe7: {  	[spmem:s16] =	stream.linear.scatter [tilespmem:s9], [sflag:$0x5], $0x2000, $0x38;
	[tilespmem:$0x1EC80] =	vst v63  }
0xe8: {  	_ =	swait.ge [sflag:s3], $0x2000  }
0xe9: {  	s17 =	sld [smem:$0x7F5]  }
0xea: {  	[sflag:s3] =	ssyncset.done $0x0  }
0xeb: {  	[sflag:s3] =	ssyncadd.s32 $0xFFFFE000  }
0xec: {  	[spmem:s17] =	stream.linear.scatter [tilespmem:s9], [sflag:$0x5], $0x2000, $0x38;
	[tilespmem:$0x1EC80] =	vst v63  }
0xed: {  	_ =	swait.ge [sflag:s3], $0x2000  }
0xee: {  	s18 =	sld [smem:$0x7F6]  }
0xef: {  	[sflag:s3] =	ssyncset.done $0x0  }
0xf0: {  	[sflag:s3] =	ssyncadd.s32 $0xFFFFE000  }
0xf1: {  	[spmem:s18] =	stream.linear.scatter [tilespmem:s9], [sflag:$0x5], $0x2000, $0x38;
	[tilespmem:$0x1EC80] =	vst v63  }
0xf2: {  	_ =	swait.ge [sflag:s3], $0x2000  }
0xf3: {  	s19 =	sld [smem:$0x7F7]  }
0xf4: {  	[sflag:s3] =	ssyncset.done $0x0  }
0xf5: {  	[sflag:s3] =	ssyncadd.s32 $0xFFFFE000  }
0xf6: {  	[spmem:s19] =	stream.linear.scatter [tilespmem:s9], [sflag:$0x5], $0x2000, $0x38;
	[tilespmem:$0x1EC80] =	vst v63  }
0xf7: {  	_ =	swait.ge [sflag:s3], $0x2000  }
0xf8: {  	s20 =	sld [smem:$0x7F8]  }
0xf9: {  	[sflag:s3] =	ssyncset.done $0x0  }
0xfa: {  	[sflag:s3] =	ssyncadd.s32 $0xFFFFE000  }
0xfb: {  	[spmem:s20] =	stream.linear.scatter [tilespmem:s9], [sflag:$0x5], $0x2000, $0x38;
	[tilespmem:$0x1EC80] =	vst v63  }
0xfc: {  	_ =	swait.ge [sflag:s3], $0x2000  }
0xfd: {  	s21 =	sld [smem:$0x7F9]  }
0xfe: {  	[sflag:s3] =	ssyncset.done $0x0  }
0xff: {  	[sflag:s3] =	ssyncadd.s32 $0xFFFFE000  }
0x100: {  	[spmem:s21] =	stream.linear.scatter [tilespmem:s9], [sflag:$0x5], $0x2000, $0x38;
	[tilespmem:$0x1EC80] =	vst v63  }
0x101: {  	_ =	swait.ge [sflag:s3], $0x2000  }
0x102: {  	s22 =	sld [smem:$0x7FA]  }
0x103: {  	[sflag:s3] =	ssyncset.done $0x0  }
0x104: {  	[sflag:s3] =	ssyncadd.s32 $0xFFFFE000  }
0x105: {  	[spmem:s22] =	stream.linear.scatter [tilespmem:s9], [sflag:$0x5], $0x2000, $0x38;
	[tilespmem:$0x1EC80] =	vst v63  }
0x106: {  	_ =	swait.ge [sflag:s3], $0x2000  }
0x107: {  	[sflag:s3] =	ssyncset.done $0x0  }
0x108: {  	s13 =	simm.s32 $0x40;
	s15 =	simm.s32 $0x0;
	[sflag:s3] =	ssyncadd.s32 $0xFFFFE000  }
.LBB2_5:
0x109: {  	p0 =	sne.s32 s13, $0xFC0;
	[tilespmem:s15+$0x7B40] =	vst v2;
	s15 =	smov.u32 s13;
	s13 =	sadd.s32 $0x40, s13  }
.Ltmp5:
0x10a: {  	(pc) =	sbr.rel @p0 .LBB2_5-.Ltmp5, $2  }
0x10b: {  	_ =	sdelay $0x2  }
0x10c: {  	s15 =	sshra.s32 s15, $0x2  }
0x10d: {  	[tilespmem:s15+$0x7B40] =	vst v2  }
0x10e: {  	[spmem:s24] =	stream.linear.scatter [tilespmem:s8], [sflag:$0x5], $0x400, $0x38;
	[tilespmem:$0x1EC80] =	vst v63  }
0x10f: {  	_ =	swait.ge [sflag:s3], $0x400  }
0x110: {  	s13 =	sld [smem:$0x7FB]  }
0x111: {  	[sflag:s3] =	ssyncset.done $0x0  }
0x112: {  	[sflag:s3] =	ssyncadd.s32 $0xFFFFFC00  }
0x113: {  	[spmem:s13] =	stream.linear.scatter [tilespmem:s8], [sflag:$0x5], $0x400, $0x38;
	[tilespmem:$0x1EC80] =	vst v63  }
0x114: {  	_ =	swait.ge [sflag:s3], $0x400  }
0x115: {  	s19 =	sld [smem:$0x7FC]  }
0x116: {  	[sflag:s3] =	ssyncset.done $0x0  }
0x117: {  	[sflag:s3] =	ssyncadd.s32 $0xFFFFFC00  }
0x118: {  	[spmem:s19] =	stream.linear.scatter [tilespmem:s8], [sflag:$0x5], $0x400, $0x38;
	[tilespmem:$0x1EC80] =	vst v63  }
0x119: {  	_ =	swait.ge [sflag:s3], $0x400  }
0x11a: {  	s20 =	sld [smem:$0x7FD]  }
0x11b: {  	[sflag:s3] =	ssyncset.done $0x0  }
0x11c: {  	[sflag:s3] =	ssyncadd.s32 $0xFFFFFC00  }
0x11d: {  	[spmem:s20] =	stream.linear.scatter [tilespmem:s8], [sflag:$0x5], $0x400, $0x38;
	[tilespmem:$0x1EC80] =	vst v63  }
0x11e: {  	_ =	swait.ge [sflag:s3], $0x400  }
0x11f: {  	[sflag:s3] =	ssyncset.done $0x0  }
0x120: {  	[sflag:s3] =	ssyncadd.s32 $0xFFFFFC00  }
0x121: {  	[spmem:s25] =	stream.linear.scatter [tilespmem:s8], [sflag:$0x5], $0x400, $0x38;
	[tilespmem:$0x1EC80] =	vst v63  }
0x122: {  	_ =	swait.ge [sflag:s3], $0x400  }
0x123: {  	[sflag:s3] =	ssyncset.done $0x0  }
0x124: {  	[sflag:s3] =	ssyncadd.s32 $0xFFFFFC00  }
0x125: {  	[spmem:s26] =	stream.linear.scatter [tilespmem:s8], [sflag:$0x5], $0x400, $0x38;
	[tilespmem:$0x1EC80] =	vst v63  }
0x126: {  	_ =	swait.ge [sflag:s3], $0x400  }
0x127: {  	[sflag:s3] =	ssyncset.done $0x0  }
0x128: {  	[sflag:s3] =	ssyncadd.s32 $0xFFFFFC00  }
0x129: {  	[spmem:s28] =	stream.linear.scatter [tilespmem:s8], [sflag:$0x5], $0x400, $0x38;
	[tilespmem:$0x1EC80] =	vst v63  }
0x12a: {  	_ =	swait.ge [sflag:s3], $0x400  }
0x12b: {  	[sflag:s3] =	ssyncset.done $0x0  }
0x12c: {  	[sflag:s3] =	ssyncadd.s32 $0xFFFFFC00  }
0x12d: {  	[spmem:s29] =	stream.linear.scatter [tilespmem:s8], [sflag:$0x5], $0x400, $0x38;
	[tilespmem:$0x1EC80] =	vst v63  }
0x12e: {  	_ =	swait.ge [sflag:s3], $0x400  }
0x12f: {  	[sflag:s3] =	ssyncset.done $0x0  }
0x130: {  	[sflag:s3] =	ssyncadd.s32 $0xFFFFFC00  }
0x131: {  	[spmem:s30] =	stream.linear.scatter [tilespmem:s8], [sflag:$0x5], $0x400, $0x38;
	[tilespmem:$0x1EC80] =	vst v63  }
0x132: {  	_ =	swait.ge [sflag:s3], $0x400  }
0x133: {  	[sflag:s3] =	ssyncset.done $0x0  }
0x134: {  	s21 =	smul.u32 $0x2800, s14;
	[sflag:s3] =	ssyncadd.s32 $0xFFFFFC00  }
0x135: {  	[spmem:s31] =	stream.linear.scatter [tilespmem:s8], [sflag:$0x5], $0x400, $0x38;
	[tilespmem:$0x1EC80] =	vst v63  }
.Ltmp6:
0x136: {  	_ = 	snop;
	(pc) =	sbr.rel .LBB2_7-.Ltmp6, $4  }
0x137: {  	s22 =	smul.u32 $0x4E200, s14;
	_ =	swait.ge [sflag:s3], $0x400  }
0x138: {  	s15 =	simm.s32 $0x0;
	p1 =	por $0x1, $0x1;
	s16 =	rddreg [dreg:$0x7]  }
0x139: {  	[sflag:s3] =	ssyncset.done $0x0;
	s17 =	rddreg [dreg:$0x5];
	s16 =	sadd.s32 s21, s16  }
0x13a: {  	v4 =	vmov s21;
	s13 =	simm.s32 $0x0;
	[sflag:s3] =	ssyncadd.s32 $0xFFFFFC00;
	s19 =	sadd.s32 s17, s22;
	v5 =	vmov s16  }
.LBB2_14:
.Ltmp7:
0x13b: {  	(pc) =	sbr.rel @!p0 .LBB2_15-.Ltmp7, $2  }
0x13c: {  	_ =	sdelay $0x2  }
0x13d: {  	s13 =	simm.s32 $0x1388;
	p1 =	por $0x0, $0x0  }
.LBB2_7:
0x13e: {  	s13 =	sadd.s32 s13, s19  }
0x13f: {  	s13 =	sshrl.u32 s13, $0x3  }
0x140: {  	s16 =	sadd.s32 s6, s13  }
0x141: {  	[tilespmem:s15], [sflag:$0x5] =	stream.linear.gather [hbm4b:s16+s15], $0x1388, $0x38;
	[tilespmem:$0x1EC80] =	vst v63  }
0x142: {  	_ =	swait.ge [sflag:s3], $0x1388  }
0x143: {  	[sflag:s3] =	ssyncset.done $0x0  }
0x144: {  	s22 =	simm.s32 $0x13C0;
	s13 =	sadd.s32 s7, s13;
	[sflag:s3] =	ssyncadd.s32 $0xFFFFEC78  }
0x145: {  	[tilespmem:s22], [sflag:$0x5] =	stream.linear.gather [hbm4b:s13+s15], $0x1388, $0x38;
	[tilespmem:$0x1EC80] =	vst v63  }
0x146: {  	_ =	swait.ge [sflag:s3], $0x1388  }
0x147: {  	[sflag:s3] =	ssyncset.done $0x0  }
0x148: {  	[sflag:s3] =	ssyncadd.s32 $0xFFFFEC78  }
0x149: {  	v6 =	vld [tilespmem:s22+$0x0];
	_ =	sdelay $0x2  }
0x14a: {  	v7 =	vmov s15  }
0x14b: {  	vm0 =	vlt.u32 v7, v3  }
0x14c: {  	v6 =	vnsel vm0, $0x0, v6  }
0x14d: {  	v7 =	vshra.s32 v6, $0x5;
	_ =	sdelay $0x4  }
0x14e: {  	v7 =	vld.idx.msk [tilespmem:v7+s0+$0x0], $0xffff;
	_ =	sdelay $0x2  }
0x14f: {  	v8 =	vld [tilespmem:s15+$0x0]  }
0x150: {  	v9 =	vand.u32 $0x1F, v6  }
0x151: {  	v7 =	vshrl.u32 v7, v9  }
0x152: {  	v7 =	vand.u32 $0x1, v7  }
0x153: {  	vm1 =	veq.s32 v7, $0x1  }
0x154: {  	v7 =	vadd.s32 v4, v8;
	vm0 =	vmand vm0, vm1  }
0x155: {  	[tilespmem:s15+$0x0] =	vst.msk vm0, v7;
	v7 =	vmpcnt.ones.xlane vm0  }
0x156: {  	s20 =	simm.s32 $0x10;
	s21 =	simm.s32 $0x13D0;
	p0 =	por p1, p1;
	[tilespmem:s15+$0x13C0] =	vst.msk vm0, v6  }
0x157: {  	s18 =	simm.s32 $0x0;
	s16 =	simm.s32 $0x20;
	s13 =	simm.s32 $0x0;
	v6 =	vld [tilespmem:s21+$0x0];
	(v2sf) =	vpush v7, $0x0  }
.LBB2_8:
0x158: {  	p1 =	sne.s32 s16, $0x1380;
	_ =	sdelay $0x1  }
0x159: {  	v7 =	vmov s20;
	s20 =	smov.u32 s16  }
0x15a: {  	vm0 =	vlt.u32 v7, v3  }
0x15b: {  	v6 =	vnsel vm0, $0x0, v6  }
0x15c: {  	v7 =	vshra.s32 v6, $0x5;
	_ =	sdelay $0x4  }
0x15d: {  	v7 =	vld.idx.msk [tilespmem:v7+s0+$0x0], $0xffff;
	_ =	sdelay $0x2  }
0x15e: {  	s18 =	sadd.s32 $0x10, s18  }
0x15f: {  	v8 =	vld [tilespmem:s18+$0x0];
	s17 =	spop (v2sf)  }
0x160: {  	v9 =	vand.u32 $0x1F, v6;
	s13 =	sadd.s32 s13, s17  }
0x161: {  	v7 =	vshrl.u32 v7, v9  }
0x162: {  	v7 =	vand.u32 $0x1, v7  }
.Ltmp8:
0x163: {  	vm1 =	veq.s32 v7, $0x1;
	(pc) =	sbr.rel @p1 .LBB2_8-.Ltmp8, $4  }
0x164: {  	vm0 =	vmand vm0, vm1;
	v7 =	vadd.s32 v4, v8  }
0x165: {  	[tilespmem:s13+$0x0] =	vst.msk vm0, v7;
	v7 =	vmpcnt.ones.xlane vm0  }
0x166: {  	s21 =	sadd.s32 $0x10, s21;
	[tilespmem:s13+$0x13C0] =	vst.msk vm0, v6  }
0x167: {  	s16 =	sadd.s32 $0x10, s16;
	v6 =	vld [tilespmem:s21+$0x0];
	(v2sf) =	vpush v7, $0x0  }
0x168: {  	_ =	sdelay $0x1  }
0x169: {  	v7 =	vmov s20  }
0x16a: {  	vm0 =	vlt.u32 v7, v3  }
0x16b: {  	v6 =	vnsel vm0, $0x0, v6  }
0x16c: {  	v7 =	vshra.s32 v6, $0x5;
	_ =	sdelay $0x4  }
0x16d: {  	v7 =	vld.idx.msk [tilespmem:v7+s0+$0x0], $0xffff;
	_ =	sdelay $0x3  }
0x16e: {  	v8 =	vand.u32 $0x1F, v6  }
0x16f: {  	v7 =	vshrl.u32 v7, v8  }
0x170: {  	v7 =	vand.u32 $0x1, v7  }
0x171: {  	vm1 =	veq.s32 v7, $0x1  }
0x172: {  	vm0 =	vmand vm0, vm1  }
0x173: {  	v7 =	vmpcnt.ones.xlane vm0;
	_ =	sdelay $0x1  }
0x174: {  	(v2sf) =	vpush v7, $0x0;
	_ =	sdelay $0xd  }
0x175: {  	s16 =	spop (v2sf)  }
0x176: {  	s16 =	sadd.s32 s13, s16;
	s17 =	spop (v2sf)  }
0x177: {  	s13 =	sadd.s32 s16, s17  }
0x178: {  	s17 =	sadd.s32 $0x10, s18;
	s20 =	sand.u32 $0xF, s13  }
0x179: {  	v7 =	vld [tilespmem:s17+$0x0];
	s21 =	sshra.s32 s13, $0x1F;
	p1 =	slt.s32 s13, $0x1;
	p2 =	sne.s32 s20, $0x0  }
0x17a: {  	s17 =	sshrl.u32 s21, $0x1C;
	p1 =	por !p1, !p2  }
0x17b: {  	s18 =	simm.s32 $0x1;
	s17 =	sadd.s32 s17, s13;
	p1 =	por !p1, !p1  }
0x17c: {  	s17 =	sshrl.u32 s17, $0x4;
	s18 =	simm.s32 @!p1 $0x0  }
0x17d: {  	s17 =	ssub.s32 s17, s18  }
0x17e: {  	v7 =	vadd.s32 v4, v7;
	s17 =	sshll.u32 s17, $0x4  }
0x17f: {  	[tilespmem:s16+$0x0] =	vst.msk vm0, v7;
	p1 =	slt.s32 s17, $0x13B0;
	s18 =	smov.u32 s17  }
0x180: {  	[tilespmem:s16+$0x13C0] =	vst.msk vm0, v6;
	s18 =	simm.s32 @!p1 $0x13B0  }
0x181: {  	v6 =	vld [tilespmem:s18+$0x0]  }
0x182: {  	v7 =	vld [tilespmem:s18+$0x13C0];
	_ =	sdelay $0x1  }
0x183: {  	v59 =	vor.u32 s18, v0  }
0x184: {  	vm11 =	vlt.s32 v59, s13  }
0x185: {  	s16 =	sadd.s32 $0x10, s17;
	v6 =	vsel vm11, v6, v5  }
0x186: {  	p1 =	slt.s32 s16, $0x13B0;
	[tilespmem:s18+$0x0] =	vst v6;
	v6 =	vsel vm11, v7, v1  }
0x187: {  	s16 =	simm.s32 @!p1 $0x13B0;
	[tilespmem:s18+$0x13C0] =	vst v6  }
0x188: {  	v6 =	vld [tilespmem:s16+$0x0]  }
0x189: {  	v7 =	vld [tilespmem:s16+$0x13C0];
	_ =	sdelay $0x1  }
0x18a: {  	v60 =	vor.u32 s16, v0  }
0x18b: {  	vm12 =	vlt.s32 v60, s13  }
0x18c: {  	s18 =	sadd.s32 $0x20, s17;
	v6 =	vsel vm12, v6, v5  }
0x18d: {  	p1 =	slt.s32 s18, $0x13B0;
	[tilespmem:s16+$0x0] =	vst v6;
	v6 =	vsel vm12, v7, v1  }
0x18e: {  	s18 =	simm.s32 @!p1 $0x13B0;
	[tilespmem:s16+$0x13C0] =	vst v6  }
0x18f: {  	v6 =	vld [tilespmem:s18+$0x0]  }
0x190: {  	v7 =	vld [tilespmem:s18+$0x13C0];
	_ =	sdelay $0x1  }
0x191: {  	v61 =	vor.u32 s18, v0  }
0x192: {  	vm13 =	vlt.s32 v61, s13  }
0x193: {  	s16 =	sadd.s32 $0x30, s17;
	v6 =	vsel vm13, v6, v5  }
0x194: {  	p1 =	slt.s32 s16, $0x13B0;
	[tilespmem:s18+$0x0] =	vst v6;
	v6 =	vsel vm13, v7, v1  }
0x195: {  	s16 =	simm.s32 @!p1 $0x13B0;
	[tilespmem:s18+$0x13C0] =	vst v6  }
0x196: {  	v6 =	vld [tilespmem:s16+$0x0]  }
0x197: {  	v7 =	vld [tilespmem:s16+$0x13C0];
	_ =	sdelay $0x1  }
0x198: {  	s22 =	sadd.s32 $0x3F, s13;
	v62 =	vor.u32 s16, v0  }
0x199: {  	s20 =	sand.u32 $0x3F, s22;
	s21 =	sshra.s32 s22, $0x1F;
	s17 =	sadd.s32 $0x40, s17;
	vm14 =	vlt.s32 v62, s13  }
0x19a: {  	p6 =	slt.s32 s22, $0x1;
	p5 =	sne.s32 s20, $0x0;
	p1 =	slt.s32 s17, $0x13B0;
	v6 =	vsel vm14, v6, v5  }
0x19b: {  	s17 =	simm.s32 @!p1 $0x13B0;
	p1 =	por !p6, !p5;
	s18 =	sshrl.u32 s21, $0x1A;
	[tilespmem:s16+$0x0] =	vst v6;
	v6 =	vsel vm14, v7, v1  }
0x19c: {  	p1 =	por !p1, !p1;
	[tilespmem:s16+$0x13C0] =	vst v6;
	s16 =	sadd.s32 s18, s22;
	s18 =	simm.s32 $0x1  }
0x19d: {  	v63 =	vor.u32 s17, v0;
	v6 =	vld [tilespmem:s17+$0x0];
	s22 =	sshra.s32 s16, $0x6;
	s18 =	simm.s32 @!p1 $0x0  }
0x19e: {  	vm15 =	vlt.s32 v63, s13;
	v7 =	vld [tilespmem:s17+$0x13C0];
	s13 =	ssub.s32 s22, s18  }
0x19f: {  	p1 =	slt.s32 s13, $0x1  }
.Ltmp9:
0x1a0: {  	_ = 	snop;
	(pc) =	sbr.rel @p1 .LBB2_14-.Ltmp9, $4  }
0x1a1: {  	_ = 	snop  }
0x1a2: {  	v6 =	vsel vm15, v6, v5  }
0x1a3: {  	[tilespmem:s17+$0x0] =	vst v6;
	v6 =	vsel vm15, v7, v1  }
0x1a4: {  	[tilespmem:s17+$0x13C0] =	vst v6  }
0x1a5: {  	s16 =	sshll.u32 s13, $0x2  }
0x1a6: {  	s17 =	simm.s32 $0x0;
	p1 =	sne.s32 s16, $0x1  }
.Ltmp10:
0x1a7: {  	v6 =	vld [tilespmem:s17+$0x13C0];
	(pc) =	sbr.rel @!p1 .LBB2_12-.Ltmp10, $4  }
0x1a8: {  	s18 =	simm.s32 $0x0  }
0x1a9: {  	s20 =	sand.u32 $0xFFFFFF00, s18  }
0x1aa: {  	s16 =	sadd.s32 $0xFFFFFFFF, s16;
	s21 =	sand.u32 $0x30, s18;
	s20 =	sshra.s32 s20, $0x2  }
0x1ab: {  	s17 =	sor.u32 s21, s20;
	s20 =	simm.s32 $0x40;
	s21 =	simm.s32 $0x0  }
.LBB2_11:
0x1ac: {  	s22 =	sshra.s32 s20, $0x2;
	p1 =	sne.s32 s16, $0x1;
	s16 =	sadd.s32 $0xFFFFFFFF, s16;
	[tilespmem:s17+$0x2780] =	vst v6  }
.Ltmp11:
0x1ad: {  	v6 =	vld [tilespmem:s22+$0x13C0];
	(pc) =	sbr.rel @p1 .LBB2_11-.Ltmp11, $4  }
0x1ae: {  	_ = 	snop  }
0x1af: {  	s17 =	sand.u32 $0xFFFFFF00, s20;
	s21 =	sadd.s32 $0x10, s21  }
0x1b0: {  	s22 =	sand.u32 $0x30, s21;
	s17 =	sshra.s32 s17, $0x2  }
0x1b1: {  	s20 =	sadd.s32 $0x40, s20;
	s17 =	sor.u32 s22, s17  }
.LBB2_12:
0x1b2: {  	[tilespmem:s17+$0x2780] =	vst v6  }
0x1b3: {  	[tilespmem:s9], [sflag:$0x1] =	stream.indirect.gather [hbm4b:s4+s12], $0x80, s18, s12, $0xb8;
	[tilespmem:$0x1EC80] =	vst v63  }
0x1b4: {  	_ = 	snop  }
0x1b5: {  	[tilespmem:s8], [sflag:$0x3] =	stream.indirect.gather [hbm4b:s5+s12], $0x10, s18, s12, $0xb8;
	[tilespmem:$0x1EC80] =	vst v63  }
.LBB2_13:
0x1b6: {  	s16 =	sand.u32 $0x1, s18  }
0x1b7: {  	p1 =	seq.s32 s16, $0x1  }
0x1b8: {  	s20 =	sadd.s32 @p1 $0x1, s18  }
0x1b9: {  	s16 =	simm.s32 @p1 $0x2;
	p3 =	sge.s32 @p1 s20, s13  }
0x1ba: {  	_ =	swait.ge @p1 [sflag:s16], $0x2000;
	p2 =	por p3, !p1  }
0x1bb: {  	[sflag:s16] =	ssyncset.done @p1 $0x0;
	p4 =	slt.s32 @!p2 s20, $0x4E  }
0x1bc: {  	[sflag:s16] =	ssyncadd.s32 @p1 $0xFFFFE000;
	s16 =	simm.s32 @p1 $0x4;
	p3 =	por @p1 !p4, p3  }
0x1bd: {  	s17 =	smov.u32 s20;
	_ =	swait.ge @p1 [sflag:s16], $0x400;
	p3 =	por !p3, !p1  }
0x1be: {  	[sflag:s16] =	ssyncset.done @p1 $0x0;
	s17 =	simm.s32 @!p3 $0x4E  }
0x1bf: {  	[sflag:s16] =	ssyncadd.s32 @p1 $0xFFFFFC00;
	s16 =	sshll.u32 @!p2 s17, $0x6  }
0x1c0: {  	s21 =	simm.s32 @!p2 $0x3B40;
	s17 =	simm.s32 @!p2 $0x40;
	s16 =	sand.u32 @!p2 $0x3FFFFFC0, s16  }
0x1c1: {  	[tilespmem:s21], [sflag:$0x1] =	stream.indirect.gather @!p2 [hbm4b:s4+s17], $0x80, s16, s17, $0xb8;
	[tilespmem:$0x1EC80] =	vst v63  }
0x1c2: {  	s21 =	simm.s32 @!p2 $0x7B40  }
0x1c3: {  	[tilespmem:s21], [sflag:$0x3] =	stream.indirect.gather @!p2 [hbm4b:s5+s17], $0x10, s16, s17, $0xb8;
	[tilespmem:$0x1EC80] =	vst v63  }
0x1c4: {  	s16 =	sshll.u32 @p1 s18, $0x8  }
0x1c5: {  	s16 =	sshra.s32 @p1 s16, $0x2  }
0x1c6: {  	s17 =	simm.s32 @p1 $0x40;
	s21 =	simm.s32 @p1 $0x5B40;
	s16 =	sadd.s32 @p1 $0x2780, s16  }
0x1c7: {  	[spmem:s1] =	stream.indirect.scatter.add.f32 @p1 [tilespmem:s21], [sflag:$0x7], $0x80, s16, s17, $0xb8;
	[tilespmem:$0x1EC80] =	vst v63  }
0x1c8: {  	s21 =	simm.s32 @p1 $0x7  }
0x1c9: {  	_ =	swait.ge @p1 [sflag:s21], $0x2000  }
0x1ca: {  	[sflag:s21] =	ssyncset.done @p1 $0x0  }
0x1cb: {  	[sflag:s21] =	ssyncadd.s32 @p1 $0xFFFFE000;
	s21 =	simm.s32 @p1 $0x7F40  }
0x1cc: {  	[spmem:s2] =	stream.indirect.scatter.add.f32 @p1 [tilespmem:s21], [sflag:$0x6], $0x10, s16, s17, $0xb8;
	[tilespmem:$0x1EC80] =	vst v63  }
0x1cd: {  	s16 =	simm.s32 @p1 $0x6  }
0x1ce: {  	_ =	swait.ge @p1 [sflag:s16], $0x400  }
0x1cf: {  	s17 =	sor.u32 @!p1 $0x1, s18;
	[sflag:s16] =	ssyncset.done @p1 $0x0  }
0x1d0: {  	p3 =	sge.s32 @!p1 s17, s13;
	[sflag:s16] =	ssyncadd.s32 @p1 $0xFFFFFC00;
	s16 =	simm.s32 @!p1 $0x1  }
0x1d1: {  	p2 =	por p3, p1;
	_ =	swait.ge @!p1 [sflag:s16], $0x2000  }
0x1d2: {  	p4 =	slt.s32 @!p2 s17, $0x4E;
	[sflag:s16] =	ssyncset.done @!p1 $0x0  }
0x1d3: {  	p3 =	por @!p1 !p4, p3;
	[sflag:s16] =	ssyncadd.s32 @!p1 $0xFFFFE000;
	s16 =	simm.s32 @!p1 $0x3  }
0x1d4: {  	s21 =	smov.u32 s17;
	p3 =	por !p3, p1;
	_ =	swait.ge @!p1 [sflag:s16], $0x400  }
0x1d5: {  	s21 =	simm.s32 @!p3 $0x4E;
	[sflag:s16] =	ssyncset.done @!p1 $0x0  }
0x1d6: {  	[sflag:s16] =	ssyncadd.s32 @!p1 $0xFFFFFC00;
	s16 =	sshll.u32 @!p2 s21, $0x6  }
0x1d7: {  	s22 =	simm.s32 @!p2 $0x5B40;
	s21 =	simm.s32 @!p2 $0x40;
	s16 =	sand.u32 @!p2 $0x3FFFFFC0, s16  }
0x1d8: {  	[tilespmem:s22], [sflag:$0x2] =	stream.indirect.gather @!p2 [hbm4b:s4+s21], $0x80, s16, s21, $0xb8;
	[tilespmem:$0x1EC80] =	vst v63  }
0x1d9: {  	s22 =	simm.s32 @!p2 $0x7F40  }
0x1da: {  	[tilespmem:s22], [sflag:$0x4] =	stream.indirect.gather @!p2 [hbm4b:s5+s21], $0x10, s16, s21, $0xb8;
	[tilespmem:$0x1EC80] =	vst v63  }
0x1db: {  	s16 =	sshll.u32 @!p1 s18, $0x8  }
0x1dc: {  	s16 =	sshra.s32 @!p1 s16, $0x2  }
0x1dd: {  	s18 =	simm.s32 @!p1 $0x40;
	s21 =	simm.s32 @!p1 $0x3B40;
	s16 =	sadd.s32 @!p1 $0x2780, s16  }
0x1de: {  	[spmem:s1] =	stream.indirect.scatter.add.f32 @!p1 [tilespmem:s21], [sflag:$0x7], $0x80, s16, s18, $0xb8;
	[tilespmem:$0x1EC80] =	vst v63  }
0x1df: {  	s21 =	simm.s32 @!p1 $0x7  }
0x1e0: {  	_ =	swait.ge @!p1 [sflag:s21], $0x2000  }
0x1e1: {  	s17 =	smov.u32 @p1 s20;
	[sflag:s21] =	ssyncset.done @!p1 $0x0  }
0x1e2: {  	p2 =	sne.s32 s17, s13;
	[sflag:s21] =	ssyncadd.s32 @!p1 $0xFFFFE000;
	s21 =	simm.s32 @!p1 $0x7B40  }
0x1e3: {  	[spmem:s2] =	stream.indirect.scatter.add.f32 @!p1 [tilespmem:s21], [sflag:$0x5], $0x10, s16, s18, $0xb8;
	[tilespmem:$0x1EC80] =	vst v63  }
.Ltmp12:
0x1e4: {  	_ = 	snop;
	(pc) =	sbr.rel @p2 .LBB2_13-.Ltmp12, $4  }
0x1e5: {  	s16 =	simm.s32 @!p1 $0x5  }
0x1e6: {  	_ =	swait.ge @!p1 [sflag:s16], $0x400  }
0x1e7: {  	[sflag:s16] =	ssyncset.done @!p1 $0x0  }
0x1e8: {  	s18 =	smov.u32 s17;
	[sflag:s16] =	ssyncadd.s32 @!p1 $0xFFFFFC00  }
.Ltmp13:
0x1e9: {  	_ = 	snop;
	(pc) =	sbr.rel .LBB2_14-.Ltmp13, $1  }
0x1ea: {  	_ =	sdelay $0x3  }
.LBB2_17:
0x1eb: {  	_ =	sfence.sel $0x180000  }
0x1ec: {  	[bflag:$0x0] =	sbarrier.arrive $0xFFFF  }
0x1ed: {  	_ =	strace $0x9000004D  }
0x1ee: {  	s0 =	stileid.u32;
	[bflag:$0x2] =	sbarrier.arrive $0xFFFF  }
0x1ef: {  	p0 =	sne.s32 s0, $0x0;
	s0 =	rddreg [dreg:$0x3]  }
0x1f0: {  	s0 =	sadd.s32 @!p0 $0x100000, s0  }
0x1f1: {  	[sflag:s0] =	ssyncadd.tile.s32 @!p0 $0x1;
	_ =	shalt  }
.Lfunc_end2:
_tile_overlayer_lowered:
.L_overlay_start_2:
0x1f2: {  	(tag) =	ssettag $0x2  }
0x1f3: {  	s0 =	rddreg [dreg:$0x0];
	s2 =	stileid.u32  }
0x1f4: {  	s1 =	rddreg [dreg:$0x1];
	p0 =	sne.s32 s2, $0x0  }
0x1f5: {  	s3 =	rddreg [dreg:$0x2];
	[bflag:$0x3] =	sbarrier.arrive $0xFFFF;
	s2 =	simm.s32 @!p0 $0x1C05  }
0x1f6: {  	[timem:s3], [sflag:s2] =	dma.local @!p0 [hbm:s0], s1  }
0x1f7: {  	s0 =	simm.s32 @!p0 $0x5  }
0x1f8: {  	_ =	swait.ge @!p0 [sflag:s0], s1  }
0x1f9: {  	s1 =	ssub.s32 @!p0 $0x0, s1;
	[sflag:s0] =	ssyncset.done @!p0 $0x0  }
0x1fa: {  	[sflag:s0] =	ssyncadd.s32 @!p0 s1  }
0x1fb: {  	[bflag:$0x3] =	sbarrier.arrive $0xFFFF  }
0x1fc: {  	_ =	shalt  }

</sc_bundles>
